<compile_context>
chip_gen: v7x
topology: tpu7x:2x2x1
jax: 0.10.2.dev20260603
libtpu: 0.0.44.dev20260713+nightly
codegen_flags: <defaults>
</compile_context>

<pallas_src>
import functools

import jax
import jax.numpy as jnp
from jax import lax
from jax.experimental import pallas as pl
from jax.experimental.pallas import tpu as pltpu
from jax.experimental.pallas import tpu_sc as plsc

VOCAB = 1000000
EMB = 128
OUT = 64
BATCH = 16384
HIST = 50
B_TOTAL = BATCH * HIST

NC, NS = 2, 16
NW = NC * NS
CH = 128
NBUF = 5

JBLK = 4096
PROJ_BB = 16384
TCJ = PROJ_BB // JBLK
NJ = B_TOTAL // JBLK
NB = BATCH // PROJ_BB

SLICES = [40, 40, 40, 40, 40]
assert sum(SLICES) == NJ and all(
    (n * JBLK // (NW * CH)) % NBUF == 0 and n % TCJ == 0 for n in SLICES)


@functools.cache
def _make_gather(nchunk):
    ngrp = nchunk // NBUF
    b_per_w = nchunk * CH
    mesh = plsc.VectorSubcoreMesh(core_axis_name="c", subcore_axis_name="s")

    @functools.partial(
        pl.kernel,
        mesh=mesh,
        out_type=jax.ShapeDtypeStruct((NW * b_per_w, EMB), jnp.float32),
        scratch_types=[
            pltpu.VMEM((nchunk, CH), jnp.int32),
            pltpu.VMEM((NBUF, CH, EMB), jnp.float32),
        ] + [pltpu.SemaphoreType.DMA] * (2 * NBUF),
    )
    def gather_k(tab_hbm, idx_hbm, out_hbm, idx_v, rows_v, *sems):
        gsems, osems = sems[:NBUF], sems[NBUF:]
        wid = lax.axis_index("s") * NC + lax.axis_index("c")
        base = wid * b_per_w
        pltpu.sync_copy(idx_hbm.at[wid], idx_v)

        def gather_copy(c, b):
            return pltpu.make_async_copy(
                tab_hbm.at[idx_v.at[c]], rows_v.at[b], gsems[b])

        def out_copy(c, b):
            return pltpu.make_async_copy(
                rows_v.at[b], out_hbm.at[pl.ds(base + c * CH, CH)], osems[b])

        for b in range(NBUF):
            gather_copy(b, b).start()

        def group(g, carry):
            for b in range(NBUF):
                c = g * NBUF + b
                gather_copy(c, b).wait()
                out_copy(c, b).start()
            for b in range(NBUF):
                c = g * NBUF + b
                out_copy(c, b).wait()

                @pl.when(g < ngrp - 1)
                def _():
                    gather_copy(c + NBUF, b).start()

            return carry

        lax.fori_loop(0, ngrp, group, 0)

    return gather_k


def _project_slice(gathered, W, j0, nj, prev=None):
    def body(w_ref, g_ref, *refs):
        r = lax.dot_general(
            w_ref[...], g_ref[...],
            dimension_numbers=(((1,), (1,)), ((), ())),
            preferred_element_type=jnp.float32,
        )
        refs[-1][...] = r.reshape(1, OUT, PROJ_BB)

    in_specs = [
        pl.BlockSpec((OUT, EMB), lambda j: (0, 0)),
        pl.BlockSpec((PROJ_BB, EMB), lambda j: (j, 0)),
    ]
    args = [W, gathered]
    kwargs = {}
    if prev is not None:
        in_specs.append(pl.BlockSpec(memory_space=pl.ANY))
        args.append(prev)
        kwargs["input_output_aliases"] = {2: 0}

    jt0 = j0 // TCJ
    return pl.pallas_call(
        body,
        grid=(nj // TCJ,),
        in_specs=in_specs,
        out_specs=pl.BlockSpec(
            (1, OUT, PROJ_BB),
            lambda j: ((j + jt0) // NB, 0, (j + jt0) % NB)),
        out_shape=jax.ShapeDtypeStruct((HIST, OUT, BATCH), jnp.float32),
        **kwargs,
    )(*args)


def kernel(seqs, emb_table, W):
    idx = seqs.astype(jnp.int32).T.reshape(-1)
    out = None
    j0 = 0
    for nj in SLICES:
        idx_s = lax.slice(idx, (j0 * JBLK,), ((j0 + nj) * JBLK,))
        nchunk = nj * JBLK // (NW * CH)
        gathered = _make_gather(nchunk)(
            emb_table, idx_s.reshape(NW, nchunk, CH))
        out = _project_slice(gathered, W, j0, nj, out)
        j0 += nj
    return out.transpose(2, 0, 1)

# --- scband reference (transcript-rebuilt; emitter-appended) ---
"""Pipeline reference for scband-embedding-46840913330738 (READ-ONLY COPY).

The authoritative reference and input builder live on the scoring server;
editing this copy changes nothing except your own understanding.
"""

import jax, jax.numpy as jnp
import numpy as np

INPUT_SIZE = 1000000
EMB_DIM = 128
OUTPUT_SIZE = 64
BATCH = 16384
HIST = 50

def setup_inputs(seed: int = 0) -> dict:
    key = jax.random.key(seed)
    k1, k2, k3 = jax.random.split(key, 3)
    seqs = jax.random.randint(k1, (BATCH, HIST), 0, INPUT_SIZE, dtype=jnp.int64 if jax.config.read('jax_enable_x64') else jnp.int32)
    emb_table = jax.random.uniform(k2, (INPUT_SIZE, EMB_DIM), dtype=jnp.float32, minval=-0.5 / EMB_DIM, maxval=0.5 / EMB_DIM)
    # torch nn.Linear weight has shape [out_features, in_features]
    W = jax.random.uniform(k3, (OUTPUT_SIZE, EMB_DIM), dtype=jnp.float32, minval=-0.5 / OUTPUT_SIZE, maxval=0.5 / OUTPUT_SIZE)
    return {"seqs": seqs, "emb_table": emb_table, "W": W}

def reference(seqs, emb_table, W):
    # embedding lookup
    embedding = jnp.take(emb_table, seqs, axis=0)  # [B, L, 128]
    # linear without bias: y = x @ W.T
    emblinear = jnp.einsum('bld,od->blo', embedding, W)
    return emblinear

if __name__ == "__main__":
    import jax
    _d = setup_inputs()
    print(jax.jit(kernel)(*tuple(_d.values())))

</pallas_src>

<mosaic_0001>
#map = affine_map<(d0, d1) -> (0, 0)>
#map1 = affine_map<(d0, d1) -> (0, 0, 0)>
module attributes {stable_mosaic.version = 14 : i64} {
  func.func @gather_k(%arg0: i32, %arg1: i32, %arg2: memref<1000000x128xf32, #tpu.memory_space<hbm>>, %arg3: memref<32x40x128xi32, #tpu.memory_space<hbm>>, %arg4: memref<163840x128xf32, #tpu.memory_space<hbm>>, %arg5: memref<40x128xi32, #tpu.memory_space<vmem>>, %arg6: memref<5x128x128xf32, #tpu.memory_space<vmem>>, %arg7: memref<!tpu.dma_semaphore, #tpu.memory_space<semaphore_mem>>, %arg8: memref<!tpu.dma_semaphore, #tpu.memory_space<semaphore_mem>>, %arg9: memref<!tpu.dma_semaphore, #tpu.memory_space<semaphore_mem>>, %arg10: memref<!tpu.dma_semaphore, #tpu.memory_space<semaphore_mem>>, %arg11: memref<!tpu.dma_semaphore, #tpu.memory_space<semaphore_mem>>, %arg12: memref<!tpu.dma_semaphore, #tpu.memory_space<semaphore_mem>>, %arg13: memref<!tpu.dma_semaphore, #tpu.memory_space<semaphore_mem>>, %arg14: memref<!tpu.dma_semaphore, #tpu.memory_space<semaphore_mem>>, %arg15: memref<!tpu.dma_semaphore, #tpu.memory_space<semaphore_mem>>, %arg16: memref<!tpu.dma_semaphore, #tpu.memory_space<semaphore_mem>>) attributes {dimension_semantics = [#tpu.dimension_semantics<core_parallel>, #tpu.dimension_semantics<subcore_parallel>], iteration_bounds = array<i64: 2, 16>, scalar_prefetch = 0 : i64, scratch_operands = 12 : i64, tpu.core_type = #tpu.core_type<sc_vector_subcore>, window_params = [{transform_indices = #map}, {transform_indices = #map1}, {transform_indices = #map}]} {
    %mul3A = arith.constant 2 : i32
    %mul3A_0 = arith.muli %arg1, %mul3A : i32
    %add3A = arith.addi %mul3A_0, %arg0 : i32
    %mul3A_1 = arith.constant 5120 : i32
    %mul3A_2 = arith.muli %add3A, %mul3A_1 : i32
    "tpu.region"() ({
      %run_scoped3A = tpu.sem_alloc : memref<!tpu.dma_semaphore, #tpu.memory_space<semaphore_mem>>
      %dma_start3A_67 = arith.constant 0 : i32
      %dma_start3A_68 = arith.constant 0 : i32
      %dma_start3A_69 = tpu.memref_slice %arg3[%add3A, %dma_start3A_67, %dma_start3A_68] : memref<32x40x128xi32, #tpu.memory_space<hbm>> -> memref<1x40x128xi32, #tpu.memory_space<hbm>>
      %dma_start3A_70 = tpu.memref_squeeze %dma_start3A_69 : memref<1x40x128xi32, #tpu.memory_space<hbm>> -> memref<40x128xi32, #tpu.memory_space<hbm>>
      %dma_start3A_71 = arith.constant 0 : i32
      %dma_start3A_72 = arith.constant 0 : i32
      %dma_start3A_73 = tpu.memref_slice %arg3[%add3A, %dma_start3A_71, %dma_start3A_72] : memref<32x40x128xi32, #tpu.memory_space<hbm>> -> memref<1x40x128xi32, #tpu.memory_space<hbm>>
      %dma_start3A_74 = tpu.memref_squeeze %dma_start3A_73 : memref<1x40x128xi32, #tpu.memory_space<hbm>> -> memref<40x128xi32, #tpu.memory_space<hbm>>
      tpu.enqueue_dma source(%dma_start3A_74 : memref<40x128xi32, #tpu.memory_space<hbm>>) target(%arg5 : memref<40x128xi32, #tpu.memory_space<vmem>>) target_semaphore(%run_scoped3A : memref<!tpu.dma_semaphore, #tpu.memory_space<semaphore_mem>>)
      %dma_wait3A = arith.constant 0 : i32
      %dma_wait3A_75 = arith.constant 0 : i32
      %dma_wait3A_76 = tpu.memref_slice %arg3[%add3A, %dma_wait3A, %dma_wait3A_75] : memref<32x40x128xi32, #tpu.memory_space<hbm>> -> memref<1x40x128xi32, #tpu.memory_space<hbm>>
      %dma_wait3A_77 = tpu.memref_squeeze %dma_wait3A_76 : memref<1x40x128xi32, #tpu.memory_space<hbm>> -> memref<40x128xi32, #tpu.memory_space<hbm>>
      %dma_wait3A_78 = arith.constant 0 : i32
      %dma_wait3A_79 = arith.constant 0 : i32
      %dma_wait3A_80 = tpu.memref_slice %arg3[%add3A, %dma_wait3A_78, %dma_wait3A_79] : memref<32x40x128xi32, #tpu.memory_space<hbm>> -> memref<1x40x128xi32, #tpu.memory_space<hbm>>
      %dma_wait3A_81 = tpu.memref_squeeze %dma_wait3A_80 : memref<1x40x128xi32, #tpu.memory_space<hbm>> -> memref<40x128xi32, #tpu.memory_space<hbm>>
      tpu.wait_dma2 semaphore(%run_scoped3A : memref<!tpu.dma_semaphore, #tpu.memory_space<semaphore_mem>>) src(%dma_wait3A_81 : memref<40x128xi32, #tpu.memory_space<hbm>>) dst(%arg5 : memref<40x128xi32, #tpu.memory_space<vmem>>)
      tpu.yield
    }) : () -> ()
    %dma_start3A = arith.constant 0 : i32
    %dma_start3A_3 = arith.constant 0 : i32
    %dma_start3A_4 = arith.constant 0 : i32
    %dma_start3A_5 = arith.constant 0 : i32
    %dma_start3A_6 = tpu.memref_slice %arg6[%dma_start3A_3, %dma_start3A_4, %dma_start3A_5] : memref<5x128x128xf32, #tpu.memory_space<vmem>> -> memref<1x128x128xf32, #tpu.memory_space<vmem>>
    %dma_start3A_7 = tpu.memref_squeeze %dma_start3A_6 : memref<1x128x128xf32, #tpu.memory_space<vmem>> -> memref<128x128xf32, #tpu.memory_space<vmem>>
    %dma_start3A_8 = arith.constant 0 : i32
    %dma_start3A_9 = tpu.memref_slice %arg5[%dma_start3A, %dma_start3A_8] : memref<40x128xi32, #tpu.memory_space<vmem>> -> memref<1x128xi32, #tpu.memory_space<vmem>>
    %dma_start3A_10 = tpu.memref_squeeze %dma_start3A_9 : memref<1x128xi32, #tpu.memory_space<vmem>> -> memref<128xi32, #tpu.memory_space<vmem>>
    %dma_start3A_11 = arith.constant 0 : i32
    %dma_start3A_12 = arith.constant 0 : i32
    %dma_start3A_13 = tpu.memref_slice %arg2[%dma_start3A_11, %dma_start3A_12] : memref<1000000x128xf32, #tpu.memory_space<hbm>> -> memref<1000000x128xf32, #tpu.memory_space<hbm>>
    tpu.enqueue_indirect_dma source(%dma_start3A_13 : memref<1000000x128xf32, #tpu.memory_space<hbm>>) target(%dma_start3A_7 : memref<128x128xf32, #tpu.memory_space<vmem>>) offsets(%dma_start3A_10 : memref<128xi32, #tpu.memory_space<vmem>>) semaphore(%arg7 : memref<!tpu.dma_semaphore, #tpu.memory_space<semaphore_mem>>)
    %dma_start3A_14 = arith.constant 1 : i32
    %dma_start3A_15 = arith.constant 1 : i32
    %dma_start3A_16 = arith.constant 0 : i32
    %dma_start3A_17 = arith.constant 0 : i32
    %dma_start3A_18 = tpu.memref_slice %arg6[%dma_start3A_15, %dma_start3A_16, %dma_start3A_17] : memref<5x128x128xf32, #tpu.memory_space<vmem>> -> memref<1x128x128xf32, #tpu.memory_space<vmem>>
    %dma_start3A_19 = tpu.memref_squeeze %dma_start3A_18 : memref<1x128x128xf32, #tpu.memory_space<vmem>> -> memref<128x128xf32, #tpu.memory_space<vmem>>
    %dma_start3A_20 = arith.constant 0 : i32
    %dma_start3A_21 = tpu.memref_slice %arg5[%dma_start3A_14, %dma_start3A_20] : memref<40x128xi32, #tpu.memory_space<vmem>> -> memref<1x128xi32, #tpu.memory_space<vmem>>
    %dma_start3A_22 = tpu.memref_squeeze %dma_start3A_21 : memref<1x128xi32, #tpu.memory_space<vmem>> -> memref<128xi32, #tpu.memory_space<vmem>>
    %dma_start3A_23 = arith.constant 0 : i32
    %dma_start3A_24 = arith.constant 0 : i32
    %dma_start3A_25 = tpu.memref_slice %arg2[%dma_start3A_23, %dma_start3A_24] : memref<1000000x128xf32, #tpu.memory_space<hbm>> -> memref<1000000x128xf32, #tpu.memory_space<hbm>>
    tpu.enqueue_indirect_dma source(%dma_start3A_25 : memref<1000000x128xf32, #tpu.memory_space<hbm>>) target(%dma_start3A_19 : memref<128x128xf32, #tpu.memory_space<vmem>>) offsets(%dma_start3A_22 : memref<128xi32, #tpu.memory_space<vmem>>) semaphore(%arg8 : memref<!tpu.dma_semaphore, #tpu.memory_space<semaphore_mem>>)
    %dma_start3A_26 = arith.constant 2 : i32
    %dma_start3A_27 = arith.constant 2 : i32
    %dma_start3A_28 = arith.constant 0 : i32
    %dma_start3A_29 = arith.constant 0 : i32
    %dma_start3A_30 = tpu.memref_slice %arg6[%dma_start3A_27, %dma_start3A_28, %dma_start3A_29] : memref<5x128x128xf32, #tpu.memory_space<vmem>> -> memref<1x128x128xf32, #tpu.memory_space<vmem>>
    %dma_start3A_31 = tpu.memref_squeeze %dma_start3A_30 : memref<1x128x128xf32, #tpu.memory_space<vmem>> -> memref<128x128xf32, #tpu.memory_space<vmem>>
    %dma_start3A_32 = arith.constant 0 : i32
    %dma_start3A_33 = tpu.memref_slice %arg5[%dma_start3A_26, %dma_start3A_32] : memref<40x128xi32, #tpu.memory_space<vmem>> -> memref<1x128xi32, #tpu.memory_space<vmem>>
    %dma_start3A_34 = tpu.memref_squeeze %dma_start3A_33 : memref<1x128xi32, #tpu.memory_space<vmem>> -> memref<128xi32, #tpu.memory_space<vmem>>
    %dma_start3A_35 = arith.constant 0 : i32
    %dma_start3A_36 = arith.constant 0 : i32
    %dma_start3A_37 = tpu.memref_slice %arg2[%dma_start3A_35, %dma_start3A_36] : memref<1000000x128xf32, #tpu.memory_space<hbm>> -> memref<1000000x128xf32, #tpu.memory_space<hbm>>
    tpu.enqueue_indirect_dma source(%dma_start3A_37 : memref<1000000x128xf32, #tpu.memory_space<hbm>>) target(%dma_start3A_31 : memref<128x128xf32, #tpu.memory_space<vmem>>) offsets(%dma_start3A_34 : memref<128xi32, #tpu.memory_space<vmem>>) semaphore(%arg9 : memref<!tpu.dma_semaphore, #tpu.memory_space<semaphore_mem>>)
    %dma_start3A_38 = arith.constant 3 : i32
    %dma_start3A_39 = arith.constant 3 : i32
    %dma_start3A_40 = arith.constant 0 : i32
    %dma_start3A_41 = arith.constant 0 : i32
    %dma_start3A_42 = tpu.memref_slice %arg6[%dma_start3A_39, %dma_start3A_40, %dma_start3A_41] : memref<5x128x128xf32, #tpu.memory_space<vmem>> -> memref<1x128x128xf32, #tpu.memory_space<vmem>>
    %dma_start3A_43 = tpu.memref_squeeze %dma_start3A_42 : memref<1x128x128xf32, #tpu.memory_space<vmem>> -> memref<128x128xf32, #tpu.memory_space<vmem>>
    %dma_start3A_44 = arith.constant 0 : i32
    %dma_start3A_45 = tpu.memref_slice %arg5[%dma_start3A_38, %dma_start3A_44] : memref<40x128xi32, #tpu.memory_space<vmem>> -> memref<1x128xi32, #tpu.memory_space<vmem>>
    %dma_start3A_46 = tpu.memref_squeeze %dma_start3A_45 : memref<1x128xi32, #tpu.memory_space<vmem>> -> memref<128xi32, #tpu.memory_space<vmem>>
    %dma_start3A_47 = arith.constant 0 : i32
    %dma_start3A_48 = arith.constant 0 : i32
    %dma_start3A_49 = tpu.memref_slice %arg2[%dma_start3A_47, %dma_start3A_48] : memref<1000000x128xf32, #tpu.memory_space<hbm>> -> memref<1000000x128xf32, #tpu.memory_space<hbm>>
    tpu.enqueue_indirect_dma source(%dma_start3A_49 : memref<1000000x128xf32, #tpu.memory_space<hbm>>) target(%dma_start3A_43 : memref<128x128xf32, #tpu.memory_space<vmem>>) offsets(%dma_start3A_46 : memref<128xi32, #tpu.memory_space<vmem>>) semaphore(%arg10 : memref<!tpu.dma_semaphore, #tpu.memory_space<semaphore_mem>>)
    %dma_start3A_50 = arith.constant 4 : i32
    %dma_start3A_51 = arith.constant 4 : i32
    %dma_start3A_52 = arith.constant 0 : i32
    %dma_start3A_53 = arith.constant 0 : i32
    %dma_start3A_54 = tpu.memref_slice %arg6[%dma_start3A_51, %dma_start3A_52, %dma_start3A_53] : memref<5x128x128xf32, #tpu.memory_space<vmem>> -> memref<1x128x128xf32, #tpu.memory_space<vmem>>
    %dma_start3A_55 = tpu.memref_squeeze %dma_start3A_54 : memref<1x128x128xf32, #tpu.memory_space<vmem>> -> memref<128x128xf32, #tpu.memory_space<vmem>>
    %dma_start3A_56 = arith.constant 0 : i32
    %dma_start3A_57 = tpu.memref_slice %arg5[%dma_start3A_50, %dma_start3A_56] : memref<40x128xi32, #tpu.memory_space<vmem>> -> memref<1x128xi32, #tpu.memory_space<vmem>>
    %dma_start3A_58 = tpu.memref_squeeze %dma_start3A_57 : memref<1x128xi32, #tpu.memory_space<vmem>> -> memref<128xi32, #tpu.memory_space<vmem>>
    %dma_start3A_59 = arith.constant 0 : i32
    %dma_start3A_60 = arith.constant 0 : i32
    %dma_start3A_61 = tpu.memref_slice %arg2[%dma_start3A_59, %dma_start3A_60] : memref<1000000x128xf32, #tpu.memory_space<hbm>> -> memref<1000000x128xf32, #tpu.memory_space<hbm>>
    tpu.enqueue_indirect_dma source(%dma_start3A_61 : memref<1000000x128xf32, #tpu.memory_space<hbm>>) target(%dma_start3A_55 : memref<128x128xf32, #tpu.memory_space<vmem>>) offsets(%dma_start3A_58 : memref<128xi32, #tpu.memory_space<vmem>>) semaphore(%arg11 : memref<!tpu.dma_semaphore, #tpu.memory_space<semaphore_mem>>)
    %scan3A = arith.constant 0 : i32
    %scan3A_62 = arith.constant 0 : i32
    %scan3A_63 = arith.constant 8 : i32
    %scan3A_64 = arith.addi %scan3A_62, %scan3A_63 : i32
    %scan3A_65 = arith.constant 1 : i32
    scf.for %scan3A_67 = %scan3A_62 to %scan3A_64 step %scan3A_65  : i32 {
      %mul3A_68 = arith.constant 5 : i32
      %mul3A_69 = arith.muli %scan3A_67, %mul3A_68 : i32
      %add3A_70 = arith.constant 0 : i32
      %add3A_71 = arith.addi %mul3A_69, %add3A_70 : i32
      %dma_wait3A = arith.constant 0 : i32
      %dma_wait3A_72 = arith.constant 0 : i32
      %dma_wait3A_73 = arith.constant 0 : i32
      %dma_wait3A_74 = tpu.memref_slice %arg6[%dma_wait3A, %dma_wait3A_72, %dma_wait3A_73] : memref<5x128x128xf32, #tpu.memory_space<vmem>> -> memref<1x128x128xf32, #tpu.memory_space<vmem>>
      %dma_wait3A_75 = tpu.memref_squeeze %dma_wait3A_74 : memref<1x128x128xf32, #tpu.memory_space<vmem>> -> memref<128x128xf32, #tpu.memory_space<vmem>>
      %dma_wait3A_76 = arith.constant 0 : i32
      %dma_wait3A_77 = tpu.memref_slice %arg5[%add3A_71, %dma_wait3A_76] : memref<40x128xi32, #tpu.memory_space<vmem>> -> memref<1x128xi32, #tpu.memory_space<vmem>>
      %dma_wait3A_78 = tpu.memref_squeeze %dma_wait3A_77 : memref<1x128xi32, #tpu.memory_space<vmem>> -> memref<128xi32, #tpu.memory_space<vmem>>
      %dma_wait3A_79 = arith.constant 0 : i32
      %dma_wait3A_80 = arith.constant 0 : i32
      %dma_wait3A_81 = tpu.memref_slice %arg2[%dma_wait3A_79, %dma_wait3A_80] : memref<1000000x128xf32, #tpu.memory_space<hbm>> -> memref<1000000x128xf32, #tpu.memory_space<hbm>>
      tpu.wait_indirect_dma semaphore(%arg7 : memref<!tpu.dma_semaphore, #tpu.memory_space<semaphore_mem>>) src(%dma_wait3A_81 : memref<1000000x128xf32, #tpu.memory_space<hbm>>) dst(%dma_wait3A_75 : memref<128x128xf32, #tpu.memory_space<vmem>>)
      %mul3A_82 = arith.constant 128 : i32
      %mul3A_83 = arith.muli %add3A_71, %mul3A_82 : i32
      %add3A_84 = arith.addi %mul3A_2, %mul3A_83 : i32
      %dma_start3A_85 = arith.constant 0 : i32
      %dma_start3A_86 = arith.constant 0 : i32
      %dma_start3A_87 = arith.constant 0 : i32
      %dma_start3A_88 = tpu.memref_slice %arg6[%dma_start3A_85, %dma_start3A_86, %dma_start3A_87] : memref<5x128x128xf32, #tpu.memory_space<vmem>> -> memref<1x128x128xf32, #tpu.memory_space<vmem>>
      %dma_start3A_89 = tpu.memref_squeeze %dma_start3A_88 : memref<1x128x128xf32, #tpu.memory_space<vmem>> -> memref<128x128xf32, #tpu.memory_space<vmem>>
      %dma_start3A_90 = arith.constant 0 : i32
      %dma_start3A_91 = tpu.memref_slice %arg4[%add3A_84, %dma_start3A_90] : memref<163840x128xf32, #tpu.memory_space<hbm>> -> memref<128x128xf32, #tpu.memory_space<hbm>>
      %dma_start3A_92 = arith.constant 0 : i32
      %dma_start3A_93 = tpu.memref_slice %arg4[%add3A_84, %dma_start3A_92] : memref<163840x128xf32, #tpu.memory_space<hbm>> -> memref<128x128xf32, #tpu.memory_space<hbm>>
      %dma_start3A_94 = arith.constant 0 : i32
      %dma_start3A_95 = arith.constant 0 : i32
      %dma_start3A_96 = tpu.memref_slice %arg6[%dma_start3A_85, %dma_start3A_94, %dma_start3A_95] : memref<5x128x128xf32, #tpu.memory_space<vmem>> -> memref<1x128x128xf32, #tpu.memory_space<vmem>>
      %dma_start3A_97 = tpu.memref_squeeze %dma_start3A_96 : memref<1x128x128xf32, #tpu.memory_space<vmem>> -> memref<128x128xf32, #tpu.memory_space<vmem>>
      tpu.enqueue_dma source(%dma_start3A_97 : memref<128x128xf32, #tpu.memory_space<vmem>>) target(%dma_start3A_93 : memref<128x128xf32, #tpu.memory_space<hbm>>) target_semaphore(%arg12 : memref<!tpu.dma_semaphore, #tpu.memory_space<semaphore_mem>>)
      %mul3A_98 = arith.constant 5 : i32
      %mul3A_99 = arith.muli %scan3A_67, %mul3A_98 : i32
      %add3A_100 = arith.constant 1 : i32
      %add3A_101 = arith.addi %mul3A_99, %add3A_100 : i32
      %dma_wait3A_102 = arith.constant 1 : i32
      %dma_wait3A_103 = arith.constant 0 : i32
      %dma_wait3A_104 = arith.constant 0 : i32
      %dma_wait3A_105 = tpu.memref_slice %arg6[%dma_wait3A_102, %dma_wait3A_103, %dma_wait3A_104] : memref<5x128x128xf32, #tpu.memory_space<vmem>> -> memref<1x128x128xf32, #tpu.memory_space<vmem>>
      %dma_wait3A_106 = tpu.memref_squeeze %dma_wait3A_105 : memref<1x128x128xf32, #tpu.memory_space<vmem>> -> memref<128x128xf32, #tpu.memory_space<vmem>>
      %dma_wait3A_107 = arith.constant 0 : i32
      %dma_wait3A_108 = tpu.memref_slice %arg5[%add3A_101, %dma_wait3A_107] : memref<40x128xi32, #tpu.memory_space<vmem>> -> memref<1x128xi32, #tpu.memory_space<vmem>>
      %dma_wait3A_109 = tpu.memref_squeeze %dma_wait3A_108 : memref<1x128xi32, #tpu.memory_space<vmem>> -> memref<128xi32, #tpu.memory_space<vmem>>
      %dma_wait3A_110 = arith.constant 0 : i32
      %dma_wait3A_111 = arith.constant 0 : i32
      %dma_wait3A_112 = tpu.memref_slice %arg2[%dma_wait3A_110, %dma_wait3A_111] : memref<1000000x128xf32, #tpu.memory_space<hbm>> -> memref<1000000x128xf32, #tpu.memory_space<hbm>>
      tpu.wait_indirect_dma semaphore(%arg8 : memref<!tpu.dma_semaphore, #tpu.memory_space<semaphore_mem>>) src(%dma_wait3A_112 : memref<1000000x128xf32, #tpu.memory_space<hbm>>) dst(%dma_wait3A_106 : memref<128x128xf32, #tpu.memory_space<vmem>>)
      %mul3A_113 = arith.constant 128 : i32
      %mul3A_114 = arith.muli %add3A_101, %mul3A_113 : i32
      %add3A_115 = arith.addi %mul3A_2, %mul3A_114 : i32
      %dma_start3A_116 = arith.constant 1 : i32
      %dma_start3A_117 = arith.constant 0 : i32
      %dma_start3A_118 = arith.constant 0 : i32
      %dma_start3A_119 = tpu.memref_slice %arg6[%dma_start3A_116, %dma_start3A_117, %dma_start3A_118] : memref<5x128x128xf32, #tpu.memory_space<vmem>> -> memref<1x128x128xf32, #tpu.memory_space<vmem>>
      %dma_start3A_120 = tpu.memref_squeeze %dma_start3A_119 : memref<1x128x128xf32, #tpu.memory_space<vmem>> -> memref<128x128xf32, #tpu.memory_space<vmem>>
      %dma_start3A_121 = arith.constant 0 : i32
      %dma_start3A_122 = tpu.memref_slice %arg4[%add3A_115, %dma_start3A_121] : memref<163840x128xf32, #tpu.memory_space<hbm>> -> memref<128x128xf32, #tpu.memory_space<hbm>>
      %dma_start3A_123 = arith.constant 0 : i32
      %dma_start3A_124 = tpu.memref_slice %arg4[%add3A_115, %dma_start3A_123] : memref<163840x128xf32, #tpu.memory_space<hbm>> -> memref<128x128xf32, #tpu.memory_space<hbm>>
      %dma_start3A_125 = arith.constant 0 : i32
      %dma_start3A_126 = arith.constant 0 : i32
      %dma_start3A_127 = tpu.memref_slice %arg6[%dma_start3A_116, %dma_start3A_125, %dma_start3A_126] : memref<5x128x128xf32, #tpu.memory_space<vmem>> -> memref<1x128x128xf32, #tpu.memory_space<vmem>>
      %dma_start3A_128 = tpu.memref_squeeze %dma_start3A_127 : memref<1x128x128xf32, #tpu.memory_space<vmem>> -> memref<128x128xf32, #tpu.memory_space<vmem>>
      tpu.enqueue_dma source(%dma_start3A_128 : memref<128x128xf32, #tpu.memory_space<vmem>>) target(%dma_start3A_124 : memref<128x128xf32, #tpu.memory_space<hbm>>) target_semaphore(%arg13 : memref<!tpu.dma_semaphore, #tpu.memory_space<semaphore_mem>>)
      %mul3A_129 = arith.constant 5 : i32
      %mul3A_130 = arith.muli %scan3A_67, %mul3A_129 : i32
      %add3A_131 = arith.constant 2 : i32
      %add3A_132 = arith.addi %mul3A_130, %add3A_131 : i32
      %dma_wait3A_133 = arith.constant 2 : i32
      %dma_wait3A_134 = arith.constant 0 : i32
      %dma_wait3A_135 = arith.constant 0 : i32
      %dma_wait3A_136 = tpu.memref_slice %arg6[%dma_wait3A_133, %dma_wait3A_134, %dma_wait3A_135] : memref<5x128x128xf32, #tpu.memory_space<vmem>> -> memref<1x128x128xf32, #tpu.memory_space<vmem>>
      %dma_wait3A_137 = tpu.memref_squeeze %dma_wait3A_136 : memref<1x128x128xf32, #tpu.memory_space<vmem>> -> memref<128x128xf32, #tpu.memory_space<vmem>>
      %dma_wait3A_138 = arith.constant 0 : i32
      %dma_wait3A_139 = tpu.memref_slice %arg5[%add3A_132, %dma_wait3A_138] : memref<40x128xi32, #tpu.memory_space<vmem>> -> memref<1x128xi32, #tpu.memory_space<vmem>>
      %dma_wait3A_140 = tpu.memref_squeeze %dma_wait3A_139 : memref<1x128xi32, #tpu.memory_space<vmem>> -> memref<128xi32, #tpu.memory_space<vmem>>
      %dma_wait3A_141 = arith.constant 0 : i32
      %dma_wait3A_142 = arith.constant 0 : i32
      %dma_wait3A_143 = tpu.memref_slice %arg2[%dma_wait3A_141, %dma_wait3A_142] : memref<1000000x128xf32, #tpu.memory_space<hbm>> -> memref<1000000x128xf32, #tpu.memory_space<hbm>>
      tpu.wait_indirect_dma semaphore(%arg9 : memref<!tpu.dma_semaphore, #tpu.memory_space<semaphore_mem>>) src(%dma_wait3A_143 : memref<1000000x128xf32, #tpu.memory_space<hbm>>) dst(%dma_wait3A_137 : memref<128x128xf32, #tpu.memory_space<vmem>>)
      %mul3A_144 = arith.constant 128 : i32
      %mul3A_145 = arith.muli %add3A_132, %mul3A_144 : i32
      %add3A_146 = arith.addi %mul3A_2, %mul3A_145 : i32
      %dma_start3A_147 = arith.constant 2 : i32
      %dma_start3A_148 = arith.constant 0 : i32
      %dma_start3A_149 = arith.constant 0 : i32
      %dma_start3A_150 = tpu.memref_slice %arg6[%dma_start3A_147, %dma_start3A_148, %dma_start3A_149] : memref<5x128x128xf32, #tpu.memory_space<vmem>> -> memref<1x128x128xf32, #tpu.memory_space<vmem>>
      %dma_start3A_151 = tpu.memref_squeeze %dma_start3A_150 : memref<1x128x128xf32, #tpu.memory_space<vmem>> -> memref<128x128xf32, #tpu.memory_space<vmem>>
      %dma_start3A_152 = arith.constant 0 : i32
      %dma_start3A_153 = tpu.memref_slice %arg4[%add3A_146, %dma_start3A_152] : memref<163840x128xf32, #tpu.memory_space<hbm>> -> memref<128x128xf32, #tpu.memory_space<hbm>>
      %dma_start3A_154 = arith.constant 0 : i32
      %dma_start3A_155 = tpu.memref_slice %arg4[%add3A_146, %dma_start3A_154] : memref<163840x128xf32, #tpu.memory_space<hbm>> -> memref<128x128xf32, #tpu.memory_space<hbm>>
      %dma_start3A_156 = arith.constant 0 : i32
      %dma_start3A_157 = arith.constant 0 : i32
      %dma_start3A_158 = tpu.memref_slice %arg6[%dma_start3A_147, %dma_start3A_156, %dma_start3A_157] : memref<5x128x128xf32, #tpu.memory_space<vmem>> -> memref<1x128x128xf32, #tpu.memory_space<vmem>>
      %dma_start3A_159 = tpu.memref_squeeze %dma_start3A_158 : memref<1x128x128xf32, #tpu.memory_space<vmem>> -> memref<128x128xf32, #tpu.memory_space<vmem>>
      tpu.enqueue_dma source(%dma_start3A_159 : memref<128x128xf32, #tpu.memory_space<vmem>>) target(%dma_start3A_155 : memref<128x128xf32, #tpu.memory_space<hbm>>) target_semaphore(%arg14 : memref<!tpu.dma_semaphore, #tpu.memory_space<semaphore_mem>>)
      %mul3A_160 = arith.constant 5 : i32
      %mul3A_161 = arith.muli %scan3A_67, %mul3A_160 : i32
      %add3A_162 = arith.constant 3 : i32
      %add3A_163 = arith.addi %mul3A_161, %add3A_162 : i32
      %dma_wait3A_164 = arith.constant 3 : i32
      %dma_wait3A_165 = arith.constant 0 : i32
      %dma_wait3A_166 = arith.constant 0 : i32
      %dma_wait3A_167 = tpu.memref_slice %arg6[%dma_wait3A_164, %dma_wait3A_165, %dma_wait3A_166] : memref<5x128x128xf32, #tpu.memory_space<vmem>> -> memref<1x128x128xf32, #tpu.memory_space<vmem>>
      %dma_wait3A_168 = tpu.memref_squeeze %dma_wait3A_167 : memref<1x128x128xf32, #tpu.memory_space<vmem>> -> memref<128x128xf32, #tpu.memory_space<vmem>>
      %dma_wait3A_169 = arith.constant 0 : i32
      %dma_wait3A_170 = tpu.memref_slice %arg5[%add3A_163, %dma_wait3A_169] : memref<40x128xi32, #tpu.memory_space<vmem>> -> memref<1x128xi32, #tpu.memory_space<vmem>>
      %dma_wait3A_171 = tpu.memref_squeeze %dma_wait3A_170 : memref<1x128xi32, #tpu.memory_space<vmem>> -> memref<128xi32, #tpu.memory_space<vmem>>
      %dma_wait3A_172 = arith.constant 0 : i32
      %dma_wait3A_173 = arith.constant 0 : i32
      %dma_wait3A_174 = tpu.memref_slice %arg2[%dma_wait3A_172, %dma_wait3A_173] : memref<1000000x128xf32, #tpu.memory_space<hbm>> -> memref<1000000x128xf32, #tpu.memory_space<hbm>>
      tpu.wait_indirect_dma semaphore(%arg10 : memref<!tpu.dma_semaphore, #tpu.memory_space<semaphore_mem>>) src(%dma_wait3A_174 : memref<1000000x128xf32, #tpu.memory_space<hbm>>) dst(%dma_wait3A_168 : memref<128x128xf32, #tpu.memory_space<vmem>>)
      %mul3A_175 = arith.constant 128 : i32
      %mul3A_176 = arith.muli %add3A_163, %mul3A_175 : i32
      %add3A_177 = arith.addi %mul3A_2, %mul3A_176 : i32
      %dma_start3A_178 = arith.constant 3 : i32
      %dma_start3A_179 = arith.constant 0 : i32
      %dma_start3A_180 = arith.constant 0 : i32
      %dma_start3A_181 = tpu.memref_slice %arg6[%dma_start3A_178, %dma_start3A_179, %dma_start3A_180] : memref<5x128x128xf32, #tpu.memory_space<vmem>> -> memref<1x128x128xf32, #tpu.memory_space<vmem>>
      %dma_start3A_182 = tpu.memref_squeeze %dma_start3A_181 : memref<1x128x128xf32, #tpu.memory_space<vmem>> -> memref<128x128xf32, #tpu.memory_space<vmem>>
      %dma_start3A_183 = arith.constant 0 : i32
      %dma_start3A_184 = tpu.memref_slice %arg4[%add3A_177, %dma_start3A_183] : memref<163840x128xf32, #tpu.memory_space<hbm>> -> memref<128x128xf32, #tpu.memory_space<hbm>>
      %dma_start3A_185 = arith.constant 0 : i32
      %dma_start3A_186 = tpu.memref_slice %arg4[%add3A_177, %dma_start3A_185] : memref<163840x128xf32, #tpu.memory_space<hbm>> -> memref<128x128xf32, #tpu.memory_space<hbm>>
      %dma_start3A_187 = arith.constant 0 : i32
      %dma_start3A_188 = arith.constant 0 : i32
      %dma_start3A_189 = tpu.memref_slice %arg6[%dma_start3A_178, %dma_start3A_187, %dma_start3A_188] : memref<5x128x128xf32, #tpu.memory_space<vmem>> -> memref<1x128x128xf32, #tpu.memory_space<vmem>>
      %dma_start3A_190 = tpu.memref_squeeze %dma_start3A_189 : memref<1x128x128xf32, #tpu.memory_space<vmem>> -> memref<128x128xf32, #tpu.memory_space<vmem>>
      tpu.enqueue_dma source(%dma_start3A_190 : memref<128x128xf32, #tpu.memory_space<vmem>>) target(%dma_start3A_186 : memref<128x128xf32, #tpu.memory_space<hbm>>) target_semaphore(%arg15 : memref<!tpu.dma_semaphore, #tpu.memory_space<semaphore_mem>>)
      %mul3A_191 = arith.constant 5 : i32
      %mul3A_192 = arith.muli %scan3A_67, %mul3A_191 : i32
      %add3A_193 = arith.constant 4 : i32
      %add3A_194 = arith.addi %mul3A_192, %add3A_193 : i32
      %dma_wait3A_195 = arith.constant 4 : i32
      %dma_wait3A_196 = arith.constant 0 : i32
      %dma_wait3A_197 = arith.constant 0 : i32
      %dma_wait3A_198 = tpu.memref_slice %arg6[%dma_wait3A_195, %dma_wait3A_196, %dma_wait3A_197] : memref<5x128x128xf32, #tpu.memory_space<vmem>> -> memref<1x128x128xf32, #tpu.memory_space<vmem>>
      %dma_wait3A_199 = tpu.memref_squeeze %dma_wait3A_198 : memref<1x128x128xf32, #tpu.memory_space<vmem>> -> memref<128x128xf32, #tpu.memory_space<vmem>>
      %dma_wait3A_200 = arith.constant 0 : i32
      %dma_wait3A_201 = tpu.memref_slice %arg5[%add3A_194, %dma_wait3A_200] : memref<40x128xi32, #tpu.memory_space<vmem>> -> memref<1x128xi32, #tpu.memory_space<vmem>>
      %dma_wait3A_202 = tpu.memref_squeeze %dma_wait3A_201 : memref<1x128xi32, #tpu.memory_space<vmem>> -> memref<128xi32, #tpu.memory_space<vmem>>
      %dma_wait3A_203 = arith.constant 0 : i32
      %dma_wait3A_204 = arith.constant 0 : i32
      %dma_wait3A_205 = tpu.memref_slice %arg2[%dma_wait3A_203, %dma_wait3A_204] : memref<1000000x128xf32, #tpu.memory_space<hbm>> -> memref<1000000x128xf32, #tpu.memory_space<hbm>>
      tpu.wait_indirect_dma semaphore(%arg11 : memref<!tpu.dma_semaphore, #tpu.memory_space<semaphore_mem>>) src(%dma_wait3A_205 : memref<1000000x128xf32, #tpu.memory_space<hbm>>) dst(%dma_wait3A_199 : memref<128x128xf32, #tpu.memory_space<vmem>>)
      %mul3A_206 = arith.constant 128 : i32
      %mul3A_207 = arith.muli %add3A_194, %mul3A_206 : i32
      %add3A_208 = arith.addi %mul3A_2, %mul3A_207 : i32
      %dma_start3A_209 = arith.constant 4 : i32
      %dma_start3A_210 = arith.constant 0 : i32
      %dma_start3A_211 = arith.constant 0 : i32
      %dma_start3A_212 = tpu.memref_slice %arg6[%dma_start3A_209, %dma_start3A_210, %dma_start3A_211] : memref<5x128x128xf32, #tpu.memory_space<vmem>> -> memref<1x128x128xf32, #tpu.memory_space<vmem>>
      %dma_start3A_213 = tpu.memref_squeeze %dma_start3A_212 : memref<1x128x128xf32, #tpu.memory_space<vmem>> -> memref<128x128xf32, #tpu.memory_space<vmem>>
      %dma_start3A_214 = arith.constant 0 : i32
      %dma_start3A_215 = tpu.memref_slice %arg4[%add3A_208, %dma_start3A_214] : memref<163840x128xf32, #tpu.memory_space<hbm>> -> memref<128x128xf32, #tpu.memory_space<hbm>>
      %dma_start3A_216 = arith.constant 0 : i32
      %dma_start3A_217 = tpu.memref_slice %arg4[%add3A_208, %dma_start3A_216] : memref<163840x128xf32, #tpu.memory_space<hbm>> -> memref<128x128xf32, #tpu.memory_space<hbm>>
      %dma_start3A_218 = arith.constant 0 : i32
      %dma_start3A_219 = arith.constant 0 : i32
      %dma_start3A_220 = tpu.memref_slice %arg6[%dma_start3A_209, %dma_start3A_218, %dma_start3A_219] : memref<5x128x128xf32, #tpu.memory_space<vmem>> -> memref<1x128x128xf32, #tpu.memory_space<vmem>>
      %dma_start3A_221 = tpu.memref_squeeze %dma_start3A_220 : memref<1x128x128xf32, #tpu.memory_space<vmem>> -> memref<128x128xf32, #tpu.memory_space<vmem>>
      tpu.enqueue_dma source(%dma_start3A_221 : memref<128x128xf32, #tpu.memory_space<vmem>>) target(%dma_start3A_217 : memref<128x128xf32, #tpu.memory_space<hbm>>) target_semaphore(%arg16 : memref<!tpu.dma_semaphore, #tpu.memory_space<semaphore_mem>>)
      %mul3A_222 = arith.constant 5 : i32
      %mul3A_223 = arith.muli %scan3A_67, %mul3A_222 : i32
      %add3A_224 = arith.constant 0 : i32
      %add3A_225 = arith.addi %mul3A_223, %add3A_224 : i32
      %mul3A_226 = arith.constant 128 : i32
      %mul3A_227 = arith.muli %add3A_225, %mul3A_226 : i32
      %add3A_228 = arith.addi %mul3A_2, %mul3A_227 : i32
      %dma_wait3A_229 = arith.constant 0 : i32
      %dma_wait3A_230 = arith.constant 0 : i32
      %dma_wait3A_231 = arith.constant 0 : i32
      %dma_wait3A_232 = tpu.memref_slice %arg6[%dma_wait3A_229, %dma_wait3A_230, %dma_wait3A_231] : memref<5x128x128xf32, #tpu.memory_space<vmem>> -> memref<1x128x128xf32, #tpu.memory_space<vmem>>
      %dma_wait3A_233 = tpu.memref_squeeze %dma_wait3A_232 : memref<1x128x128xf32, #tpu.memory_space<vmem>> -> memref<128x128xf32, #tpu.memory_space<vmem>>
      %dma_wait3A_234 = arith.constant 0 : i32
      %dma_wait3A_235 = tpu.memref_slice %arg4[%add3A_228, %dma_wait3A_234] : memref<163840x128xf32, #tpu.memory_space<hbm>> -> memref<128x128xf32, #tpu.memory_space<hbm>>
      %dma_wait3A_236 = arith.constant 0 : i32
      %dma_wait3A_237 = tpu.memref_slice %arg4[%add3A_228, %dma_wait3A_236] : memref<163840x128xf32, #tpu.memory_space<hbm>> -> memref<128x128xf32, #tpu.memory_space<hbm>>
      %dma_wait3A_238 = arith.constant 0 : i32
      %dma_wait3A_239 = arith.constant 0 : i32
      %dma_wait3A_240 = tpu.memref_slice %arg6[%dma_wait3A_229, %dma_wait3A_238, %dma_wait3A_239] : memref<5x128x128xf32, #tpu.memory_space<vmem>> -> memref<1x128x128xf32, #tpu.memory_space<vmem>>
      %dma_wait3A_241 = tpu.memref_squeeze %dma_wait3A_240 : memref<1x128x128xf32, #tpu.memory_space<vmem>> -> memref<128x128xf32, #tpu.memory_space<vmem>>
      tpu.wait_dma2 semaphore(%arg12 : memref<!tpu.dma_semaphore, #tpu.memory_space<semaphore_mem>>) src(%dma_wait3A_241 : memref<128x128xf32, #tpu.memory_space<vmem>>) dst(%dma_wait3A_237 : memref<128x128xf32, #tpu.memory_space<hbm>>)
      %lt3A = arith.constant 7 : i32
      %lt3A_242 = arith.cmpi slt, %scan3A_67, %lt3A : i32
      %convert_element_type3A = arith.extui %lt3A_242 : i1 to i32
      %cond3A = arith.constant 0 : i32
      %cond3A_243 = arith.cmpi ne, %convert_element_type3A, %cond3A : i32
      scf.if %cond3A_243 {
        %add3A_344 = arith.constant 5 : i32
        %add3A_345 = arith.addi %add3A_225, %add3A_344 : i32
        %dma_start3A_346 = arith.constant 0 : i32
        %dma_start3A_347 = arith.constant 0 : i32
        %dma_start3A_348 = arith.constant 0 : i32
        %dma_start3A_349 = tpu.memref_slice %arg6[%dma_start3A_346, %dma_start3A_347, %dma_start3A_348] : memref<5x128x128xf32, #tpu.memory_space<vmem>> -> memref<1x128x128xf32, #tpu.memory_space<vmem>>
        %dma_start3A_350 = tpu.memref_squeeze %dma_start3A_349 : memref<1x128x128xf32, #tpu.memory_space<vmem>> -> memref<128x128xf32, #tpu.memory_space<vmem>>
        %dma_start3A_351 = arith.constant 0 : i32
        %dma_start3A_352 = tpu.memref_slice %arg5[%add3A_345, %dma_start3A_351] : memref<40x128xi32, #tpu.memory_space<vmem>> -> memref<1x128xi32, #tpu.memory_space<vmem>>
        %dma_start3A_353 = tpu.memref_squeeze %dma_start3A_352 : memref<1x128xi32, #tpu.memory_space<vmem>> -> memref<128xi32, #tpu.memory_space<vmem>>
        %dma_start3A_354 = arith.constant 0 : i32
        %dma_start3A_355 = arith.constant 0 : i32
        %dma_start3A_356 = tpu.memref_slice %arg2[%dma_start3A_354, %dma_start3A_355] : memref<1000000x128xf32, #tpu.memory_space<hbm>> -> memref<1000000x128xf32, #tpu.memory_space<hbm>>
        tpu.enqueue_indirect_dma source(%dma_start3A_356 : memref<1000000x128xf32, #tpu.memory_space<hbm>>) target(%dma_start3A_350 : memref<128x128xf32, #tpu.memory_space<vmem>>) offsets(%dma_start3A_353 : memref<128xi32, #tpu.memory_space<vmem>>) semaphore(%arg7 : memref<!tpu.dma_semaphore, #tpu.memory_space<semaphore_mem>>)
      } else {
      }
      %mul3A_244 = arith.constant 5 : i32
      %mul3A_245 = arith.muli %scan3A_67, %mul3A_244 : i32
      %add3A_246 = arith.constant 1 : i32
      %add3A_247 = arith.addi %mul3A_245, %add3A_246 : i32
      %mul3A_248 = arith.constant 128 : i32
      %mul3A_249 = arith.muli %add3A_247, %mul3A_248 : i32
      %add3A_250 = arith.addi %mul3A_2, %mul3A_249 : i32
      %dma_wait3A_251 = arith.constant 1 : i32
      %dma_wait3A_252 = arith.constant 0 : i32
      %dma_wait3A_253 = arith.constant 0 : i32
      %dma_wait3A_254 = tpu.memref_slice %arg6[%dma_wait3A_251, %dma_wait3A_252, %dma_wait3A_253] : memref<5x128x128xf32, #tpu.memory_space<vmem>> -> memref<1x128x128xf32, #tpu.memory_space<vmem>>
      %dma_wait3A_255 = tpu.memref_squeeze %dma_wait3A_254 : memref<1x128x128xf32, #tpu.memory_space<vmem>> -> memref<128x128xf32, #tpu.memory_space<vmem>>
      %dma_wait3A_256 = arith.constant 0 : i32
      %dma_wait3A_257 = tpu.memref_slice %arg4[%add3A_250, %dma_wait3A_256] : memref<163840x128xf32, #tpu.memory_space<hbm>> -> memref<128x128xf32, #tpu.memory_space<hbm>>
      %dma_wait3A_258 = arith.constant 0 : i32
      %dma_wait3A_259 = tpu.memref_slice %arg4[%add3A_250, %dma_wait3A_258] : memref<163840x128xf32, #tpu.memory_space<hbm>> -> memref<128x128xf32, #tpu.memory_space<hbm>>
      %dma_wait3A_260 = arith.constant 0 : i32
      %dma_wait3A_261 = arith.constant 0 : i32
      %dma_wait3A_262 = tpu.memref_slice %arg6[%dma_wait3A_251, %dma_wait3A_260, %dma_wait3A_261] : memref<5x128x128xf32, #tpu.memory_space<vmem>> -> memref<1x128x128xf32, #tpu.memory_space<vmem>>
      %dma_wait3A_263 = tpu.memref_squeeze %dma_wait3A_262 : memref<1x128x128xf32, #tpu.memory_space<vmem>> -> memref<128x128xf32, #tpu.memory_space<vmem>>
      tpu.wait_dma2 semaphore(%arg13 : memref<!tpu.dma_semaphore, #tpu.memory_space<semaphore_mem>>) src(%dma_wait3A_263 : memref<128x128xf32, #tpu.memory_space<vmem>>) dst(%dma_wait3A_259 : memref<128x128xf32, #tpu.memory_space<hbm>>)
      %lt3A_264 = arith.constant 7 : i32
      %lt3A_265 = arith.cmpi slt, %scan3A_67, %lt3A_264 : i32
      %convert_element_type3A_266 = arith.extui %lt3A_265 : i1 to i32
      %cond3A_267 = arith.constant 0 : i32
      %cond3A_268 = arith.cmpi ne, %convert_element_type3A_266, %cond3A_267 : i32
      scf.if %cond3A_268 {
        %add3A_344 = arith.constant 5 : i32
        %add3A_345 = arith.addi %add3A_247, %add3A_344 : i32
        %dma_start3A_346 = arith.constant 1 : i32
        %dma_start3A_347 = arith.constant 0 : i32
        %dma_start3A_348 = arith.constant 0 : i32
        %dma_start3A_349 = tpu.memref_slice %arg6[%dma_start3A_346, %dma_start3A_347, %dma_start3A_348] : memref<5x128x128xf32, #tpu.memory_space<vmem>> -> memref<1x128x128xf32, #tpu.memory_space<vmem>>
        %dma_start3A_350 = tpu.memref_squeeze %dma_start3A_349 : memref<1x128x128xf32, #tpu.memory_space<vmem>> -> memref<128x128xf32, #tpu.memory_space<vmem>>
        %dma_start3A_351 = arith.constant 0 : i32
        %dma_start3A_352 = tpu.memref_slice %arg5[%add3A_345, %dma_start3A_351] : memref<40x128xi32, #tpu.memory_space<vmem>> -> memref<1x128xi32, #tpu.memory_space<vmem>>
        %dma_start3A_353 = tpu.memref_squeeze %dma_start3A_352 : memref<1x128xi32, #tpu.memory_space<vmem>> -> memref<128xi32, #tpu.memory_space<vmem>>
        %dma_start3A_354 = arith.constant 0 : i32
        %dma_start3A_355 = arith.constant 0 : i32
        %dma_start3A_356 = tpu.memref_slice %arg2[%dma_start3A_354, %dma_start3A_355] : memref<1000000x128xf32, #tpu.memory_space<hbm>> -> memref<1000000x128xf32, #tpu.memory_space<hbm>>
        tpu.enqueue_indirect_dma source(%dma_start3A_356 : memref<1000000x128xf32, #tpu.memory_space<hbm>>) target(%dma_start3A_350 : memref<128x128xf32, #tpu.memory_space<vmem>>) offsets(%dma_start3A_353 : memref<128xi32, #tpu.memory_space<vmem>>) semaphore(%arg8 : memref<!tpu.dma_semaphore, #tpu.memory_space<semaphore_mem>>)
      } else {
      }
      %mul3A_269 = arith.constant 5 : i32
      %mul3A_270 = arith.muli %scan3A_67, %mul3A_269 : i32
      %add3A_271 = arith.constant 2 : i32
      %add3A_272 = arith.addi %mul3A_270, %add3A_271 : i32
      %mul3A_273 = arith.constant 128 : i32
      %mul3A_274 = arith.muli %add3A_272, %mul3A_273 : i32
      %add3A_275 = arith.addi %mul3A_2, %mul3A_274 : i32
      %dma_wait3A_276 = arith.constant 2 : i32
      %dma_wait3A_277 = arith.constant 0 : i32
      %dma_wait3A_278 = arith.constant 0 : i32
      %dma_wait3A_279 = tpu.memref_slice %arg6[%dma_wait3A_276, %dma_wait3A_277, %dma_wait3A_278] : memref<5x128x128xf32, #tpu.memory_space<vmem>> -> memref<1x128x128xf32, #tpu.memory_space<vmem>>
      %dma_wait3A_280 = tpu.memref_squeeze %dma_wait3A_279 : memref<1x128x128xf32, #tpu.memory_space<vmem>> -> memref<128x128xf32, #tpu.memory_space<vmem>>
      %dma_wait3A_281 = arith.constant 0 : i32
      %dma_wait3A_282 = tpu.memref_slice %arg4[%add3A_275, %dma_wait3A_281] : memref<163840x128xf32, #tpu.memory_space<hbm>> -> memref<128x128xf32, #tpu.memory_space<hbm>>
      %dma_wait3A_283 = arith.constant 0 : i32
      %dma_wait3A_284 = tpu.memref_slice %arg4[%add3A_275, %dma_wait3A_283] : memref<163840x128xf32, #tpu.memory_space<hbm>> -> memref<128x128xf32, #tpu.memory_space<hbm>>
      %dma_wait3A_285 = arith.constant 0 : i32
      %dma_wait3A_286 = arith.constant 0 : i32
      %dma_wait3A_287 = tpu.memref_slice %arg6[%dma_wait3A_276, %dma_wait3A_285, %dma_wait3A_286] : memref<5x128x128xf32, #tpu.memory_space<vmem>> -> memref<1x128x128xf32, #tpu.memory_space<vmem>>
      %dma_wait3A_288 = tpu.memref_squeeze %dma_wait3A_287 : memref<1x128x128xf32, #tpu.memory_space<vmem>> -> memref<128x128xf32, #tpu.memory_space<vmem>>
      tpu.wait_dma2 semaphore(%arg14 : memref<!tpu.dma_semaphore, #tpu.memory_space<semaphore_mem>>) src(%dma_wait3A_288 : memref<128x128xf32, #tpu.memory_space<vmem>>) dst(%dma_wait3A_284 : memref<128x128xf32, #tpu.memory_space<hbm>>)
      %lt3A_289 = arith.constant 7 : i32
      %lt3A_290 = arith.cmpi slt, %scan3A_67, %lt3A_289 : i32
      %convert_element_type3A_291 = arith.extui %lt3A_290 : i1 to i32
      %cond3A_292 = arith.constant 0 : i32
      %cond3A_293 = arith.cmpi ne, %convert_element_type3A_291, %cond3A_292 : i32
      scf.if %cond3A_293 {
        %add3A_344 = arith.constant 5 : i32
        %add3A_345 = arith.addi %add3A_272, %add3A_344 : i32
        %dma_start3A_346 = arith.constant 2 : i32
        %dma_start3A_347 = arith.constant 0 : i32
        %dma_start3A_348 = arith.constant 0 : i32
        %dma_start3A_349 = tpu.memref_slice %arg6[%dma_start3A_346, %dma_start3A_347, %dma_start3A_348] : memref<5x128x128xf32, #tpu.memory_space<vmem>> -> memref<1x128x128xf32, #tpu.memory_space<vmem>>
        %dma_start3A_350 = tpu.memref_squeeze %dma_start3A_349 : memref<1x128x128xf32, #tpu.memory_space<vmem>> -> memref<128x128xf32, #tpu.memory_space<vmem>>
        %dma_start3A_351 = arith.constant 0 : i32
        %dma_start3A_352 = tpu.memref_slice %arg5[%add3A_345, %dma_start3A_351] : memref<40x128xi32, #tpu.memory_space<vmem>> -> memref<1x128xi32, #tpu.memory_space<vmem>>
        %dma_start3A_353 = tpu.memref_squeeze %dma_start3A_352 : memref<1x128xi32, #tpu.memory_space<vmem>> -> memref<128xi32, #tpu.memory_space<vmem>>
        %dma_start3A_354 = arith.constant 0 : i32
        %dma_start3A_355 = arith.constant 0 : i32
        %dma_start3A_356 = tpu.memref_slice %arg2[%dma_start3A_354, %dma_start3A_355] : memref<1000000x128xf32, #tpu.memory_space<hbm>> -> memref<1000000x128xf32, #tpu.memory_space<hbm>>
        tpu.enqueue_indirect_dma source(%dma_start3A_356 : memref<1000000x128xf32, #tpu.memory_space<hbm>>) target(%dma_start3A_350 : memref<128x128xf32, #tpu.memory_space<vmem>>) offsets(%dma_start3A_353 : memref<128xi32, #tpu.memory_space<vmem>>) semaphore(%arg9 : memref<!tpu.dma_semaphore, #tpu.memory_space<semaphore_mem>>)
      } else {
      }
      %mul3A_294 = arith.constant 5 : i32
      %mul3A_295 = arith.muli %scan3A_67, %mul3A_294 : i32
      %add3A_296 = arith.constant 3 : i32
      %add3A_297 = arith.addi %mul3A_295, %add3A_296 : i32
      %mul3A_298 = arith.constant 128 : i32
      %mul3A_299 = arith.muli %add3A_297, %mul3A_298 : i32
      %add3A_300 = arith.addi %mul3A_2, %mul3A_299 : i32
      %dma_wait3A_301 = arith.constant 3 : i32
      %dma_wait3A_302 = arith.constant 0 : i32
      %dma_wait3A_303 = arith.constant 0 : i32
      %dma_wait3A_304 = tpu.memref_slice %arg6[%dma_wait3A_301, %dma_wait3A_302, %dma_wait3A_303] : memref<5x128x128xf32, #tpu.memory_space<vmem>> -> memref<1x128x128xf32, #tpu.memory_space<vmem>>
      %dma_wait3A_305 = tpu.memref_squeeze %dma_wait3A_304 : memref<1x128x128xf32, #tpu.memory_space<vmem>> -> memref<128x128xf32, #tpu.memory_space<vmem>>
      %dma_wait3A_306 = arith.constant 0 : i32
      %dma_wait3A_307 = tpu.memref_slice %arg4[%add3A_300, %dma_wait3A_306] : memref<163840x128xf32, #tpu.memory_space<hbm>> -> memref<128x128xf32, #tpu.memory_space<hbm>>
      %dma_wait3A_308 = arith.constant 0 : i32
      %dma_wait3A_309 = tpu.memref_slice %arg4[%add3A_300, %dma_wait3A_308] : memref<163840x128xf32, #tpu.memory_space<hbm>> -> memref<128x128xf32, #tpu.memory_space<hbm>>
      %dma_wait3A_310 = arith.constant 0 : i32
      %dma_wait3A_311 = arith.constant 0 : i32
      %dma_wait3A_312 = tpu.memref_slice %arg6[%dma_wait3A_301, %dma_wait3A_310, %dma_wait3A_311] : memref<5x128x128xf32, #tpu.memory_space<vmem>> -> memref<1x128x128xf32, #tpu.memory_space<vmem>>
      %dma_wait3A_313 = tpu.memref_squeeze %dma_wait3A_312 : memref<1x128x128xf32, #tpu.memory_space<vmem>> -> memref<128x128xf32, #tpu.memory_space<vmem>>
      tpu.wait_dma2 semaphore(%arg15 : memref<!tpu.dma_semaphore, #tpu.memory_space<semaphore_mem>>) src(%dma_wait3A_313 : memref<128x128xf32, #tpu.memory_space<vmem>>) dst(%dma_wait3A_309 : memref<128x128xf32, #tpu.memory_space<hbm>>)
      %lt3A_314 = arith.constant 7 : i32
      %lt3A_315 = arith.cmpi slt, %scan3A_67, %lt3A_314 : i32
      %convert_element_type3A_316 = arith.extui %lt3A_315 : i1 to i32
      %cond3A_317 = arith.constant 0 : i32
      %cond3A_318 = arith.cmpi ne, %convert_element_type3A_316, %cond3A_317 : i32
      scf.if %cond3A_318 {
        %add3A_344 = arith.constant 5 : i32
        %add3A_345 = arith.addi %add3A_297, %add3A_344 : i32
        %dma_start3A_346 = arith.constant 3 : i32
        %dma_start3A_347 = arith.constant 0 : i32
        %dma_start3A_348 = arith.constant 0 : i32
        %dma_start3A_349 = tpu.memref_slice %arg6[%dma_start3A_346, %dma_start3A_347, %dma_start3A_348] : memref<5x128x128xf32, #tpu.memory_space<vmem>> -> memref<1x128x128xf32, #tpu.memory_space<vmem>>
        %dma_start3A_350 = tpu.memref_squeeze %dma_start3A_349 : memref<1x128x128xf32, #tpu.memory_space<vmem>> -> memref<128x128xf32, #tpu.memory_space<vmem>>
        %dma_start3A_351 = arith.constant 0 : i32
        %dma_start3A_352 = tpu.memref_slice %arg5[%add3A_345, %dma_start3A_351] : memref<40x128xi32, #tpu.memory_space<vmem>> -> memref<1x128xi32, #tpu.memory_space<vmem>>
        %dma_start3A_353 = tpu.memref_squeeze %dma_start3A_352 : memref<1x128xi32, #tpu.memory_space<vmem>> -> memref<128xi32, #tpu.memory_space<vmem>>
        %dma_start3A_354 = arith.constant 0 : i32
        %dma_start3A_355 = arith.constant 0 : i32
        %dma_start3A_356 = tpu.memref_slice %arg2[%dma_start3A_354, %dma_start3A_355] : memref<1000000x128xf32, #tpu.memory_space<hbm>> -> memref<1000000x128xf32, #tpu.memory_space<hbm>>
        tpu.enqueue_indirect_dma source(%dma_start3A_356 : memref<1000000x128xf32, #tpu.memory_space<hbm>>) target(%dma_start3A_350 : memref<128x128xf32, #tpu.memory_space<vmem>>) offsets(%dma_start3A_353 : memref<128xi32, #tpu.memory_space<vmem>>) semaphore(%arg10 : memref<!tpu.dma_semaphore, #tpu.memory_space<semaphore_mem>>)
      } else {
      }
      %mul3A_319 = arith.constant 5 : i32
      %mul3A_320 = arith.muli %scan3A_67, %mul3A_319 : i32
      %add3A_321 = arith.constant 4 : i32
      %add3A_322 = arith.addi %mul3A_320, %add3A_321 : i32
      %mul3A_323 = arith.constant 128 : i32
      %mul3A_324 = arith.muli %add3A_322, %mul3A_323 : i32
      %add3A_325 = arith.addi %mul3A_2, %mul3A_324 : i32
      %dma_wait3A_326 = arith.constant 4 : i32
      %dma_wait3A_327 = arith.constant 0 : i32
      %dma_wait3A_328 = arith.constant 0 : i32
      %dma_wait3A_329 = tpu.memref_slice %arg6[%dma_wait3A_326, %dma_wait3A_327, %dma_wait3A_328] : memref<5x128x128xf32, #tpu.memory_space<vmem>> -> memref<1x128x128xf32, #tpu.memory_space<vmem>>
      %dma_wait3A_330 = tpu.memref_squeeze %dma_wait3A_329 : memref<1x128x128xf32, #tpu.memory_space<vmem>> -> memref<128x128xf32, #tpu.memory_space<vmem>>
      %dma_wait3A_331 = arith.constant 0 : i32
      %dma_wait3A_332 = tpu.memref_slice %arg4[%add3A_325, %dma_wait3A_331] : memref<163840x128xf32, #tpu.memory_space<hbm>> -> memref<128x128xf32, #tpu.memory_space<hbm>>
      %dma_wait3A_333 = arith.constant 0 : i32
      %dma_wait3A_334 = tpu.memref_slice %arg4[%add3A_325, %dma_wait3A_333] : memref<163840x128xf32, #tpu.memory_space<hbm>> -> memref<128x128xf32, #tpu.memory_space<hbm>>
      %dma_wait3A_335 = arith.constant 0 : i32
      %dma_wait3A_336 = arith.constant 0 : i32
      %dma_wait3A_337 = tpu.memref_slice %arg6[%dma_wait3A_326, %dma_wait3A_335, %dma_wait3A_336] : memref<5x128x128xf32, #tpu.memory_space<vmem>> -> memref<1x128x128xf32, #tpu.memory_space<vmem>>
      %dma_wait3A_338 = tpu.memref_squeeze %dma_wait3A_337 : memref<1x128x128xf32, #tpu.memory_space<vmem>> -> memref<128x128xf32, #tpu.memory_space<vmem>>
      tpu.wait_dma2 semaphore(%arg16 : memref<!tpu.dma_semaphore, #tpu.memory_space<semaphore_mem>>) src(%dma_wait3A_338 : memref<128x128xf32, #tpu.memory_space<vmem>>) dst(%dma_wait3A_334 : memref<128x128xf32, #tpu.memory_space<hbm>>)
      %lt3A_339 = arith.constant 7 : i32
      %lt3A_340 = arith.cmpi slt, %scan3A_67, %lt3A_339 : i32
      %convert_element_type3A_341 = arith.extui %lt3A_340 : i1 to i32
      %cond3A_342 = arith.constant 0 : i32
      %cond3A_343 = arith.cmpi ne, %convert_element_type3A_341, %cond3A_342 : i32
      scf.if %cond3A_343 {
        %add3A_344 = arith.constant 5 : i32
        %add3A_345 = arith.addi %add3A_322, %add3A_344 : i32
        %dma_start3A_346 = arith.constant 4 : i32
        %dma_start3A_347 = arith.constant 0 : i32
        %dma_start3A_348 = arith.constant 0 : i32
        %dma_start3A_349 = tpu.memref_slice %arg6[%dma_start3A_346, %dma_start3A_347, %dma_start3A_348] : memref<5x128x128xf32, #tpu.memory_space<vmem>> -> memref<1x128x128xf32, #tpu.memory_space<vmem>>
        %dma_start3A_350 = tpu.memref_squeeze %dma_start3A_349 : memref<1x128x128xf32, #tpu.memory_space<vmem>> -> memref<128x128xf32, #tpu.memory_space<vmem>>
        %dma_start3A_351 = arith.constant 0 : i32
        %dma_start3A_352 = tpu.memref_slice %arg5[%add3A_345, %dma_start3A_351] : memref<40x128xi32, #tpu.memory_space<vmem>> -> memref<1x128xi32, #tpu.memory_space<vmem>>
        %dma_start3A_353 = tpu.memref_squeeze %dma_start3A_352 : memref<1x128xi32, #tpu.memory_space<vmem>> -> memref<128xi32, #tpu.memory_space<vmem>>
        %dma_start3A_354 = arith.constant 0 : i32
        %dma_start3A_355 = arith.constant 0 : i32
        %dma_start3A_356 = tpu.memref_slice %arg2[%dma_start3A_354, %dma_start3A_355] : memref<1000000x128xf32, #tpu.memory_space<hbm>> -> memref<1000000x128xf32, #tpu.memory_space<hbm>>
        tpu.enqueue_indirect_dma source(%dma_start3A_356 : memref<1000000x128xf32, #tpu.memory_space<hbm>>) target(%dma_start3A_350 : memref<128x128xf32, #tpu.memory_space<vmem>>) offsets(%dma_start3A_353 : memref<128xi32, #tpu.memory_space<vmem>>) semaphore(%arg11 : memref<!tpu.dma_semaphore, #tpu.memory_space<semaphore_mem>>)
      } else {
      }
    }
    %scan3A_66 = arith.constant 8 : i32
    return
  }
}

#map = affine_map<(d0, d1) -> (0, 0)>
#map1 = affine_map<(d0, d1) -> (0, 0, 0)>
module attributes {stable_mosaic.version = 14 : i64} {
  func.func @gather_k(%arg0: i32, %arg1: i32, %arg2: memref<1000000x128xf32, #tpu.memory_space<hbm>>, %arg3: memref<32x40x128xi32, #tpu.memory_space<hbm>>, %arg4: memref<163840x128xf32, #tpu.memory_space<hbm>>, %arg5: memref<40x128xi32, #tpu.memory_space<vmem>>, %arg6: memref<5x128x128xf32, #tpu.memory_space<vmem>>, %arg7: memref<!tpu.dma_semaphore, #tpu.memory_space<semaphore_mem>>, %arg8: memref<!tpu.dma_semaphore, #tpu.memory_space<semaphore_mem>>, %arg9: memref<!tpu.dma_semaphore, #tpu.memory_space<semaphore_mem>>, %arg10: memref<!tpu.dma_semaphore, #tpu.memory_space<semaphore_mem>>, %arg11: memref<!tpu.dma_semaphore, #tpu.memory_space<semaphore_mem>>, %arg12: memref<!tpu.dma_semaphore, #tpu.memory_space<semaphore_mem>>, %arg13: memref<!tpu.dma_semaphore, #tpu.memory_space<semaphore_mem>>, %arg14: memref<!tpu.dma_semaphore, #tpu.memory_space<semaphore_mem>>, %arg15: memref<!tpu.dma_semaphore, #tpu.memory_space<semaphore_mem>>, %arg16: memref<!tpu.dma_semaphore, #tpu.memory_space<semaphore_mem>>) attributes {dimension_semantics = [#tpu.dimension_semantics<core_parallel>, #tpu.dimension_semantics<subcore_parallel>], iteration_bounds = array<i64: 2, 16>, scalar_prefetch = 0 : i64, scratch_operands = 12 : i64, tpu.core_type = #tpu.core_type<sc_vector_subcore>, window_params = [{transform_indices = #map}, {transform_indices = #map1}, {transform_indices = #map}]} {
    %mul3A = arith.constant 2 : i32
    %mul3A_0 = arith.muli %arg1, %mul3A : i32
    %add3A = arith.addi %mul3A_0, %arg0 : i32
    %mul3A_1 = arith.constant 5120 : i32
    %mul3A_2 = arith.muli %add3A, %mul3A_1 : i32
    "tpu.region"() ({
      %run_scoped3A = tpu.sem_alloc : memref<!tpu.dma_semaphore, #tpu.memory_space<semaphore_mem>>
      %dma_start3A_67 = arith.constant 0 : i32
      %dma_start3A_68 = arith.constant 0 : i32
      %dma_start3A_69 = tpu.memref_slice %arg3[%add3A, %dma_start3A_67, %dma_start3A_68] : memref<32x40x128xi32, #tpu.memory_space<hbm>> -> memref<1x40x128xi32, #tpu.memory_space<hbm>>
      %dma_start3A_70 = tpu.memref_squeeze %dma_start3A_69 : memref<1x40x128xi32, #tpu.memory_space<hbm>> -> memref<40x128xi32, #tpu.memory_space<hbm>>
      %dma_start3A_71 = arith.constant 0 : i32
      %dma_start3A_72 = arith.constant 0 : i32
      %dma_start3A_73 = tpu.memref_slice %arg3[%add3A, %dma_start3A_71, %dma_start3A_72] : memref<32x40x128xi32, #tpu.memory_space<hbm>> -> memref<1x40x128xi32, #tpu.memory_space<hbm>>
      %dma_start3A_74 = tpu.memref_squeeze %dma_start3A_73 : memref<1x40x128xi32, #tpu.memory_space<hbm>> -> memref<40x128xi32, #tpu.memory_space<hbm>>
      tpu.enqueue_dma source(%dma_start3A_74 : memref<40x128xi32, #tpu.memory_space<hbm>>) target(%arg5 : memref<40x128xi32, #tpu.memory_space<vmem>>) target_semaphore(%run_scoped3A : memref<!tpu.dma_semaphore, #tpu.memory_space<semaphore_mem>>)
      %dma_wait3A = arith.constant 0 : i32
      %dma_wait3A_75 = arith.constant 0 : i32
      %dma_wait3A_76 = tpu.memref_slice %arg3[%add3A, %dma_wait3A, %dma_wait3A_75] : memref<32x40x128xi32, #tpu.memory_space<hbm>> -> memref<1x40x128xi32, #tpu.memory_space<hbm>>
      %dma_wait3A_77 = tpu.memref_squeeze %dma_wait3A_76 : memref<1x40x128xi32, #tpu.memory_space<hbm>> -> memref<40x128xi32, #tpu.memory_space<hbm>>
      %dma_wait3A_78 = arith.constant 0 : i32
      %dma_wait3A_79 = arith.constant 0 : i32
      %dma_wait3A_80 = tpu.memref_slice %arg3[%add3A, %dma_wait3A_78, %dma_wait3A_79] : memref<32x40x128xi32, #tpu.memory_space<hbm>> -> memref<1x40x128xi32, #tpu.memory_space<hbm>>
      %dma_wait3A_81 = tpu.memref_squeeze %dma_wait3A_80 : memref<1x40x128xi32, #tpu.memory_space<hbm>> -> memref<40x128xi32, #tpu.memory_space<hbm>>
      tpu.wait_dma2 semaphore(%run_scoped3A : memref<!tpu.dma_semaphore, #tpu.memory_space<semaphore_mem>>) src(%dma_wait3A_81 : memref<40x128xi32, #tpu.memory_space<hbm>>) dst(%arg5 : memref<40x128xi32, #tpu.memory_space<vmem>>)
      tpu.yield
    }) : () -> ()
    %dma_start3A = arith.constant 0 : i32
    %dma_start3A_3 = arith.constant 0 : i32
    %dma_start3A_4 = arith.constant 0 : i32
    %dma_start3A_5 = arith.constant 0 : i32
    %dma_start3A_6 = tpu.memref_slice %arg6[%dma_start3A_3, %dma_start3A_4, %dma_start3A_5] : memref<5x128x128xf32, #tpu.memory_space<vmem>> -> memref<1x128x128xf32, #tpu.memory_space<vmem>>
    %dma_start3A_7 = tpu.memref_squeeze %dma_start3A_6 : memref<1x128x128xf32, #tpu.memory_space<vmem>> -> memref<128x128xf32, #tpu.memory_space<vmem>>
    %dma_start3A_8 = arith.constant 0 : i32
    %dma_start3A_9 = tpu.memref_slice %arg5[%dma_start3A, %dma_start3A_8] : memref<40x128xi32, #tpu.memory_space<vmem>> -> memref<1x128xi32, #tpu.memory_space<vmem>>
    %dma_start3A_10 = tpu.memref_squeeze %dma_start3A_9 : memref<1x128xi32, #tpu.memory_space<vmem>> -> memref<128xi32, #tpu.memory_space<vmem>>
    %dma_start3A_11 = arith.constant 0 : i32
    %dma_start3A_12 = arith.constant 0 : i32
    %dma_start3A_13 = tpu.memref_slice %arg2[%dma_start3A_11, %dma_start3A_12] : memref<1000000x128xf32, #tpu.memory_space<hbm>> -> memref<1000000x128xf32, #tpu.memory_space<hbm>>
    tpu.enqueue_indirect_dma source(%dma_start3A_13 : memref<1000000x128xf32, #tpu.memory_space<hbm>>) target(%dma_start3A_7 : memref<128x128xf32, #tpu.memory_space<vmem>>) offsets(%dma_start3A_10 : memref<128xi32, #tpu.memory_space<vmem>>) semaphore(%arg7 : memref<!tpu.dma_semaphore, #tpu.memory_space<semaphore_mem>>)
    %dma_start3A_14 = arith.constant 1 : i32
    %dma_start3A_15 = arith.constant 1 : i32
    %dma_start3A_16 = arith.constant 0 : i32
    %dma_start3A_17 = arith.constant 0 : i32
    %dma_start3A_18 = tpu.memref_slice %arg6[%dma_start3A_15, %dma_start3A_16, %dma_start3A_17] : memref<5x128x128xf32, #tpu.memory_space<vmem>> -> memref<1x128x128xf32, #tpu.memory_space<vmem>>
    %dma_start3A_19 = tpu.memref_squeeze %dma_start3A_18 : memref<1x128x128xf32, #tpu.memory_space<vmem>> -> memref<128x128xf32, #tpu.memory_space<vmem>>
    %dma_start3A_20 = arith.constant 0 : i32
    %dma_start3A_21 = tpu.memref_slice %arg5[%dma_start3A_14, %dma_start3A_20] : memref<40x128xi32, #tpu.memory_space<vmem>> -> memref<1x128xi32, #tpu.memory_space<vmem>>
    %dma_start3A_22 = tpu.memref_squeeze %dma_start3A_21 : memref<1x128xi32, #tpu.memory_space<vmem>> -> memref<128xi32, #tpu.memory_space<vmem>>
    %dma_start3A_23 = arith.constant 0 : i32
    %dma_start3A_24 = arith.constant 0 : i32
    %dma_start3A_25 = tpu.memref_slice %arg2[%dma_start3A_23, %dma_start3A_24] : memref<1000000x128xf32, #tpu.memory_space<hbm>> -> memref<1000000x128xf32, #tpu.memory_space<hbm>>
    tpu.enqueue_indirect_dma source(%dma_start3A_25 : memref<1000000x128xf32, #tpu.memory_space<hbm>>) target(%dma_start3A_19 : memref<128x128xf32, #tpu.memory_space<vmem>>) offsets(%dma_start3A_22 : memref<128xi32, #tpu.memory_space<vmem>>) semaphore(%arg8 : memref<!tpu.dma_semaphore, #tpu.memory_space<semaphore_mem>>)
    %dma_start3A_26 = arith.constant 2 : i32
    %dma_start3A_27 = arith.constant 2 : i32
    %dma_start3A_28 = arith.constant 0 : i32
    %dma_start3A_29 = arith.constant 0 : i32
    %dma_start3A_30 = tpu.memref_slice %arg6[%dma_start3A_27, %dma_start3A_28, %dma_start3A_29] : memref<5x128x128xf32, #tpu.memory_space<vmem>> -> memref<1x128x128xf32, #tpu.memory_space<vmem>>
    %dma_start3A_31 = tpu.memref_squeeze %dma_start3A_30 : memref<1x128x128xf32, #tpu.memory_space<vmem>> -> memref<128x128xf32, #tpu.memory_space<vmem>>
    %dma_start3A_32 = arith.constant 0 : i32
    %dma_start3A_33 = tpu.memref_slice %arg5[%dma_start3A_26, %dma_start3A_32] : memref<40x128xi32, #tpu.memory_space<vmem>> -> memref<1x128xi32, #tpu.memory_space<vmem>>
    %dma_start3A_34 = tpu.memref_squeeze %dma_start3A_33 : memref<1x128xi32, #tpu.memory_space<vmem>> -> memref<128xi32, #tpu.memory_space<vmem>>
    %dma_start3A_35 = arith.constant 0 : i32
    %dma_start3A_36 = arith.constant 0 : i32
    %dma_start3A_37 = tpu.memref_slice %arg2[%dma_start3A_35, %dma_start3A_36] : memref<1000000x128xf32, #tpu.memory_space<hbm>> -> memref<1000000x128xf32, #tpu.memory_space<hbm>>
    tpu.enqueue_indirect_dma source(%dma_start3A_37 : memref<1000000x128xf32, #tpu.memory_space<hbm>>) target(%dma_start3A_31 : memref<128x128xf32, #tpu.memory_space<vmem>>) offsets(%dma_start3A_34 : memref<128xi32, #tpu.memory_space<vmem>>) semaphore(%arg9 : memref<!tpu.dma_semaphore, #tpu.memory_space<semaphore_mem>>)
    %dma_start3A_38 = arith.constant 3 : i32
    %dma_start3A_39 = arith.constant 3 : i32
    %dma_start3A_40 = arith.constant 0 : i32
    %dma_start3A_41 = arith.constant 0 : i32
    %dma_start3A_42 = tpu.memref_slice %arg6[%dma_start3A_39, %dma_start3A_40, %dma_start3A_41] : memref<5x128x128xf32, #tpu.memory_space<vmem>> -> memref<1x128x128xf32, #tpu.memory_space<vmem>>
    %dma_start3A_43 = tpu.memref_squeeze %dma_start3A_42 : memref<1x128x128xf32, #tpu.memory_space<vmem>> -> memref<128x128xf32, #tpu.memory_space<vmem>>
    %dma_start3A_44 = arith.constant 0 : i32
    %dma_start3A_45 = tpu.memref_slice %arg5[%dma_start3A_38, %dma_start3A_44] : memref<40x128xi32, #tpu.memory_space<vmem>> -> memref<1x128xi32, #tpu.memory_space<vmem>>
    %dma_start3A_46 = tpu.memref_squeeze %dma_start3A_45 : memref<1x128xi32, #tpu.memory_space<vmem>> -> memref<128xi32, #tpu.memory_space<vmem>>
    %dma_start3A_47 = arith.constant 0 : i32
    %dma_start3A_48 = arith.constant 0 : i32
    %dma_start3A_49 = tpu.memref_slice %arg2[%dma_start3A_47, %dma_start3A_48] : memref<1000000x128xf32, #tpu.memory_space<hbm>> -> memref<1000000x128xf32, #tpu.memory_space<hbm>>
    tpu.enqueue_indirect_dma source(%dma_start3A_49 : memref<1000000x128xf32, #tpu.memory_space<hbm>>) target(%dma_start3A_43 : memref<128x128xf32, #tpu.memory_space<vmem>>) offsets(%dma_start3A_46 : memref<128xi32, #tpu.memory_space<vmem>>) semaphore(%arg10 : memref<!tpu.dma_semaphore, #tpu.memory_space<semaphore_mem>>)
    %dma_start3A_50 = arith.constant 4 : i32
    %dma_start3A_51 = arith.constant 4 : i32
    %dma_start3A_52 = arith.constant 0 : i32
    %dma_start3A_53 = arith.constant 0 : i32
    %dma_start3A_54 = tpu.memref_slice %arg6[%dma_start3A_51, %dma_start3A_52, %dma_start3A_53] : memref<5x128x128xf32, #tpu.memory_space<vmem>> -> memref<1x128x128xf32, #tpu.memory_space<vmem>>
    %dma_start3A_55 = tpu.memref_squeeze %dma_start3A_54 : memref<1x128x128xf32, #tpu.memory_space<vmem>> -> memref<128x128xf32, #tpu.memory_space<vmem>>
    %dma_start3A_56 = arith.constant 0 : i32
    %dma_start3A_57 = tpu.memref_slice %arg5[%dma_start3A_50, %dma_start3A_56] : memref<40x128xi32, #tpu.memory_space<vmem>> -> memref<1x128xi32, #tpu.memory_space<vmem>>
    %dma_start3A_58 = tpu.memref_squeeze %dma_start3A_57 : memref<1x128xi32, #tpu.memory_space<vmem>> -> memref<128xi32, #tpu.memory_space<vmem>>
    %dma_start3A_59 = arith.constant 0 : i32
    %dma_start3A_60 = arith.constant 0 : i32
    %dma_start3A_61 = tpu.memref_slice %arg2[%dma_start3A_59, %dma_start3A_60] : memref<1000000x128xf32, #tpu.memory_space<hbm>> -> memref<1000000x128xf32, #tpu.memory_space<hbm>>
    tpu.enqueue_indirect_dma source(%dma_start3A_61 : memref<1000000x128xf32, #tpu.memory_space<hbm>>) target(%dma_start3A_55 : memref<128x128xf32, #tpu.memory_space<vmem>>) offsets(%dma_start3A_58 : memref<128xi32, #tpu.memory_space<vmem>>) semaphore(%arg11 : memref<!tpu.dma_semaphore, #tpu.memory_space<semaphore_mem>>)
    %scan3A = arith.constant 0 : i32
    %scan3A_62 = arith.constant 0 : i32
    %scan3A_63 = arith.constant 8 : i32
    %scan3A_64 = arith.addi %scan3A_62, %scan3A_63 : i32
    %scan3A_65 = arith.constant 1 : i32
    scf.for %scan3A_67 = %scan3A_62 to %scan3A_64 step %scan3A_65  : i32 {
      %mul3A_68 = arith.constant 5 : i32
      %mul3A_69 = arith.muli %scan3A_67, %mul3A_68 : i32
      %add3A_70 = arith.constant 0 : i32
      %add3A_71 = arith.addi %mul3A_69, %add3A_70 : i32
      %dma_wait3A = arith.constant 0 : i32
      %dma_wait3A_72 = arith.constant 0 : i32
      %dma_wait3A_73 = arith.constant 0 : i32
      %dma_wait3A_74 = tpu.memref_slice %arg6[%dma_wait3A, %dma_wait3A_72, %dma_wait3A_73] : memref<5x128x128xf32, #tpu.memory_space<vmem>> -> memref<1x128x128xf32, #tpu.memory_space<vmem>>
      %dma_wait3A_75 = tpu.memref_squeeze %dma_wait3A_74 : memref<1x128x128xf32, #tpu.memory_space<vmem>> -> memref<128x128xf32, #tpu.memory_space<vmem>>
      %dma_wait3A_76 = arith.constant 0 : i32
      %dma_wait3A_77 = tpu.memref_slice %arg5[%add3A_71, %dma_wait3A_76] : memref<40x128xi32, #tpu.memory_space<vmem>> -> memref<1x128xi32, #tpu.memory_space<vmem>>
      %dma_wait3A_78 = tpu.memref_squeeze %dma_wait3A_77 : memref<1x128xi32, #tpu.memory_space<vmem>> -> memref<128xi32, #tpu.memory_space<vmem>>
      %dma_wait3A_79 = arith.constant 0 : i32
      %dma_wait3A_80 = arith.constant 0 : i32
      %dma_wait3A_81 = tpu.memref_slice %arg2[%dma_wait3A_79, %dma_wait3A_80] : memref<1000000x128xf32, #tpu.memory_space<hbm>> -> memref<1000000x128xf32, #tpu.memory_space<hbm>>
      tpu.wait_indirect_dma semaphore(%arg7 : memref<!tpu.dma_semaphore, #tpu.memory_space<semaphore_mem>>) src(%dma_wait3A_81 : memref<1000000x128xf32, #tpu.memory_space<hbm>>) dst(%dma_wait3A_75 : memref<128x128xf32, #tpu.memory_space<vmem>>)
      %mul3A_82 = arith.constant 128 : i32
      %mul3A_83 = arith.muli %add3A_71, %mul3A_82 : i32
      %add3A_84 = arith.addi %mul3A_2, %mul3A_83 : i32
      %dma_start3A_85 = arith.constant 0 : i32
      %dma_start3A_86 = arith.constant 0 : i32
      %dma_start3A_87 = arith.constant 0 : i32
      %dma_start3A_88 = tpu.memref_slice %arg6[%dma_start3A_85, %dma_start3A_86, %dma_start3A_87] : memref<5x128x128xf32, #tpu.memory_space<vmem>> -> memref<1x128x128xf32, #tpu.memory_space<vmem>>
      %dma_start3A_89 = tpu.memref_squeeze %dma_start3A_88 : memref<1x128x128xf32, #tpu.memory_space<vmem>> -> memref<128x128xf32, #tpu.memory_space<vmem>>
      %dma_start3A_90 = arith.constant 0 : i32
      %dma_start3A_91 = tpu.memref_slice %arg4[%add3A_84, %dma_start3A_90] : memref<163840x128xf32, #tpu.memory_space<hbm>> -> memref<128x128xf32, #tpu.memory_space<hbm>>
      %dma_start3A_92 = arith.constant 0 : i32
      %dma_start3A_93 = tpu.memref_slice %arg4[%add3A_84, %dma_start3A_92] : memref<163840x128xf32, #tpu.memory_space<hbm>> -> memref<128x128xf32, #tpu.memory_space<hbm>>
      %dma_start3A_94 = arith.constant 0 : i32
      %dma_start3A_95 = arith.constant 0 : i32
      %dma_start3A_96 = tpu.memref_slice %arg6[%dma_start3A_85, %dma_start3A_94, %dma_start3A_95] : memref<5x128x128xf32, #tpu.memory_space<vmem>> -> memref<1x128x128xf32, #tpu.memory_space<vmem>>
      %dma_start3A_97 = tpu.memref_squeeze %dma_start3A_96 : memref<1x128x128xf32, #tpu.memory_space<vmem>> -> memref<128x128xf32, #tpu.memory_space<vmem>>
      tpu.enqueue_dma source(%dma_start3A_97 : memref<128x128xf32, #tpu.memory_space<vmem>>) target(%dma_start3A_93 : memref<128x128xf32, #tpu.memory_space<hbm>>) target_semaphore(%arg12 : memref<!tpu.dma_semaphore, #tpu.memory_space<semaphore_mem>>)
      %mul3A_98 = arith.constant 5 : i32
      %mul3A_99 = arith.muli %scan3A_67, %mul3A_98 : i32
      %add3A_100 = arith.constant 1 : i32
      %add3A_101 = arith.addi %mul3A_99, %add3A_100 : i32
      %dma_wait3A_102 = arith.constant 1 : i32
      %dma_wait3A_103 = arith.constant 0 : i32
      %dma_wait3A_104 = arith.constant 0 : i32
      %dma_wait3A_105 = tpu.memref_slice %arg6[%dma_wait3A_102, %dma_wait3A_103, %dma_wait3A_104] : memref<5x128x128xf32, #tpu.memory_space<vmem>> -> memref<1x128x128xf32, #tpu.memory_space<vmem>>
      %dma_wait3A_106 = tpu.memref_squeeze %dma_wait3A_105 : memref<1x128x128xf32, #tpu.memory_space<vmem>> -> memref<128x128xf32, #tpu.memory_space<vmem>>
      %dma_wait3A_107 = arith.constant 0 : i32
      %dma_wait3A_108 = tpu.memref_slice %arg5[%add3A_101, %dma_wait3A_107] : memref<40x128xi32, #tpu.memory_space<vmem>> -> memref<1x128xi32, #tpu.memory_space<vmem>>
      %dma_wait3A_109 = tpu.memref_squeeze %dma_wait3A_108 : memref<1x128xi32, #tpu.memory_space<vmem>> -> memref<128xi32, #tpu.memory_space<vmem>>
      %dma_wait3A_110 = arith.constant 0 : i32
      %dma_wait3A_111 = arith.constant 0 : i32
      %dma_wait3A_112 = tpu.memref_slice %arg2[%dma_wait3A_110, %dma_wait3A_111] : memref<1000000x128xf32, #tpu.memory_space<hbm>> -> memref<1000000x128xf32, #tpu.memory_space<hbm>>
      tpu.wait_indirect_dma semaphore(%arg8 : memref<!tpu.dma_semaphore, #tpu.memory_space<semaphore_mem>>) src(%dma_wait3A_112 : memref<1000000x128xf32, #tpu.memory_space<hbm>>) dst(%dma_wait3A_106 : memref<128x128xf32, #tpu.memory_space<vmem>>)
      %mul3A_113 = arith.constant 128 : i32
      %mul3A_114 = arith.muli %add3A_101, %mul3A_113 : i32
      %add3A_115 = arith.addi %mul3A_2, %mul3A_114 : i32
      %dma_start3A_116 = arith.constant 1 : i32
      %dma_start3A_117 = arith.constant 0 : i32
      %dma_start3A_118 = arith.constant 0 : i32
      %dma_start3A_119 = tpu.memref_slice %arg6[%dma_start3A_116, %dma_start3A_117, %dma_start3A_118] : memref<5x128x128xf32, #tpu.memory_space<vmem>> -> memref<1x128x128xf32, #tpu.memory_space<vmem>>
      %dma_start3A_120 = tpu.memref_squeeze %dma_start3A_119 : memref<1x128x128xf32, #tpu.memory_space<vmem>> -> memref<128x128xf32, #tpu.memory_space<vmem>>
      %dma_start3A_121 = arith.constant 0 : i32
      %dma_start3A_122 = tpu.memref_slice %arg4[%add3A_115, %dma_start3A_121] : memref<163840x128xf32, #tpu.memory_space<hbm>> -> memref<128x128xf32, #tpu.memory_space<hbm>>
      %dma_start3A_123 = arith.constant 0 : i32
      %dma_start3A_124 = tpu.memref_slice %arg4[%add3A_115, %dma_start3A_123] : memref<163840x128xf32, #tpu.memory_space<hbm>> -> memref<128x128xf32, #tpu.memory_space<hbm>>
      %dma_start3A_125 = arith.constant 0 : i32
      %dma_start3A_126 = arith.constant 0 : i32
      %dma_start3A_127 = tpu.memref_slice %arg6[%dma_start3A_116, %dma_start3A_125, %dma_start3A_126] : memref<5x128x128xf32, #tpu.memory_space<vmem>> -> memref<1x128x128xf32, #tpu.memory_space<vmem>>
      %dma_start3A_128 = tpu.memref_squeeze %dma_start3A_127 : memref<1x128x128xf32, #tpu.memory_space<vmem>> -> memref<128x128xf32, #tpu.memory_space<vmem>>
      tpu.enqueue_dma source(%dma_start3A_128 : memref<128x128xf32, #tpu.memory_space<vmem>>) target(%dma_start3A_124 : memref<128x128xf32, #tpu.memory_space<hbm>>) target_semaphore(%arg13 : memref<!tpu.dma_semaphore, #tpu.memory_space<semaphore_mem>>)
      %mul3A_129 = arith.constant 5 : i32
      %mul3A_130 = arith.muli %scan3A_67, %mul3A_129 : i32
      %add3A_131 = arith.constant 2 : i32
      %add3A_132 = arith.addi %mul3A_130, %add3A_131 : i32
      %dma_wait3A_133 = arith.constant 2 : i32
      %dma_wait3A_134 = arith.constant 0 : i32
      %dma_wait3A_135 = arith.constant 0 : i32
      %dma_wait3A_136 = tpu.memref_slice %arg6[%dma_wait3A_133, %dma_wait3A_134, %dma_wait3A_135] : memref<5x128x128xf32, #tpu.memory_space<vmem>> -> memref<1x128x128xf32, #tpu.memory_space<vmem>>
      %dma_wait3A_137 = tpu.memref_squeeze %dma_wait3A_136 : memref<1x128x128xf32, #tpu.memory_space<vmem>> -> memref<128x128xf32, #tpu.memory_space<vmem>>
      %dma_wait3A_138 = arith.constant 0 : i32
      %dma_wait3A_139 = tpu.memref_slice %arg5[%add3A_132, %dma_wait3A_138] : memref<40x128xi32, #tpu.memory_space<vmem>> -> memref<1x128xi32, #tpu.memory_space<vmem>>
      %dma_wait3A_140 = tpu.memref_squeeze %dma_wait3A_139 : memref<1x128xi32, #tpu.memory_space<vmem>> -> memref<128xi32, #tpu.memory_space<vmem>>
      %dma_wait3A_141 = arith.constant 0 : i32
      %dma_wait3A_142 = arith.constant 0 : i32
      %dma_wait3A_143 = tpu.memref_slice %arg2[%dma_wait3A_141, %dma_wait3A_142] : memref<1000000x128xf32, #tpu.memory_space<hbm>> -> memref<1000000x128xf32, #tpu.memory_space<hbm>>
      tpu.wait_indirect_dma semaphore(%arg9 : memref<!tpu.dma_semaphore, #tpu.memory_space<semaphore_mem>>) src(%dma_wait3A_143 : memref<1000000x128xf32, #tpu.memory_space<hbm>>) dst(%dma_wait3A_137 : memref<128x128xf32, #tpu.memory_space<vmem>>)
      %mul3A_144 = arith.constant 128 : i32
      %mul3A_145 = arith.muli %add3A_132, %mul3A_144 : i32
      %add3A_146 = arith.addi %mul3A_2, %mul3A_145 : i32
      %dma_start3A_147 = arith.constant 2 : i32
      %dma_start3A_148 = arith.constant 0 : i32
      %dma_start3A_149 = arith.constant 0 : i32
      %dma_start3A_150 = tpu.memref_slice %arg6[%dma_start3A_147, %dma_start3A_148, %dma_start3A_149] : memref<5x128x128xf32, #tpu.memory_space<vmem>> -> memref<1x128x128xf32, #tpu.memory_space<vmem>>
      %dma_start3A_151 = tpu.memref_squeeze %dma_start3A_150 : memref<1x128x128xf32, #tpu.memory_space<vmem>> -> memref<128x128xf32, #tpu.memory_space<vmem>>
      %dma_start3A_152 = arith.constant 0 : i32
      %dma_start3A_153 = tpu.memref_slice %arg4[%add3A_146, %dma_start3A_152] : memref<163840x128xf32, #tpu.memory_space<hbm>> -> memref<128x128xf32, #tpu.memory_space<hbm>>
      %dma_start3A_154 = arith.constant 0 : i32
      %dma_start3A_155 = tpu.memref_slice %arg4[%add3A_146, %dma_start3A_154] : memref<163840x128xf32, #tpu.memory_space<hbm>> -> memref<128x128xf32, #tpu.memory_space<hbm>>
      %dma_start3A_156 = arith.constant 0 : i32
      %dma_start3A_157 = arith.constant 0 : i32
      %dma_start3A_158 = tpu.memref_slice %arg6[%dma_start3A_147, %dma_start3A_156, %dma_start3A_157] : memref<5x128x128xf32, #tpu.memory_space<vmem>> -> memref<1x128x128xf32, #tpu.memory_space<vmem>>
      %dma_start3A_159 = tpu.memref_squeeze %dma_start3A_158 : memref<1x128x128xf32, #tpu.memory_space<vmem>> -> memref<128x128xf32, #tpu.memory_space<vmem>>
      tpu.enqueue_dma source(%dma_start3A_159 : memref<128x128xf32, #tpu.memory_space<vmem>>) target(%dma_start3A_155 : memref<128x128xf32, #tpu.memory_space<hbm>>) target_semaphore(%arg14 : memref<!tpu.dma_semaphore, #tpu.memory_space<semaphore_mem>>)
      %mul3A_160 = arith.constant 5 : i32
      %mul3A_161 = arith.muli %scan3A_67, %mul3A_160 : i32
      %add3A_162 = arith.constant 3 : i32
      %add3A_163 = arith.addi %mul3A_161, %add3A_162 : i32
      %dma_wait3A_164 = arith.constant 3 : i32
      %dma_wait3A_165 = arith.constant 0 : i32
      %dma_wait3A_166 = arith.constant 0 : i32
      %dma_wait3A_167 = tpu.memref_slice %arg6[%dma_wait3A_164, %dma_wait3A_165, %dma_wait3A_166] : memref<5x128x128xf32, #tpu.memory_space<vmem>> -> memref<1x128x128xf32, #tpu.memory_space<vmem>>
      %dma_wait3A_168 = tpu.memref_squeeze %dma_wait3A_167 : memref<1x128x128xf32, #tpu.memory_space<vmem>> -> memref<128x128xf32, #tpu.memory_space<vmem>>
      %dma_wait3A_169 = arith.constant 0 : i32
      %dma_wait3A_170 = tpu.memref_slice %arg5[%add3A_163, %dma_wait3A_169] : memref<40x128xi32, #tpu.memory_space<vmem>> -> memref<1x128xi32, #tpu.memory_space<vmem>>
      %dma_wait3A_171 = tpu.memref_squeeze %dma_wait3A_170 : memref<1x128xi32, #tpu.memory_space<vmem>> -> memref<128xi32, #tpu.memory_space<vmem>>
      %dma_wait3A_172 = arith.constant 0 : i32
      %dma_wait3A_173 = arith.constant 0 : i32
      %dma_wait3A_174 = tpu.memref_slice %arg2[%dma_wait3A_172, %dma_wait3A_173] : memref<1000000x128xf32, #tpu.memory_space<hbm>> -> memref<1000000x128xf32, #tpu.memory_space<hbm>>
      tpu.wait_indirect_dma semaphore(%arg10 : memref<!tpu.dma_semaphore, #tpu.memory_space<semaphore_mem>>) src(%dma_wait3A_174 : memref<1000000x128xf32, #tpu.memory_space<hbm>>) dst(%dma_wait3A_168 : memref<128x128xf32, #tpu.memory_space<vmem>>)
      %mul3A_175 = arith.constant 128 : i32
      %mul3A_176 = arith.muli %add3A_163, %mul3A_175 : i32
      %add3A_177 = arith.addi %mul3A_2, %mul3A_176 : i32
      %dma_start3A_178 = arith.constant 3 : i32
      %dma_start3A_179 = arith.constant 0 : i32
      %dma_start3A_180 = arith.constant 0 : i32
      %dma_start3A_181 = tpu.memref_slice %arg6[%dma_start3A_178, %dma_start3A_179, %dma_start3A_180] : memref<5x128x128xf32, #tpu.memory_space<vmem>> -> memref<1x128x128xf32, #tpu.memory_space<vmem>>
      %dma_start3A_182 = tpu.memref_squeeze %dma_start3A_181 : memref<1x128x128xf32, #tpu.memory_space<vmem>> -> memref<128x128xf32, #tpu.memory_space<vmem>>
      %dma_start3A_183 = arith.constant 0 : i32
      %dma_start3A_184 = tpu.memref_slice %arg4[%add3A_177, %dma_start3A_183] : memref<163840x128xf32, #tpu.memory_space<hbm>> -> memref<128x128xf32, #tpu.memory_space<hbm>>
      %dma_start3A_185 = arith.constant 0 : i32
      %dma_start3A_186 = tpu.memref_slice %arg4[%add3A_177, %dma_start3A_185] : memref<163840x128xf32, #tpu.memory_space<hbm>> -> memref<128x128xf32, #tpu.memory_space<hbm>>
      %dma_start3A_187 = arith.constant 0 : i32
      %dma_start3A_188 = arith.constant 0 : i32
      %dma_start3A_189 = tpu.memref_slice %arg6[%dma_start3A_178, %dma_start3A_187, %dma_start3A_188] : memref<5x128x128xf32, #tpu.memory_space<vmem>> -> memref<1x128x128xf32, #tpu.memory_space<vmem>>
      %dma_start3A_190 = tpu.memref_squeeze %dma_start3A_189 : memref<1x128x128xf32, #tpu.memory_space<vmem>> -> memref<128x128xf32, #tpu.memory_space<vmem>>
      tpu.enqueue_dma source(%dma_start3A_190 : memref<128x128xf32, #tpu.memory_space<vmem>>) target(%dma_start3A_186 : memref<128x128xf32, #tpu.memory_space<hbm>>) target_semaphore(%arg15 : memref<!tpu.dma_semaphore, #tpu.memory_space<semaphore_mem>>)
      %mul3A_191 = arith.constant 5 : i32
      %mul3A_192 = arith.muli %scan3A_67, %mul3A_191 : i32
      %add3A_193 = arith.constant 4 : i32
      %add3A_194 = arith.addi %mul3A_192, %add3A_193 : i32
      %dma_wait3A_195 = arith.constant 4 : i32
      %dma_wait3A_196 = arith.constant 0 : i32
      %dma_wait3A_197 = arith.constant 0 : i32
      %dma_wait3A_198 = tpu.memref_slice %arg6[%dma_wait3A_195, %dma_wait3A_196, %dma_wait3A_197] : memref<5x128x128xf32, #tpu.memory_space<vmem>> -> memref<1x128x128xf32, #tpu.memory_space<vmem>>
      %dma_wait3A_199 = tpu.memref_squeeze %dma_wait3A_198 : memref<1x128x128xf32, #tpu.memory_space<vmem>> -> memref<128x128xf32, #tpu.memory_space<vmem>>
      %dma_wait3A_200 = arith.constant 0 : i32
      %dma_wait3A_201 = tpu.memref_slice %arg5[%add3A_194, %dma_wait3A_200] : memref<40x128xi32, #tpu.memory_space<vmem>> -> memref<1x128xi32, #tpu.memory_space<vmem>>
      %dma_wait3A_202 = tpu.memref_squeeze %dma_wait3A_201 : memref<1x128xi32, #tpu.memory_space<vmem>> -> memref<128xi32, #tpu.memory_space<vmem>>
      %dma_wait3A_203 = arith.constant 0 : i32
      %dma_wait3A_204 = arith.constant 0 : i32
      %dma_wait3A_205 = tpu.memref_slice %arg2[%dma_wait3A_203, %dma_wait3A_204] : memref<1000000x128xf32, #tpu.memory_space<hbm>> -> memref<1000000x128xf32, #tpu.memory_space<hbm>>
      tpu.wait_indirect_dma semaphore(%arg11 : memref<!tpu.dma_semaphore, #tpu.memory_space<semaphore_mem>>) src(%dma_wait3A_205 : memref<1000000x128xf32, #tpu.memory_space<hbm>>) dst(%dma_wait3A_199 : memref<128x128xf32, #tpu.memory_space<vmem>>)
      %mul3A_206 = arith.constant 128 : i32
      %mul3A_207 = arith.muli %add3A_194, %mul3A_206 : i32
      %add3A_208 = arith.addi %mul3A_2, %mul3A_207 : i32
      %dma_start3A_209 = arith.constant 4 : i32
      %dma_start3A_210 = arith.constant 0 : i32
      %dma_start3A_211 = arith.constant 0 : i32
      %dma_start3A_212 = tpu.memref_slice %arg6[%dma_start3A_209, %dma_start3A_210, %dma_start3A_211] : memref<5x128x128xf32, #tpu.memory_space<vmem>> -> memref<1x128x128xf32, #tpu.memory_space<vmem>>
      %dma_start3A_213 = tpu.memref_squeeze %dma_start3A_212 : memref<1x128x128xf32, #tpu.memory_space<vmem>> -> memref<128x128xf32, #tpu.memory_space<vmem>>
      %dma_start3A_214 = arith.constant 0 : i32
      %dma_start3A_215 = tpu.memref_slice %arg4[%add3A_208, %dma_start3A_214] : memref<163840x128xf32, #tpu.memory_space<hbm>> -> memref<128x128xf32, #tpu.memory_space<hbm>>
      %dma_start3A_216 = arith.constant 0 : i32
      %dma_start3A_217 = tpu.memref_slice %arg4[%add3A_208, %dma_start3A_216] : memref<163840x128xf32, #tpu.memory_space<hbm>> -> memref<128x128xf32, #tpu.memory_space<hbm>>
      %dma_start3A_218 = arith.constant 0 : i32
      %dma_start3A_219 = arith.constant 0 : i32
      %dma_start3A_220 = tpu.memref_slice %arg6[%dma_start3A_209, %dma_start3A_218, %dma_start3A_219] : memref<5x128x128xf32, #tpu.memory_space<vmem>> -> memref<1x128x128xf32, #tpu.memory_space<vmem>>
      %dma_start3A_221 = tpu.memref_squeeze %dma_start3A_220 : memref<1x128x128xf32, #tpu.memory_space<vmem>> -> memref<128x128xf32, #tpu.memory_space<vmem>>
      tpu.enqueue_dma source(%dma_start3A_221 : memref<128x128xf32, #tpu.memory_space<vmem>>) target(%dma_start3A_217 : memref<128x128xf32, #tpu.memory_space<hbm>>) target_semaphore(%arg16 : memref<!tpu.dma_semaphore, #tpu.memory_space<semaphore_mem>>)
      %mul3A_222 = arith.constant 5 : i32
      %mul3A_223 = arith.muli %scan3A_67, %mul3A_222 : i32
      %add3A_224 = arith.constant 0 : i32
      %add3A_225 = arith.addi %mul3A_223, %add3A_224 : i32
      %mul3A_226 = arith.constant 128 : i32
      %mul3A_227 = arith.muli %add3A_225, %mul3A_226 : i32
      %add3A_228 = arith.addi %mul3A_2, %mul3A_227 : i32
      %dma_wait3A_229 = arith.constant 0 : i32
      %dma_wait3A_230 = arith.constant 0 : i32
      %dma_wait3A_231 = arith.constant 0 : i32
      %dma_wait3A_232 = tpu.memref_slice %arg6[%dma_wait3A_229, %dma_wait3A_230, %dma_wait3A_231] : memref<5x128x128xf32, #tpu.memory_space<vmem>> -> memref<1x128x128xf32, #tpu.memory_space<vmem>>
      %dma_wait3A_233 = tpu.memref_squeeze %dma_wait3A_232 : memref<1x128x128xf32, #tpu.memory_space<vmem>> -> memref<128x128xf32, #tpu.memory_space<vmem>>
      %dma_wait3A_234 = arith.constant 0 : i32
      %dma_wait3A_235 = tpu.memref_slice %arg4[%add3A_228, %dma_wait3A_234] : memref<163840x128xf32, #tpu.memory_space<hbm>> -> memref<128x128xf32, #tpu.memory_space<hbm>>
      %dma_wait3A_236 = arith.constant 0 : i32
      %dma_wait3A_237 = tpu.memref_slice %arg4[%add3A_228, %dma_wait3A_236] : memref<163840x128xf32, #tpu.memory_space<hbm>> -> memref<128x128xf32, #tpu.memory_space<hbm>>
      %dma_wait3A_238 = arith.constant 0 : i32
      %dma_wait3A_239 = arith.constant 0 : i32
      %dma_wait3A_240 = tpu.memref_slice %arg6[%dma_wait3A_229, %dma_wait3A_238, %dma_wait3A_239] : memref<5x128x128xf32, #tpu.memory_space<vmem>> -> memref<1x128x128xf32, #tpu.memory_space<vmem>>
      %dma_wait3A_241 = tpu.memref_squeeze %dma_wait3A_240 : memref<1x128x128xf32, #tpu.memory_space<vmem>> -> memref<128x128xf32, #tpu.memory_space<vmem>>
      tpu.wait_dma2 semaphore(%arg12 : memref<!tpu.dma_semaphore, #tpu.memory_space<semaphore_mem>>) src(%dma_wait3A_241 : memref<128x128xf32, #tpu.memory_space<vmem>>) dst(%dma_wait3A_237 : memref<128x128xf32, #tpu.memory_space<hbm>>)
      %lt3A = arith.constant 7 : i32
      %lt3A_242 = arith.cmpi slt, %scan3A_67, %lt3A : i32
      %convert_element_type3A = arith.extui %lt3A_242 : i1 to i32
      %cond3A = arith.constant 0 : i32
      %cond3A_243 = arith.cmpi ne, %convert_element_type3A, %cond3A : i32
      scf.if %cond3A_243 {
        %add3A_344 = arith.constant 5 : i32
        %add3A_345 = arith.addi %add3A_225, %add3A_344 : i32
        %dma_start3A_346 = arith.constant 0 : i32
        %dma_start3A_347 = arith.constant 0 : i32
        %dma_start3A_348 = arith.constant 0 : i32
        %dma_start3A_349 = tpu.memref_slice %arg6[%dma_start3A_346, %dma_start3A_347, %dma_start3A_348] : memref<5x128x128xf32, #tpu.memory_space<vmem>> -> memref<1x128x128xf32, #tpu.memory_space<vmem>>
        %dma_start3A_350 = tpu.memref_squeeze %dma_start3A_349 : memref<1x128x128xf32, #tpu.memory_space<vmem>> -> memref<128x128xf32, #tpu.memory_space<vmem>>
        %dma_start3A_351 = arith.constant 0 : i32
        %dma_start3A_352 = tpu.memref_slice %arg5[%add3A_345, %dma_start3A_351] : memref<40x128xi32, #tpu.memory_space<vmem>> -> memref<1x128xi32, #tpu.memory_space<vmem>>
        %dma_start3A_353 = tpu.memref_squeeze %dma_start3A_352 : memref<1x128xi32, #tpu.memory_space<vmem>> -> memref<128xi32, #tpu.memory_space<vmem>>
        %dma_start3A_354 = arith.constant 0 : i32
        %dma_start3A_355 = arith.constant 0 : i32
        %dma_start3A_356 = tpu.memref_slice %arg2[%dma_start3A_354, %dma_start3A_355] : memref<1000000x128xf32, #tpu.memory_space<hbm>> -> memref<1000000x128xf32, #tpu.memory_space<hbm>>
        tpu.enqueue_indirect_dma source(%dma_start3A_356 : memref<1000000x128xf32, #tpu.memory_space<hbm>>) target(%dma_start3A_350 : memref<128x128xf32, #tpu.memory_space<vmem>>) offsets(%dma_start3A_353 : memref<128xi32, #tpu.memory_space<vmem>>) semaphore(%arg7 : memref<!tpu.dma_semaphore, #tpu.memory_space<semaphore_mem>>)
      } else {
      }
      %mul3A_244 = arith.constant 5 : i32
      %mul3A_245 = arith.muli %scan3A_67, %mul3A_244 : i32
      %add3A_246 = arith.constant 1 : i32
      %add3A_247 = arith.addi %mul3A_245, %add3A_246 : i32
      %mul3A_248 = arith.constant 128 : i32
      %mul3A_249 = arith.muli %add3A_247, %mul3A_248 : i32
      %add3A_250 = arith.addi %mul3A_2, %mul3A_249 : i32
      %dma_wait3A_251 = arith.constant 1 : i32
      %dma_wait3A_252 = arith.constant 0 : i32
      %dma_wait3A_253 = arith.constant 0 : i32
      %dma_wait3A_254 = tpu.memref_slice %arg6[%dma_wait3A_251, %dma_wait3A_252, %dma_wait3A_253] : memref<5x128x128xf32, #tpu.memory_space<vmem>> -> memref<1x128x128xf32, #tpu.memory_space<vmem>>
      %dma_wait3A_255 = tpu.memref_squeeze %dma_wait3A_254 : memref<1x128x128xf32, #tpu.memory_space<vmem>> -> memref<128x128xf32, #tpu.memory_space<vmem>>
      %dma_wait3A_256 = arith.constant 0 : i32
      %dma_wait3A_257 = tpu.memref_slice %arg4[%add3A_250, %dma_wait3A_256] : memref<163840x128xf32, #tpu.memory_space<hbm>> -> memref<128x128xf32, #tpu.memory_space<hbm>>
      %dma_wait3A_258 = arith.constant 0 : i32
      %dma_wait3A_259 = tpu.memref_slice %arg4[%add3A_250, %dma_wait3A_258] : memref<163840x128xf32, #tpu.memory_space<hbm>> -> memref<128x128xf32, #tpu.memory_space<hbm>>
      %dma_wait3A_260 = arith.constant 0 : i32
      %dma_wait3A_261 = arith.constant 0 : i32
      %dma_wait3A_262 = tpu.memref_slice %arg6[%dma_wait3A_251, %dma_wait3A_260, %dma_wait3A_261] : memref<5x128x128xf32, #tpu.memory_space<vmem>> -> memref<1x128x128xf32, #tpu.memory_space<vmem>>
      %dma_wait3A_263 = tpu.memref_squeeze %dma_wait3A_262 : memref<1x128x128xf32, #tpu.memory_space<vmem>> -> memref<128x128xf32, #tpu.memory_space<vmem>>
      tpu.wait_dma2 semaphore(%arg13 : memref<!tpu.dma_semaphore, #tpu.memory_space<semaphore_mem>>) src(%dma_wait3A_263 : memref<128x128xf32, #tpu.memory_space<vmem>>) dst(%dma_wait3A_259 : memref<128x128xf32, #tpu.memory_space<hbm>>)
      %lt3A_264 = arith.constant 7 : i32
      %lt3A_265 = arith.cmpi slt, %scan3A_67, %lt3A_264 : i32
      %convert_element_type3A_266 = arith.extui %lt3A_265 : i1 to i32
      %cond3A_267 = arith.constant 0 : i32
      %cond3A_268 = arith.cmpi ne, %convert_element_type3A_266, %cond3A_267 : i32
      scf.if %cond3A_268 {
        %add3A_344 = arith.constant 5 : i32
        %add3A_345 = arith.addi %add3A_247, %add3A_344 : i32
        %dma_start3A_346 = arith.constant 1 : i32
        %dma_start3A_347 = arith.constant 0 : i32
        %dma_start3A_348 = arith.constant 0 : i32
        %dma_start3A_349 = tpu.memref_slice %arg6[%dma_start3A_346, %dma_start3A_347, %dma_start3A_348] : memref<5x128x128xf32, #tpu.memory_space<vmem>> -> memref<1x128x128xf32, #tpu.memory_space<vmem>>
        %dma_start3A_350 = tpu.memref_squeeze %dma_start3A_349 : memref<1x128x128xf32, #tpu.memory_space<vmem>> -> memref<128x128xf32, #tpu.memory_space<vmem>>
        %dma_start3A_351 = arith.constant 0 : i32
        %dma_start3A_352 = tpu.memref_slice %arg5[%add3A_345, %dma_start3A_351] : memref<40x128xi32, #tpu.memory_space<vmem>> -> memref<1x128xi32, #tpu.memory_space<vmem>>
        %dma_start3A_353 = tpu.memref_squeeze %dma_start3A_352 : memref<1x128xi32, #tpu.memory_space<vmem>> -> memref<128xi32, #tpu.memory_space<vmem>>
        %dma_start3A_354 = arith.constant 0 : i32
        %dma_start3A_355 = arith.constant 0 : i32
        %dma_start3A_356 = tpu.memref_slice %arg2[%dma_start3A_354, %dma_start3A_355] : memref<1000000x128xf32, #tpu.memory_space<hbm>> -> memref<1000000x128xf32, #tpu.memory_space<hbm>>
        tpu.enqueue_indirect_dma source(%dma_start3A_356 : memref<1000000x128xf32, #tpu.memory_space<hbm>>) target(%dma_start3A_350 : memref<128x128xf32, #tpu.memory_space<vmem>>) offsets(%dma_start3A_353 : memref<128xi32, #tpu.memory_space<vmem>>) semaphore(%arg8 : memref<!tpu.dma_semaphore, #tpu.memory_space<semaphore_mem>>)
      } else {
      }
      %mul3A_269 = arith.constant 5 : i32
      %mul3A_270 = arith.muli %scan3A_67, %mul3A_269 : i32
      %add3A_271 = arith.constant 2 : i32
      %add3A_272 = arith.addi %mul3A_270, %add3A_271 : i32
      %mul3A_273 = arith.constant 128 : i32
      %mul3A_274 = arith.muli %add3A_272, %mul3A_273 : i32
      %add3A_275 = arith.addi %mul3A_2, %mul3A_274 : i32
      %dma_wait3A_276 = arith.constant 2 : i32
      %dma_wait3A_277 = arith.constant 0 : i32
      %dma_wait3A_278 = arith.constant 0 : i32
      %dma_wait3A_279 = tpu.memref_slice %arg6[%dma_wait3A_276, %dma_wait3A_277, %dma_wait3A_278] : memref<5x128x128xf32, #tpu.memory_space<vmem>> -> memref<1x128x128xf32, #tpu.memory_space<vmem>>
      %dma_wait3A_280 = tpu.memref_squeeze %dma_wait3A_279 : memref<1x128x128xf32, #tpu.memory_space<vmem>> -> memref<128x128xf32, #tpu.memory_space<vmem>>
      %dma_wait3A_281 = arith.constant 0 : i32
      %dma_wait3A_282 = tpu.memref_slice %arg4[%add3A_275, %dma_wait3A_281] : memref<163840x128xf32, #tpu.memory_space<hbm>> -> memref<128x128xf32, #tpu.memory_space<hbm>>
      %dma_wait3A_283 = arith.constant 0 : i32
      %dma_wait3A_284 = tpu.memref_slice %arg4[%add3A_275, %dma_wait3A_283] : memref<163840x128xf32, #tpu.memory_space<hbm>> -> memref<128x128xf32, #tpu.memory_space<hbm>>
      %dma_wait3A_285 = arith.constant 0 : i32
      %dma_wait3A_286 = arith.constant 0 : i32
      %dma_wait3A_287 = tpu.memref_slice %arg6[%dma_wait3A_276, %dma_wait3A_285, %dma_wait3A_286] : memref<5x128x128xf32, #tpu.memory_space<vmem>> -> memref<1x128x128xf32, #tpu.memory_space<vmem>>
      %dma_wait3A_288 = tpu.memref_squeeze %dma_wait3A_287 : memref<1x128x128xf32, #tpu.memory_space<vmem>> -> memref<128x128xf32, #tpu.memory_space<vmem>>
      tpu.wait_dma2 semaphore(%arg14 : memref<!tpu.dma_semaphore, #tpu.memory_space<semaphore_mem>>) src(%dma_wait3A_288 : memref<128x128xf32, #tpu.memory_space<vmem>>) dst(%dma_wait3A_284 : memref<128x128xf32, #tpu.memory_space<hbm>>)
      %lt3A_289 = arith.constant 7 : i32
      %lt3A_290 = arith.cmpi slt, %scan3A_67, %lt3A_289 : i32
      %convert_element_type3A_291 = arith.extui %lt3A_290 : i1 to i32
      %cond3A_292 = arith.constant 0 : i32
      %cond3A_293 = arith.cmpi ne, %convert_element_type3A_291, %cond3A_292 : i32
      scf.if %cond3A_293 {
        %add3A_344 = arith.constant 5 : i32
        %add3A_345 = arith.addi %add3A_272, %add3A_344 : i32
        %dma_start3A_346 = arith.constant 2 : i32
        %dma_start3A_347 = arith.constant 0 : i32
        %dma_start3A_348 = arith.constant 0 : i32
        %dma_start3A_349 = tpu.memref_slice %arg6[%dma_start3A_346, %dma_start3A_347, %dma_start3A_348] : memref<5x128x128xf32, #tpu.memory_space<vmem>> -> memref<1x128x128xf32, #tpu.memory_space<vmem>>
        %dma_start3A_350 = tpu.memref_squeeze %dma_start3A_349 : memref<1x128x128xf32, #tpu.memory_space<vmem>> -> memref<128x128xf32, #tpu.memory_space<vmem>>
        %dma_start3A_351 = arith.constant 0 : i32
        %dma_start3A_352 = tpu.memref_slice %arg5[%add3A_345, %dma_start3A_351] : memref<40x128xi32, #tpu.memory_space<vmem>> -> memref<1x128xi32, #tpu.memory_space<vmem>>
        %dma_start3A_353 = tpu.memref_squeeze %dma_start3A_352 : memref<1x128xi32, #tpu.memory_space<vmem>> -> memref<128xi32, #tpu.memory_space<vmem>>
        %dma_start3A_354 = arith.constant 0 : i32
        %dma_start3A_355 = arith.constant 0 : i32
        %dma_start3A_356 = tpu.memref_slice %arg2[%dma_start3A_354, %dma_start3A_355] : memref<1000000x128xf32, #tpu.memory_space<hbm>> -> memref<1000000x128xf32, #tpu.memory_space<hbm>>
        tpu.enqueue_indirect_dma source(%dma_start3A_356 : memref<1000000x128xf32, #tpu.memory_space<hbm>>) target(%dma_start3A_350 : memref<128x128xf32, #tpu.memory_space<vmem>>) offsets(%dma_start3A_353 : memref<128xi32, #tpu.memory_space<vmem>>) semaphore(%arg9 : memref<!tpu.dma_semaphore, #tpu.memory_space<semaphore_mem>>)
      } else {
      }
      %mul3A_294 = arith.constant 5 : i32
      %mul3A_295 = arith.muli %scan3A_67, %mul3A_294 : i32
      %add3A_296 = arith.constant 3 : i32
      %add3A_297 = arith.addi %mul3A_295, %add3A_296 : i32
      %mul3A_298 = arith.constant 128 : i32
      %mul3A_299 = arith.muli %add3A_297, %mul3A_298 : i32
      %add3A_300 = arith.addi %mul3A_2, %mul3A_299 : i32
      %dma_wait3A_301 = arith.constant 3 : i32
      %dma_wait3A_302 = arith.constant 0 : i32
      %dma_wait3A_303 = arith.constant 0 : i32
      %dma_wait3A_304 = tpu.memref_slice %arg6[%dma_wait3A_301, %dma_wait3A_302, %dma_wait3A_303] : memref<5x128x128xf32, #tpu.memory_space<vmem>> -> memref<1x128x128xf32, #tpu.memory_space<vmem>>
      %dma_wait3A_305 = tpu.memref_squeeze %dma_wait3A_304 : memref<1x128x128xf32, #tpu.memory_space<vmem>> -> memref<128x128xf32, #tpu.memory_space<vmem>>
      %dma_wait3A_306 = arith.constant 0 : i32
      %dma_wait3A_307 = tpu.memref_slice %arg4[%add3A_300, %dma_wait3A_306] : memref<163840x128xf32, #tpu.memory_space<hbm>> -> memref<128x128xf32, #tpu.memory_space<hbm>>
      %dma_wait3A_308 = arith.constant 0 : i32
      %dma_wait3A_309 = tpu.memref_slice %arg4[%add3A_300, %dma_wait3A_308] : memref<163840x128xf32, #tpu.memory_space<hbm>> -> memref<128x128xf32, #tpu.memory_space<hbm>>
      %dma_wait3A_310 = arith.constant 0 : i32
      %dma_wait3A_311 = arith.constant 0 : i32
      %dma_wait3A_312 = tpu.memref_slice %arg6[%dma_wait3A_301, %dma_wait3A_310, %dma_wait3A_311] : memref<5x128x128xf32, #tpu.memory_space<vmem>> -> memref<1x128x128xf32, #tpu.memory_space<vmem>>
      %dma_wait3A_313 = tpu.memref_squeeze %dma_wait3A_312 : memref<1x128x128xf32, #tpu.memory_space<vmem>> -> memref<128x128xf32, #tpu.memory_space<vmem>>
      tpu.wait_dma2 semaphore(%arg15 : memref<!tpu.dma_semaphore, #tpu.memory_space<semaphore_mem>>) src(%dma_wait3A_313 : memref<128x128xf32, #tpu.memory_space<vmem>>) dst(%dma_wait3A_309 : memref<128x128xf32, #tpu.memory_space<hbm>>)
      %lt3A_314 = arith.constant 7 : i32
      %lt3A_315 = arith.cmpi slt, %scan3A_67, %lt3A_314 : i32
      %convert_element_type3A_316 = arith.extui %lt3A_315 : i1 to i32
      %cond3A_317 = arith.constant 0 : i32
      %cond3A_318 = arith.cmpi ne, %convert_element_type3A_316, %cond3A_317 : i32
      scf.if %cond3A_318 {
        %add3A_344 = arith.constant 5 : i32
        %add3A_345 = arith.addi %add3A_297, %add3A_344 : i32
        %dma_start3A_346 = arith.constant 3 : i32
        %dma_start3A_347 = arith.constant 0 : i32
        %dma_start3A_348 = arith.constant 0 : i32
        %dma_start3A_349 = tpu.memref_slice %arg6[%dma_start3A_346, %dma_start3A_347, %dma_start3A_348] : memref<5x128x128xf32, #tpu.memory_space<vmem>> -> memref<1x128x128xf32, #tpu.memory_space<vmem>>
        %dma_start3A_350 = tpu.memref_squeeze %dma_start3A_349 : memref<1x128x128xf32, #tpu.memory_space<vmem>> -> memref<128x128xf32, #tpu.memory_space<vmem>>
        %dma_start3A_351 = arith.constant 0 : i32
        %dma_start3A_352 = tpu.memref_slice %arg5[%add3A_345, %dma_start3A_351] : memref<40x128xi32, #tpu.memory_space<vmem>> -> memref<1x128xi32, #tpu.memory_space<vmem>>
        %dma_start3A_353 = tpu.memref_squeeze %dma_start3A_352 : memref<1x128xi32, #tpu.memory_space<vmem>> -> memref<128xi32, #tpu.memory_space<vmem>>
        %dma_start3A_354 = arith.constant 0 : i32
        %dma_start3A_355 = arith.constant 0 : i32
        %dma_start3A_356 = tpu.memref_slice %arg2[%dma_start3A_354, %dma_start3A_355] : memref<1000000x128xf32, #tpu.memory_space<hbm>> -> memref<1000000x128xf32, #tpu.memory_space<hbm>>
        tpu.enqueue_indirect_dma source(%dma_start3A_356 : memref<1000000x128xf32, #tpu.memory_space<hbm>>) target(%dma_start3A_350 : memref<128x128xf32, #tpu.memory_space<vmem>>) offsets(%dma_start3A_353 : memref<128xi32, #tpu.memory_space<vmem>>) semaphore(%arg10 : memref<!tpu.dma_semaphore, #tpu.memory_space<semaphore_mem>>)
      } else {
      }
      %mul3A_319 = arith.constant 5 : i32
      %mul3A_320 = arith.muli %scan3A_67, %mul3A_319 : i32
      %add3A_321 = arith.constant 4 : i32
      %add3A_322 = arith.addi %mul3A_320, %add3A_321 : i32
      %mul3A_323 = arith.constant 128 : i32
      %mul3A_324 = arith.muli %add3A_322, %mul3A_323 : i32
      %add3A_325 = arith.addi %mul3A_2, %mul3A_324 : i32
      %dma_wait3A_326 = arith.constant 4 : i32
      %dma_wait3A_327 = arith.constant 0 : i32
      %dma_wait3A_328 = arith.constant 0 : i32
      %dma_wait3A_329 = tpu.memref_slice %arg6[%dma_wait3A_326, %dma_wait3A_327, %dma_wait3A_328] : memref<5x128x128xf32, #tpu.memory_space<vmem>> -> memref<1x128x128xf32, #tpu.memory_space<vmem>>
      %dma_wait3A_330 = tpu.memref_squeeze %dma_wait3A_329 : memref<1x128x128xf32, #tpu.memory_space<vmem>> -> memref<128x128xf32, #tpu.memory_space<vmem>>
      %dma_wait3A_331 = arith.constant 0 : i32
      %dma_wait3A_332 = tpu.memref_slice %arg4[%add3A_325, %dma_wait3A_331] : memref<163840x128xf32, #tpu.memory_space<hbm>> -> memref<128x128xf32, #tpu.memory_space<hbm>>
      %dma_wait3A_333 = arith.constant 0 : i32
      %dma_wait3A_334 = tpu.memref_slice %arg4[%add3A_325, %dma_wait3A_333] : memref<163840x128xf32, #tpu.memory_space<hbm>> -> memref<128x128xf32, #tpu.memory_space<hbm>>
      %dma_wait3A_335 = arith.constant 0 : i32
      %dma_wait3A_336 = arith.constant 0 : i32
      %dma_wait3A_337 = tpu.memref_slice %arg6[%dma_wait3A_326, %dma_wait3A_335, %dma_wait3A_336] : memref<5x128x128xf32, #tpu.memory_space<vmem>> -> memref<1x128x128xf32, #tpu.memory_space<vmem>>
      %dma_wait3A_338 = tpu.memref_squeeze %dma_wait3A_337 : memref<1x128x128xf32, #tpu.memory_space<vmem>> -> memref<128x128xf32, #tpu.memory_space<vmem>>
      tpu.wait_dma2 semaphore(%arg16 : memref<!tpu.dma_semaphore, #tpu.memory_space<semaphore_mem>>) src(%dma_wait3A_338 : memref<128x128xf32, #tpu.memory_space<vmem>>) dst(%dma_wait3A_334 : memref<128x128xf32, #tpu.memory_space<hbm>>)
      %lt3A_339 = arith.constant 7 : i32
      %lt3A_340 = arith.cmpi slt, %scan3A_67, %lt3A_339 : i32
      %convert_element_type3A_341 = arith.extui %lt3A_340 : i1 to i32
      %cond3A_342 = arith.constant 0 : i32
      %cond3A_343 = arith.cmpi ne, %convert_element_type3A_341, %cond3A_342 : i32
      scf.if %cond3A_343 {
        %add3A_344 = arith.constant 5 : i32
        %add3A_345 = arith.addi %add3A_322, %add3A_344 : i32
        %dma_start3A_346 = arith.constant 4 : i32
        %dma_start3A_347 = arith.constant 0 : i32
        %dma_start3A_348 = arith.constant 0 : i32
        %dma_start3A_349 = tpu.memref_slice %arg6[%dma_start3A_346, %dma_start3A_347, %dma_start3A_348] : memref<5x128x128xf32, #tpu.memory_space<vmem>> -> memref<1x128x128xf32, #tpu.memory_space<vmem>>
        %dma_start3A_350 = tpu.memref_squeeze %dma_start3A_349 : memref<1x128x128xf32, #tpu.memory_space<vmem>> -> memref<128x128xf32, #tpu.memory_space<vmem>>
        %dma_start3A_351 = arith.constant 0 : i32
        %dma_start3A_352 = tpu.memref_slice %arg5[%add3A_345, %dma_start3A_351] : memref<40x128xi32, #tpu.memory_space<vmem>> -> memref<1x128xi32, #tpu.memory_space<vmem>>
        %dma_start3A_353 = tpu.memref_squeeze %dma_start3A_352 : memref<1x128xi32, #tpu.memory_space<vmem>> -> memref<128xi32, #tpu.memory_space<vmem>>
        %dma_start3A_354 = arith.constant 0 : i32
        %dma_start3A_355 = arith.constant 0 : i32
        %dma_start3A_356 = tpu.memref_slice %arg2[%dma_start3A_354, %dma_start3A_355] : memref<1000000x128xf32, #tpu.memory_space<hbm>> -> memref<1000000x128xf32, #tpu.memory_space<hbm>>
        tpu.enqueue_indirect_dma source(%dma_start3A_356 : memref<1000000x128xf32, #tpu.memory_space<hbm>>) target(%dma_start3A_350 : memref<128x128xf32, #tpu.memory_space<vmem>>) offsets(%dma_start3A_353 : memref<128xi32, #tpu.memory_space<vmem>>) semaphore(%arg11 : memref<!tpu.dma_semaphore, #tpu.memory_space<semaphore_mem>>)
      } else {
      }
    }
    %scan3A_66 = arith.constant 8 : i32
    return
  }
}

#map = affine_map<(d0, d1) -> (0, 0)>
#map1 = affine_map<(d0, d1) -> (0, 0, 0)>
module attributes {stable_mosaic.version = 14 : i64} {
  func.func @gather_k(%arg0: i32, %arg1: i32, %arg2: memref<1000000x128xf32, #tpu.memory_space<hbm>>, %arg3: memref<32x40x128xi32, #tpu.memory_space<hbm>>, %arg4: memref<163840x128xf32, #tpu.memory_space<hbm>>, %arg5: memref<40x128xi32, #tpu.memory_space<vmem>>, %arg6: memref<5x128x128xf32, #tpu.memory_space<vmem>>, %arg7: memref<!tpu.dma_semaphore, #tpu.memory_space<semaphore_mem>>, %arg8: memref<!tpu.dma_semaphore, #tpu.memory_space<semaphore_mem>>, %arg9: memref<!tpu.dma_semaphore, #tpu.memory_space<semaphore_mem>>, %arg10: memref<!tpu.dma_semaphore, #tpu.memory_space<semaphore_mem>>, %arg11: memref<!tpu.dma_semaphore, #tpu.memory_space<semaphore_mem>>, %arg12: memref<!tpu.dma_semaphore, #tpu.memory_space<semaphore_mem>>, %arg13: memref<!tpu.dma_semaphore, #tpu.memory_space<semaphore_mem>>, %arg14: memref<!tpu.dma_semaphore, #tpu.memory_space<semaphore_mem>>, %arg15: memref<!tpu.dma_semaphore, #tpu.memory_space<semaphore_mem>>, %arg16: memref<!tpu.dma_semaphore, #tpu.memory_space<semaphore_mem>>) attributes {dimension_semantics = [#tpu.dimension_semantics<core_parallel>, #tpu.dimension_semantics<subcore_parallel>], iteration_bounds = array<i64: 2, 16>, scalar_prefetch = 0 : i64, scratch_operands = 12 : i64, tpu.core_type = #tpu.core_type<sc_vector_subcore>, window_params = [{transform_indices = #map}, {transform_indices = #map1}, {transform_indices = #map}]} {
    %mul3A = arith.constant 2 : i32
    %mul3A_0 = arith.muli %arg1, %mul3A : i32
    %add3A = arith.addi %mul3A_0, %arg0 : i32
    %mul3A_1 = arith.constant 5120 : i32
    %mul3A_2 = arith.muli %add3A, %mul3A_1 : i32
    "tpu.region"() ({
      %run_scoped3A = tpu.sem_alloc : memref<!tpu.dma_semaphore, #tpu.memory_space<semaphore_mem>>
      %dma_start3A_67 = arith.constant 0 : i32
      %dma_start3A_68 = arith.constant 0 : i32
      %dma_start3A_69 = tpu.memref_slice %arg3[%add3A, %dma_start3A_67, %dma_start3A_68] : memref<32x40x128xi32, #tpu.memory_space<hbm>> -> memref<1x40x128xi32, #tpu.memory_space<hbm>>
      %dma_start3A_70 = tpu.memref_squeeze %dma_start3A_69 : memref<1x40x128xi32, #tpu.memory_space<hbm>> -> memref<40x128xi32, #tpu.memory_space<hbm>>
      %dma_start3A_71 = arith.constant 0 : i32
      %dma_start3A_72 = arith.constant 0 : i32
      %dma_start3A_73 = tpu.memref_slice %arg3[%add3A, %dma_start3A_71, %dma_start3A_72] : memref<32x40x128xi32, #tpu.memory_space<hbm>> -> memref<1x40x128xi32, #tpu.memory_space<hbm>>
      %dma_start3A_74 = tpu.memref_squeeze %dma_start3A_73 : memref<1x40x128xi32, #tpu.memory_space<hbm>> -> memref<40x128xi32, #tpu.memory_space<hbm>>
      tpu.enqueue_dma source(%dma_start3A_74 : memref<40x128xi32, #tpu.memory_space<hbm>>) target(%arg5 : memref<40x128xi32, #tpu.memory_space<vmem>>) target_semaphore(%run_scoped3A : memref<!tpu.dma_semaphore, #tpu.memory_space<semaphore_mem>>)
      %dma_wait3A = arith.constant 0 : i32
      %dma_wait3A_75 = arith.constant 0 : i32
      %dma_wait3A_76 = tpu.memref_slice %arg3[%add3A, %dma_wait3A, %dma_wait3A_75] : memref<32x40x128xi32, #tpu.memory_space<hbm>> -> memref<1x40x128xi32, #tpu.memory_space<hbm>>
      %dma_wait3A_77 = tpu.memref_squeeze %dma_wait3A_76 : memref<1x40x128xi32, #tpu.memory_space<hbm>> -> memref<40x128xi32, #tpu.memory_space<hbm>>
      %dma_wait3A_78 = arith.constant 0 : i32
      %dma_wait3A_79 = arith.constant 0 : i32
      %dma_wait3A_80 = tpu.memref_slice %arg3[%add3A, %dma_wait3A_78, %dma_wait3A_79] : memref<32x40x128xi32, #tpu.memory_space<hbm>> -> memref<1x40x128xi32, #tpu.memory_space<hbm>>
      %dma_wait3A_81 = tpu.memref_squeeze %dma_wait3A_80 : memref<1x40x128xi32, #tpu.memory_space<hbm>> -> memref<40x128xi32, #tpu.memory_space<hbm>>
      tpu.wait_dma2 semaphore(%run_scoped3A : memref<!tpu.dma_semaphore, #tpu.memory_space<semaphore_mem>>) src(%dma_wait3A_81 : memref<40x128xi32, #tpu.memory_space<hbm>>) dst(%arg5 : memref<40x128xi32, #tpu.memory_space<vmem>>)
      tpu.yield
    }) : () -> ()
    %dma_start3A = arith.constant 0 : i32
    %dma_start3A_3 = arith.constant 0 : i32
    %dma_start3A_4 = arith.constant 0 : i32
    %dma_start3A_5 = arith.constant 0 : i32
    %dma_start3A_6 = tpu.memref_slice %arg6[%dma_start3A_3, %dma_start3A_4, %dma_start3A_5] : memref<5x128x128xf32, #tpu.memory_space<vmem>> -> memref<1x128x128xf32, #tpu.memory_space<vmem>>
    %dma_start3A_7 = tpu.memref_squeeze %dma_start3A_6 : memref<1x128x128xf32, #tpu.memory_space<vmem>> -> memref<128x128xf32, #tpu.memory_space<vmem>>
    %dma_start3A_8 = arith.constant 0 : i32
    %dma_start3A_9 = tpu.memref_slice %arg5[%dma_start3A, %dma_start3A_8] : memref<40x128xi32, #tpu.memory_space<vmem>> -> memref<1x128xi32, #tpu.memory_space<vmem>>
    %dma_start3A_10 = tpu.memref_squeeze %dma_start3A_9 : memref<1x128xi32, #tpu.memory_space<vmem>> -> memref<128xi32, #tpu.memory_space<vmem>>
    %dma_start3A_11 = arith.constant 0 : i32
    %dma_start3A_12 = arith.constant 0 : i32
    %dma_start3A_13 = tpu.memref_slice %arg2[%dma_start3A_11, %dma_start3A_12] : memref<1000000x128xf32, #tpu.memory_space<hbm>> -> memref<1000000x128xf32, #tpu.memory_space<hbm>>
    tpu.enqueue_indirect_dma source(%dma_start3A_13 : memref<1000000x128xf32, #tpu.memory_space<hbm>>) target(%dma_start3A_7 : memref<128x128xf32, #tpu.memory_space<vmem>>) offsets(%dma_start3A_10 : memref<128xi32, #tpu.memory_space<vmem>>) semaphore(%arg7 : memref<!tpu.dma_semaphore, #tpu.memory_space<semaphore_mem>>)
    %dma_start3A_14 = arith.constant 1 : i32
    %dma_start3A_15 = arith.constant 1 : i32
    %dma_start3A_16 = arith.constant 0 : i32
    %dma_start3A_17 = arith.constant 0 : i32
    %dma_start3A_18 = tpu.memref_slice %arg6[%dma_start3A_15, %dma_start3A_16, %dma_start3A_17] : memref<5x128x128xf32, #tpu.memory_space<vmem>> -> memref<1x128x128xf32, #tpu.memory_space<vmem>>
    %dma_start3A_19 = tpu.memref_squeeze %dma_start3A_18 : memref<1x128x128xf32, #tpu.memory_space<vmem>> -> memref<128x128xf32, #tpu.memory_space<vmem>>
    %dma_start3A_20 = arith.constant 0 : i32
    %dma_start3A_21 = tpu.memref_slice %arg5[%dma_start3A_14, %dma_start3A_20] : memref<40x128xi32, #tpu.memory_space<vmem>> -> memref<1x128xi32, #tpu.memory_space<vmem>>
    %dma_start3A_22 = tpu.memref_squeeze %dma_start3A_21 : memref<1x128xi32, #tpu.memory_space<vmem>> -> memref<128xi32, #tpu.memory_space<vmem>>
    %dma_start3A_23 = arith.constant 0 : i32
    %dma_start3A_24 = arith.constant 0 : i32
    %dma_start3A_25 = tpu.memref_slice %arg2[%dma_start3A_23, %dma_start3A_24] : memref<1000000x128xf32, #tpu.memory_space<hbm>> -> memref<1000000x128xf32, #tpu.memory_space<hbm>>
    tpu.enqueue_indirect_dma source(%dma_start3A_25 : memref<1000000x128xf32, #tpu.memory_space<hbm>>) target(%dma_start3A_19 : memref<128x128xf32, #tpu.memory_space<vmem>>) offsets(%dma_start3A_22 : memref<128xi32, #tpu.memory_space<vmem>>) semaphore(%arg8 : memref<!tpu.dma_semaphore, #tpu.memory_space<semaphore_mem>>)
    %dma_start3A_26 = arith.constant 2 : i32
    %dma_start3A_27 = arith.constant 2 : i32
    %dma_start3A_28 = arith.constant 0 : i32
    %dma_start3A_29 = arith.constant 0 : i32
    %dma_start3A_30 = tpu.memref_slice %arg6[%dma_start3A_27, %dma_start3A_28, %dma_start3A_29] : memref<5x128x128xf32, #tpu.memory_space<vmem>> -> memref<1x128x128xf32, #tpu.memory_space<vmem>>
    %dma_start3A_31 = tpu.memref_squeeze %dma_start3A_30 : memref<1x128x128xf32, #tpu.memory_space<vmem>> -> memref<128x128xf32, #tpu.memory_space<vmem>>
    %dma_start3A_32 = arith.constant 0 : i32
    %dma_start3A_33 = tpu.memref_slice %arg5[%dma_start3A_26, %dma_start3A_32] : memref<40x128xi32, #tpu.memory_space<vmem>> -> memref<1x128xi32, #tpu.memory_space<vmem>>
    %dma_start3A_34 = tpu.memref_squeeze %dma_start3A_33 : memref<1x128xi32, #tpu.memory_space<vmem>> -> memref<128xi32, #tpu.memory_space<vmem>>
    %dma_start3A_35 = arith.constant 0 : i32
    %dma_start3A_36 = arith.constant 0 : i32
    %dma_start3A_37 = tpu.memref_slice %arg2[%dma_start3A_35, %dma_start3A_36] : memref<1000000x128xf32, #tpu.memory_space<hbm>> -> memref<1000000x128xf32, #tpu.memory_space<hbm>>
    tpu.enqueue_indirect_dma source(%dma_start3A_37 : memref<1000000x128xf32, #tpu.memory_space<hbm>>) target(%dma_start3A_31 : memref<128x128xf32, #tpu.memory_space<vmem>>) offsets(%dma_start3A_34 : memref<128xi32, #tpu.memory_space<vmem>>) semaphore(%arg9 : memref<!tpu.dma_semaphore, #tpu.memory_space<semaphore_mem>>)
    %dma_start3A_38 = arith.constant 3 : i32
    %dma_start3A_39 = arith.constant 3 : i32
    %dma_start3A_40 = arith.constant 0 : i32
    %dma_start3A_41 = arith.constant 0 : i32
    %dma_start3A_42 = tpu.memref_slice %arg6[%dma_start3A_39, %dma_start3A_40, %dma_start3A_41] : memref<5x128x128xf32, #tpu.memory_space<vmem>> -> memref<1x128x128xf32, #tpu.memory_space<vmem>>
    %dma_start3A_43 = tpu.memref_squeeze %dma_start3A_42 : memref<1x128x128xf32, #tpu.memory_space<vmem>> -> memref<128x128xf32, #tpu.memory_space<vmem>>
    %dma_start3A_44 = arith.constant 0 : i32
    %dma_start3A_45 = tpu.memref_slice %arg5[%dma_start3A_38, %dma_start3A_44] : memref<40x128xi32, #tpu.memory_space<vmem>> -> memref<1x128xi32, #tpu.memory_space<vmem>>
    %dma_start3A_46 = tpu.memref_squeeze %dma_start3A_45 : memref<1x128xi32, #tpu.memory_space<vmem>> -> memref<128xi32, #tpu.memory_space<vmem>>
    %dma_start3A_47 = arith.constant 0 : i32
    %dma_start3A_48 = arith.constant 0 : i32
    %dma_start3A_49 = tpu.memref_slice %arg2[%dma_start3A_47, %dma_start3A_48] : memref<1000000x128xf32, #tpu.memory_space<hbm>> -> memref<1000000x128xf32, #tpu.memory_space<hbm>>
    tpu.enqueue_indirect_dma source(%dma_start3A_49 : memref<1000000x128xf32, #tpu.memory_space<hbm>>) target(%dma_start3A_43 : memref<128x128xf32, #tpu.memory_space<vmem>>) offsets(%dma_start3A_46 : memref<128xi32, #tpu.memory_space<vmem>>) semaphore(%arg10 : memref<!tpu.dma_semaphore, #tpu.memory_space<semaphore_mem>>)
    %dma_start3A_50 = arith.constant 4 : i32
    %dma_start3A_51 = arith.constant 4 : i32
    %dma_start3A_52 = arith.constant 0 : i32
    %dma_start3A_53 = arith.constant 0 : i32
    %dma_start3A_54 = tpu.memref_slice %arg6[%dma_start3A_51, %dma_start3A_52, %dma_start3A_53] : memref<5x128x128xf32, #tpu.memory_space<vmem>> -> memref<1x128x128xf32, #tpu.memory_space<vmem>>
    %dma_start3A_55 = tpu.memref_squeeze %dma_start3A_54 : memref<1x128x128xf32, #tpu.memory_space<vmem>> -> memref<128x128xf32, #tpu.memory_space<vmem>>
    %dma_start3A_56 = arith.constant 0 : i32
    %dma_start3A_57 = tpu.memref_slice %arg5[%dma_start3A_50, %dma_start3A_56] : memref<40x128xi32, #tpu.memory_space<vmem>> -> memref<1x128xi32, #tpu.memory_space<vmem>>
    %dma_start3A_58 = tpu.memref_squeeze %dma_start3A_57 : memref<1x128xi32, #tpu.memory_space<vmem>> -> memref<128xi32, #tpu.memory_space<vmem>>
    %dma_start3A_59 = arith.constant 0 : i32
    %dma_start3A_60 = arith.constant 0 : i32
    %dma_start3A_61 = tpu.memref_slice %arg2[%dma_start3A_59, %dma_start3A_60] : memref<1000000x128xf32, #tpu.memory_space<hbm>> -> memref<1000000x128xf32, #tpu.memory_space<hbm>>
    tpu.enqueue_indirect_dma source(%dma_start3A_61 : memref<1000000x128xf32, #tpu.memory_space<hbm>>) target(%dma_start3A_55 : memref<128x128xf32, #tpu.memory_space<vmem>>) offsets(%dma_start3A_58 : memref<128xi32, #tpu.memory_space<vmem>>) semaphore(%arg11 : memref<!tpu.dma_semaphore, #tpu.memory_space<semaphore_mem>>)
    %scan3A = arith.constant 0 : i32
    %scan3A_62 = arith.constant 0 : i32
    %scan3A_63 = arith.constant 8 : i32
    %scan3A_64 = arith.addi %scan3A_62, %scan3A_63 : i32
    %scan3A_65 = arith.constant 1 : i32
    scf.for %scan3A_67 = %scan3A_62 to %scan3A_64 step %scan3A_65  : i32 {
      %mul3A_68 = arith.constant 5 : i32
      %mul3A_69 = arith.muli %scan3A_67, %mul3A_68 : i32
      %add3A_70 = arith.constant 0 : i32
      %add3A_71 = arith.addi %mul3A_69, %add3A_70 : i32
      %dma_wait3A = arith.constant 0 : i32
      %dma_wait3A_72 = arith.constant 0 : i32
      %dma_wait3A_73 = arith.constant 0 : i32
      %dma_wait3A_74 = tpu.memref_slice %arg6[%dma_wait3A, %dma_wait3A_72, %dma_wait3A_73] : memref<5x128x128xf32, #tpu.memory_space<vmem>> -> memref<1x128x128xf32, #tpu.memory_space<vmem>>
      %dma_wait3A_75 = tpu.memref_squeeze %dma_wait3A_74 : memref<1x128x128xf32, #tpu.memory_space<vmem>> -> memref<128x128xf32, #tpu.memory_space<vmem>>
      %dma_wait3A_76 = arith.constant 0 : i32
      %dma_wait3A_77 = tpu.memref_slice %arg5[%add3A_71, %dma_wait3A_76] : memref<40x128xi32, #tpu.memory_space<vmem>> -> memref<1x128xi32, #tpu.memory_space<vmem>>
      %dma_wait3A_78 = tpu.memref_squeeze %dma_wait3A_77 : memref<1x128xi32, #tpu.memory_space<vmem>> -> memref<128xi32, #tpu.memory_space<vmem>>
      %dma_wait3A_79 = arith.constant 0 : i32
      %dma_wait3A_80 = arith.constant 0 : i32
      %dma_wait3A_81 = tpu.memref_slice %arg2[%dma_wait3A_79, %dma_wait3A_80] : memref<1000000x128xf32, #tpu.memory_space<hbm>> -> memref<1000000x128xf32, #tpu.memory_space<hbm>>
      tpu.wait_indirect_dma semaphore(%arg7 : memref<!tpu.dma_semaphore, #tpu.memory_space<semaphore_mem>>) src(%dma_wait3A_81 : memref<1000000x128xf32, #tpu.memory_space<hbm>>) dst(%dma_wait3A_75 : memref<128x128xf32, #tpu.memory_space<vmem>>)
      %mul3A_82 = arith.constant 128 : i32
      %mul3A_83 = arith.muli %add3A_71, %mul3A_82 : i32
      %add3A_84 = arith.addi %mul3A_2, %mul3A_83 : i32
      %dma_start3A_85 = arith.constant 0 : i32
      %dma_start3A_86 = arith.constant 0 : i32
      %dma_start3A_87 = arith.constant 0 : i32
      %dma_start3A_88 = tpu.memref_slice %arg6[%dma_start3A_85, %dma_start3A_86, %dma_start3A_87] : memref<5x128x128xf32, #tpu.memory_space<vmem>> -> memref<1x128x128xf32, #tpu.memory_space<vmem>>
      %dma_start3A_89 = tpu.memref_squeeze %dma_start3A_88 : memref<1x128x128xf32, #tpu.memory_space<vmem>> -> memref<128x128xf32, #tpu.memory_space<vmem>>
      %dma_start3A_90 = arith.constant 0 : i32
      %dma_start3A_91 = tpu.memref_slice %arg4[%add3A_84, %dma_start3A_90] : memref<163840x128xf32, #tpu.memory_space<hbm>> -> memref<128x128xf32, #tpu.memory_space<hbm>>
      %dma_start3A_92 = arith.constant 0 : i32
      %dma_start3A_93 = tpu.memref_slice %arg4[%add3A_84, %dma_start3A_92] : memref<163840x128xf32, #tpu.memory_space<hbm>> -> memref<128x128xf32, #tpu.memory_space<hbm>>
      %dma_start3A_94 = arith.constant 0 : i32
      %dma_start3A_95 = arith.constant 0 : i32
      %dma_start3A_96 = tpu.memref_slice %arg6[%dma_start3A_85, %dma_start3A_94, %dma_start3A_95] : memref<5x128x128xf32, #tpu.memory_space<vmem>> -> memref<1x128x128xf32, #tpu.memory_space<vmem>>
      %dma_start3A_97 = tpu.memref_squeeze %dma_start3A_96 : memref<1x128x128xf32, #tpu.memory_space<vmem>> -> memref<128x128xf32, #tpu.memory_space<vmem>>
      tpu.enqueue_dma source(%dma_start3A_97 : memref<128x128xf32, #tpu.memory_space<vmem>>) target(%dma_start3A_93 : memref<128x128xf32, #tpu.memory_space<hbm>>) target_semaphore(%arg12 : memref<!tpu.dma_semaphore, #tpu.memory_space<semaphore_mem>>)
      %mul3A_98 = arith.constant 5 : i32
      %mul3A_99 = arith.muli %scan3A_67, %mul3A_98 : i32
      %add3A_100 = arith.constant 1 : i32
      %add3A_101 = arith.addi %mul3A_99, %add3A_100 : i32
      %dma_wait3A_102 = arith.constant 1 : i32
      %dma_wait3A_103 = arith.constant 0 : i32
      %dma_wait3A_104 = arith.constant 0 : i32
      %dma_wait3A_105 = tpu.memref_slice %arg6[%dma_wait3A_102, %dma_wait3A_103, %dma_wait3A_104] : memref<5x128x128xf32, #tpu.memory_space<vmem>> -> memref<1x128x128xf32, #tpu.memory_space<vmem>>
      %dma_wait3A_106 = tpu.memref_squeeze %dma_wait3A_105 : memref<1x128x128xf32, #tpu.memory_space<vmem>> -> memref<128x128xf32, #tpu.memory_space<vmem>>
      %dma_wait3A_107 = arith.constant 0 : i32
      %dma_wait3A_108 = tpu.memref_slice %arg5[%add3A_101, %dma_wait3A_107] : memref<40x128xi32, #tpu.memory_space<vmem>> -> memref<1x128xi32, #tpu.memory_space<vmem>>
      %dma_wait3A_109 = tpu.memref_squeeze %dma_wait3A_108 : memref<1x128xi32, #tpu.memory_space<vmem>> -> memref<128xi32, #tpu.memory_space<vmem>>
      %dma_wait3A_110 = arith.constant 0 : i32
      %dma_wait3A_111 = arith.constant 0 : i32
      %dma_wait3A_112 = tpu.memref_slice %arg2[%dma_wait3A_110, %dma_wait3A_111] : memref<1000000x128xf32, #tpu.memory_space<hbm>> -> memref<1000000x128xf32, #tpu.memory_space<hbm>>
      tpu.wait_indirect_dma semaphore(%arg8 : memref<!tpu.dma_semaphore, #tpu.memory_space<semaphore_mem>>) src(%dma_wait3A_112 : memref<1000000x128xf32, #tpu.memory_space<hbm>>) dst(%dma_wait3A_106 : memref<128x128xf32, #tpu.memory_space<vmem>>)
      %mul3A_113 = arith.constant 128 : i32
      %mul3A_114 = arith.muli %add3A_101, %mul3A_113 : i32
      %add3A_115 = arith.addi %mul3A_2, %mul3A_114 : i32
      %dma_start3A_116 = arith.constant 1 : i32
      %dma_start3A_117 = arith.constant 0 : i32
      %dma_start3A_118 = arith.constant 0 : i32
      %dma_start3A_119 = tpu.memref_slice %arg6[%dma_start3A_116, %dma_start3A_117, %dma_start3A_118] : memref<5x128x128xf32, #tpu.memory_space<vmem>> -> memref<1x128x128xf32, #tpu.memory_space<vmem>>
      %dma_start3A_120 = tpu.memref_squeeze %dma_start3A_119 : memref<1x128x128xf32, #tpu.memory_space<vmem>> -> memref<128x128xf32, #tpu.memory_space<vmem>>
      %dma_start3A_121 = arith.constant 0 : i32
      %dma_start3A_122 = tpu.memref_slice %arg4[%add3A_115, %dma_start3A_121] : memref<163840x128xf32, #tpu.memory_space<hbm>> -> memref<128x128xf32, #tpu.memory_space<hbm>>
      %dma_start3A_123 = arith.constant 0 : i32
      %dma_start3A_124 = tpu.memref_slice %arg4[%add3A_115, %dma_start3A_123] : memref<163840x128xf32, #tpu.memory_space<hbm>> -> memref<128x128xf32, #tpu.memory_space<hbm>>
      %dma_start3A_125 = arith.constant 0 : i32
      %dma_start3A_126 = arith.constant 0 : i32
      %dma_start3A_127 = tpu.memref_slice %arg6[%dma_start3A_116, %dma_start3A_125, %dma_start3A_126] : memref<5x128x128xf32, #tpu.memory_space<vmem>> -> memref<1x128x128xf32, #tpu.memory_space<vmem>>
      %dma_start3A_128 = tpu.memref_squeeze %dma_start3A_127 : memref<1x128x128xf32, #tpu.memory_space<vmem>> -> memref<128x128xf32, #tpu.memory_space<vmem>>
      tpu.enqueue_dma source(%dma_start3A_128 : memref<128x128xf32, #tpu.memory_space<vmem>>) target(%dma_start3A_124 : memref<128x128xf32, #tpu.memory_space<hbm>>) target_semaphore(%arg13 : memref<!tpu.dma_semaphore, #tpu.memory_space<semaphore_mem>>)
      %mul3A_129 = arith.constant 5 : i32
      %mul3A_130 = arith.muli %scan3A_67, %mul3A_129 : i32
      %add3A_131 = arith.constant 2 : i32
      %add3A_132 = arith.addi %mul3A_130, %add3A_131 : i32
      %dma_wait3A_133 = arith.constant 2 : i32
      %dma_wait3A_134 = arith.constant 0 : i32
      %dma_wait3A_135 = arith.constant 0 : i32
      %dma_wait3A_136 = tpu.memref_slice %arg6[%dma_wait3A_133, %dma_wait3A_134, %dma_wait3A_135] : memref<5x128x128xf32, #tpu.memory_space<vmem>> -> memref<1x128x128xf32, #tpu.memory_space<vmem>>
      %dma_wait3A_137 = tpu.memref_squeeze %dma_wait3A_136 : memref<1x128x128xf32, #tpu.memory_space<vmem>> -> memref<128x128xf32, #tpu.memory_space<vmem>>
      %dma_wait3A_138 = arith.constant 0 : i32
      %dma_wait3A_139 = tpu.memref_slice %arg5[%add3A_132, %dma_wait3A_138] : memref<40x128xi32, #tpu.memory_space<vmem>> -> memref<1x128xi32, #tpu.memory_space<vmem>>
      %dma_wait3A_140 = tpu.memref_squeeze %dma_wait3A_139 : memref<1x128xi32, #tpu.memory_space<vmem>> -> memref<128xi32, #tpu.memory_space<vmem>>
      %dma_wait3A_141 = arith.constant 0 : i32
      %dma_wait3A_142 = arith.constant 0 : i32
      %dma_wait3A_143 = tpu.memref_slice %arg2[%dma_wait3A_141, %dma_wait3A_142] : memref<1000000x128xf32, #tpu.memory_space<hbm>> -> memref<1000000x128xf32, #tpu.memory_space<hbm>>
      tpu.wait_indirect_dma semaphore(%arg9 : memref<!tpu.dma_semaphore, #tpu.memory_space<semaphore_mem>>) src(%dma_wait3A_143 : memref<1000000x128xf32, #tpu.memory_space<hbm>>) dst(%dma_wait3A_137 : memref<128x128xf32, #tpu.memory_space<vmem>>)
      %mul3A_144 = arith.constant 128 : i32
      %mul3A_145 = arith.muli %add3A_132, %mul3A_144 : i32
      %add3A_146 = arith.addi %mul3A_2, %mul3A_145 : i32
      %dma_start3A_147 = arith.constant 2 : i32
      %dma_start3A_148 = arith.constant 0 : i32
      %dma_start3A_149 = arith.constant 0 : i32
      %dma_start3A_150 = tpu.memref_slice %arg6[%dma_start3A_147, %dma_start3A_148, %dma_start3A_149] : memref<5x128x128xf32, #tpu.memory_space<vmem>> -> memref<1x128x128xf32, #tpu.memory_space<vmem>>
      %dma_start3A_151 = tpu.memref_squeeze %dma_start3A_150 : memref<1x128x128xf32, #tpu.memory_space<vmem>> -> memref<128x128xf32, #tpu.memory_space<vmem>>
      %dma_start3A_152 = arith.constant 0 : i32
      %dma_start3A_153 = tpu.memref_slice %arg4[%add3A_146, %dma_start3A_152] : memref<163840x128xf32, #tpu.memory_space<hbm>> -> memref<128x128xf32, #tpu.memory_space<hbm>>
      %dma_start3A_154 = arith.constant 0 : i32
      %dma_start3A_155 = tpu.memref_slice %arg4[%add3A_146, %dma_start3A_154] : memref<163840x128xf32, #tpu.memory_space<hbm>> -> memref<128x128xf32, #tpu.memory_space<hbm>>
      %dma_start3A_156 = arith.constant 0 : i32
      %dma_start3A_157 = arith.constant 0 : i32
      %dma_start3A_158 = tpu.memref_slice %arg6[%dma_start3A_147, %dma_start3A_156, %dma_start3A_157] : memref<5x128x128xf32, #tpu.memory_space<vmem>> -> memref<1x128x128xf32, #tpu.memory_space<vmem>>
      %dma_start3A_159 = tpu.memref_squeeze %dma_start3A_158 : memref<1x128x128xf32, #tpu.memory_space<vmem>> -> memref<128x128xf32, #tpu.memory_space<vmem>>
      tpu.enqueue_dma source(%dma_start3A_159 : memref<128x128xf32, #tpu.memory_space<vmem>>) target(%dma_start3A_155 : memref<128x128xf32, #tpu.memory_space<hbm>>) target_semaphore(%arg14 : memref<!tpu.dma_semaphore, #tpu.memory_space<semaphore_mem>>)
      %mul3A_160 = arith.constant 5 : i32
      %mul3A_161 = arith.muli %scan3A_67, %mul3A_160 : i32
      %add3A_162 = arith.constant 3 : i32
      %add3A_163 = arith.addi %mul3A_161, %add3A_162 : i32
      %dma_wait3A_164 = arith.constant 3 : i32
      %dma_wait3A_165 = arith.constant 0 : i32
      %dma_wait3A_166 = arith.constant 0 : i32
      %dma_wait3A_167 = tpu.memref_slice %arg6[%dma_wait3A_164, %dma_wait3A_165, %dma_wait3A_166] : memref<5x128x128xf32, #tpu.memory_space<vmem>> -> memref<1x128x128xf32, #tpu.memory_space<vmem>>
      %dma_wait3A_168 = tpu.memref_squeeze %dma_wait3A_167 : memref<1x128x128xf32, #tpu.memory_space<vmem>> -> memref<128x128xf32, #tpu.memory_space<vmem>>
      %dma_wait3A_169 = arith.constant 0 : i32
      %dma_wait3A_170 = tpu.memref_slice %arg5[%add3A_163, %dma_wait3A_169] : memref<40x128xi32, #tpu.memory_space<vmem>> -> memref<1x128xi32, #tpu.memory_space<vmem>>
      %dma_wait3A_171 = tpu.memref_squeeze %dma_wait3A_170 : memref<1x128xi32, #tpu.memory_space<vmem>> -> memref<128xi32, #tpu.memory_space<vmem>>
      %dma_wait3A_172 = arith.constant 0 : i32
      %dma_wait3A_173 = arith.constant 0 : i32
      %dma_wait3A_174 = tpu.memref_slice %arg2[%dma_wait3A_172, %dma_wait3A_173] : memref<1000000x128xf32, #tpu.memory_space<hbm>> -> memref<1000000x128xf32, #tpu.memory_space<hbm>>
      tpu.wait_indirect_dma semaphore(%arg10 : memref<!tpu.dma_semaphore, #tpu.memory_space<semaphore_mem>>) src(%dma_wait3A_174 : memref<1000000x128xf32, #tpu.memory_space<hbm>>) dst(%dma_wait3A_168 : memref<128x128xf32, #tpu.memory_space<vmem>>)
      %mul3A_175 = arith.constant 128 : i32
      %mul3A_176 = arith.muli %add3A_163, %mul3A_175 : i32
      %add3A_177 = arith.addi %mul3A_2, %mul3A_176 : i32
      %dma_start3A_178 = arith.constant 3 : i32
      %dma_start3A_179 = arith.constant 0 : i32
      %dma_start3A_180 = arith.constant 0 : i32
      %dma_start3A_181 = tpu.memref_slice %arg6[%dma_start3A_178, %dma_start3A_179, %dma_start3A_180] : memref<5x128x128xf32, #tpu.memory_space<vmem>> -> memref<1x128x128xf32, #tpu.memory_space<vmem>>
      %dma_start3A_182 = tpu.memref_squeeze %dma_start3A_181 : memref<1x128x128xf32, #tpu.memory_space<vmem>> -> memref<128x128xf32, #tpu.memory_space<vmem>>
      %dma_start3A_183 = arith.constant 0 : i32
      %dma_start3A_184 = tpu.memref_slice %arg4[%add3A_177, %dma_start3A_183] : memref<163840x128xf32, #tpu.memory_space<hbm>> -> memref<128x128xf32, #tpu.memory_space<hbm>>
      %dma_start3A_185 = arith.constant 0 : i32
      %dma_start3A_186 = tpu.memref_slice %arg4[%add3A_177, %dma_start3A_185] : memref<163840x128xf32, #tpu.memory_space<hbm>> -> memref<128x128xf32, #tpu.memory_space<hbm>>
      %dma_start3A_187 = arith.constant 0 : i32
      %dma_start3A_188 = arith.constant 0 : i32
      %dma_start3A_189 = tpu.memref_slice %arg6[%dma_start3A_178, %dma_start3A_187, %dma_start3A_188] : memref<5x128x128xf32, #tpu.memory_space<vmem>> -> memref<1x128x128xf32, #tpu.memory_space<vmem>>
      %dma_start3A_190 = tpu.memref_squeeze %dma_start3A_189 : memref<1x128x128xf32, #tpu.memory_space<vmem>> -> memref<128x128xf32, #tpu.memory_space<vmem>>
      tpu.enqueue_dma source(%dma_start3A_190 : memref<128x128xf32, #tpu.memory_space<vmem>>) target(%dma_start3A_186 : memref<128x128xf32, #tpu.memory_space<hbm>>) target_semaphore(%arg15 : memref<!tpu.dma_semaphore, #tpu.memory_space<semaphore_mem>>)
      %mul3A_191 = arith.constant 5 : i32
      %mul3A_192 = arith.muli %scan3A_67, %mul3A_191 : i32
      %add3A_193 = arith.constant 4 : i32
      %add3A_194 = arith.addi %mul3A_192, %add3A_193 : i32
      %dma_wait3A_195 = arith.constant 4 : i32
      %dma_wait3A_196 = arith.constant 0 : i32
      %dma_wait3A_197 = arith.constant 0 : i32
      %dma_wait3A_198 = tpu.memref_slice %arg6[%dma_wait3A_195, %dma_wait3A_196, %dma_wait3A_197] : memref<5x128x128xf32, #tpu.memory_space<vmem>> -> memref<1x128x128xf32, #tpu.memory_space<vmem>>
      %dma_wait3A_199 = tpu.memref_squeeze %dma_wait3A_198 : memref<1x128x128xf32, #tpu.memory_space<vmem>> -> memref<128x128xf32, #tpu.memory_space<vmem>>
      %dma_wait3A_200 = arith.constant 0 : i32
      %dma_wait3A_201 = tpu.memref_slice %arg5[%add3A_194, %dma_wait3A_200] : memref<40x128xi32, #tpu.memory_space<vmem>> -> memref<1x128xi32, #tpu.memory_space<vmem>>
      %dma_wait3A_202 = tpu.memref_squeeze %dma_wait3A_201 : memref<1x128xi32, #tpu.memory_space<vmem>> -> memref<128xi32, #tpu.memory_space<vmem>>
      %dma_wait3A_203 = arith.constant 0 : i32
      %dma_wait3A_204 = arith.constant 0 : i32
      %dma_wait3A_205 = tpu.memref_slice %arg2[%dma_wait3A_203, %dma_wait3A_204] : memref<1000000x128xf32, #tpu.memory_space<hbm>> -> memref<1000000x128xf32, #tpu.memory_space<hbm>>
      tpu.wait_indirect_dma semaphore(%arg11 : memref<!tpu.dma_semaphore, #tpu.memory_space<semaphore_mem>>) src(%dma_wait3A_205 : memref<1000000x128xf32, #tpu.memory_space<hbm>>) dst(%dma_wait3A_199 : memref<128x128xf32, #tpu.memory_space<vmem>>)
      %mul3A_206 = arith.constant 128 : i32
      %mul3A_207 = arith.muli %add3A_194, %mul3A_206 : i32
      %add3A_208 = arith.addi %mul3A_2, %mul3A_207 : i32
      %dma_start3A_209 = arith.constant 4 : i32
      %dma_start3A_210 = arith.constant 0 : i32
      %dma_start3A_211 = arith.constant 0 : i32
      %dma_start3A_212 = tpu.memref_slice %arg6[%dma_start3A_209, %dma_start3A_210, %dma_start3A_211] : memref<5x128x128xf32, #tpu.memory_space<vmem>> -> memref<1x128x128xf32, #tpu.memory_space<vmem>>
      %dma_start3A_213 = tpu.memref_squeeze %dma_start3A_212 : memref<1x128x128xf32, #tpu.memory_space<vmem>> -> memref<128x128xf32, #tpu.memory_space<vmem>>
      %dma_start3A_214 = arith.constant 0 : i32
      %dma_start3A_215 = tpu.memref_slice %arg4[%add3A_208, %dma_start3A_214] : memref<163840x128xf32, #tpu.memory_space<hbm>> -> memref<128x128xf32, #tpu.memory_space<hbm>>
      %dma_start3A_216 = arith.constant 0 : i32
      %dma_start3A_217 = tpu.memref_slice %arg4[%add3A_208, %dma_start3A_216] : memref<163840x128xf32, #tpu.memory_space<hbm>> -> memref<128x128xf32, #tpu.memory_space<hbm>>
      %dma_start3A_218 = arith.constant 0 : i32
      %dma_start3A_219 = arith.constant 0 : i32
      %dma_start3A_220 = tpu.memref_slice %arg6[%dma_start3A_209, %dma_start3A_218, %dma_start3A_219] : memref<5x128x128xf32, #tpu.memory_space<vmem>> -> memref<1x128x128xf32, #tpu.memory_space<vmem>>
      %dma_start3A_221 = tpu.memref_squeeze %dma_start3A_220 : memref<1x128x128xf32, #tpu.memory_space<vmem>> -> memref<128x128xf32, #tpu.memory_space<vmem>>
      tpu.enqueue_dma source(%dma_start3A_221 : memref<128x128xf32, #tpu.memory_space<vmem>>) target(%dma_start3A_217 : memref<128x128xf32, #tpu.memory_space<hbm>>) target_semaphore(%arg16 : memref<!tpu.dma_semaphore, #tpu.memory_space<semaphore_mem>>)
      %mul3A_222 = arith.constant 5 : i32
      %mul3A_223 = arith.muli %scan3A_67, %mul3A_222 : i32
      %add3A_224 = arith.constant 0 : i32
      %add3A_225 = arith.addi %mul3A_223, %add3A_224 : i32
      %mul3A_226 = arith.constant 128 : i32
      %mul3A_227 = arith.muli %add3A_225, %mul3A_226 : i32
      %add3A_228 = arith.addi %mul3A_2, %mul3A_227 : i32
      %dma_wait3A_229 = arith.constant 0 : i32
      %dma_wait3A_230 = arith.constant 0 : i32
      %dma_wait3A_231 = arith.constant 0 : i32
      %dma_wait3A_232 = tpu.memref_slice %arg6[%dma_wait3A_229, %dma_wait3A_230, %dma_wait3A_231] : memref<5x128x128xf32, #tpu.memory_space<vmem>> -> memref<1x128x128xf32, #tpu.memory_space<vmem>>
      %dma_wait3A_233 = tpu.memref_squeeze %dma_wait3A_232 : memref<1x128x128xf32, #tpu.memory_space<vmem>> -> memref<128x128xf32, #tpu.memory_space<vmem>>
      %dma_wait3A_234 = arith.constant 0 : i32
      %dma_wait3A_235 = tpu.memref_slice %arg4[%add3A_228, %dma_wait3A_234] : memref<163840x128xf32, #tpu.memory_space<hbm>> -> memref<128x128xf32, #tpu.memory_space<hbm>>
      %dma_wait3A_236 = arith.constant 0 : i32
      %dma_wait3A_237 = tpu.memref_slice %arg4[%add3A_228, %dma_wait3A_236] : memref<163840x128xf32, #tpu.memory_space<hbm>> -> memref<128x128xf32, #tpu.memory_space<hbm>>
      %dma_wait3A_238 = arith.constant 0 : i32
      %dma_wait3A_239 = arith.constant 0 : i32
      %dma_wait3A_240 = tpu.memref_slice %arg6[%dma_wait3A_229, %dma_wait3A_238, %dma_wait3A_239] : memref<5x128x128xf32, #tpu.memory_space<vmem>> -> memref<1x128x128xf32, #tpu.memory_space<vmem>>
      %dma_wait3A_241 = tpu.memref_squeeze %dma_wait3A_240 : memref<1x128x128xf32, #tpu.memory_space<vmem>> -> memref<128x128xf32, #tpu.memory_space<vmem>>
      tpu.wait_dma2 semaphore(%arg12 : memref<!tpu.dma_semaphore, #tpu.memory_space<semaphore_mem>>) src(%dma_wait3A_241 : memref<128x128xf32, #tpu.memory_space<vmem>>) dst(%dma_wait3A_237 : memref<128x128xf32, #tpu.memory_space<hbm>>)
      %lt3A = arith.constant 7 : i32
      %lt3A_242 = arith.cmpi slt, %scan3A_67, %lt3A : i32
      %convert_element_type3A = arith.extui %lt3A_242 : i1 to i32
      %cond3A = arith.constant 0 : i32
      %cond3A_243 = arith.cmpi ne, %convert_element_type3A, %cond3A : i32
      scf.if %cond3A_243 {
        %add3A_344 = arith.constant 5 : i32
        %add3A_345 = arith.addi %add3A_225, %add3A_344 : i32
        %dma_start3A_346 = arith.constant 0 : i32
        %dma_start3A_347 = arith.constant 0 : i32
        %dma_start3A_348 = arith.constant 0 : i32
        %dma_start3A_349 = tpu.memref_slice %arg6[%dma_start3A_346, %dma_start3A_347, %dma_start3A_348] : memref<5x128x128xf32, #tpu.memory_space<vmem>> -> memref<1x128x128xf32, #tpu.memory_space<vmem>>
        %dma_start3A_350 = tpu.memref_squeeze %dma_start3A_349 : memref<1x128x128xf32, #tpu.memory_space<vmem>> -> memref<128x128xf32, #tpu.memory_space<vmem>>
        %dma_start3A_351 = arith.constant 0 : i32
        %dma_start3A_352 = tpu.memref_slice %arg5[%add3A_345, %dma_start3A_351] : memref<40x128xi32, #tpu.memory_space<vmem>> -> memref<1x128xi32, #tpu.memory_space<vmem>>
        %dma_start3A_353 = tpu.memref_squeeze %dma_start3A_352 : memref<1x128xi32, #tpu.memory_space<vmem>> -> memref<128xi32, #tpu.memory_space<vmem>>
        %dma_start3A_354 = arith.constant 0 : i32
        %dma_start3A_355 = arith.constant 0 : i32
        %dma_start3A_356 = tpu.memref_slice %arg2[%dma_start3A_354, %dma_start3A_355] : memref<1000000x128xf32, #tpu.memory_space<hbm>> -> memref<1000000x128xf32, #tpu.memory_space<hbm>>
        tpu.enqueue_indirect_dma source(%dma_start3A_356 : memref<1000000x128xf32, #tpu.memory_space<hbm>>) target(%dma_start3A_350 : memref<128x128xf32, #tpu.memory_space<vmem>>) offsets(%dma_start3A_353 : memref<128xi32, #tpu.memory_space<vmem>>) semaphore(%arg7 : memref<!tpu.dma_semaphore, #tpu.memory_space<semaphore_mem>>)
      } else {
      }
      %mul3A_244 = arith.constant 5 : i32
      %mul3A_245 = arith.muli %scan3A_67, %mul3A_244 : i32
      %add3A_246 = arith.constant 1 : i32
      %add3A_247 = arith.addi %mul3A_245, %add3A_246 : i32
      %mul3A_248 = arith.constant 128 : i32
      %mul3A_249 = arith.muli %add3A_247, %mul3A_248 : i32
      %add3A_250 = arith.addi %mul3A_2, %mul3A_249 : i32
      %dma_wait3A_251 = arith.constant 1 : i32
      %dma_wait3A_252 = arith.constant 0 : i32
      %dma_wait3A_253 = arith.constant 0 : i32
      %dma_wait3A_254 = tpu.memref_slice %arg6[%dma_wait3A_251, %dma_wait3A_252, %dma_wait3A_253] : memref<5x128x128xf32, #tpu.memory_space<vmem>> -> memref<1x128x128xf32, #tpu.memory_space<vmem>>
      %dma_wait3A_255 = tpu.memref_squeeze %dma_wait3A_254 : memref<1x128x128xf32, #tpu.memory_space<vmem>> -> memref<128x128xf32, #tpu.memory_space<vmem>>
      %dma_wait3A_256 = arith.constant 0 : i32
      %dma_wait3A_257 = tpu.memref_slice %arg4[%add3A_250, %dma_wait3A_256] : memref<163840x128xf32, #tpu.memory_space<hbm>> -> memref<128x128xf32, #tpu.memory_space<hbm>>
      %dma_wait3A_258 = arith.constant 0 : i32
      %dma_wait3A_259 = tpu.memref_slice %arg4[%add3A_250, %dma_wait3A_258] : memref<163840x128xf32, #tpu.memory_space<hbm>> -> memref<128x128xf32, #tpu.memory_space<hbm>>
      %dma_wait3A_260 = arith.constant 0 : i32
      %dma_wait3A_261 = arith.constant 0 : i32
      %dma_wait3A_262 = tpu.memref_slice %arg6[%dma_wait3A_251, %dma_wait3A_260, %dma_wait3A_261] : memref<5x128x128xf32, #tpu.memory_space<vmem>> -> memref<1x128x128xf32, #tpu.memory_space<vmem>>
      %dma_wait3A_263 = tpu.memref_squeeze %dma_wait3A_262 : memref<1x128x128xf32, #tpu.memory_space<vmem>> -> memref<128x128xf32, #tpu.memory_space<vmem>>
      tpu.wait_dma2 semaphore(%arg13 : memref<!tpu.dma_semaphore, #tpu.memory_space<semaphore_mem>>) src(%dma_wait3A_263 : memref<128x128xf32, #tpu.memory_space<vmem>>) dst(%dma_wait3A_259 : memref<128x128xf32, #tpu.memory_space<hbm>>)
      %lt3A_264 = arith.constant 7 : i32
      %lt3A_265 = arith.cmpi slt, %scan3A_67, %lt3A_264 : i32
      %convert_element_type3A_266 = arith.extui %lt3A_265 : i1 to i32
      %cond3A_267 = arith.constant 0 : i32
      %cond3A_268 = arith.cmpi ne, %convert_element_type3A_266, %cond3A_267 : i32
      scf.if %cond3A_268 {
        %add3A_344 = arith.constant 5 : i32
        %add3A_345 = arith.addi %add3A_247, %add3A_344 : i32
        %dma_start3A_346 = arith.constant 1 : i32
        %dma_start3A_347 = arith.constant 0 : i32
        %dma_start3A_348 = arith.constant 0 : i32
        %dma_start3A_349 = tpu.memref_slice %arg6[%dma_start3A_346, %dma_start3A_347, %dma_start3A_348] : memref<5x128x128xf32, #tpu.memory_space<vmem>> -> memref<1x128x128xf32, #tpu.memory_space<vmem>>
        %dma_start3A_350 = tpu.memref_squeeze %dma_start3A_349 : memref<1x128x128xf32, #tpu.memory_space<vmem>> -> memref<128x128xf32, #tpu.memory_space<vmem>>
        %dma_start3A_351 = arith.constant 0 : i32
        %dma_start3A_352 = tpu.memref_slice %arg5[%add3A_345, %dma_start3A_351] : memref<40x128xi32, #tpu.memory_space<vmem>> -> memref<1x128xi32, #tpu.memory_space<vmem>>
        %dma_start3A_353 = tpu.memref_squeeze %dma_start3A_352 : memref<1x128xi32, #tpu.memory_space<vmem>> -> memref<128xi32, #tpu.memory_space<vmem>>
        %dma_start3A_354 = arith.constant 0 : i32
        %dma_start3A_355 = arith.constant 0 : i32
        %dma_start3A_356 = tpu.memref_slice %arg2[%dma_start3A_354, %dma_start3A_355] : memref<1000000x128xf32, #tpu.memory_space<hbm>> -> memref<1000000x128xf32, #tpu.memory_space<hbm>>
        tpu.enqueue_indirect_dma source(%dma_start3A_356 : memref<1000000x128xf32, #tpu.memory_space<hbm>>) target(%dma_start3A_350 : memref<128x128xf32, #tpu.memory_space<vmem>>) offsets(%dma_start3A_353 : memref<128xi32, #tpu.memory_space<vmem>>) semaphore(%arg8 : memref<!tpu.dma_semaphore, #tpu.memory_space<semaphore_mem>>)
      } else {
      }
      %mul3A_269 = arith.constant 5 : i32
      %mul3A_270 = arith.muli %scan3A_67, %mul3A_269 : i32
      %add3A_271 = arith.constant 2 : i32
      %add3A_272 = arith.addi %mul3A_270, %add3A_271 : i32
      %mul3A_273 = arith.constant 128 : i32
      %mul3A_274 = arith.muli %add3A_272, %mul3A_273 : i32
      %add3A_275 = arith.addi %mul3A_2, %mul3A_274 : i32
      %dma_wait3A_276 = arith.constant 2 : i32
      %dma_wait3A_277 = arith.constant 0 : i32
      %dma_wait3A_278 = arith.constant 0 : i32
      %dma_wait3A_279 = tpu.memref_slice %arg6[%dma_wait3A_276, %dma_wait3A_277, %dma_wait3A_278] : memref<5x128x128xf32, #tpu.memory_space<vmem>> -> memref<1x128x128xf32, #tpu.memory_space<vmem>>
      %dma_wait3A_280 = tpu.memref_squeeze %dma_wait3A_279 : memref<1x128x128xf32, #tpu.memory_space<vmem>> -> memref<128x128xf32, #tpu.memory_space<vmem>>
      %dma_wait3A_281 = arith.constant 0 : i32
      %dma_wait3A_282 = tpu.memref_slice %arg4[%add3A_275, %dma_wait3A_281] : memref<163840x128xf32, #tpu.memory_space<hbm>> -> memref<128x128xf32, #tpu.memory_space<hbm>>
      %dma_wait3A_283 = arith.constant 0 : i32
      %dma_wait3A_284 = tpu.memref_slice %arg4[%add3A_275, %dma_wait3A_283] : memref<163840x128xf32, #tpu.memory_space<hbm>> -> memref<128x128xf32, #tpu.memory_space<hbm>>
      %dma_wait3A_285 = arith.constant 0 : i32
      %dma_wait3A_286 = arith.constant 0 : i32
      %dma_wait3A_287 = tpu.memref_slice %arg6[%dma_wait3A_276, %dma_wait3A_285, %dma_wait3A_286] : memref<5x128x128xf32, #tpu.memory_space<vmem>> -> memref<1x128x128xf32, #tpu.memory_space<vmem>>
      %dma_wait3A_288 = tpu.memref_squeeze %dma_wait3A_287 : memref<1x128x128xf32, #tpu.memory_space<vmem>> -> memref<128x128xf32, #tpu.memory_space<vmem>>
      tpu.wait_dma2 semaphore(%arg14 : memref<!tpu.dma_semaphore, #tpu.memory_space<semaphore_mem>>) src(%dma_wait3A_288 : memref<128x128xf32, #tpu.memory_space<vmem>>) dst(%dma_wait3A_284 : memref<128x128xf32, #tpu.memory_space<hbm>>)
      %lt3A_289 = arith.constant 7 : i32
      %lt3A_290 = arith.cmpi slt, %scan3A_67, %lt3A_289 : i32
      %convert_element_type3A_291 = arith.extui %lt3A_290 : i1 to i32
      %cond3A_292 = arith.constant 0 : i32
      %cond3A_293 = arith.cmpi ne, %convert_element_type3A_291, %cond3A_292 : i32
      scf.if %cond3A_293 {
        %add3A_344 = arith.constant 5 : i32
        %add3A_345 = arith.addi %add3A_272, %add3A_344 : i32
        %dma_start3A_346 = arith.constant 2 : i32
        %dma_start3A_347 = arith.constant 0 : i32
        %dma_start3A_348 = arith.constant 0 : i32
        %dma_start3A_349 = tpu.memref_slice %arg6[%dma_start3A_346, %dma_start3A_347, %dma_start3A_348] : memref<5x128x128xf32, #tpu.memory_space<vmem>> -> memref<1x128x128xf32, #tpu.memory_space<vmem>>
        %dma_start3A_350 = tpu.memref_squeeze %dma_start3A_349 : memref<1x128x128xf32, #tpu.memory_space<vmem>> -> memref<128x128xf32, #tpu.memory_space<vmem>>
        %dma_start3A_351 = arith.constant 0 : i32
        %dma_start3A_352 = tpu.memref_slice %arg5[%add3A_345, %dma_start3A_351] : memref<40x128xi32, #tpu.memory_space<vmem>> -> memref<1x128xi32, #tpu.memory_space<vmem>>
        %dma_start3A_353 = tpu.memref_squeeze %dma_start3A_352 : memref<1x128xi32, #tpu.memory_space<vmem>> -> memref<128xi32, #tpu.memory_space<vmem>>
        %dma_start3A_354 = arith.constant 0 : i32
        %dma_start3A_355 = arith.constant 0 : i32
        %dma_start3A_356 = tpu.memref_slice %arg2[%dma_start3A_354, %dma_start3A_355] : memref<1000000x128xf32, #tpu.memory_space<hbm>> -> memref<1000000x128xf32, #tpu.memory_space<hbm>>
        tpu.enqueue_indirect_dma source(%dma_start3A_356 : memref<1000000x128xf32, #tpu.memory_space<hbm>>) target(%dma_start3A_350 : memref<128x128xf32, #tpu.memory_space<vmem>>) offsets(%dma_start3A_353 : memref<128xi32, #tpu.memory_space<vmem>>) semaphore(%arg9 : memref<!tpu.dma_semaphore, #tpu.memory_space<semaphore_mem>>)
      } else {
      }
      %mul3A_294 = arith.constant 5 : i32
      %mul3A_295 = arith.muli %scan3A_67, %mul3A_294 : i32
      %add3A_296 = arith.constant 3 : i32
      %add3A_297 = arith.addi %mul3A_295, %add3A_296 : i32
      %mul3A_298 = arith.constant 128 : i32
      %mul3A_299 = arith.muli %add3A_297, %mul3A_298 : i32
      %add3A_300 = arith.addi %mul3A_2, %mul3A_299 : i32
      %dma_wait3A_301 = arith.constant 3 : i32
      %dma_wait3A_302 = arith.constant 0 : i32
      %dma_wait3A_303 = arith.constant 0 : i32
      %dma_wait3A_304 = tpu.memref_slice %arg6[%dma_wait3A_301, %dma_wait3A_302, %dma_wait3A_303] : memref<5x128x128xf32, #tpu.memory_space<vmem>> -> memref<1x128x128xf32, #tpu.memory_space<vmem>>
      %dma_wait3A_305 = tpu.memref_squeeze %dma_wait3A_304 : memref<1x128x128xf32, #tpu.memory_space<vmem>> -> memref<128x128xf32, #tpu.memory_space<vmem>>
      %dma_wait3A_306 = arith.constant 0 : i32
      %dma_wait3A_307 = tpu.memref_slice %arg4[%add3A_300, %dma_wait3A_306] : memref<163840x128xf32, #tpu.memory_space<hbm>> -> memref<128x128xf32, #tpu.memory_space<hbm>>
      %dma_wait3A_308 = arith.constant 0 : i32
      %dma_wait3A_309 = tpu.memref_slice %arg4[%add3A_300, %dma_wait3A_308] : memref<163840x128xf32, #tpu.memory_space<hbm>> -> memref<128x128xf32, #tpu.memory_space<hbm>>
      %dma_wait3A_310 = arith.constant 0 : i32
      %dma_wait3A_311 = arith.constant 0 : i32
      %dma_wait3A_312 = tpu.memref_slice %arg6[%dma_wait3A_301, %dma_wait3A_310, %dma_wait3A_311] : memref<5x128x128xf32, #tpu.memory_space<vmem>> -> memref<1x128x128xf32, #tpu.memory_space<vmem>>
      %dma_wait3A_313 = tpu.memref_squeeze %dma_wait3A_312 : memref<1x128x128xf32, #tpu.memory_space<vmem>> -> memref<128x128xf32, #tpu.memory_space<vmem>>
      tpu.wait_dma2 semaphore(%arg15 : memref<!tpu.dma_semaphore, #tpu.memory_space<semaphore_mem>>) src(%dma_wait3A_313 : memref<128x128xf32, #tpu.memory_space<vmem>>) dst(%dma_wait3A_309 : memref<128x128xf32, #tpu.memory_space<hbm>>)
      %lt3A_314 = arith.constant 7 : i32
      %lt3A_315 = arith.cmpi slt, %scan3A_67, %lt3A_314 : i32
      %convert_element_type3A_316 = arith.extui %lt3A_315 : i1 to i32
      %cond3A_317 = arith.constant 0 : i32
      %cond3A_318 = arith.cmpi ne, %convert_element_type3A_316, %cond3A_317 : i32
      scf.if %cond3A_318 {
        %add3A_344 = arith.constant 5 : i32
        %add3A_345 = arith.addi %add3A_297, %add3A_344 : i32
        %dma_start3A_346 = arith.constant 3 : i32
        %dma_start3A_347 = arith.constant 0 : i32
        %dma_start3A_348 = arith.constant 0 : i32
        %dma_start3A_349 = tpu.memref_slice %arg6[%dma_start3A_346, %dma_start3A_347, %dma_start3A_348] : memref<5x128x128xf32, #tpu.memory_space<vmem>> -> memref<1x128x128xf32, #tpu.memory_space<vmem>>
        %dma_start3A_350 = tpu.memref_squeeze %dma_start3A_349 : memref<1x128x128xf32, #tpu.memory_space<vmem>> -> memref<128x128xf32, #tpu.memory_space<vmem>>
        %dma_start3A_351 = arith.constant 0 : i32
        %dma_start3A_352 = tpu.memref_slice %arg5[%add3A_345, %dma_start3A_351] : memref<40x128xi32, #tpu.memory_space<vmem>> -> memref<1x128xi32, #tpu.memory_space<vmem>>
        %dma_start3A_353 = tpu.memref_squeeze %dma_start3A_352 : memref<1x128xi32, #tpu.memory_space<vmem>> -> memref<128xi32, #tpu.memory_space<vmem>>
        %dma_start3A_354 = arith.constant 0 : i32
        %dma_start3A_355 = arith.constant 0 : i32
        %dma_start3A_356 = tpu.memref_slice %arg2[%dma_start3A_354, %dma_start3A_355] : memref<1000000x128xf32, #tpu.memory_space<hbm>> -> memref<1000000x128xf32, #tpu.memory_space<hbm>>
        tpu.enqueue_indirect_dma source(%dma_start3A_356 : memref<1000000x128xf32, #tpu.memory_space<hbm>>) target(%dma_start3A_350 : memref<128x128xf32, #tpu.memory_space<vmem>>) offsets(%dma_start3A_353 : memref<128xi32, #tpu.memory_space<vmem>>) semaphore(%arg10 : memref<!tpu.dma_semaphore, #tpu.memory_space<semaphore_mem>>)
      } else {
      }
      %mul3A_319 = arith.constant 5 : i32
      %mul3A_320 = arith.muli %scan3A_67, %mul3A_319 : i32
      %add3A_321 = arith.constant 4 : i32
      %add3A_322 = arith.addi %mul3A_320, %add3A_321 : i32
      %mul3A_323 = arith.constant 128 : i32
      %mul3A_324 = arith.muli %add3A_322, %mul3A_323 : i32
      %add3A_325 = arith.addi %mul3A_2, %mul3A_324 : i32
      %dma_wait3A_326 = arith.constant 4 : i32
      %dma_wait3A_327 = arith.constant 0 : i32
      %dma_wait3A_328 = arith.constant 0 : i32
      %dma_wait3A_329 = tpu.memref_slice %arg6[%dma_wait3A_326, %dma_wait3A_327, %dma_wait3A_328] : memref<5x128x128xf32, #tpu.memory_space<vmem>> -> memref<1x128x128xf32, #tpu.memory_space<vmem>>
      %dma_wait3A_330 = tpu.memref_squeeze %dma_wait3A_329 : memref<1x128x128xf32, #tpu.memory_space<vmem>> -> memref<128x128xf32, #tpu.memory_space<vmem>>
      %dma_wait3A_331 = arith.constant 0 : i32
      %dma_wait3A_332 = tpu.memref_slice %arg4[%add3A_325, %dma_wait3A_331] : memref<163840x128xf32, #tpu.memory_space<hbm>> -> memref<128x128xf32, #tpu.memory_space<hbm>>
      %dma_wait3A_333 = arith.constant 0 : i32
      %dma_wait3A_334 = tpu.memref_slice %arg4[%add3A_325, %dma_wait3A_333] : memref<163840x128xf32, #tpu.memory_space<hbm>> -> memref<128x128xf32, #tpu.memory_space<hbm>>
      %dma_wait3A_335 = arith.constant 0 : i32
      %dma_wait3A_336 = arith.constant 0 : i32
      %dma_wait3A_337 = tpu.memref_slice %arg6[%dma_wait3A_326, %dma_wait3A_335, %dma_wait3A_336] : memref<5x128x128xf32, #tpu.memory_space<vmem>> -> memref<1x128x128xf32, #tpu.memory_space<vmem>>
      %dma_wait3A_338 = tpu.memref_squeeze %dma_wait3A_337 : memref<1x128x128xf32, #tpu.memory_space<vmem>> -> memref<128x128xf32, #tpu.memory_space<vmem>>
      tpu.wait_dma2 semaphore(%arg16 : memref<!tpu.dma_semaphore, #tpu.memory_space<semaphore_mem>>) src(%dma_wait3A_338 : memref<128x128xf32, #tpu.memory_space<vmem>>) dst(%dma_wait3A_334 : memref<128x128xf32, #tpu.memory_space<hbm>>)
      %lt3A_339 = arith.constant 7 : i32
      %lt3A_340 = arith.cmpi slt, %scan3A_67, %lt3A_339 : i32
      %convert_element_type3A_341 = arith.extui %lt3A_340 : i1 to i32
      %cond3A_342 = arith.constant 0 : i32
      %cond3A_343 = arith.cmpi ne, %convert_element_type3A_341, %cond3A_342 : i32
      scf.if %cond3A_343 {
        %add3A_344 = arith.constant 5 : i32
        %add3A_345 = arith.addi %add3A_322, %add3A_344 : i32
        %dma_start3A_346 = arith.constant 4 : i32
        %dma_start3A_347 = arith.constant 0 : i32
        %dma_start3A_348 = arith.constant 0 : i32
        %dma_start3A_349 = tpu.memref_slice %arg6[%dma_start3A_346, %dma_start3A_347, %dma_start3A_348] : memref<5x128x128xf32, #tpu.memory_space<vmem>> -> memref<1x128x128xf32, #tpu.memory_space<vmem>>
        %dma_start3A_350 = tpu.memref_squeeze %dma_start3A_349 : memref<1x128x128xf32, #tpu.memory_space<vmem>> -> memref<128x128xf32, #tpu.memory_space<vmem>>
        %dma_start3A_351 = arith.constant 0 : i32
        %dma_start3A_352 = tpu.memref_slice %arg5[%add3A_345, %dma_start3A_351] : memref<40x128xi32, #tpu.memory_space<vmem>> -> memref<1x128xi32, #tpu.memory_space<vmem>>
        %dma_start3A_353 = tpu.memref_squeeze %dma_start3A_352 : memref<1x128xi32, #tpu.memory_space<vmem>> -> memref<128xi32, #tpu.memory_space<vmem>>
        %dma_start3A_354 = arith.constant 0 : i32
        %dma_start3A_355 = arith.constant 0 : i32
        %dma_start3A_356 = tpu.memref_slice %arg2[%dma_start3A_354, %dma_start3A_355] : memref<1000000x128xf32, #tpu.memory_space<hbm>> -> memref<1000000x128xf32, #tpu.memory_space<hbm>>
        tpu.enqueue_indirect_dma source(%dma_start3A_356 : memref<1000000x128xf32, #tpu.memory_space<hbm>>) target(%dma_start3A_350 : memref<128x128xf32, #tpu.memory_space<vmem>>) offsets(%dma_start3A_353 : memref<128xi32, #tpu.memory_space<vmem>>) semaphore(%arg11 : memref<!tpu.dma_semaphore, #tpu.memory_space<semaphore_mem>>)
      } else {
      }
    }
    %scan3A_66 = arith.constant 8 : i32
    return
  }
}

#map = affine_map<(d0, d1) -> (0, 0)>
#map1 = affine_map<(d0, d1) -> (0, 0, 0)>
module attributes {stable_mosaic.version = 14 : i64} {
  func.func @gather_k(%arg0: i32, %arg1: i32, %arg2: memref<1000000x128xf32, #tpu.memory_space<hbm>>, %arg3: memref<32x40x128xi32, #tpu.memory_space<hbm>>, %arg4: memref<163840x128xf32, #tpu.memory_space<hbm>>, %arg5: memref<40x128xi32, #tpu.memory_space<vmem>>, %arg6: memref<5x128x128xf32, #tpu.memory_space<vmem>>, %arg7: memref<!tpu.dma_semaphore, #tpu.memory_space<semaphore_mem>>, %arg8: memref<!tpu.dma_semaphore, #tpu.memory_space<semaphore_mem>>, %arg9: memref<!tpu.dma_semaphore, #tpu.memory_space<semaphore_mem>>, %arg10: memref<!tpu.dma_semaphore, #tpu.memory_space<semaphore_mem>>, %arg11: memref<!tpu.dma_semaphore, #tpu.memory_space<semaphore_mem>>, %arg12: memref<!tpu.dma_semaphore, #tpu.memory_space<semaphore_mem>>, %arg13: memref<!tpu.dma_semaphore, #tpu.memory_space<semaphore_mem>>, %arg14: memref<!tpu.dma_semaphore, #tpu.memory_space<semaphore_mem>>, %arg15: memref<!tpu.dma_semaphore, #tpu.memory_space<semaphore_mem>>, %arg16: memref<!tpu.dma_semaphore, #tpu.memory_space<semaphore_mem>>) attributes {dimension_semantics = [#tpu.dimension_semantics<core_parallel>, #tpu.dimension_semantics<subcore_parallel>], iteration_bounds = array<i64: 2, 16>, scalar_prefetch = 0 : i64, scratch_operands = 12 : i64, tpu.core_type = #tpu.core_type<sc_vector_subcore>, window_params = [{transform_indices = #map}, {transform_indices = #map1}, {transform_indices = #map}]} {
    %mul3A = arith.constant 2 : i32
    %mul3A_0 = arith.muli %arg1, %mul3A : i32
    %add3A = arith.addi %mul3A_0, %arg0 : i32
    %mul3A_1 = arith.constant 5120 : i32
    %mul3A_2 = arith.muli %add3A, %mul3A_1 : i32
    "tpu.region"() ({
      %run_scoped3A = tpu.sem_alloc : memref<!tpu.dma_semaphore, #tpu.memory_space<semaphore_mem>>
      %dma_start3A_67 = arith.constant 0 : i32
      %dma_start3A_68 = arith.constant 0 : i32
      %dma_start3A_69 = tpu.memref_slice %arg3[%add3A, %dma_start3A_67, %dma_start3A_68] : memref<32x40x128xi32, #tpu.memory_space<hbm>> -> memref<1x40x128xi32, #tpu.memory_space<hbm>>
      %dma_start3A_70 = tpu.memref_squeeze %dma_start3A_69 : memref<1x40x128xi32, #tpu.memory_space<hbm>> -> memref<40x128xi32, #tpu.memory_space<hbm>>
      %dma_start3A_71 = arith.constant 0 : i32
      %dma_start3A_72 = arith.constant 0 : i32
      %dma_start3A_73 = tpu.memref_slice %arg3[%add3A, %dma_start3A_71, %dma_start3A_72] : memref<32x40x128xi32, #tpu.memory_space<hbm>> -> memref<1x40x128xi32, #tpu.memory_space<hbm>>
      %dma_start3A_74 = tpu.memref_squeeze %dma_start3A_73 : memref<1x40x128xi32, #tpu.memory_space<hbm>> -> memref<40x128xi32, #tpu.memory_space<hbm>>
      tpu.enqueue_dma source(%dma_start3A_74 : memref<40x128xi32, #tpu.memory_space<hbm>>) target(%arg5 : memref<40x128xi32, #tpu.memory_space<vmem>>) target_semaphore(%run_scoped3A : memref<!tpu.dma_semaphore, #tpu.memory_space<semaphore_mem>>)
      %dma_wait3A = arith.constant 0 : i32
      %dma_wait3A_75 = arith.constant 0 : i32
      %dma_wait3A_76 = tpu.memref_slice %arg3[%add3A, %dma_wait3A, %dma_wait3A_75] : memref<32x40x128xi32, #tpu.memory_space<hbm>> -> memref<1x40x128xi32, #tpu.memory_space<hbm>>
      %dma_wait3A_77 = tpu.memref_squeeze %dma_wait3A_76 : memref<1x40x128xi32, #tpu.memory_space<hbm>> -> memref<40x128xi32, #tpu.memory_space<hbm>>
      %dma_wait3A_78 = arith.constant 0 : i32
      %dma_wait3A_79 = arith.constant 0 : i32
      %dma_wait3A_80 = tpu.memref_slice %arg3[%add3A, %dma_wait3A_78, %dma_wait3A_79] : memref<32x40x128xi32, #tpu.memory_space<hbm>> -> memref<1x40x128xi32, #tpu.memory_space<hbm>>
      %dma_wait3A_81 = tpu.memref_squeeze %dma_wait3A_80 : memref<1x40x128xi32, #tpu.memory_space<hbm>> -> memref<40x128xi32, #tpu.memory_space<hbm>>
      tpu.wait_dma2 semaphore(%run_scoped3A : memref<!tpu.dma_semaphore, #tpu.memory_space<semaphore_mem>>) src(%dma_wait3A_81 : memref<40x128xi32, #tpu.memory_space<hbm>>) dst(%arg5 : memref<40x128xi32, #tpu.memory_space<vmem>>)
      tpu.yield
    }) : () -> ()
    %dma_start3A = arith.constant 0 : i32
    %dma_start3A_3 = arith.constant 0 : i32
    %dma_start3A_4 = arith.constant 0 : i32
    %dma_start3A_5 = arith.constant 0 : i32
    %dma_start3A_6 = tpu.memref_slice %arg6[%dma_start3A_3, %dma_start3A_4, %dma_start3A_5] : memref<5x128x128xf32, #tpu.memory_space<vmem>> -> memref<1x128x128xf32, #tpu.memory_space<vmem>>
    %dma_start3A_7 = tpu.memref_squeeze %dma_start3A_6 : memref<1x128x128xf32, #tpu.memory_space<vmem>> -> memref<128x128xf32, #tpu.memory_space<vmem>>
    %dma_start3A_8 = arith.constant 0 : i32
    %dma_start3A_9 = tpu.memref_slice %arg5[%dma_start3A, %dma_start3A_8] : memref<40x128xi32, #tpu.memory_space<vmem>> -> memref<1x128xi32, #tpu.memory_space<vmem>>
    %dma_start3A_10 = tpu.memref_squeeze %dma_start3A_9 : memref<1x128xi32, #tpu.memory_space<vmem>> -> memref<128xi32, #tpu.memory_space<vmem>>
    %dma_start3A_11 = arith.constant 0 : i32
    %dma_start3A_12 = arith.constant 0 : i32
    %dma_start3A_13 = tpu.memref_slice %arg2[%dma_start3A_11, %dma_start3A_12] : memref<1000000x128xf32, #tpu.memory_space<hbm>> -> memref<1000000x128xf32, #tpu.memory_space<hbm>>
    tpu.enqueue_indirect_dma source(%dma_start3A_13 : memref<1000000x128xf32, #tpu.memory_space<hbm>>) target(%dma_start3A_7 : memref<128x128xf32, #tpu.memory_space<vmem>>) offsets(%dma_start3A_10 : memref<128xi32, #tpu.memory_space<vmem>>) semaphore(%arg7 : memref<!tpu.dma_semaphore, #tpu.memory_space<semaphore_mem>>)
    %dma_start3A_14 = arith.constant 1 : i32
    %dma_start3A_15 = arith.constant 1 : i32
    %dma_start3A_16 = arith.constant 0 : i32
    %dma_start3A_17 = arith.constant 0 : i32
    %dma_start3A_18 = tpu.memref_slice %arg6[%dma_start3A_15, %dma_start3A_16, %dma_start3A_17] : memref<5x128x128xf32, #tpu.memory_space<vmem>> -> memref<1x128x128xf32, #tpu.memory_space<vmem>>
    %dma_start3A_19 = tpu.memref_squeeze %dma_start3A_18 : memref<1x128x128xf32, #tpu.memory_space<vmem>> -> memref<128x128xf32, #tpu.memory_space<vmem>>
    %dma_start3A_20 = arith.constant 0 : i32
    %dma_start3A_21 = tpu.memref_slice %arg5[%dma_start3A_14, %dma_start3A_20] : memref<40x128xi32, #tpu.memory_space<vmem>> -> memref<1x128xi32, #tpu.memory_space<vmem>>
    %dma_start3A_22 = tpu.memref_squeeze %dma_start3A_21 : memref<1x128xi32, #tpu.memory_space<vmem>> -> memref<128xi32, #tpu.memory_space<vmem>>
    %dma_start3A_23 = arith.constant 0 : i32
    %dma_start3A_24 = arith.constant 0 : i32
    %dma_start3A_25 = tpu.memref_slice %arg2[%dma_start3A_23, %dma_start3A_24] : memref<1000000x128xf32, #tpu.memory_space<hbm>> -> memref<1000000x128xf32, #tpu.memory_space<hbm>>
    tpu.enqueue_indirect_dma source(%dma_start3A_25 : memref<1000000x128xf32, #tpu.memory_space<hbm>>) target(%dma_start3A_19 : memref<128x128xf32, #tpu.memory_space<vmem>>) offsets(%dma_start3A_22 : memref<128xi32, #tpu.memory_space<vmem>>) semaphore(%arg8 : memref<!tpu.dma_semaphore, #tpu.memory_space<semaphore_mem>>)
    %dma_start3A_26 = arith.constant 2 : i32
    %dma_start3A_27 = arith.constant 2 : i32
    %dma_start3A_28 = arith.constant 0 : i32
    %dma_start3A_29 = arith.constant 0 : i32
    %dma_start3A_30 = tpu.memref_slice %arg6[%dma_start3A_27, %dma_start3A_28, %dma_start3A_29] : memref<5x128x128xf32, #tpu.memory_space<vmem>> -> memref<1x128x128xf32, #tpu.memory_space<vmem>>
    %dma_start3A_31 = tpu.memref_squeeze %dma_start3A_30 : memref<1x128x128xf32, #tpu.memory_space<vmem>> -> memref<128x128xf32, #tpu.memory_space<vmem>>
    %dma_start3A_32 = arith.constant 0 : i32
    %dma_start3A_33 = tpu.memref_slice %arg5[%dma_start3A_26, %dma_start3A_32] : memref<40x128xi32, #tpu.memory_space<vmem>> -> memref<1x128xi32, #tpu.memory_space<vmem>>
    %dma_start3A_34 = tpu.memref_squeeze %dma_start3A_33 : memref<1x128xi32, #tpu.memory_space<vmem>> -> memref<128xi32, #tpu.memory_space<vmem>>
    %dma_start3A_35 = arith.constant 0 : i32
    %dma_start3A_36 = arith.constant 0 : i32
    %dma_start3A_37 = tpu.memref_slice %arg2[%dma_start3A_35, %dma_start3A_36] : memref<1000000x128xf32, #tpu.memory_space<hbm>> -> memref<1000000x128xf32, #tpu.memory_space<hbm>>
    tpu.enqueue_indirect_dma source(%dma_start3A_37 : memref<1000000x128xf32, #tpu.memory_space<hbm>>) target(%dma_start3A_31 : memref<128x128xf32, #tpu.memory_space<vmem>>) offsets(%dma_start3A_34 : memref<128xi32, #tpu.memory_space<vmem>>) semaphore(%arg9 : memref<!tpu.dma_semaphore, #tpu.memory_space<semaphore_mem>>)
    %dma_start3A_38 = arith.constant 3 : i32
    %dma_start3A_39 = arith.constant 3 : i32
    %dma_start3A_40 = arith.constant 0 : i32
    %dma_start3A_41 = arith.constant 0 : i32
    %dma_start3A_42 = tpu.memref_slice %arg6[%dma_start3A_39, %dma_start3A_40, %dma_start3A_41] : memref<5x128x128xf32, #tpu.memory_space<vmem>> -> memref<1x128x128xf32, #tpu.memory_space<vmem>>
    %dma_start3A_43 = tpu.memref_squeeze %dma_start3A_42 : memref<1x128x128xf32, #tpu.memory_space<vmem>> -> memref<128x128xf32, #tpu.memory_space<vmem>>
    %dma_start3A_44 = arith.constant 0 : i32
    %dma_start3A_45 = tpu.memref_slice %arg5[%dma_start3A_38, %dma_start3A_44] : memref<40x128xi32, #tpu.memory_space<vmem>> -> memref<1x128xi32, #tpu.memory_space<vmem>>
    %dma_start3A_46 = tpu.memref_squeeze %dma_start3A_45 : memref<1x128xi32, #tpu.memory_space<vmem>> -> memref<128xi32, #tpu.memory_space<vmem>>
    %dma_start3A_47 = arith.constant 0 : i32
    %dma_start3A_48 = arith.constant 0 : i32
    %dma_start3A_49 = tpu.memref_slice %arg2[%dma_start3A_47, %dma_start3A_48] : memref<1000000x128xf32, #tpu.memory_space<hbm>> -> memref<1000000x128xf32, #tpu.memory_space<hbm>>
    tpu.enqueue_indirect_dma source(%dma_start3A_49 : memref<1000000x128xf32, #tpu.memory_space<hbm>>) target(%dma_start3A_43 : memref<128x128xf32, #tpu.memory_space<vmem>>) offsets(%dma_start3A_46 : memref<128xi32, #tpu.memory_space<vmem>>) semaphore(%arg10 : memref<!tpu.dma_semaphore, #tpu.memory_space<semaphore_mem>>)
    %dma_start3A_50 = arith.constant 4 : i32
    %dma_start3A_51 = arith.constant 4 : i32
    %dma_start3A_52 = arith.constant 0 : i32
    %dma_start3A_53 = arith.constant 0 : i32
    %dma_start3A_54 = tpu.memref_slice %arg6[%dma_start3A_51, %dma_start3A_52, %dma_start3A_53] : memref<5x128x128xf32, #tpu.memory_space<vmem>> -> memref<1x128x128xf32, #tpu.memory_space<vmem>>
    %dma_start3A_55 = tpu.memref_squeeze %dma_start3A_54 : memref<1x128x128xf32, #tpu.memory_space<vmem>> -> memref<128x128xf32, #tpu.memory_space<vmem>>
    %dma_start3A_56 = arith.constant 0 : i32
    %dma_start3A_57 = tpu.memref_slice %arg5[%dma_start3A_50, %dma_start3A_56] : memref<40x128xi32, #tpu.memory_space<vmem>> -> memref<1x128xi32, #tpu.memory_space<vmem>>
    %dma_start3A_58 = tpu.memref_squeeze %dma_start3A_57 : memref<1x128xi32, #tpu.memory_space<vmem>> -> memref<128xi32, #tpu.memory_space<vmem>>
    %dma_start3A_59 = arith.constant 0 : i32
    %dma_start3A_60 = arith.constant 0 : i32
    %dma_start3A_61 = tpu.memref_slice %arg2[%dma_start3A_59, %dma_start3A_60] : memref<1000000x128xf32, #tpu.memory_space<hbm>> -> memref<1000000x128xf32, #tpu.memory_space<hbm>>
    tpu.enqueue_indirect_dma source(%dma_start3A_61 : memref<1000000x128xf32, #tpu.memory_space<hbm>>) target(%dma_start3A_55 : memref<128x128xf32, #tpu.memory_space<vmem>>) offsets(%dma_start3A_58 : memref<128xi32, #tpu.memory_space<vmem>>) semaphore(%arg11 : memref<!tpu.dma_semaphore, #tpu.memory_space<semaphore_mem>>)
    %scan3A = arith.constant 0 : i32
    %scan3A_62 = arith.constant 0 : i32
    %scan3A_63 = arith.constant 8 : i32
    %scan3A_64 = arith.addi %scan3A_62, %scan3A_63 : i32
    %scan3A_65 = arith.constant 1 : i32
    scf.for %scan3A_67 = %scan3A_62 to %scan3A_64 step %scan3A_65  : i32 {
      %mul3A_68 = arith.constant 5 : i32
      %mul3A_69 = arith.muli %scan3A_67, %mul3A_68 : i32
      %add3A_70 = arith.constant 0 : i32
      %add3A_71 = arith.addi %mul3A_69, %add3A_70 : i32
      %dma_wait3A = arith.constant 0 : i32
      %dma_wait3A_72 = arith.constant 0 : i32
      %dma_wait3A_73 = arith.constant 0 : i32
      %dma_wait3A_74 = tpu.memref_slice %arg6[%dma_wait3A, %dma_wait3A_72, %dma_wait3A_73] : memref<5x128x128xf32, #tpu.memory_space<vmem>> -> memref<1x128x128xf32, #tpu.memory_space<vmem>>
      %dma_wait3A_75 = tpu.memref_squeeze %dma_wait3A_74 : memref<1x128x128xf32, #tpu.memory_space<vmem>> -> memref<128x128xf32, #tpu.memory_space<vmem>>
      %dma_wait3A_76 = arith.constant 0 : i32
      %dma_wait3A_77 = tpu.memref_slice %arg5[%add3A_71, %dma_wait3A_76] : memref<40x128xi32, #tpu.memory_space<vmem>> -> memref<1x128xi32, #tpu.memory_space<vmem>>
      %dma_wait3A_78 = tpu.memref_squeeze %dma_wait3A_77 : memref<1x128xi32, #tpu.memory_space<vmem>> -> memref<128xi32, #tpu.memory_space<vmem>>
      %dma_wait3A_79 = arith.constant 0 : i32
      %dma_wait3A_80 = arith.constant 0 : i32
      %dma_wait3A_81 = tpu.memref_slice %arg2[%dma_wait3A_79, %dma_wait3A_80] : memref<1000000x128xf32, #tpu.memory_space<hbm>> -> memref<1000000x128xf32, #tpu.memory_space<hbm>>
      tpu.wait_indirect_dma semaphore(%arg7 : memref<!tpu.dma_semaphore, #tpu.memory_space<semaphore_mem>>) src(%dma_wait3A_81 : memref<1000000x128xf32, #tpu.memory_space<hbm>>) dst(%dma_wait3A_75 : memref<128x128xf32, #tpu.memory_space<vmem>>)
      %mul3A_82 = arith.constant 128 : i32
      %mul3A_83 = arith.muli %add3A_71, %mul3A_82 : i32
      %add3A_84 = arith.addi %mul3A_2, %mul3A_83 : i32
      %dma_start3A_85 = arith.constant 0 : i32
      %dma_start3A_86 = arith.constant 0 : i32
      %dma_start3A_87 = arith.constant 0 : i32
      %dma_start3A_88 = tpu.memref_slice %arg6[%dma_start3A_85, %dma_start3A_86, %dma_start3A_87] : memref<5x128x128xf32, #tpu.memory_space<vmem>> -> memref<1x128x128xf32, #tpu.memory_space<vmem>>
      %dma_start3A_89 = tpu.memref_squeeze %dma_start3A_88 : memref<1x128x128xf32, #tpu.memory_space<vmem>> -> memref<128x128xf32, #tpu.memory_space<vmem>>
      %dma_start3A_90 = arith.constant 0 : i32
      %dma_start3A_91 = tpu.memref_slice %arg4[%add3A_84, %dma_start3A_90] : memref<163840x128xf32, #tpu.memory_space<hbm>> -> memref<128x128xf32, #tpu.memory_space<hbm>>
      %dma_start3A_92 = arith.constant 0 : i32
      %dma_start3A_93 = tpu.memref_slice %arg4[%add3A_84, %dma_start3A_92] : memref<163840x128xf32, #tpu.memory_space<hbm>> -> memref<128x128xf32, #tpu.memory_space<hbm>>
      %dma_start3A_94 = arith.constant 0 : i32
      %dma_start3A_95 = arith.constant 0 : i32
      %dma_start3A_96 = tpu.memref_slice %arg6[%dma_start3A_85, %dma_start3A_94, %dma_start3A_95] : memref<5x128x128xf32, #tpu.memory_space<vmem>> -> memref<1x128x128xf32, #tpu.memory_space<vmem>>
      %dma_start3A_97 = tpu.memref_squeeze %dma_start3A_96 : memref<1x128x128xf32, #tpu.memory_space<vmem>> -> memref<128x128xf32, #tpu.memory_space<vmem>>
      tpu.enqueue_dma source(%dma_start3A_97 : memref<128x128xf32, #tpu.memory_space<vmem>>) target(%dma_start3A_93 : memref<128x128xf32, #tpu.memory_space<hbm>>) target_semaphore(%arg12 : memref<!tpu.dma_semaphore, #tpu.memory_space<semaphore_mem>>)
      %mul3A_98 = arith.constant 5 : i32
      %mul3A_99 = arith.muli %scan3A_67, %mul3A_98 : i32
      %add3A_100 = arith.constant 1 : i32
      %add3A_101 = arith.addi %mul3A_99, %add3A_100 : i32
      %dma_wait3A_102 = arith.constant 1 : i32
      %dma_wait3A_103 = arith.constant 0 : i32
      %dma_wait3A_104 = arith.constant 0 : i32
      %dma_wait3A_105 = tpu.memref_slice %arg6[%dma_wait3A_102, %dma_wait3A_103, %dma_wait3A_104] : memref<5x128x128xf32, #tpu.memory_space<vmem>> -> memref<1x128x128xf32, #tpu.memory_space<vmem>>
      %dma_wait3A_106 = tpu.memref_squeeze %dma_wait3A_105 : memref<1x128x128xf32, #tpu.memory_space<vmem>> -> memref<128x128xf32, #tpu.memory_space<vmem>>
      %dma_wait3A_107 = arith.constant 0 : i32
      %dma_wait3A_108 = tpu.memref_slice %arg5[%add3A_101, %dma_wait3A_107] : memref<40x128xi32, #tpu.memory_space<vmem>> -> memref<1x128xi32, #tpu.memory_space<vmem>>
      %dma_wait3A_109 = tpu.memref_squeeze %dma_wait3A_108 : memref<1x128xi32, #tpu.memory_space<vmem>> -> memref<128xi32, #tpu.memory_space<vmem>>
      %dma_wait3A_110 = arith.constant 0 : i32
      %dma_wait3A_111 = arith.constant 0 : i32
      %dma_wait3A_112 = tpu.memref_slice %arg2[%dma_wait3A_110, %dma_wait3A_111] : memref<1000000x128xf32, #tpu.memory_space<hbm>> -> memref<1000000x128xf32, #tpu.memory_space<hbm>>
      tpu.wait_indirect_dma semaphore(%arg8 : memref<!tpu.dma_semaphore, #tpu.memory_space<semaphore_mem>>) src(%dma_wait3A_112 : memref<1000000x128xf32, #tpu.memory_space<hbm>>) dst(%dma_wait3A_106 : memref<128x128xf32, #tpu.memory_space<vmem>>)
      %mul3A_113 = arith.constant 128 : i32
      %mul3A_114 = arith.muli %add3A_101, %mul3A_113 : i32
      %add3A_115 = arith.addi %mul3A_2, %mul3A_114 : i32
      %dma_start3A_116 = arith.constant 1 : i32
      %dma_start3A_117 = arith.constant 0 : i32
      %dma_start3A_118 = arith.constant 0 : i32
      %dma_start3A_119 = tpu.memref_slice %arg6[%dma_start3A_116, %dma_start3A_117, %dma_start3A_118] : memref<5x128x128xf32, #tpu.memory_space<vmem>> -> memref<1x128x128xf32, #tpu.memory_space<vmem>>
      %dma_start3A_120 = tpu.memref_squeeze %dma_start3A_119 : memref<1x128x128xf32, #tpu.memory_space<vmem>> -> memref<128x128xf32, #tpu.memory_space<vmem>>
      %dma_start3A_121 = arith.constant 0 : i32
      %dma_start3A_122 = tpu.memref_slice %arg4[%add3A_115, %dma_start3A_121] : memref<163840x128xf32, #tpu.memory_space<hbm>> -> memref<128x128xf32, #tpu.memory_space<hbm>>
      %dma_start3A_123 = arith.constant 0 : i32
      %dma_start3A_124 = tpu.memref_slice %arg4[%add3A_115, %dma_start3A_123] : memref<163840x128xf32, #tpu.memory_space<hbm>> -> memref<128x128xf32, #tpu.memory_space<hbm>>
      %dma_start3A_125 = arith.constant 0 : i32
      %dma_start3A_126 = arith.constant 0 : i32
      %dma_start3A_127 = tpu.memref_slice %arg6[%dma_start3A_116, %dma_start3A_125, %dma_start3A_126] : memref<5x128x128xf32, #tpu.memory_space<vmem>> -> memref<1x128x128xf32, #tpu.memory_space<vmem>>
      %dma_start3A_128 = tpu.memref_squeeze %dma_start3A_127 : memref<1x128x128xf32, #tpu.memory_space<vmem>> -> memref<128x128xf32, #tpu.memory_space<vmem>>
      tpu.enqueue_dma source(%dma_start3A_128 : memref<128x128xf32, #tpu.memory_space<vmem>>) target(%dma_start3A_124 : memref<128x128xf32, #tpu.memory_space<hbm>>) target_semaphore(%arg13 : memref<!tpu.dma_semaphore, #tpu.memory_space<semaphore_mem>>)
      %mul3A_129 = arith.constant 5 : i32
      %mul3A_130 = arith.muli %scan3A_67, %mul3A_129 : i32
      %add3A_131 = arith.constant 2 : i32
      %add3A_132 = arith.addi %mul3A_130, %add3A_131 : i32
      %dma_wait3A_133 = arith.constant 2 : i32
      %dma_wait3A_134 = arith.constant 0 : i32
      %dma_wait3A_135 = arith.constant 0 : i32
      %dma_wait3A_136 = tpu.memref_slice %arg6[%dma_wait3A_133, %dma_wait3A_134, %dma_wait3A_135] : memref<5x128x128xf32, #tpu.memory_space<vmem>> -> memref<1x128x128xf32, #tpu.memory_space<vmem>>
      %dma_wait3A_137 = tpu.memref_squeeze %dma_wait3A_136 : memref<1x128x128xf32, #tpu.memory_space<vmem>> -> memref<128x128xf32, #tpu.memory_space<vmem>>
      %dma_wait3A_138 = arith.constant 0 : i32
      %dma_wait3A_139 = tpu.memref_slice %arg5[%add3A_132, %dma_wait3A_138] : memref<40x128xi32, #tpu.memory_space<vmem>> -> memref<1x128xi32, #tpu.memory_space<vmem>>
      %dma_wait3A_140 = tpu.memref_squeeze %dma_wait3A_139 : memref<1x128xi32, #tpu.memory_space<vmem>> -> memref<128xi32, #tpu.memory_space<vmem>>
      %dma_wait3A_141 = arith.constant 0 : i32
      %dma_wait3A_142 = arith.constant 0 : i32
      %dma_wait3A_143 = tpu.memref_slice %arg2[%dma_wait3A_141, %dma_wait3A_142] : memref<1000000x128xf32, #tpu.memory_space<hbm>> -> memref<1000000x128xf32, #tpu.memory_space<hbm>>
      tpu.wait_indirect_dma semaphore(%arg9 : memref<!tpu.dma_semaphore, #tpu.memory_space<semaphore_mem>>) src(%dma_wait3A_143 : memref<1000000x128xf32, #tpu.memory_space<hbm>>) dst(%dma_wait3A_137 : memref<128x128xf32, #tpu.memory_space<vmem>>)
      %mul3A_144 = arith.constant 128 : i32
      %mul3A_145 = arith.muli %add3A_132, %mul3A_144 : i32
      %add3A_146 = arith.addi %mul3A_2, %mul3A_145 : i32
      %dma_start3A_147 = arith.constant 2 : i32
      %dma_start3A_148 = arith.constant 0 : i32
      %dma_start3A_149 = arith.constant 0 : i32
      %dma_start3A_150 = tpu.memref_slice %arg6[%dma_start3A_147, %dma_start3A_148, %dma_start3A_149] : memref<5x128x128xf32, #tpu.memory_space<vmem>> -> memref<1x128x128xf32, #tpu.memory_space<vmem>>
      %dma_start3A_151 = tpu.memref_squeeze %dma_start3A_150 : memref<1x128x128xf32, #tpu.memory_space<vmem>> -> memref<128x128xf32, #tpu.memory_space<vmem>>
      %dma_start3A_152 = arith.constant 0 : i32
      %dma_start3A_153 = tpu.memref_slice %arg4[%add3A_146, %dma_start3A_152] : memref<163840x128xf32, #tpu.memory_space<hbm>> -> memref<128x128xf32, #tpu.memory_space<hbm>>
      %dma_start3A_154 = arith.constant 0 : i32
      %dma_start3A_155 = tpu.memref_slice %arg4[%add3A_146, %dma_start3A_154] : memref<163840x128xf32, #tpu.memory_space<hbm>> -> memref<128x128xf32, #tpu.memory_space<hbm>>
      %dma_start3A_156 = arith.constant 0 : i32
      %dma_start3A_157 = arith.constant 0 : i32
      %dma_start3A_158 = tpu.memref_slice %arg6[%dma_start3A_147, %dma_start3A_156, %dma_start3A_157] : memref<5x128x128xf32, #tpu.memory_space<vmem>> -> memref<1x128x128xf32, #tpu.memory_space<vmem>>
      %dma_start3A_159 = tpu.memref_squeeze %dma_start3A_158 : memref<1x128x128xf32, #tpu.memory_space<vmem>> -> memref<128x128xf32, #tpu.memory_space<vmem>>
      tpu.enqueue_dma source(%dma_start3A_159 : memref<128x128xf32, #tpu.memory_space<vmem>>) target(%dma_start3A_155 : memref<128x128xf32, #tpu.memory_space<hbm>>) target_semaphore(%arg14 : memref<!tpu.dma_semaphore, #tpu.memory_space<semaphore_mem>>)
      %mul3A_160 = arith.constant 5 : i32
      %mul3A_161 = arith.muli %scan3A_67, %mul3A_160 : i32
      %add3A_162 = arith.constant 3 : i32
      %add3A_163 = arith.addi %mul3A_161, %add3A_162 : i32
      %dma_wait3A_164 = arith.constant 3 : i32
      %dma_wait3A_165 = arith.constant 0 : i32
      %dma_wait3A_166 = arith.constant 0 : i32
      %dma_wait3A_167 = tpu.memref_slice %arg6[%dma_wait3A_164, %dma_wait3A_165, %dma_wait3A_166] : memref<5x128x128xf32, #tpu.memory_space<vmem>> -> memref<1x128x128xf32, #tpu.memory_space<vmem>>
      %dma_wait3A_168 = tpu.memref_squeeze %dma_wait3A_167 : memref<1x128x128xf32, #tpu.memory_space<vmem>> -> memref<128x128xf32, #tpu.memory_space<vmem>>
      %dma_wait3A_169 = arith.constant 0 : i32
      %dma_wait3A_170 = tpu.memref_slice %arg5[%add3A_163, %dma_wait3A_169] : memref<40x128xi32, #tpu.memory_space<vmem>> -> memref<1x128xi32, #tpu.memory_space<vmem>>
      %dma_wait3A_171 = tpu.memref_squeeze %dma_wait3A_170 : memref<1x128xi32, #tpu.memory_space<vmem>> -> memref<128xi32, #tpu.memory_space<vmem>>
      %dma_wait3A_172 = arith.constant 0 : i32
      %dma_wait3A_173 = arith.constant 0 : i32
      %dma_wait3A_174 = tpu.memref_slice %arg2[%dma_wait3A_172, %dma_wait3A_173] : memref<1000000x128xf32, #tpu.memory_space<hbm>> -> memref<1000000x128xf32, #tpu.memory_space<hbm>>
      tpu.wait_indirect_dma semaphore(%arg10 : memref<!tpu.dma_semaphore, #tpu.memory_space<semaphore_mem>>) src(%dma_wait3A_174 : memref<1000000x128xf32, #tpu.memory_space<hbm>>) dst(%dma_wait3A_168 : memref<128x128xf32, #tpu.memory_space<vmem>>)
      %mul3A_175 = arith.constant 128 : i32
      %mul3A_176 = arith.muli %add3A_163, %mul3A_175 : i32
      %add3A_177 = arith.addi %mul3A_2, %mul3A_176 : i32
      %dma_start3A_178 = arith.constant 3 : i32
      %dma_start3A_179 = arith.constant 0 : i32
      %dma_start3A_180 = arith.constant 0 : i32
      %dma_start3A_181 = tpu.memref_slice %arg6[%dma_start3A_178, %dma_start3A_179, %dma_start3A_180] : memref<5x128x128xf32, #tpu.memory_space<vmem>> -> memref<1x128x128xf32, #tpu.memory_space<vmem>>
      %dma_start3A_182 = tpu.memref_squeeze %dma_start3A_181 : memref<1x128x128xf32, #tpu.memory_space<vmem>> -> memref<128x128xf32, #tpu.memory_space<vmem>>
      %dma_start3A_183 = arith.constant 0 : i32
      %dma_start3A_184 = tpu.memref_slice %arg4[%add3A_177, %dma_start3A_183] : memref<163840x128xf32, #tpu.memory_space<hbm>> -> memref<128x128xf32, #tpu.memory_space<hbm>>
      %dma_start3A_185 = arith.constant 0 : i32
      %dma_start3A_186 = tpu.memref_slice %arg4[%add3A_177, %dma_start3A_185] : memref<163840x128xf32, #tpu.memory_space<hbm>> -> memref<128x128xf32, #tpu.memory_space<hbm>>
      %dma_start3A_187 = arith.constant 0 : i32
      %dma_start3A_188 = arith.constant 0 : i32
      %dma_start3A_189 = tpu.memref_slice %arg6[%dma_start3A_178, %dma_start3A_187, %dma_start3A_188] : memref<5x128x128xf32, #tpu.memory_space<vmem>> -> memref<1x128x128xf32, #tpu.memory_space<vmem>>
      %dma_start3A_190 = tpu.memref_squeeze %dma_start3A_189 : memref<1x128x128xf32, #tpu.memory_space<vmem>> -> memref<128x128xf32, #tpu.memory_space<vmem>>
      tpu.enqueue_dma source(%dma_start3A_190 : memref<128x128xf32, #tpu.memory_space<vmem>>) target(%dma_start3A_186 : memref<128x128xf32, #tpu.memory_space<hbm>>) target_semaphore(%arg15 : memref<!tpu.dma_semaphore, #tpu.memory_space<semaphore_mem>>)
      %mul3A_191 = arith.constant 5 : i32
      %mul3A_192 = arith.muli %scan3A_67, %mul3A_191 : i32
      %add3A_193 = arith.constant 4 : i32
      %add3A_194 = arith.addi %mul3A_192, %add3A_193 : i32
      %dma_wait3A_195 = arith.constant 4 : i32
      %dma_wait3A_196 = arith.constant 0 : i32
      %dma_wait3A_197 = arith.constant 0 : i32
      %dma_wait3A_198 = tpu.memref_slice %arg6[%dma_wait3A_195, %dma_wait3A_196, %dma_wait3A_197] : memref<5x128x128xf32, #tpu.memory_space<vmem>> -> memref<1x128x128xf32, #tpu.memory_space<vmem>>
      %dma_wait3A_199 = tpu.memref_squeeze %dma_wait3A_198 : memref<1x128x128xf32, #tpu.memory_space<vmem>> -> memref<128x128xf32, #tpu.memory_space<vmem>>
      %dma_wait3A_200 = arith.constant 0 : i32
      %dma_wait3A_201 = tpu.memref_slice %arg5[%add3A_194, %dma_wait3A_200] : memref<40x128xi32, #tpu.memory_space<vmem>> -> memref<1x128xi32, #tpu.memory_space<vmem>>
      %dma_wait3A_202 = tpu.memref_squeeze %dma_wait3A_201 : memref<1x128xi32, #tpu.memory_space<vmem>> -> memref<128xi32, #tpu.memory_space<vmem>>
      %dma_wait3A_203 = arith.constant 0 : i32
      %dma_wait3A_204 = arith.constant 0 : i32
      %dma_wait3A_205 = tpu.memref_slice %arg2[%dma_wait3A_203, %dma_wait3A_204] : memref<1000000x128xf32, #tpu.memory_space<hbm>> -> memref<1000000x128xf32, #tpu.memory_space<hbm>>
      tpu.wait_indirect_dma semaphore(%arg11 : memref<!tpu.dma_semaphore, #tpu.memory_space<semaphore_mem>>) src(%dma_wait3A_205 : memref<1000000x128xf32, #tpu.memory_space<hbm>>) dst(%dma_wait3A_199 : memref<128x128xf32, #tpu.memory_space<vmem>>)
      %mul3A_206 = arith.constant 128 : i32
      %mul3A_207 = arith.muli %add3A_194, %mul3A_206 : i32
      %add3A_208 = arith.addi %mul3A_2, %mul3A_207 : i32
      %dma_start3A_209 = arith.constant 4 : i32
      %dma_start3A_210 = arith.constant 0 : i32
      %dma_start3A_211 = arith.constant 0 : i32
      %dma_start3A_212 = tpu.memref_slice %arg6[%dma_start3A_209, %dma_start3A_210, %dma_start3A_211] : memref<5x128x128xf32, #tpu.memory_space<vmem>> -> memref<1x128x128xf32, #tpu.memory_space<vmem>>
      %dma_start3A_213 = tpu.memref_squeeze %dma_start3A_212 : memref<1x128x128xf32, #tpu.memory_space<vmem>> -> memref<128x128xf32, #tpu.memory_space<vmem>>
      %dma_start3A_214 = arith.constant 0 : i32
      %dma_start3A_215 = tpu.memref_slice %arg4[%add3A_208, %dma_start3A_214] : memref<163840x128xf32, #tpu.memory_space<hbm>> -> memref<128x128xf32, #tpu.memory_space<hbm>>
      %dma_start3A_216 = arith.constant 0 : i32
      %dma_start3A_217 = tpu.memref_slice %arg4[%add3A_208, %dma_start3A_216] : memref<163840x128xf32, #tpu.memory_space<hbm>> -> memref<128x128xf32, #tpu.memory_space<hbm>>
      %dma_start3A_218 = arith.constant 0 : i32
      %dma_start3A_219 = arith.constant 0 : i32
      %dma_start3A_220 = tpu.memref_slice %arg6[%dma_start3A_209, %dma_start3A_218, %dma_start3A_219] : memref<5x128x128xf32, #tpu.memory_space<vmem>> -> memref<1x128x128xf32, #tpu.memory_space<vmem>>
      %dma_start3A_221 = tpu.memref_squeeze %dma_start3A_220 : memref<1x128x128xf32, #tpu.memory_space<vmem>> -> memref<128x128xf32, #tpu.memory_space<vmem>>
      tpu.enqueue_dma source(%dma_start3A_221 : memref<128x128xf32, #tpu.memory_space<vmem>>) target(%dma_start3A_217 : memref<128x128xf32, #tpu.memory_space<hbm>>) target_semaphore(%arg16 : memref<!tpu.dma_semaphore, #tpu.memory_space<semaphore_mem>>)
      %mul3A_222 = arith.constant 5 : i32
      %mul3A_223 = arith.muli %scan3A_67, %mul3A_222 : i32
      %add3A_224 = arith.constant 0 : i32
      %add3A_225 = arith.addi %mul3A_223, %add3A_224 : i32
      %mul3A_226 = arith.constant 128 : i32
      %mul3A_227 = arith.muli %add3A_225, %mul3A_226 : i32
      %add3A_228 = arith.addi %mul3A_2, %mul3A_227 : i32
      %dma_wait3A_229 = arith.constant 0 : i32
      %dma_wait3A_230 = arith.constant 0 : i32
      %dma_wait3A_231 = arith.constant 0 : i32
      %dma_wait3A_232 = tpu.memref_slice %arg6[%dma_wait3A_229, %dma_wait3A_230, %dma_wait3A_231] : memref<5x128x128xf32, #tpu.memory_space<vmem>> -> memref<1x128x128xf32, #tpu.memory_space<vmem>>
      %dma_wait3A_233 = tpu.memref_squeeze %dma_wait3A_232 : memref<1x128x128xf32, #tpu.memory_space<vmem>> -> memref<128x128xf32, #tpu.memory_space<vmem>>
      %dma_wait3A_234 = arith.constant 0 : i32
      %dma_wait3A_235 = tpu.memref_slice %arg4[%add3A_228, %dma_wait3A_234] : memref<163840x128xf32, #tpu.memory_space<hbm>> -> memref<128x128xf32, #tpu.memory_space<hbm>>
      %dma_wait3A_236 = arith.constant 0 : i32
      %dma_wait3A_237 = tpu.memref_slice %arg4[%add3A_228, %dma_wait3A_236] : memref<163840x128xf32, #tpu.memory_space<hbm>> -> memref<128x128xf32, #tpu.memory_space<hbm>>
      %dma_wait3A_238 = arith.constant 0 : i32
      %dma_wait3A_239 = arith.constant 0 : i32
      %dma_wait3A_240 = tpu.memref_slice %arg6[%dma_wait3A_229, %dma_wait3A_238, %dma_wait3A_239] : memref<5x128x128xf32, #tpu.memory_space<vmem>> -> memref<1x128x128xf32, #tpu.memory_space<vmem>>
      %dma_wait3A_241 = tpu.memref_squeeze %dma_wait3A_240 : memref<1x128x128xf32, #tpu.memory_space<vmem>> -> memref<128x128xf32, #tpu.memory_space<vmem>>
      tpu.wait_dma2 semaphore(%arg12 : memref<!tpu.dma_semaphore, #tpu.memory_space<semaphore_mem>>) src(%dma_wait3A_241 : memref<128x128xf32, #tpu.memory_space<vmem>>) dst(%dma_wait3A_237 : memref<128x128xf32, #tpu.memory_space<hbm>>)
      %lt3A = arith.constant 7 : i32
      %lt3A_242 = arith.cmpi slt, %scan3A_67, %lt3A : i32
      %convert_element_type3A = arith.extui %lt3A_242 : i1 to i32
      %cond3A = arith.constant 0 : i32
      %cond3A_243 = arith.cmpi ne, %convert_element_type3A, %cond3A : i32
      scf.if %cond3A_243 {
        %add3A_344 = arith.constant 5 : i32
        %add3A_345 = arith.addi %add3A_225, %add3A_344 : i32
        %dma_start3A_346 = arith.constant 0 : i32
        %dma_start3A_347 = arith.constant 0 : i32
        %dma_start3A_348 = arith.constant 0 : i32
        %dma_start3A_349 = tpu.memref_slice %arg6[%dma_start3A_346, %dma_start3A_347, %dma_start3A_348] : memref<5x128x128xf32, #tpu.memory_space<vmem>> -> memref<1x128x128xf32, #tpu.memory_space<vmem>>
        %dma_start3A_350 = tpu.memref_squeeze %dma_start3A_349 : memref<1x128x128xf32, #tpu.memory_space<vmem>> -> memref<128x128xf32, #tpu.memory_space<vmem>>
        %dma_start3A_351 = arith.constant 0 : i32
        %dma_start3A_352 = tpu.memref_slice %arg5[%add3A_345, %dma_start3A_351] : memref<40x128xi32, #tpu.memory_space<vmem>> -> memref<1x128xi32, #tpu.memory_space<vmem>>
        %dma_start3A_353 = tpu.memref_squeeze %dma_start3A_352 : memref<1x128xi32, #tpu.memory_space<vmem>> -> memref<128xi32, #tpu.memory_space<vmem>>
        %dma_start3A_354 = arith.constant 0 : i32
        %dma_start3A_355 = arith.constant 0 : i32
        %dma_start3A_356 = tpu.memref_slice %arg2[%dma_start3A_354, %dma_start3A_355] : memref<1000000x128xf32, #tpu.memory_space<hbm>> -> memref<1000000x128xf32, #tpu.memory_space<hbm>>
        tpu.enqueue_indirect_dma source(%dma_start3A_356 : memref<1000000x128xf32, #tpu.memory_space<hbm>>) target(%dma_start3A_350 : memref<128x128xf32, #tpu.memory_space<vmem>>) offsets(%dma_start3A_353 : memref<128xi32, #tpu.memory_space<vmem>>) semaphore(%arg7 : memref<!tpu.dma_semaphore, #tpu.memory_space<semaphore_mem>>)
      } else {
      }
      %mul3A_244 = arith.constant 5 : i32
      %mul3A_245 = arith.muli %scan3A_67, %mul3A_244 : i32
      %add3A_246 = arith.constant 1 : i32
      %add3A_247 = arith.addi %mul3A_245, %add3A_246 : i32
      %mul3A_248 = arith.constant 128 : i32
      %mul3A_249 = arith.muli %add3A_247, %mul3A_248 : i32
      %add3A_250 = arith.addi %mul3A_2, %mul3A_249 : i32
      %dma_wait3A_251 = arith.constant 1 : i32
      %dma_wait3A_252 = arith.constant 0 : i32
      %dma_wait3A_253 = arith.constant 0 : i32
      %dma_wait3A_254 = tpu.memref_slice %arg6[%dma_wait3A_251, %dma_wait3A_252, %dma_wait3A_253] : memref<5x128x128xf32, #tpu.memory_space<vmem>> -> memref<1x128x128xf32, #tpu.memory_space<vmem>>
      %dma_wait3A_255 = tpu.memref_squeeze %dma_wait3A_254 : memref<1x128x128xf32, #tpu.memory_space<vmem>> -> memref<128x128xf32, #tpu.memory_space<vmem>>
      %dma_wait3A_256 = arith.constant 0 : i32
      %dma_wait3A_257 = tpu.memref_slice %arg4[%add3A_250, %dma_wait3A_256] : memref<163840x128xf32, #tpu.memory_space<hbm>> -> memref<128x128xf32, #tpu.memory_space<hbm>>
      %dma_wait3A_258 = arith.constant 0 : i32
      %dma_wait3A_259 = tpu.memref_slice %arg4[%add3A_250, %dma_wait3A_258] : memref<163840x128xf32, #tpu.memory_space<hbm>> -> memref<128x128xf32, #tpu.memory_space<hbm>>
      %dma_wait3A_260 = arith.constant 0 : i32
      %dma_wait3A_261 = arith.constant 0 : i32
      %dma_wait3A_262 = tpu.memref_slice %arg6[%dma_wait3A_251, %dma_wait3A_260, %dma_wait3A_261] : memref<5x128x128xf32, #tpu.memory_space<vmem>> -> memref<1x128x128xf32, #tpu.memory_space<vmem>>
      %dma_wait3A_263 = tpu.memref_squeeze %dma_wait3A_262 : memref<1x128x128xf32, #tpu.memory_space<vmem>> -> memref<128x128xf32, #tpu.memory_space<vmem>>
      tpu.wait_dma2 semaphore(%arg13 : memref<!tpu.dma_semaphore, #tpu.memory_space<semaphore_mem>>) src(%dma_wait3A_263 : memref<128x128xf32, #tpu.memory_space<vmem>>) dst(%dma_wait3A_259 : memref<128x128xf32, #tpu.memory_space<hbm>>)
      %lt3A_264 = arith.constant 7 : i32
      %lt3A_265 = arith.cmpi slt, %scan3A_67, %lt3A_264 : i32
      %convert_element_type3A_266 = arith.extui %lt3A_265 : i1 to i32
      %cond3A_267 = arith.constant 0 : i32
      %cond3A_268 = arith.cmpi ne, %convert_element_type3A_266, %cond3A_267 : i32
      scf.if %cond3A_268 {
        %add3A_344 = arith.constant 5 : i32
        %add3A_345 = arith.addi %add3A_247, %add3A_344 : i32
        %dma_start3A_346 = arith.constant 1 : i32
        %dma_start3A_347 = arith.constant 0 : i32
        %dma_start3A_348 = arith.constant 0 : i32
        %dma_start3A_349 = tpu.memref_slice %arg6[%dma_start3A_346, %dma_start3A_347, %dma_start3A_348] : memref<5x128x128xf32, #tpu.memory_space<vmem>> -> memref<1x128x128xf32, #tpu.memory_space<vmem>>
        %dma_start3A_350 = tpu.memref_squeeze %dma_start3A_349 : memref<1x128x128xf32, #tpu.memory_space<vmem>> -> memref<128x128xf32, #tpu.memory_space<vmem>>
        %dma_start3A_351 = arith.constant 0 : i32
        %dma_start3A_352 = tpu.memref_slice %arg5[%add3A_345, %dma_start3A_351] : memref<40x128xi32, #tpu.memory_space<vmem>> -> memref<1x128xi32, #tpu.memory_space<vmem>>
        %dma_start3A_353 = tpu.memref_squeeze %dma_start3A_352 : memref<1x128xi32, #tpu.memory_space<vmem>> -> memref<128xi32, #tpu.memory_space<vmem>>
        %dma_start3A_354 = arith.constant 0 : i32
        %dma_start3A_355 = arith.constant 0 : i32
        %dma_start3A_356 = tpu.memref_slice %arg2[%dma_start3A_354, %dma_start3A_355] : memref<1000000x128xf32, #tpu.memory_space<hbm>> -> memref<1000000x128xf32, #tpu.memory_space<hbm>>
        tpu.enqueue_indirect_dma source(%dma_start3A_356 : memref<1000000x128xf32, #tpu.memory_space<hbm>>) target(%dma_start3A_350 : memref<128x128xf32, #tpu.memory_space<vmem>>) offsets(%dma_start3A_353 : memref<128xi32, #tpu.memory_space<vmem>>) semaphore(%arg8 : memref<!tpu.dma_semaphore, #tpu.memory_space<semaphore_mem>>)
      } else {
      }
      %mul3A_269 = arith.constant 5 : i32
      %mul3A_270 = arith.muli %scan3A_67, %mul3A_269 : i32
      %add3A_271 = arith.constant 2 : i32
      %add3A_272 = arith.addi %mul3A_270, %add3A_271 : i32
      %mul3A_273 = arith.constant 128 : i32
      %mul3A_274 = arith.muli %add3A_272, %mul3A_273 : i32
      %add3A_275 = arith.addi %mul3A_2, %mul3A_274 : i32
      %dma_wait3A_276 = arith.constant 2 : i32
      %dma_wait3A_277 = arith.constant 0 : i32
      %dma_wait3A_278 = arith.constant 0 : i32
      %dma_wait3A_279 = tpu.memref_slice %arg6[%dma_wait3A_276, %dma_wait3A_277, %dma_wait3A_278] : memref<5x128x128xf32, #tpu.memory_space<vmem>> -> memref<1x128x128xf32, #tpu.memory_space<vmem>>
      %dma_wait3A_280 = tpu.memref_squeeze %dma_wait3A_279 : memref<1x128x128xf32, #tpu.memory_space<vmem>> -> memref<128x128xf32, #tpu.memory_space<vmem>>
      %dma_wait3A_281 = arith.constant 0 : i32
      %dma_wait3A_282 = tpu.memref_slice %arg4[%add3A_275, %dma_wait3A_281] : memref<163840x128xf32, #tpu.memory_space<hbm>> -> memref<128x128xf32, #tpu.memory_space<hbm>>
      %dma_wait3A_283 = arith.constant 0 : i32
      %dma_wait3A_284 = tpu.memref_slice %arg4[%add3A_275, %dma_wait3A_283] : memref<163840x128xf32, #tpu.memory_space<hbm>> -> memref<128x128xf32, #tpu.memory_space<hbm>>
      %dma_wait3A_285 = arith.constant 0 : i32
      %dma_wait3A_286 = arith.constant 0 : i32
      %dma_wait3A_287 = tpu.memref_slice %arg6[%dma_wait3A_276, %dma_wait3A_285, %dma_wait3A_286] : memref<5x128x128xf32, #tpu.memory_space<vmem>> -> memref<1x128x128xf32, #tpu.memory_space<vmem>>
      %dma_wait3A_288 = tpu.memref_squeeze %dma_wait3A_287 : memref<1x128x128xf32, #tpu.memory_space<vmem>> -> memref<128x128xf32, #tpu.memory_space<vmem>>
      tpu.wait_dma2 semaphore(%arg14 : memref<!tpu.dma_semaphore, #tpu.memory_space<semaphore_mem>>) src(%dma_wait3A_288 : memref<128x128xf32, #tpu.memory_space<vmem>>) dst(%dma_wait3A_284 : memref<128x128xf32, #tpu.memory_space<hbm>>)
      %lt3A_289 = arith.constant 7 : i32
      %lt3A_290 = arith.cmpi slt, %scan3A_67, %lt3A_289 : i32
      %convert_element_type3A_291 = arith.extui %lt3A_290 : i1 to i32
      %cond3A_292 = arith.constant 0 : i32
      %cond3A_293 = arith.cmpi ne, %convert_element_type3A_291, %cond3A_292 : i32
      scf.if %cond3A_293 {
        %add3A_344 = arith.constant 5 : i32
        %add3A_345 = arith.addi %add3A_272, %add3A_344 : i32
        %dma_start3A_346 = arith.constant 2 : i32
        %dma_start3A_347 = arith.constant 0 : i32
        %dma_start3A_348 = arith.constant 0 : i32
        %dma_start3A_349 = tpu.memref_slice %arg6[%dma_start3A_346, %dma_start3A_347, %dma_start3A_348] : memref<5x128x128xf32, #tpu.memory_space<vmem>> -> memref<1x128x128xf32, #tpu.memory_space<vmem>>
        %dma_start3A_350 = tpu.memref_squeeze %dma_start3A_349 : memref<1x128x128xf32, #tpu.memory_space<vmem>> -> memref<128x128xf32, #tpu.memory_space<vmem>>
        %dma_start3A_351 = arith.constant 0 : i32
        %dma_start3A_352 = tpu.memref_slice %arg5[%add3A_345, %dma_start3A_351] : memref<40x128xi32, #tpu.memory_space<vmem>> -> memref<1x128xi32, #tpu.memory_space<vmem>>
        %dma_start3A_353 = tpu.memref_squeeze %dma_start3A_352 : memref<1x128xi32, #tpu.memory_space<vmem>> -> memref<128xi32, #tpu.memory_space<vmem>>
        %dma_start3A_354 = arith.constant 0 : i32
        %dma_start3A_355 = arith.constant 0 : i32
        %dma_start3A_356 = tpu.memref_slice %arg2[%dma_start3A_354, %dma_start3A_355] : memref<1000000x128xf32, #tpu.memory_space<hbm>> -> memref<1000000x128xf32, #tpu.memory_space<hbm>>
        tpu.enqueue_indirect_dma source(%dma_start3A_356 : memref<1000000x128xf32, #tpu.memory_space<hbm>>) target(%dma_start3A_350 : memref<128x128xf32, #tpu.memory_space<vmem>>) offsets(%dma_start3A_353 : memref<128xi32, #tpu.memory_space<vmem>>) semaphore(%arg9 : memref<!tpu.dma_semaphore, #tpu.memory_space<semaphore_mem>>)
      } else {
      }
      %mul3A_294 = arith.constant 5 : i32
      %mul3A_295 = arith.muli %scan3A_67, %mul3A_294 : i32
      %add3A_296 = arith.constant 3 : i32
      %add3A_297 = arith.addi %mul3A_295, %add3A_296 : i32
      %mul3A_298 = arith.constant 128 : i32
      %mul3A_299 = arith.muli %add3A_297, %mul3A_298 : i32
      %add3A_300 = arith.addi %mul3A_2, %mul3A_299 : i32
      %dma_wait3A_301 = arith.constant 3 : i32
      %dma_wait3A_302 = arith.constant 0 : i32
      %dma_wait3A_303 = arith.constant 0 : i32
      %dma_wait3A_304 = tpu.memref_slice %arg6[%dma_wait3A_301, %dma_wait3A_302, %dma_wait3A_303] : memref<5x128x128xf32, #tpu.memory_space<vmem>> -> memref<1x128x128xf32, #tpu.memory_space<vmem>>
      %dma_wait3A_305 = tpu.memref_squeeze %dma_wait3A_304 : memref<1x128x128xf32, #tpu.memory_space<vmem>> -> memref<128x128xf32, #tpu.memory_space<vmem>>
      %dma_wait3A_306 = arith.constant 0 : i32
      %dma_wait3A_307 = tpu.memref_slice %arg4[%add3A_300, %dma_wait3A_306] : memref<163840x128xf32, #tpu.memory_space<hbm>> -> memref<128x128xf32, #tpu.memory_space<hbm>>
      %dma_wait3A_308 = arith.constant 0 : i32
      %dma_wait3A_309 = tpu.memref_slice %arg4[%add3A_300, %dma_wait3A_308] : memref<163840x128xf32, #tpu.memory_space<hbm>> -> memref<128x128xf32, #tpu.memory_space<hbm>>
      %dma_wait3A_310 = arith.constant 0 : i32
      %dma_wait3A_311 = arith.constant 0 : i32
      %dma_wait3A_312 = tpu.memref_slice %arg6[%dma_wait3A_301, %dma_wait3A_310, %dma_wait3A_311] : memref<5x128x128xf32, #tpu.memory_space<vmem>> -> memref<1x128x128xf32, #tpu.memory_space<vmem>>
      %dma_wait3A_313 = tpu.memref_squeeze %dma_wait3A_312 : memref<1x128x128xf32, #tpu.memory_space<vmem>> -> memref<128x128xf32, #tpu.memory_space<vmem>>
      tpu.wait_dma2 semaphore(%arg15 : memref<!tpu.dma_semaphore, #tpu.memory_space<semaphore_mem>>) src(%dma_wait3A_313 : memref<128x128xf32, #tpu.memory_space<vmem>>) dst(%dma_wait3A_309 : memref<128x128xf32, #tpu.memory_space<hbm>>)
      %lt3A_314 = arith.constant 7 : i32
      %lt3A_315 = arith.cmpi slt, %scan3A_67, %lt3A_314 : i32
      %convert_element_type3A_316 = arith.extui %lt3A_315 : i1 to i32
      %cond3A_317 = arith.constant 0 : i32
      %cond3A_318 = arith.cmpi ne, %convert_element_type3A_316, %cond3A_317 : i32
      scf.if %cond3A_318 {
        %add3A_344 = arith.constant 5 : i32
        %add3A_345 = arith.addi %add3A_297, %add3A_344 : i32
        %dma_start3A_346 = arith.constant 3 : i32
        %dma_start3A_347 = arith.constant 0 : i32
        %dma_start3A_348 = arith.constant 0 : i32
        %dma_start3A_349 = tpu.memref_slice %arg6[%dma_start3A_346, %dma_start3A_347, %dma_start3A_348] : memref<5x128x128xf32, #tpu.memory_space<vmem>> -> memref<1x128x128xf32, #tpu.memory_space<vmem>>
        %dma_start3A_350 = tpu.memref_squeeze %dma_start3A_349 : memref<1x128x128xf32, #tpu.memory_space<vmem>> -> memref<128x128xf32, #tpu.memory_space<vmem>>
        %dma_start3A_351 = arith.constant 0 : i32
        %dma_start3A_352 = tpu.memref_slice %arg5[%add3A_345, %dma_start3A_351] : memref<40x128xi32, #tpu.memory_space<vmem>> -> memref<1x128xi32, #tpu.memory_space<vmem>>
        %dma_start3A_353 = tpu.memref_squeeze %dma_start3A_352 : memref<1x128xi32, #tpu.memory_space<vmem>> -> memref<128xi32, #tpu.memory_space<vmem>>
        %dma_start3A_354 = arith.constant 0 : i32
        %dma_start3A_355 = arith.constant 0 : i32
        %dma_start3A_356 = tpu.memref_slice %arg2[%dma_start3A_354, %dma_start3A_355] : memref<1000000x128xf32, #tpu.memory_space<hbm>> -> memref<1000000x128xf32, #tpu.memory_space<hbm>>
        tpu.enqueue_indirect_dma source(%dma_start3A_356 : memref<1000000x128xf32, #tpu.memory_space<hbm>>) target(%dma_start3A_350 : memref<128x128xf32, #tpu.memory_space<vmem>>) offsets(%dma_start3A_353 : memref<128xi32, #tpu.memory_space<vmem>>) semaphore(%arg10 : memref<!tpu.dma_semaphore, #tpu.memory_space<semaphore_mem>>)
      } else {
      }
      %mul3A_319 = arith.constant 5 : i32
      %mul3A_320 = arith.muli %scan3A_67, %mul3A_319 : i32
      %add3A_321 = arith.constant 4 : i32
      %add3A_322 = arith.addi %mul3A_320, %add3A_321 : i32
      %mul3A_323 = arith.constant 128 : i32
      %mul3A_324 = arith.muli %add3A_322, %mul3A_323 : i32
      %add3A_325 = arith.addi %mul3A_2, %mul3A_324 : i32
      %dma_wait3A_326 = arith.constant 4 : i32
      %dma_wait3A_327 = arith.constant 0 : i32
      %dma_wait3A_328 = arith.constant 0 : i32
      %dma_wait3A_329 = tpu.memref_slice %arg6[%dma_wait3A_326, %dma_wait3A_327, %dma_wait3A_328] : memref<5x128x128xf32, #tpu.memory_space<vmem>> -> memref<1x128x128xf32, #tpu.memory_space<vmem>>
      %dma_wait3A_330 = tpu.memref_squeeze %dma_wait3A_329 : memref<1x128x128xf32, #tpu.memory_space<vmem>> -> memref<128x128xf32, #tpu.memory_space<vmem>>
      %dma_wait3A_331 = arith.constant 0 : i32
      %dma_wait3A_332 = tpu.memref_slice %arg4[%add3A_325, %dma_wait3A_331] : memref<163840x128xf32, #tpu.memory_space<hbm>> -> memref<128x128xf32, #tpu.memory_space<hbm>>
      %dma_wait3A_333 = arith.constant 0 : i32
      %dma_wait3A_334 = tpu.memref_slice %arg4[%add3A_325, %dma_wait3A_333] : memref<163840x128xf32, #tpu.memory_space<hbm>> -> memref<128x128xf32, #tpu.memory_space<hbm>>
      %dma_wait3A_335 = arith.constant 0 : i32
      %dma_wait3A_336 = arith.constant 0 : i32
      %dma_wait3A_337 = tpu.memref_slice %arg6[%dma_wait3A_326, %dma_wait3A_335, %dma_wait3A_336] : memref<5x128x128xf32, #tpu.memory_space<vmem>> -> memref<1x128x128xf32, #tpu.memory_space<vmem>>
      %dma_wait3A_338 = tpu.memref_squeeze %dma_wait3A_337 : memref<1x128x128xf32, #tpu.memory_space<vmem>> -> memref<128x128xf32, #tpu.memory_space<vmem>>
      tpu.wait_dma2 semaphore(%arg16 : memref<!tpu.dma_semaphore, #tpu.memory_space<semaphore_mem>>) src(%dma_wait3A_338 : memref<128x128xf32, #tpu.memory_space<vmem>>) dst(%dma_wait3A_334 : memref<128x128xf32, #tpu.memory_space<hbm>>)
      %lt3A_339 = arith.constant 7 : i32
      %lt3A_340 = arith.cmpi slt, %scan3A_67, %lt3A_339 : i32
      %convert_element_type3A_341 = arith.extui %lt3A_340 : i1 to i32
      %cond3A_342 = arith.constant 0 : i32
      %cond3A_343 = arith.cmpi ne, %convert_element_type3A_341, %cond3A_342 : i32
      scf.if %cond3A_343 {
        %add3A_344 = arith.constant 5 : i32
        %add3A_345 = arith.addi %add3A_322, %add3A_344 : i32
        %dma_start3A_346 = arith.constant 4 : i32
        %dma_start3A_347 = arith.constant 0 : i32
        %dma_start3A_348 = arith.constant 0 : i32
        %dma_start3A_349 = tpu.memref_slice %arg6[%dma_start3A_346, %dma_start3A_347, %dma_start3A_348] : memref<5x128x128xf32, #tpu.memory_space<vmem>> -> memref<1x128x128xf32, #tpu.memory_space<vmem>>
        %dma_start3A_350 = tpu.memref_squeeze %dma_start3A_349 : memref<1x128x128xf32, #tpu.memory_space<vmem>> -> memref<128x128xf32, #tpu.memory_space<vmem>>
        %dma_start3A_351 = arith.constant 0 : i32
        %dma_start3A_352 = tpu.memref_slice %arg5[%add3A_345, %dma_start3A_351] : memref<40x128xi32, #tpu.memory_space<vmem>> -> memref<1x128xi32, #tpu.memory_space<vmem>>
        %dma_start3A_353 = tpu.memref_squeeze %dma_start3A_352 : memref<1x128xi32, #tpu.memory_space<vmem>> -> memref<128xi32, #tpu.memory_space<vmem>>
        %dma_start3A_354 = arith.constant 0 : i32
        %dma_start3A_355 = arith.constant 0 : i32
        %dma_start3A_356 = tpu.memref_slice %arg2[%dma_start3A_354, %dma_start3A_355] : memref<1000000x128xf32, #tpu.memory_space<hbm>> -> memref<1000000x128xf32, #tpu.memory_space<hbm>>
        tpu.enqueue_indirect_dma source(%dma_start3A_356 : memref<1000000x128xf32, #tpu.memory_space<hbm>>) target(%dma_start3A_350 : memref<128x128xf32, #tpu.memory_space<vmem>>) offsets(%dma_start3A_353 : memref<128xi32, #tpu.memory_space<vmem>>) semaphore(%arg11 : memref<!tpu.dma_semaphore, #tpu.memory_space<semaphore_mem>>)
      } else {
      }
    }
    %scan3A_66 = arith.constant 8 : i32
    return
  }
}

#map = affine_map<(d0, d1) -> (0, 0)>
#map1 = affine_map<(d0, d1) -> (0, 0, 0)>
module attributes {stable_mosaic.version = 14 : i64} {
  func.func @gather_k(%arg0: i32, %arg1: i32, %arg2: memref<1000000x128xf32, #tpu.memory_space<hbm>>, %arg3: memref<32x40x128xi32, #tpu.memory_space<hbm>>, %arg4: memref<163840x128xf32, #tpu.memory_space<hbm>>, %arg5: memref<40x128xi32, #tpu.memory_space<vmem>>, %arg6: memref<5x128x128xf32, #tpu.memory_space<vmem>>, %arg7: memref<!tpu.dma_semaphore, #tpu.memory_space<semaphore_mem>>, %arg8: memref<!tpu.dma_semaphore, #tpu.memory_space<semaphore_mem>>, %arg9: memref<!tpu.dma_semaphore, #tpu.memory_space<semaphore_mem>>, %arg10: memref<!tpu.dma_semaphore, #tpu.memory_space<semaphore_mem>>, %arg11: memref<!tpu.dma_semaphore, #tpu.memory_space<semaphore_mem>>, %arg12: memref<!tpu.dma_semaphore, #tpu.memory_space<semaphore_mem>>, %arg13: memref<!tpu.dma_semaphore, #tpu.memory_space<semaphore_mem>>, %arg14: memref<!tpu.dma_semaphore, #tpu.memory_space<semaphore_mem>>, %arg15: memref<!tpu.dma_semaphore, #tpu.memory_space<semaphore_mem>>, %arg16: memref<!tpu.dma_semaphore, #tpu.memory_space<semaphore_mem>>) attributes {dimension_semantics = [#tpu.dimension_semantics<core_parallel>, #tpu.dimension_semantics<subcore_parallel>], iteration_bounds = array<i64: 2, 16>, scalar_prefetch = 0 : i64, scratch_operands = 12 : i64, tpu.core_type = #tpu.core_type<sc_vector_subcore>, window_params = [{transform_indices = #map}, {transform_indices = #map1}, {transform_indices = #map}]} {
    %mul3A = arith.constant 2 : i32
    %mul3A_0 = arith.muli %arg1, %mul3A : i32
    %add3A = arith.addi %mul3A_0, %arg0 : i32
    %mul3A_1 = arith.constant 5120 : i32
    %mul3A_2 = arith.muli %add3A, %mul3A_1 : i32
    "tpu.region"() ({
      %run_scoped3A = tpu.sem_alloc : memref<!tpu.dma_semaphore, #tpu.memory_space<semaphore_mem>>
      %dma_start3A_67 = arith.constant 0 : i32
      %dma_start3A_68 = arith.constant 0 : i32
      %dma_start3A_69 = tpu.memref_slice %arg3[%add3A, %dma_start3A_67, %dma_start3A_68] : memref<32x40x128xi32, #tpu.memory_space<hbm>> -> memref<1x40x128xi32, #tpu.memory_space<hbm>>
      %dma_start3A_70 = tpu.memref_squeeze %dma_start3A_69 : memref<1x40x128xi32, #tpu.memory_space<hbm>> -> memref<40x128xi32, #tpu.memory_space<hbm>>
      %dma_start3A_71 = arith.constant 0 : i32
      %dma_start3A_72 = arith.constant 0 : i32
      %dma_start3A_73 = tpu.memref_slice %arg3[%add3A, %dma_start3A_71, %dma_start3A_72] : memref<32x40x128xi32, #tpu.memory_space<hbm>> -> memref<1x40x128xi32, #tpu.memory_space<hbm>>
      %dma_start3A_74 = tpu.memref_squeeze %dma_start3A_73 : memref<1x40x128xi32, #tpu.memory_space<hbm>> -> memref<40x128xi32, #tpu.memory_space<hbm>>
      tpu.enqueue_dma source(%dma_start3A_74 : memref<40x128xi32, #tpu.memory_space<hbm>>) target(%arg5 : memref<40x128xi32, #tpu.memory_space<vmem>>) target_semaphore(%run_scoped3A : memref<!tpu.dma_semaphore, #tpu.memory_space<semaphore_mem>>)
      %dma_wait3A = arith.constant 0 : i32
      %dma_wait3A_75 = arith.constant 0 : i32
      %dma_wait3A_76 = tpu.memref_slice %arg3[%add3A, %dma_wait3A, %dma_wait3A_75] : memref<32x40x128xi32, #tpu.memory_space<hbm>> -> memref<1x40x128xi32, #tpu.memory_space<hbm>>
      %dma_wait3A_77 = tpu.memref_squeeze %dma_wait3A_76 : memref<1x40x128xi32, #tpu.memory_space<hbm>> -> memref<40x128xi32, #tpu.memory_space<hbm>>
      %dma_wait3A_78 = arith.constant 0 : i32
      %dma_wait3A_79 = arith.constant 0 : i32
      %dma_wait3A_80 = tpu.memref_slice %arg3[%add3A, %dma_wait3A_78, %dma_wait3A_79] : memref<32x40x128xi32, #tpu.memory_space<hbm>> -> memref<1x40x128xi32, #tpu.memory_space<hbm>>
      %dma_wait3A_81 = tpu.memref_squeeze %dma_wait3A_80 : memref<1x40x128xi32, #tpu.memory_space<hbm>> -> memref<40x128xi32, #tpu.memory_space<hbm>>
      tpu.wait_dma2 semaphore(%run_scoped3A : memref<!tpu.dma_semaphore, #tpu.memory_space<semaphore_mem>>) src(%dma_wait3A_81 : memref<40x128xi32, #tpu.memory_space<hbm>>) dst(%arg5 : memref<40x128xi32, #tpu.memory_space<vmem>>)
      tpu.yield
    }) : () -> ()
    %dma_start3A = arith.constant 0 : i32
    %dma_start3A_3 = arith.constant 0 : i32
    %dma_start3A_4 = arith.constant 0 : i32
    %dma_start3A_5 = arith.constant 0 : i32
    %dma_start3A_6 = tpu.memref_slice %arg6[%dma_start3A_3, %dma_start3A_4, %dma_start3A_5] : memref<5x128x128xf32, #tpu.memory_space<vmem>> -> memref<1x128x128xf32, #tpu.memory_space<vmem>>
    %dma_start3A_7 = tpu.memref_squeeze %dma_start3A_6 : memref<1x128x128xf32, #tpu.memory_space<vmem>> -> memref<128x128xf32, #tpu.memory_space<vmem>>
    %dma_start3A_8 = arith.constant 0 : i32
    %dma_start3A_9 = tpu.memref_slice %arg5[%dma_start3A, %dma_start3A_8] : memref<40x128xi32, #tpu.memory_space<vmem>> -> memref<1x128xi32, #tpu.memory_space<vmem>>
    %dma_start3A_10 = tpu.memref_squeeze %dma_start3A_9 : memref<1x128xi32, #tpu.memory_space<vmem>> -> memref<128xi32, #tpu.memory_space<vmem>>
    %dma_start3A_11 = arith.constant 0 : i32
    %dma_start3A_12 = arith.constant 0 : i32
    %dma_start3A_13 = tpu.memref_slice %arg2[%dma_start3A_11, %dma_start3A_12] : memref<1000000x128xf32, #tpu.memory_space<hbm>> -> memref<1000000x128xf32, #tpu.memory_space<hbm>>
    tpu.enqueue_indirect_dma source(%dma_start3A_13 : memref<1000000x128xf32, #tpu.memory_space<hbm>>) target(%dma_start3A_7 : memref<128x128xf32, #tpu.memory_space<vmem>>) offsets(%dma_start3A_10 : memref<128xi32, #tpu.memory_space<vmem>>) semaphore(%arg7 : memref<!tpu.dma_semaphore, #tpu.memory_space<semaphore_mem>>)
    %dma_start3A_14 = arith.constant 1 : i32
    %dma_start3A_15 = arith.constant 1 : i32
    %dma_start3A_16 = arith.constant 0 : i32
    %dma_start3A_17 = arith.constant 0 : i32
    %dma_start3A_18 = tpu.memref_slice %arg6[%dma_start3A_15, %dma_start3A_16, %dma_start3A_17] : memref<5x128x128xf32, #tpu.memory_space<vmem>> -> memref<1x128x128xf32, #tpu.memory_space<vmem>>
    %dma_start3A_19 = tpu.memref_squeeze %dma_start3A_18 : memref<1x128x128xf32, #tpu.memory_space<vmem>> -> memref<128x128xf32, #tpu.memory_space<vmem>>
    %dma_start3A_20 = arith.constant 0 : i32
    %dma_start3A_21 = tpu.memref_slice %arg5[%dma_start3A_14, %dma_start3A_20] : memref<40x128xi32, #tpu.memory_space<vmem>> -> memref<1x128xi32, #tpu.memory_space<vmem>>
    %dma_start3A_22 = tpu.memref_squeeze %dma_start3A_21 : memref<1x128xi32, #tpu.memory_space<vmem>> -> memref<128xi32, #tpu.memory_space<vmem>>
    %dma_start3A_23 = arith.constant 0 : i32
    %dma_start3A_24 = arith.constant 0 : i32
    %dma_start3A_25 = tpu.memref_slice %arg2[%dma_start3A_23, %dma_start3A_24] : memref<1000000x128xf32, #tpu.memory_space<hbm>> -> memref<1000000x128xf32, #tpu.memory_space<hbm>>
    tpu.enqueue_indirect_dma source(%dma_start3A_25 : memref<1000000x128xf32, #tpu.memory_space<hbm>>) target(%dma_start3A_19 : memref<128x128xf32, #tpu.memory_space<vmem>>) offsets(%dma_start3A_22 : memref<128xi32, #tpu.memory_space<vmem>>) semaphore(%arg8 : memref<!tpu.dma_semaphore, #tpu.memory_space<semaphore_mem>>)
    %dma_start3A_26 = arith.constant 2 : i32
    %dma_start3A_27 = arith.constant 2 : i32
    %dma_start3A_28 = arith.constant 0 : i32
    %dma_start3A_29 = arith.constant 0 : i32
    %dma_start3A_30 = tpu.memref_slice %arg6[%dma_start3A_27, %dma_start3A_28, %dma_start3A_29] : memref<5x128x128xf32, #tpu.memory_space<vmem>> -> memref<1x128x128xf32, #tpu.memory_space<vmem>>
    %dma_start3A_31 = tpu.memref_squeeze %dma_start3A_30 : memref<1x128x128xf32, #tpu.memory_space<vmem>> -> memref<128x128xf32, #tpu.memory_space<vmem>>
    %dma_start3A_32 = arith.constant 0 : i32
    %dma_start3A_33 = tpu.memref_slice %arg5[%dma_start3A_26, %dma_start3A_32] : memref<40x128xi32, #tpu.memory_space<vmem>> -> memref<1x128xi32, #tpu.memory_space<vmem>>
    %dma_start3A_34 = tpu.memref_squeeze %dma_start3A_33 : memref<1x128xi32, #tpu.memory_space<vmem>> -> memref<128xi32, #tpu.memory_space<vmem>>
    %dma_start3A_35 = arith.constant 0 : i32
    %dma_start3A_36 = arith.constant 0 : i32
    %dma_start3A_37 = tpu.memref_slice %arg2[%dma_start3A_35, %dma_start3A_36] : memref<1000000x128xf32, #tpu.memory_space<hbm>> -> memref<1000000x128xf32, #tpu.memory_space<hbm>>
    tpu.enqueue_indirect_dma source(%dma_start3A_37 : memref<1000000x128xf32, #tpu.memory_space<hbm>>) target(%dma_start3A_31 : memref<128x128xf32, #tpu.memory_space<vmem>>) offsets(%dma_start3A_34 : memref<128xi32, #tpu.memory_space<vmem>>) semaphore(%arg9 : memref<!tpu.dma_semaphore, #tpu.memory_space<semaphore_mem>>)
    %dma_start3A_38 = arith.constant 3 : i32
    %dma_start3A_39 = arith.constant 3 : i32
    %dma_start3A_40 = arith.constant 0 : i32
    %dma_start3A_41 = arith.constant 0 : i32
    %dma_start3A_42 = tpu.memref_slice %arg6[%dma_start3A_39, %dma_start3A_40, %dma_start3A_41] : memref<5x128x128xf32, #tpu.memory_space<vmem>> -> memref<1x128x128xf32, #tpu.memory_space<vmem>>
    %dma_start3A_43 = tpu.memref_squeeze %dma_start3A_42 : memref<1x128x128xf32, #tpu.memory_space<vmem>> -> memref<128x128xf32, #tpu.memory_space<vmem>>
    %dma_start3A_44 = arith.constant 0 : i32
    %dma_start3A_45 = tpu.memref_slice %arg5[%dma_start3A_38, %dma_start3A_44] : memref<40x128xi32, #tpu.memory_space<vmem>> -> memref<1x128xi32, #tpu.memory_space<vmem>>
    %dma_start3A_46 = tpu.memref_squeeze %dma_start3A_45 : memref<1x128xi32, #tpu.memory_space<vmem>> -> memref<128xi32, #tpu.memory_space<vmem>>
    %dma_start3A_47 = arith.constant 0 : i32
    %dma_start3A_48 = arith.constant 0 : i32
    %dma_start3A_49 = tpu.memref_slice %arg2[%dma_start3A_47, %dma_start3A_48] : memref<1000000x128xf32, #tpu.memory_space<hbm>> -> memref<1000000x128xf32, #tpu.memory_space<hbm>>
    tpu.enqueue_indirect_dma source(%dma_start3A_49 : memref<1000000x128xf32, #tpu.memory_space<hbm>>) target(%dma_start3A_43 : memref<128x128xf32, #tpu.memory_space<vmem>>) offsets(%dma_start3A_46 : memref<128xi32, #tpu.memory_space<vmem>>) semaphore(%arg10 : memref<!tpu.dma_semaphore, #tpu.memory_space<semaphore_mem>>)
    %dma_start3A_50 = arith.constant 4 : i32
    %dma_start3A_51 = arith.constant 4 : i32
    %dma_start3A_52 = arith.constant 0 : i32
    %dma_start3A_53 = arith.constant 0 : i32
    %dma_start3A_54 = tpu.memref_slice %arg6[%dma_start3A_51, %dma_start3A_52, %dma_start3A_53] : memref<5x128x128xf32, #tpu.memory_space<vmem>> -> memref<1x128x128xf32, #tpu.memory_space<vmem>>
    %dma_start3A_55 = tpu.memref_squeeze %dma_start3A_54 : memref<1x128x128xf32, #tpu.memory_space<vmem>> -> memref<128x128xf32, #tpu.memory_space<vmem>>
    %dma_start3A_56 = arith.constant 0 : i32
    %dma_start3A_57 = tpu.memref_slice %arg5[%dma_start3A_50, %dma_start3A_56] : memref<40x128xi32, #tpu.memory_space<vmem>> -> memref<1x128xi32, #tpu.memory_space<vmem>>
    %dma_start3A_58 = tpu.memref_squeeze %dma_start3A_57 : memref<1x128xi32, #tpu.memory_space<vmem>> -> memref<128xi32, #tpu.memory_space<vmem>>
    %dma_start3A_59 = arith.constant 0 : i32
    %dma_start3A_60 = arith.constant 0 : i32
    %dma_start3A_61 = tpu.memref_slice %arg2[%dma_start3A_59, %dma_start3A_60] : memref<1000000x128xf32, #tpu.memory_space<hbm>> -> memref<1000000x128xf32, #tpu.memory_space<hbm>>
    tpu.enqueue_indirect_dma source(%dma_start3A_61 : memref<1000000x128xf32, #tpu.memory_space<hbm>>) target(%dma_start3A_55 : memref<128x128xf32, #tpu.memory_space<vmem>>) offsets(%dma_start3A_58 : memref<128xi32, #tpu.memory_space<vmem>>) semaphore(%arg11 : memref<!tpu.dma_semaphore, #tpu.memory_space<semaphore_mem>>)
    %scan3A = arith.constant 0 : i32
    %scan3A_62 = arith.constant 0 : i32
    %scan3A_63 = arith.constant 8 : i32
    %scan3A_64 = arith.addi %scan3A_62, %scan3A_63 : i32
    %scan3A_65 = arith.constant 1 : i32
    scf.for %scan3A_67 = %scan3A_62 to %scan3A_64 step %scan3A_65  : i32 {
      %mul3A_68 = arith.constant 5 : i32
      %mul3A_69 = arith.muli %scan3A_67, %mul3A_68 : i32
      %add3A_70 = arith.constant 0 : i32
      %add3A_71 = arith.addi %mul3A_69, %add3A_70 : i32
      %dma_wait3A = arith.constant 0 : i32
      %dma_wait3A_72 = arith.constant 0 : i32
      %dma_wait3A_73 = arith.constant 0 : i32
      %dma_wait3A_74 = tpu.memref_slice %arg6[%dma_wait3A, %dma_wait3A_72, %dma_wait3A_73] : memref<5x128x128xf32, #tpu.memory_space<vmem>> -> memref<1x128x128xf32, #tpu.memory_space<vmem>>
      %dma_wait3A_75 = tpu.memref_squeeze %dma_wait3A_74 : memref<1x128x128xf32, #tpu.memory_space<vmem>> -> memref<128x128xf32, #tpu.memory_space<vmem>>
      %dma_wait3A_76 = arith.constant 0 : i32
      %dma_wait3A_77 = tpu.memref_slice %arg5[%add3A_71, %dma_wait3A_76] : memref<40x128xi32, #tpu.memory_space<vmem>> -> memref<1x128xi32, #tpu.memory_space<vmem>>
      %dma_wait3A_78 = tpu.memref_squeeze %dma_wait3A_77 : memref<1x128xi32, #tpu.memory_space<vmem>> -> memref<128xi32, #tpu.memory_space<vmem>>
      %dma_wait3A_79 = arith.constant 0 : i32
      %dma_wait3A_80 = arith.constant 0 : i32
      %dma_wait3A_81 = tpu.memref_slice %arg2[%dma_wait3A_79, %dma_wait3A_80] : memref<1000000x128xf32, #tpu.memory_space<hbm>> -> memref<1000000x128xf32, #tpu.memory_space<hbm>>
      tpu.wait_indirect_dma semaphore(%arg7 : memref<!tpu.dma_semaphore, #tpu.memory_space<semaphore_mem>>) src(%dma_wait3A_81 : memref<1000000x128xf32, #tpu.memory_space<hbm>>) dst(%dma_wait3A_75 : memref<128x128xf32, #tpu.memory_space<vmem>>)
      %mul3A_82 = arith.constant 128 : i32
      %mul3A_83 = arith.muli %add3A_71, %mul3A_82 : i32
      %add3A_84 = arith.addi %mul3A_2, %mul3A_83 : i32
      %dma_start3A_85 = arith.constant 0 : i32
      %dma_start3A_86 = arith.constant 0 : i32
      %dma_start3A_87 = arith.constant 0 : i32
      %dma_start3A_88 = tpu.memref_slice %arg6[%dma_start3A_85, %dma_start3A_86, %dma_start3A_87] : memref<5x128x128xf32, #tpu.memory_space<vmem>> -> memref<1x128x128xf32, #tpu.memory_space<vmem>>
      %dma_start3A_89 = tpu.memref_squeeze %dma_start3A_88 : memref<1x128x128xf32, #tpu.memory_space<vmem>> -> memref<128x128xf32, #tpu.memory_space<vmem>>
      %dma_start3A_90 = arith.constant 0 : i32
      %dma_start3A_91 = tpu.memref_slice %arg4[%add3A_84, %dma_start3A_90] : memref<163840x128xf32, #tpu.memory_space<hbm>> -> memref<128x128xf32, #tpu.memory_space<hbm>>
      %dma_start3A_92 = arith.constant 0 : i32
      %dma_start3A_93 = tpu.memref_slice %arg4[%add3A_84, %dma_start3A_92] : memref<163840x128xf32, #tpu.memory_space<hbm>> -> memref<128x128xf32, #tpu.memory_space<hbm>>
      %dma_start3A_94 = arith.constant 0 : i32
      %dma_start3A_95 = arith.constant 0 : i32
      %dma_start3A_96 = tpu.memref_slice %arg6[%dma_start3A_85, %dma_start3A_94, %dma_start3A_95] : memref<5x128x128xf32, #tpu.memory_space<vmem>> -> memref<1x128x128xf32, #tpu.memory_space<vmem>>
      %dma_start3A_97 = tpu.memref_squeeze %dma_start3A_96 : memref<1x128x128xf32, #tpu.memory_space<vmem>> -> memref<128x128xf32, #tpu.memory_space<vmem>>
      tpu.enqueue_dma source(%dma_start3A_97 : memref<128x128xf32, #tpu.memory_space<vmem>>) target(%dma_start3A_93 : memref<128x128xf32, #tpu.memory_space<hbm>>) target_semaphore(%arg12 : memref<!tpu.dma_semaphore, #tpu.memory_space<semaphore_mem>>)
      %mul3A_98 = arith.constant 5 : i32
      %mul3A_99 = arith.muli %scan3A_67, %mul3A_98 : i32
      %add3A_100 = arith.constant 1 : i32
      %add3A_101 = arith.addi %mul3A_99, %add3A_100 : i32
      %dma_wait3A_102 = arith.constant 1 : i32
      %dma_wait3A_103 = arith.constant 0 : i32
      %dma_wait3A_104 = arith.constant 0 : i32
      %dma_wait3A_105 = tpu.memref_slice %arg6[%dma_wait3A_102, %dma_wait3A_103, %dma_wait3A_104] : memref<5x128x128xf32, #tpu.memory_space<vmem>> -> memref<1x128x128xf32, #tpu.memory_space<vmem>>
      %dma_wait3A_106 = tpu.memref_squeeze %dma_wait3A_105 : memref<1x128x128xf32, #tpu.memory_space<vmem>> -> memref<128x128xf32, #tpu.memory_space<vmem>>
      %dma_wait3A_107 = arith.constant 0 : i32
      %dma_wait3A_108 = tpu.memref_slice %arg5[%add3A_101, %dma_wait3A_107] : memref<40x128xi32, #tpu.memory_space<vmem>> -> memref<1x128xi32, #tpu.memory_space<vmem>>
      %dma_wait3A_109 = tpu.memref_squeeze %dma_wait3A_108 : memref<1x128xi32, #tpu.memory_space<vmem>> -> memref<128xi32, #tpu.memory_space<vmem>>
      %dma_wait3A_110 = arith.constant 0 : i32
      %dma_wait3A_111 = arith.constant 0 : i32
      %dma_wait3A_112 = tpu.memref_slice %arg2[%dma_wait3A_110, %dma_wait3A_111] : memref<1000000x128xf32, #tpu.memory_space<hbm>> -> memref<1000000x128xf32, #tpu.memory_space<hbm>>
      tpu.wait_indirect_dma semaphore(%arg8 : memref<!tpu.dma_semaphore, #tpu.memory_space<semaphore_mem>>) src(%dma_wait3A_112 : memref<1000000x128xf32, #tpu.memory_space<hbm>>) dst(%dma_wait3A_106 : memref<128x128xf32, #tpu.memory_space<vmem>>)
      %mul3A_113 = arith.constant 128 : i32
      %mul3A_114 = arith.muli %add3A_101, %mul3A_113 : i32
      %add3A_115 = arith.addi %mul3A_2, %mul3A_114 : i32
      %dma_start3A_116 = arith.constant 1 : i32
      %dma_start3A_117 = arith.constant 0 : i32
      %dma_start3A_118 = arith.constant 0 : i32
      %dma_start3A_119 = tpu.memref_slice %arg6[%dma_start3A_116, %dma_start3A_117, %dma_start3A_118] : memref<5x128x128xf32, #tpu.memory_space<vmem>> -> memref<1x128x128xf32, #tpu.memory_space<vmem>>
      %dma_start3A_120 = tpu.memref_squeeze %dma_start3A_119 : memref<1x128x128xf32, #tpu.memory_space<vmem>> -> memref<128x128xf32, #tpu.memory_space<vmem>>
      %dma_start3A_121 = arith.constant 0 : i32
      %dma_start3A_122 = tpu.memref_slice %arg4[%add3A_115, %dma_start3A_121] : memref<163840x128xf32, #tpu.memory_space<hbm>> -> memref<128x128xf32, #tpu.memory_space<hbm>>
      %dma_start3A_123 = arith.constant 0 : i32
      %dma_start3A_124 = tpu.memref_slice %arg4[%add3A_115, %dma_start3A_123] : memref<163840x128xf32, #tpu.memory_space<hbm>> -> memref<128x128xf32, #tpu.memory_space<hbm>>
      %dma_start3A_125 = arith.constant 0 : i32
      %dma_start3A_126 = arith.constant 0 : i32
      %dma_start3A_127 = tpu.memref_slice %arg6[%dma_start3A_116, %dma_start3A_125, %dma_start3A_126] : memref<5x128x128xf32, #tpu.memory_space<vmem>> -> memref<1x128x128xf32, #tpu.memory_space<vmem>>
      %dma_start3A_128 = tpu.memref_squeeze %dma_start3A_127 : memref<1x128x128xf32, #tpu.memory_space<vmem>> -> memref<128x128xf32, #tpu.memory_space<vmem>>
      tpu.enqueue_dma source(%dma_start3A_128 : memref<128x128xf32, #tpu.memory_space<vmem>>) target(%dma_start3A_124 : memref<128x128xf32, #tpu.memory_space<hbm>>) target_semaphore(%arg13 : memref<!tpu.dma_semaphore, #tpu.memory_space<semaphore_mem>>)
      %mul3A_129 = arith.constant 5 : i32
      %mul3A_130 = arith.muli %scan3A_67, %mul3A_129 : i32
      %add3A_131 = arith.constant 2 : i32
      %add3A_132 = arith.addi %mul3A_130, %add3A_131 : i32
      %dma_wait3A_133 = arith.constant 2 : i32
      %dma_wait3A_134 = arith.constant 0 : i32
      %dma_wait3A_135 = arith.constant 0 : i32
      %dma_wait3A_136 = tpu.memref_slice %arg6[%dma_wait3A_133, %dma_wait3A_134, %dma_wait3A_135] : memref<5x128x128xf32, #tpu.memory_space<vmem>> -> memref<1x128x128xf32, #tpu.memory_space<vmem>>
      %dma_wait3A_137 = tpu.memref_squeeze %dma_wait3A_136 : memref<1x128x128xf32, #tpu.memory_space<vmem>> -> memref<128x128xf32, #tpu.memory_space<vmem>>
      %dma_wait3A_138 = arith.constant 0 : i32
      %dma_wait3A_139 = tpu.memref_slice %arg5[%add3A_132, %dma_wait3A_138] : memref<40x128xi32, #tpu.memory_space<vmem>> -> memref<1x128xi32, #tpu.memory_space<vmem>>
      %dma_wait3A_140 = tpu.memref_squeeze %dma_wait3A_139 : memref<1x128xi32, #tpu.memory_space<vmem>> -> memref<128xi32, #tpu.memory_space<vmem>>
      %dma_wait3A_141 = arith.constant 0 : i32
      %dma_wait3A_142 = arith.constant 0 : i32
      %dma_wait3A_143 = tpu.memref_slice %arg2[%dma_wait3A_141, %dma_wait3A_142] : memref<1000000x128xf32, #tpu.memory_space<hbm>> -> memref<1000000x128xf32, #tpu.memory_space<hbm>>
      tpu.wait_indirect_dma semaphore(%arg9 : memref<!tpu.dma_semaphore, #tpu.memory_space<semaphore_mem>>) src(%dma_wait3A_143 : memref<1000000x128xf32, #tpu.memory_space<hbm>>) dst(%dma_wait3A_137 : memref<128x128xf32, #tpu.memory_space<vmem>>)
      %mul3A_144 = arith.constant 128 : i32
      %mul3A_145 = arith.muli %add3A_132, %mul3A_144 : i32
      %add3A_146 = arith.addi %mul3A_2, %mul3A_145 : i32
      %dma_start3A_147 = arith.constant 2 : i32
      %dma_start3A_148 = arith.constant 0 : i32
      %dma_start3A_149 = arith.constant 0 : i32
      %dma_start3A_150 = tpu.memref_slice %arg6[%dma_start3A_147, %dma_start3A_148, %dma_start3A_149] : memref<5x128x128xf32, #tpu.memory_space<vmem>> -> memref<1x128x128xf32, #tpu.memory_space<vmem>>
      %dma_start3A_151 = tpu.memref_squeeze %dma_start3A_150 : memref<1x128x128xf32, #tpu.memory_space<vmem>> -> memref<128x128xf32, #tpu.memory_space<vmem>>
      %dma_start3A_152 = arith.constant 0 : i32
      %dma_start3A_153 = tpu.memref_slice %arg4[%add3A_146, %dma_start3A_152] : memref<163840x128xf32, #tpu.memory_space<hbm>> -> memref<128x128xf32, #tpu.memory_space<hbm>>
      %dma_start3A_154 = arith.constant 0 : i32
      %dma_start3A_155 = tpu.memref_slice %arg4[%add3A_146, %dma_start3A_154] : memref<163840x128xf32, #tpu.memory_space<hbm>> -> memref<128x128xf32, #tpu.memory_space<hbm>>
      %dma_start3A_156 = arith.constant 0 : i32
      %dma_start3A_157 = arith.constant 0 : i32
      %dma_start3A_158 = tpu.memref_slice %arg6[%dma_start3A_147, %dma_start3A_156, %dma_start3A_157] : memref<5x128x128xf32, #tpu.memory_space<vmem>> -> memref<1x128x128xf32, #tpu.memory_space<vmem>>
      %dma_start3A_159 = tpu.memref_squeeze %dma_start3A_158 : memref<1x128x128xf32, #tpu.memory_space<vmem>> -> memref<128x128xf32, #tpu.memory_space<vmem>>
      tpu.enqueue_dma source(%dma_start3A_159 : memref<128x128xf32, #tpu.memory_space<vmem>>) target(%dma_start3A_155 : memref<128x128xf32, #tpu.memory_space<hbm>>) target_semaphore(%arg14 : memref<!tpu.dma_semaphore, #tpu.memory_space<semaphore_mem>>)
      %mul3A_160 = arith.constant 5 : i32
      %mul3A_161 = arith.muli %scan3A_67, %mul3A_160 : i32
      %add3A_162 = arith.constant 3 : i32
      %add3A_163 = arith.addi %mul3A_161, %add3A_162 : i32
      %dma_wait3A_164 = arith.constant 3 : i32
      %dma_wait3A_165 = arith.constant 0 : i32
      %dma_wait3A_166 = arith.constant 0 : i32
      %dma_wait3A_167 = tpu.memref_slice %arg6[%dma_wait3A_164, %dma_wait3A_165, %dma_wait3A_166] : memref<5x128x128xf32, #tpu.memory_space<vmem>> -> memref<1x128x128xf32, #tpu.memory_space<vmem>>
      %dma_wait3A_168 = tpu.memref_squeeze %dma_wait3A_167 : memref<1x128x128xf32, #tpu.memory_space<vmem>> -> memref<128x128xf32, #tpu.memory_space<vmem>>
      %dma_wait3A_169 = arith.constant 0 : i32
      %dma_wait3A_170 = tpu.memref_slice %arg5[%add3A_163, %dma_wait3A_169] : memref<40x128xi32, #tpu.memory_space<vmem>> -> memref<1x128xi32, #tpu.memory_space<vmem>>
      %dma_wait3A_171 = tpu.memref_squeeze %dma_wait3A_170 : memref<1x128xi32, #tpu.memory_space<vmem>> -> memref<128xi32, #tpu.memory_space<vmem>>
      %dma_wait3A_172 = arith.constant 0 : i32
      %dma_wait3A_173 = arith.constant 0 : i32
      %dma_wait3A_174 = tpu.memref_slice %arg2[%dma_wait3A_172, %dma_wait3A_173] : memref<1000000x128xf32, #tpu.memory_space<hbm>> -> memref<1000000x128xf32, #tpu.memory_space<hbm>>
      tpu.wait_indirect_dma semaphore(%arg10 : memref<!tpu.dma_semaphore, #tpu.memory_space<semaphore_mem>>) src(%dma_wait3A_174 : memref<1000000x128xf32, #tpu.memory_space<hbm>>) dst(%dma_wait3A_168 : memref<128x128xf32, #tpu.memory_space<vmem>>)
      %mul3A_175 = arith.constant 128 : i32
      %mul3A_176 = arith.muli %add3A_163, %mul3A_175 : i32
      %add3A_177 = arith.addi %mul3A_2, %mul3A_176 : i32
      %dma_start3A_178 = arith.constant 3 : i32
      %dma_start3A_179 = arith.constant 0 : i32
      %dma_start3A_180 = arith.constant 0 : i32
      %dma_start3A_181 = tpu.memref_slice %arg6[%dma_start3A_178, %dma_start3A_179, %dma_start3A_180] : memref<5x128x128xf32, #tpu.memory_space<vmem>> -> memref<1x128x128xf32, #tpu.memory_space<vmem>>
      %dma_start3A_182 = tpu.memref_squeeze %dma_start3A_181 : memref<1x128x128xf32, #tpu.memory_space<vmem>> -> memref<128x128xf32, #tpu.memory_space<vmem>>
      %dma_start3A_183 = arith.constant 0 : i32
      %dma_start3A_184 = tpu.memref_slice %arg4[%add3A_177, %dma_start3A_183] : memref<163840x128xf32, #tpu.memory_space<hbm>> -> memref<128x128xf32, #tpu.memory_space<hbm>>
      %dma_start3A_185 = arith.constant 0 : i32
      %dma_start3A_186 = tpu.memref_slice %arg4[%add3A_177, %dma_start3A_185] : memref<163840x128xf32, #tpu.memory_space<hbm>> -> memref<128x128xf32, #tpu.memory_space<hbm>>
      %dma_start3A_187 = arith.constant 0 : i32
      %dma_start3A_188 = arith.constant 0 : i32
      %dma_start3A_189 = tpu.memref_slice %arg6[%dma_start3A_178, %dma_start3A_187, %dma_start3A_188] : memref<5x128x128xf32, #tpu.memory_space<vmem>> -> memref<1x128x128xf32, #tpu.memory_space<vmem>>
      %dma_start3A_190 = tpu.memref_squeeze %dma_start3A_189 : memref<1x128x128xf32, #tpu.memory_space<vmem>> -> memref<128x128xf32, #tpu.memory_space<vmem>>
      tpu.enqueue_dma source(%dma_start3A_190 : memref<128x128xf32, #tpu.memory_space<vmem>>) target(%dma_start3A_186 : memref<128x128xf32, #tpu.memory_space<hbm>>) target_semaphore(%arg15 : memref<!tpu.dma_semaphore, #tpu.memory_space<semaphore_mem>>)
      %mul3A_191 = arith.constant 5 : i32
      %mul3A_192 = arith.muli %scan3A_67, %mul3A_191 : i32
      %add3A_193 = arith.constant 4 : i32
      %add3A_194 = arith.addi %mul3A_192, %add3A_193 : i32
      %dma_wait3A_195 = arith.constant 4 : i32
      %dma_wait3A_196 = arith.constant 0 : i32
      %dma_wait3A_197 = arith.constant 0 : i32
      %dma_wait3A_198 = tpu.memref_slice %arg6[%dma_wait3A_195, %dma_wait3A_196, %dma_wait3A_197] : memref<5x128x128xf32, #tpu.memory_space<vmem>> -> memref<1x128x128xf32, #tpu.memory_space<vmem>>
      %dma_wait3A_199 = tpu.memref_squeeze %dma_wait3A_198 : memref<1x128x128xf32, #tpu.memory_space<vmem>> -> memref<128x128xf32, #tpu.memory_space<vmem>>
      %dma_wait3A_200 = arith.constant 0 : i32
      %dma_wait3A_201 = tpu.memref_slice %arg5[%add3A_194, %dma_wait3A_200] : memref<40x128xi32, #tpu.memory_space<vmem>> -> memref<1x128xi32, #tpu.memory_space<vmem>>
      %dma_wait3A_202 = tpu.memref_squeeze %dma_wait3A_201 : memref<1x128xi32, #tpu.memory_space<vmem>> -> memref<128xi32, #tpu.memory_space<vmem>>
      %dma_wait3A_203 = arith.constant 0 : i32
      %dma_wait3A_204 = arith.constant 0 : i32
      %dma_wait3A_205 = tpu.memref_slice %arg2[%dma_wait3A_203, %dma_wait3A_204] : memref<1000000x128xf32, #tpu.memory_space<hbm>> -> memref<1000000x128xf32, #tpu.memory_space<hbm>>
      tpu.wait_indirect_dma semaphore(%arg11 : memref<!tpu.dma_semaphore, #tpu.memory_space<semaphore_mem>>) src(%dma_wait3A_205 : memref<1000000x128xf32, #tpu.memory_space<hbm>>) dst(%dma_wait3A_199 : memref<128x128xf32, #tpu.memory_space<vmem>>)
      %mul3A_206 = arith.constant 128 : i32
      %mul3A_207 = arith.muli %add3A_194, %mul3A_206 : i32
      %add3A_208 = arith.addi %mul3A_2, %mul3A_207 : i32
      %dma_start3A_209 = arith.constant 4 : i32
      %dma_start3A_210 = arith.constant 0 : i32
      %dma_start3A_211 = arith.constant 0 : i32
      %dma_start3A_212 = tpu.memref_slice %arg6[%dma_start3A_209, %dma_start3A_210, %dma_start3A_211] : memref<5x128x128xf32, #tpu.memory_space<vmem>> -> memref<1x128x128xf32, #tpu.memory_space<vmem>>
      %dma_start3A_213 = tpu.memref_squeeze %dma_start3A_212 : memref<1x128x128xf32, #tpu.memory_space<vmem>> -> memref<128x128xf32, #tpu.memory_space<vmem>>
      %dma_start3A_214 = arith.constant 0 : i32
      %dma_start3A_215 = tpu.memref_slice %arg4[%add3A_208, %dma_start3A_214] : memref<163840x128xf32, #tpu.memory_space<hbm>> -> memref<128x128xf32, #tpu.memory_space<hbm>>
      %dma_start3A_216 = arith.constant 0 : i32
      %dma_start3A_217 = tpu.memref_slice %arg4[%add3A_208, %dma_start3A_216] : memref<163840x128xf32, #tpu.memory_space<hbm>> -> memref<128x128xf32, #tpu.memory_space<hbm>>
      %dma_start3A_218 = arith.constant 0 : i32
      %dma_start3A_219 = arith.constant 0 : i32
      %dma_start3A_220 = tpu.memref_slice %arg6[%dma_start3A_209, %dma_start3A_218, %dma_start3A_219] : memref<5x128x128xf32, #tpu.memory_space<vmem>> -> memref<1x128x128xf32, #tpu.memory_space<vmem>>
      %dma_start3A_221 = tpu.memref_squeeze %dma_start3A_220 : memref<1x128x128xf32, #tpu.memory_space<vmem>> -> memref<128x128xf32, #tpu.memory_space<vmem>>
      tpu.enqueue_dma source(%dma_start3A_221 : memref<128x128xf32, #tpu.memory_space<vmem>>) target(%dma_start3A_217 : memref<128x128xf32, #tpu.memory_space<hbm>>) target_semaphore(%arg16 : memref<!tpu.dma_semaphore, #tpu.memory_space<semaphore_mem>>)
      %mul3A_222 = arith.constant 5 : i32
      %mul3A_223 = arith.muli %scan3A_67, %mul3A_222 : i32
      %add3A_224 = arith.constant 0 : i32
      %add3A_225 = arith.addi %mul3A_223, %add3A_224 : i32
      %mul3A_226 = arith.constant 128 : i32
      %mul3A_227 = arith.muli %add3A_225, %mul3A_226 : i32
      %add3A_228 = arith.addi %mul3A_2, %mul3A_227 : i32
      %dma_wait3A_229 = arith.constant 0 : i32
      %dma_wait3A_230 = arith.constant 0 : i32
      %dma_wait3A_231 = arith.constant 0 : i32
      %dma_wait3A_232 = tpu.memref_slice %arg6[%dma_wait3A_229, %dma_wait3A_230, %dma_wait3A_231] : memref<5x128x128xf32, #tpu.memory_space<vmem>> -> memref<1x128x128xf32, #tpu.memory_space<vmem>>
      %dma_wait3A_233 = tpu.memref_squeeze %dma_wait3A_232 : memref<1x128x128xf32, #tpu.memory_space<vmem>> -> memref<128x128xf32, #tpu.memory_space<vmem>>
      %dma_wait3A_234 = arith.constant 0 : i32
      %dma_wait3A_235 = tpu.memref_slice %arg4[%add3A_228, %dma_wait3A_234] : memref<163840x128xf32, #tpu.memory_space<hbm>> -> memref<128x128xf32, #tpu.memory_space<hbm>>
      %dma_wait3A_236 = arith.constant 0 : i32
      %dma_wait3A_237 = tpu.memref_slice %arg4[%add3A_228, %dma_wait3A_236] : memref<163840x128xf32, #tpu.memory_space<hbm>> -> memref<128x128xf32, #tpu.memory_space<hbm>>
      %dma_wait3A_238 = arith.constant 0 : i32
      %dma_wait3A_239 = arith.constant 0 : i32
      %dma_wait3A_240 = tpu.memref_slice %arg6[%dma_wait3A_229, %dma_wait3A_238, %dma_wait3A_239] : memref<5x128x128xf32, #tpu.memory_space<vmem>> -> memref<1x128x128xf32, #tpu.memory_space<vmem>>
      %dma_wait3A_241 = tpu.memref_squeeze %dma_wait3A_240 : memref<1x128x128xf32, #tpu.memory_space<vmem>> -> memref<128x128xf32, #tpu.memory_space<vmem>>
      tpu.wait_dma2 semaphore(%arg12 : memref<!tpu.dma_semaphore, #tpu.memory_space<semaphore_mem>>) src(%dma_wait3A_241 : memref<128x128xf32, #tpu.memory_space<vmem>>) dst(%dma_wait3A_237 : memref<128x128xf32, #tpu.memory_space<hbm>>)
      %lt3A = arith.constant 7 : i32
      %lt3A_242 = arith.cmpi slt, %scan3A_67, %lt3A : i32
      %convert_element_type3A = arith.extui %lt3A_242 : i1 to i32
      %cond3A = arith.constant 0 : i32
      %cond3A_243 = arith.cmpi ne, %convert_element_type3A, %cond3A : i32
      scf.if %cond3A_243 {
        %add3A_344 = arith.constant 5 : i32
        %add3A_345 = arith.addi %add3A_225, %add3A_344 : i32
        %dma_start3A_346 = arith.constant 0 : i32
        %dma_start3A_347 = arith.constant 0 : i32
        %dma_start3A_348 = arith.constant 0 : i32
        %dma_start3A_349 = tpu.memref_slice %arg6[%dma_start3A_346, %dma_start3A_347, %dma_start3A_348] : memref<5x128x128xf32, #tpu.memory_space<vmem>> -> memref<1x128x128xf32, #tpu.memory_space<vmem>>
        %dma_start3A_350 = tpu.memref_squeeze %dma_start3A_349 : memref<1x128x128xf32, #tpu.memory_space<vmem>> -> memref<128x128xf32, #tpu.memory_space<vmem>>
        %dma_start3A_351 = arith.constant 0 : i32
        %dma_start3A_352 = tpu.memref_slice %arg5[%add3A_345, %dma_start3A_351] : memref<40x128xi32, #tpu.memory_space<vmem>> -> memref<1x128xi32, #tpu.memory_space<vmem>>
        %dma_start3A_353 = tpu.memref_squeeze %dma_start3A_352 : memref<1x128xi32, #tpu.memory_space<vmem>> -> memref<128xi32, #tpu.memory_space<vmem>>
        %dma_start3A_354 = arith.constant 0 : i32
        %dma_start3A_355 = arith.constant 0 : i32
        %dma_start3A_356 = tpu.memref_slice %arg2[%dma_start3A_354, %dma_start3A_355] : memref<1000000x128xf32, #tpu.memory_space<hbm>> -> memref<1000000x128xf32, #tpu.memory_space<hbm>>
        tpu.enqueue_indirect_dma source(%dma_start3A_356 : memref<1000000x128xf32, #tpu.memory_space<hbm>>) target(%dma_start3A_350 : memref<128x128xf32, #tpu.memory_space<vmem>>) offsets(%dma_start3A_353 : memref<128xi32, #tpu.memory_space<vmem>>) semaphore(%arg7 : memref<!tpu.dma_semaphore, #tpu.memory_space<semaphore_mem>>)
      } else {
      }
      %mul3A_244 = arith.constant 5 : i32
      %mul3A_245 = arith.muli %scan3A_67, %mul3A_244 : i32
      %add3A_246 = arith.constant 1 : i32
      %add3A_247 = arith.addi %mul3A_245, %add3A_246 : i32
      %mul3A_248 = arith.constant 128 : i32
      %mul3A_249 = arith.muli %add3A_247, %mul3A_248 : i32
      %add3A_250 = arith.addi %mul3A_2, %mul3A_249 : i32
      %dma_wait3A_251 = arith.constant 1 : i32
      %dma_wait3A_252 = arith.constant 0 : i32
      %dma_wait3A_253 = arith.constant 0 : i32
      %dma_wait3A_254 = tpu.memref_slice %arg6[%dma_wait3A_251, %dma_wait3A_252, %dma_wait3A_253] : memref<5x128x128xf32, #tpu.memory_space<vmem>> -> memref<1x128x128xf32, #tpu.memory_space<vmem>>
      %dma_wait3A_255 = tpu.memref_squeeze %dma_wait3A_254 : memref<1x128x128xf32, #tpu.memory_space<vmem>> -> memref<128x128xf32, #tpu.memory_space<vmem>>
      %dma_wait3A_256 = arith.constant 0 : i32
      %dma_wait3A_257 = tpu.memref_slice %arg4[%add3A_250, %dma_wait3A_256] : memref<163840x128xf32, #tpu.memory_space<hbm>> -> memref<128x128xf32, #tpu.memory_space<hbm>>
      %dma_wait3A_258 = arith.constant 0 : i32
      %dma_wait3A_259 = tpu.memref_slice %arg4[%add3A_250, %dma_wait3A_258] : memref<163840x128xf32, #tpu.memory_space<hbm>> -> memref<128x128xf32, #tpu.memory_space<hbm>>
      %dma_wait3A_260 = arith.constant 0 : i32
      %dma_wait3A_261 = arith.constant 0 : i32
      %dma_wait3A_262 = tpu.memref_slice %arg6[%dma_wait3A_251, %dma_wait3A_260, %dma_wait3A_261] : memref<5x128x128xf32, #tpu.memory_space<vmem>> -> memref<1x128x128xf32, #tpu.memory_space<vmem>>
      %dma_wait3A_263 = tpu.memref_squeeze %dma_wait3A_262 : memref<1x128x128xf32, #tpu.memory_space<vmem>> -> memref<128x128xf32, #tpu.memory_space<vmem>>
      tpu.wait_dma2 semaphore(%arg13 : memref<!tpu.dma_semaphore, #tpu.memory_space<semaphore_mem>>) src(%dma_wait3A_263 : memref<128x128xf32, #tpu.memory_space<vmem>>) dst(%dma_wait3A_259 : memref<128x128xf32, #tpu.memory_space<hbm>>)
      %lt3A_264 = arith.constant 7 : i32
      %lt3A_265 = arith.cmpi slt, %scan3A_67, %lt3A_264 : i32
      %convert_element_type3A_266 = arith.extui %lt3A_265 : i1 to i32
      %cond3A_267 = arith.constant 0 : i32
      %cond3A_268 = arith.cmpi ne, %convert_element_type3A_266, %cond3A_267 : i32
      scf.if %cond3A_268 {
        %add3A_344 = arith.constant 5 : i32
        %add3A_345 = arith.addi %add3A_247, %add3A_344 : i32
        %dma_start3A_346 = arith.constant 1 : i32
        %dma_start3A_347 = arith.constant 0 : i32
        %dma_start3A_348 = arith.constant 0 : i32
        %dma_start3A_349 = tpu.memref_slice %arg6[%dma_start3A_346, %dma_start3A_347, %dma_start3A_348] : memref<5x128x128xf32, #tpu.memory_space<vmem>> -> memref<1x128x128xf32, #tpu.memory_space<vmem>>
        %dma_start3A_350 = tpu.memref_squeeze %dma_start3A_349 : memref<1x128x128xf32, #tpu.memory_space<vmem>> -> memref<128x128xf32, #tpu.memory_space<vmem>>
        %dma_start3A_351 = arith.constant 0 : i32
        %dma_start3A_352 = tpu.memref_slice %arg5[%add3A_345, %dma_start3A_351] : memref<40x128xi32, #tpu.memory_space<vmem>> -> memref<1x128xi32, #tpu.memory_space<vmem>>
        %dma_start3A_353 = tpu.memref_squeeze %dma_start3A_352 : memref<1x128xi32, #tpu.memory_space<vmem>> -> memref<128xi32, #tpu.memory_space<vmem>>
        %dma_start3A_354 = arith.constant 0 : i32
        %dma_start3A_355 = arith.constant 0 : i32
        %dma_start3A_356 = tpu.memref_slice %arg2[%dma_start3A_354, %dma_start3A_355] : memref<1000000x128xf32, #tpu.memory_space<hbm>> -> memref<1000000x128xf32, #tpu.memory_space<hbm>>
        tpu.enqueue_indirect_dma source(%dma_start3A_356 : memref<1000000x128xf32, #tpu.memory_space<hbm>>) target(%dma_start3A_350 : memref<128x128xf32, #tpu.memory_space<vmem>>) offsets(%dma_start3A_353 : memref<128xi32, #tpu.memory_space<vmem>>) semaphore(%arg8 : memref<!tpu.dma_semaphore, #tpu.memory_space<semaphore_mem>>)
      } else {
      }
      %mul3A_269 = arith.constant 5 : i32
      %mul3A_270 = arith.muli %scan3A_67, %mul3A_269 : i32
      %add3A_271 = arith.constant 2 : i32
      %add3A_272 = arith.addi %mul3A_270, %add3A_271 : i32
      %mul3A_273 = arith.constant 128 : i32
      %mul3A_274 = arith.muli %add3A_272, %mul3A_273 : i32
      %add3A_275 = arith.addi %mul3A_2, %mul3A_274 : i32
      %dma_wait3A_276 = arith.constant 2 : i32
      %dma_wait3A_277 = arith.constant 0 : i32
      %dma_wait3A_278 = arith.constant 0 : i32
      %dma_wait3A_279 = tpu.memref_slice %arg6[%dma_wait3A_276, %dma_wait3A_277, %dma_wait3A_278] : memref<5x128x128xf32, #tpu.memory_space<vmem>> -> memref<1x128x128xf32, #tpu.memory_space<vmem>>
      %dma_wait3A_280 = tpu.memref_squeeze %dma_wait3A_279 : memref<1x128x128xf32, #tpu.memory_space<vmem>> -> memref<128x128xf32, #tpu.memory_space<vmem>>
      %dma_wait3A_281 = arith.constant 0 : i32
      %dma_wait3A_282 = tpu.memref_slice %arg4[%add3A_275, %dma_wait3A_281] : memref<163840x128xf32, #tpu.memory_space<hbm>> -> memref<128x128xf32, #tpu.memory_space<hbm>>
      %dma_wait3A_283 = arith.constant 0 : i32
      %dma_wait3A_284 = tpu.memref_slice %arg4[%add3A_275, %dma_wait3A_283] : memref<163840x128xf32, #tpu.memory_space<hbm>> -> memref<128x128xf32, #tpu.memory_space<hbm>>
      %dma_wait3A_285 = arith.constant 0 : i32
      %dma_wait3A_286 = arith.constant 0 : i32
      %dma_wait3A_287 = tpu.memref_slice %arg6[%dma_wait3A_276, %dma_wait3A_285, %dma_wait3A_286] : memref<5x128x128xf32, #tpu.memory_space<vmem>> -> memref<1x128x128xf32, #tpu.memory_space<vmem>>
      %dma_wait3A_288 = tpu.memref_squeeze %dma_wait3A_287 : memref<1x128x128xf32, #tpu.memory_space<vmem>> -> memref<128x128xf32, #tpu.memory_space<vmem>>
      tpu.wait_dma2 semaphore(%arg14 : memref<!tpu.dma_semaphore, #tpu.memory_space<semaphore_mem>>) src(%dma_wait3A_288 : memref<128x128xf32, #tpu.memory_space<vmem>>) dst(%dma_wait3A_284 : memref<128x128xf32, #tpu.memory_space<hbm>>)
      %lt3A_289 = arith.constant 7 : i32
      %lt3A_290 = arith.cmpi slt, %scan3A_67, %lt3A_289 : i32
      %convert_element_type3A_291 = arith.extui %lt3A_290 : i1 to i32
      %cond3A_292 = arith.constant 0 : i32
      %cond3A_293 = arith.cmpi ne, %convert_element_type3A_291, %cond3A_292 : i32
      scf.if %cond3A_293 {
        %add3A_344 = arith.constant 5 : i32
        %add3A_345 = arith.addi %add3A_272, %add3A_344 : i32
        %dma_start3A_346 = arith.constant 2 : i32
        %dma_start3A_347 = arith.constant 0 : i32
        %dma_start3A_348 = arith.constant 0 : i32
        %dma_start3A_349 = tpu.memref_slice %arg6[%dma_start3A_346, %dma_start3A_347, %dma_start3A_348] : memref<5x128x128xf32, #tpu.memory_space<vmem>> -> memref<1x128x128xf32, #tpu.memory_space<vmem>>
        %dma_start3A_350 = tpu.memref_squeeze %dma_start3A_349 : memref<1x128x128xf32, #tpu.memory_space<vmem>> -> memref<128x128xf32, #tpu.memory_space<vmem>>
        %dma_start3A_351 = arith.constant 0 : i32
        %dma_start3A_352 = tpu.memref_slice %arg5[%add3A_345, %dma_start3A_351] : memref<40x128xi32, #tpu.memory_space<vmem>> -> memref<1x128xi32, #tpu.memory_space<vmem>>
        %dma_start3A_353 = tpu.memref_squeeze %dma_start3A_352 : memref<1x128xi32, #tpu.memory_space<vmem>> -> memref<128xi32, #tpu.memory_space<vmem>>
        %dma_start3A_354 = arith.constant 0 : i32
        %dma_start3A_355 = arith.constant 0 : i32
        %dma_start3A_356 = tpu.memref_slice %arg2[%dma_start3A_354, %dma_start3A_355] : memref<1000000x128xf32, #tpu.memory_space<hbm>> -> memref<1000000x128xf32, #tpu.memory_space<hbm>>
        tpu.enqueue_indirect_dma source(%dma_start3A_356 : memref<1000000x128xf32, #tpu.memory_space<hbm>>) target(%dma_start3A_350 : memref<128x128xf32, #tpu.memory_space<vmem>>) offsets(%dma_start3A_353 : memref<128xi32, #tpu.memory_space<vmem>>) semaphore(%arg9 : memref<!tpu.dma_semaphore, #tpu.memory_space<semaphore_mem>>)
      } else {
      }
      %mul3A_294 = arith.constant 5 : i32
      %mul3A_295 = arith.muli %scan3A_67, %mul3A_294 : i32
      %add3A_296 = arith.constant 3 : i32
      %add3A_297 = arith.addi %mul3A_295, %add3A_296 : i32
      %mul3A_298 = arith.constant 128 : i32
      %mul3A_299 = arith.muli %add3A_297, %mul3A_298 : i32
      %add3A_300 = arith.addi %mul3A_2, %mul3A_299 : i32
      %dma_wait3A_301 = arith.constant 3 : i32
      %dma_wait3A_302 = arith.constant 0 : i32
      %dma_wait3A_303 = arith.constant 0 : i32
      %dma_wait3A_304 = tpu.memref_slice %arg6[%dma_wait3A_301, %dma_wait3A_302, %dma_wait3A_303] : memref<5x128x128xf32, #tpu.memory_space<vmem>> -> memref<1x128x128xf32, #tpu.memory_space<vmem>>
      %dma_wait3A_305 = tpu.memref_squeeze %dma_wait3A_304 : memref<1x128x128xf32, #tpu.memory_space<vmem>> -> memref<128x128xf32, #tpu.memory_space<vmem>>
      %dma_wait3A_306 = arith.constant 0 : i32
      %dma_wait3A_307 = tpu.memref_slice %arg4[%add3A_300, %dma_wait3A_306] : memref<163840x128xf32, #tpu.memory_space<hbm>> -> memref<128x128xf32, #tpu.memory_space<hbm>>
      %dma_wait3A_308 = arith.constant 0 : i32
      %dma_wait3A_309 = tpu.memref_slice %arg4[%add3A_300, %dma_wait3A_308] : memref<163840x128xf32, #tpu.memory_space<hbm>> -> memref<128x128xf32, #tpu.memory_space<hbm>>
      %dma_wait3A_310 = arith.constant 0 : i32
      %dma_wait3A_311 = arith.constant 0 : i32
      %dma_wait3A_312 = tpu.memref_slice %arg6[%dma_wait3A_301, %dma_wait3A_310, %dma_wait3A_311] : memref<5x128x128xf32, #tpu.memory_space<vmem>> -> memref<1x128x128xf32, #tpu.memory_space<vmem>>
      %dma_wait3A_313 = tpu.memref_squeeze %dma_wait3A_312 : memref<1x128x128xf32, #tpu.memory_space<vmem>> -> memref<128x128xf32, #tpu.memory_space<vmem>>
      tpu.wait_dma2 semaphore(%arg15 : memref<!tpu.dma_semaphore, #tpu.memory_space<semaphore_mem>>) src(%dma_wait3A_313 : memref<128x128xf32, #tpu.memory_space<vmem>>) dst(%dma_wait3A_309 : memref<128x128xf32, #tpu.memory_space<hbm>>)
      %lt3A_314 = arith.constant 7 : i32
      %lt3A_315 = arith.cmpi slt, %scan3A_67, %lt3A_314 : i32
      %convert_element_type3A_316 = arith.extui %lt3A_315 : i1 to i32
      %cond3A_317 = arith.constant 0 : i32
      %cond3A_318 = arith.cmpi ne, %convert_element_type3A_316, %cond3A_317 : i32
      scf.if %cond3A_318 {
        %add3A_344 = arith.constant 5 : i32
        %add3A_345 = arith.addi %add3A_297, %add3A_344 : i32
        %dma_start3A_346 = arith.constant 3 : i32
        %dma_start3A_347 = arith.constant 0 : i32
        %dma_start3A_348 = arith.constant 0 : i32
        %dma_start3A_349 = tpu.memref_slice %arg6[%dma_start3A_346, %dma_start3A_347, %dma_start3A_348] : memref<5x128x128xf32, #tpu.memory_space<vmem>> -> memref<1x128x128xf32, #tpu.memory_space<vmem>>
        %dma_start3A_350 = tpu.memref_squeeze %dma_start3A_349 : memref<1x128x128xf32, #tpu.memory_space<vmem>> -> memref<128x128xf32, #tpu.memory_space<vmem>>
        %dma_start3A_351 = arith.constant 0 : i32
        %dma_start3A_352 = tpu.memref_slice %arg5[%add3A_345, %dma_start3A_351] : memref<40x128xi32, #tpu.memory_space<vmem>> -> memref<1x128xi32, #tpu.memory_space<vmem>>
        %dma_start3A_353 = tpu.memref_squeeze %dma_start3A_352 : memref<1x128xi32, #tpu.memory_space<vmem>> -> memref<128xi32, #tpu.memory_space<vmem>>
        %dma_start3A_354 = arith.constant 0 : i32
        %dma_start3A_355 = arith.constant 0 : i32
        %dma_start3A_356 = tpu.memref_slice %arg2[%dma_start3A_354, %dma_start3A_355] : memref<1000000x128xf32, #tpu.memory_space<hbm>> -> memref<1000000x128xf32, #tpu.memory_space<hbm>>
        tpu.enqueue_indirect_dma source(%dma_start3A_356 : memref<1000000x128xf32, #tpu.memory_space<hbm>>) target(%dma_start3A_350 : memref<128x128xf32, #tpu.memory_space<vmem>>) offsets(%dma_start3A_353 : memref<128xi32, #tpu.memory_space<vmem>>) semaphore(%arg10 : memref<!tpu.dma_semaphore, #tpu.memory_space<semaphore_mem>>)
      } else {
      }
      %mul3A_319 = arith.constant 5 : i32
      %mul3A_320 = arith.muli %scan3A_67, %mul3A_319 : i32
      %add3A_321 = arith.constant 4 : i32
      %add3A_322 = arith.addi %mul3A_320, %add3A_321 : i32
      %mul3A_323 = arith.constant 128 : i32
      %mul3A_324 = arith.muli %add3A_322, %mul3A_323 : i32
      %add3A_325 = arith.addi %mul3A_2, %mul3A_324 : i32
      %dma_wait3A_326 = arith.constant 4 : i32
      %dma_wait3A_327 = arith.constant 0 : i32
      %dma_wait3A_328 = arith.constant 0 : i32
      %dma_wait3A_329 = tpu.memref_slice %arg6[%dma_wait3A_326, %dma_wait3A_327, %dma_wait3A_328] : memref<5x128x128xf32, #tpu.memory_space<vmem>> -> memref<1x128x128xf32, #tpu.memory_space<vmem>>
      %dma_wait3A_330 = tpu.memref_squeeze %dma_wait3A_329 : memref<1x128x128xf32, #tpu.memory_space<vmem>> -> memref<128x128xf32, #tpu.memory_space<vmem>>
      %dma_wait3A_331 = arith.constant 0 : i32
      %dma_wait3A_332 = tpu.memref_slice %arg4[%add3A_325, %dma_wait3A_331] : memref<163840x128xf32, #tpu.memory_space<hbm>> -> memref<128x128xf32, #tpu.memory_space<hbm>>
      %dma_wait3A_333 = arith.constant 0 : i32
      %dma_wait3A_334 = tpu.memref_slice %arg4[%add3A_325, %dma_wait3A_333] : memref<163840x128xf32, #tpu.memory_space<hbm>> -> memref<128x128xf32, #tpu.memory_space<hbm>>
      %dma_wait3A_335 = arith.constant 0 : i32
      %dma_wait3A_336 = arith.constant 0 : i32
      %dma_wait3A_337 = tpu.memref_slice %arg6[%dma_wait3A_326, %dma_wait3A_335, %dma_wait3A_336] : memref<5x128x128xf32, #tpu.memory_space<vmem>> -> memref<1x128x128xf32, #tpu.memory_space<vmem>>
      %dma_wait3A_338 = tpu.memref_squeeze %dma_wait3A_337 : memref<1x128x128xf32, #tpu.memory_space<vmem>> -> memref<128x128xf32, #tpu.memory_space<vmem>>
      tpu.wait_dma2 semaphore(%arg16 : memref<!tpu.dma_semaphore, #tpu.memory_space<semaphore_mem>>) src(%dma_wait3A_338 : memref<128x128xf32, #tpu.memory_space<vmem>>) dst(%dma_wait3A_334 : memref<128x128xf32, #tpu.memory_space<hbm>>)
      %lt3A_339 = arith.constant 7 : i32
      %lt3A_340 = arith.cmpi slt, %scan3A_67, %lt3A_339 : i32
      %convert_element_type3A_341 = arith.extui %lt3A_340 : i1 to i32
      %cond3A_342 = arith.constant 0 : i32
      %cond3A_343 = arith.cmpi ne, %convert_element_type3A_341, %cond3A_342 : i32
      scf.if %cond3A_343 {
        %add3A_344 = arith.constant 5 : i32
        %add3A_345 = arith.addi %add3A_322, %add3A_344 : i32
        %dma_start3A_346 = arith.constant 4 : i32
        %dma_start3A_347 = arith.constant 0 : i32
        %dma_start3A_348 = arith.constant 0 : i32
        %dma_start3A_349 = tpu.memref_slice %arg6[%dma_start3A_346, %dma_start3A_347, %dma_start3A_348] : memref<5x128x128xf32, #tpu.memory_space<vmem>> -> memref<1x128x128xf32, #tpu.memory_space<vmem>>
        %dma_start3A_350 = tpu.memref_squeeze %dma_start3A_349 : memref<1x128x128xf32, #tpu.memory_space<vmem>> -> memref<128x128xf32, #tpu.memory_space<vmem>>
        %dma_start3A_351 = arith.constant 0 : i32
        %dma_start3A_352 = tpu.memref_slice %arg5[%add3A_345, %dma_start3A_351] : memref<40x128xi32, #tpu.memory_space<vmem>> -> memref<1x128xi32, #tpu.memory_space<vmem>>
        %dma_start3A_353 = tpu.memref_squeeze %dma_start3A_352 : memref<1x128xi32, #tpu.memory_space<vmem>> -> memref<128xi32, #tpu.memory_space<vmem>>
        %dma_start3A_354 = arith.constant 0 : i32
        %dma_start3A_355 = arith.constant 0 : i32
        %dma_start3A_356 = tpu.memref_slice %arg2[%dma_start3A_354, %dma_start3A_355] : memref<1000000x128xf32, #tpu.memory_space<hbm>> -> memref<1000000x128xf32, #tpu.memory_space<hbm>>
        tpu.enqueue_indirect_dma source(%dma_start3A_356 : memref<1000000x128xf32, #tpu.memory_space<hbm>>) target(%dma_start3A_350 : memref<128x128xf32, #tpu.memory_space<vmem>>) offsets(%dma_start3A_353 : memref<128xi32, #tpu.memory_space<vmem>>) semaphore(%arg11 : memref<!tpu.dma_semaphore, #tpu.memory_space<semaphore_mem>>)
      } else {
      }
    }
    %scan3A_66 = arith.constant 8 : i32
    return
  }
}

module attributes {stable_mosaic.version = 14 : i64} {
  func.func @body(%arg0: i32, %arg1: memref<64x128xf32, #tpu.memory_space<vmem>>, %arg2: memref<16384x128xf32, #tpu.memory_space<vmem>>, %arg3: memref<1x64x16384xf32, #tpu.memory_space<vmem>>) attributes {dimension_semantics = [#tpu.dimension_semantics<arbitrary>], iteration_bounds = array<i64: 10>, scalar_prefetch = 0 : i64, scratch_operands = 0 : i64, tpu.core_type = #tpu.core_type<tc>, window_params = [{pipeline_mode = #tpu.pipeline_mode<synchronous>, transform_indices = @transform_0, window_bounds = array<i64: 64, 128>}, {transform_indices = @transform_1, window_bounds = array<i64: 16384, 128>}, {transform_indices = @transform_2, window_bounds = array<i64: 1, 64, 16384>}]} {
    %get3A = arith.constant 0 : index
    %get3A_0 = arith.constant 0 : index
    %get3A_1 = vector.load %arg1[%get3A, %get3A_0] : memref<64x128xf32, #tpu.memory_space<vmem>>, vector<64x128xf32>
    %get3A_2 = arith.constant 0 : index
    %get3A_3 = arith.constant 0 : index
    %get3A_4 = vector.load %arg2[%get3A_2, %get3A_3] : memref<16384x128xf32, #tpu.memory_space<vmem>>, vector<16384x128xf32>
    %dot_general3A = arith.constant dense<0.000000e+00> : vector<64x16384xf32>
    %dot_general3A_5 = tpu.matmul %get3A_1, %get3A_4, %dot_general3A {dimension_numbers = #tpu.dot_dimension_numbers<[1], [1], [0], [0], [0, 0, 1, 0], [], []>, transpose_lhs_hint = false} : vector<64x128xf32>, vector<16384x128xf32>, vector<64x16384xf32> -> vector<64x16384xf32>
    %reshape3A = vector.shape_cast %dot_general3A_5 : vector<64x16384xf32> to vector<1x64x16384xf32>
    %swap3A = arith.constant 0 : index
    %swap3A_6 = arith.constant 0 : index
    %swap3A_7 = arith.constant 0 : index
    %swap3A_8 = vector.load %arg3[%swap3A, %swap3A_6, %swap3A_7] : memref<1x64x16384xf32, #tpu.memory_space<vmem>>, vector<1x64x16384xf32>
    tpu.vector_store %arg3[%swap3A, %swap3A_6, %swap3A_7], %reshape3A {strides = array<i32>} : memref<1x64x16384xf32, #tpu.memory_space<vmem>>, vector<1x64x16384xf32>,
    return
  }
  func.func @transform_0(%arg0: i32) -> (i32, i32) {
    %c0_i32 = arith.constant 0 : i32
    %c0_i32_0 = arith.constant 0 : i32
    %c0_i32_1 = arith.constant 0 : i32
    return %c0_i32, %c0_i32_0 : i32, i32
  }
  func.func @transform_1(%arg0: i32) -> (i32, i32) {
    %c0_i32 = arith.constant 0 : i32
    %c0_i32_0 = arith.constant 0 : i32
    return %arg0, %c0_i32 : i32, i32
  }
  func.func @transform_2(%arg0: i32) -> (i32, i32, i32) {
    %add3A = arith.constant 0 : i32
    %add3A_0 = arith.addi %arg0, %add3A : i32
    %jit3A = arith.constant 1 : i32
    %div3A = arith.divsi %add3A_0, %jit3A : i32
    %sign3A = arith.constant 0 : i32
    %sign3A_1 = arith.cmpi sgt, %add3A_0, %sign3A : i32
    %sign3A_2 = arith.extui %sign3A_1 : i1 to i32
    %sign3A_3 = arith.constant 0 : i32
    %sign3A_4 = arith.cmpi slt, %add3A_0, %sign3A_3 : i32
    %sign3A_5 = arith.extui %sign3A_4 : i1 to i32
    %sign3A_6 = arith.subi %sign3A_2, %sign3A_5 : i32
    %sign3A_7 = arith.constant 0 : i32
    %sign3A_8 = arith.cmpi sgt, %jit3A, %sign3A_7 : i32
    %sign3A_9 = arith.extui %sign3A_8 : i1 to i32
    %sign3A_10 = arith.constant 0 : i32
    %sign3A_11 = arith.cmpi slt, %jit3A, %sign3A_10 : i32
    %sign3A_12 = arith.extui %sign3A_11 : i1 to i32
    %sign3A_13 = arith.subi %sign3A_9, %sign3A_12 : i32
    %ne3A = arith.cmpi ne, %sign3A_6, %sign3A_13 : i32
    %rem3A = arith.remsi %add3A_0, %jit3A : i32
    %ne3A_14 = arith.constant 0 : i32
    %ne3A_15 = arith.cmpi ne, %rem3A, %ne3A_14 : i32
    %and3A = arith.andi %ne3A, %ne3A_15 : i1
    %sub3A = arith.constant 1 : i32
    %sub3A_16 = arith.subi %div3A, %sub3A : i32
    %select_n3A = arith.select %and3A, %sub3A_16, %div3A : i32
    %add3A_17 = arith.constant 0 : i32
    %add3A_18 = arith.addi %arg0, %add3A_17 : i32
    %jit3A_19 = arith.constant 1 : i32
    %eq3A = arith.constant 0 : i32
    %eq3A_20 = arith.cmpi eq, %jit3A_19, %eq3A : i32
    %jit3A_21 = arith.constant 1 : i32
    %select_n3A_22 = arith.select %eq3A_20, %jit3A_21, %jit3A_19 : i32
    %rem3A_23 = arith.remsi %add3A_18, %select_n3A_22 : i32
    %ne3A_24 = arith.constant 0 : i32
    %ne3A_25 = arith.cmpi ne, %rem3A_23, %ne3A_24 : i32
    %lt3A = arith.constant 0 : i32
    %lt3A_26 = arith.cmpi slt, %rem3A_23, %lt3A : i32
    %lt3A_27 = arith.constant 0 : i32
    %lt3A_28 = arith.cmpi slt, %select_n3A_22, %lt3A_27 : i32
    %ne3A_29 = arith.xori %lt3A_26, %lt3A_28 : i1
    %and3A_30 = arith.andi %ne3A_29, %ne3A_25 : i1
    %add3A_31 = arith.addi %rem3A_23, %select_n3A_22 : i32
    %select_n3A_32 = arith.select %and3A_30, %add3A_31, %rem3A_23 : i32
    %c0_i32 = arith.constant 0 : i32
    %c0_i32_33 = arith.constant 0 : i32
    return %select_n3A, %c0_i32, %select_n3A_32 : i32, i32, i32
  }
}

module attributes {stable_mosaic.version = 14 : i64} {
  func.func @body(%arg0: i32, %arg1: memref<64x128xf32, #tpu.memory_space<vmem>>, %arg2: memref<16384x128xf32, #tpu.memory_space<vmem>>, %arg3: memref<50x64x16384xf32, #tpu.memory_space<any>>, %arg4: memref<1x64x16384xf32, #tpu.memory_space<vmem>>) attributes {dimension_semantics = [#tpu.dimension_semantics<arbitrary>], iteration_bounds = array<i64: 10>, scalar_prefetch = 0 : i64, scratch_operands = 0 : i64, tpu.core_type = #tpu.core_type<tc>, window_params = [{pipeline_mode = #tpu.pipeline_mode<synchronous>, transform_indices = @transform_0, window_bounds = array<i64: 64, 128>}, {transform_indices = @transform_1, window_bounds = array<i64: 16384, 128>}, {}, {transform_indices = @transform_3, window_bounds = array<i64: 1, 64, 16384>}]} {
    %get3A = arith.constant 0 : index
    %get3A_0 = arith.constant 0 : index
    %get3A_1 = vector.load %arg1[%get3A, %get3A_0] : memref<64x128xf32, #tpu.memory_space<vmem>>, vector<64x128xf32>
    %get3A_2 = arith.constant 0 : index
    %get3A_3 = arith.constant 0 : index
    %get3A_4 = vector.load %arg2[%get3A_2, %get3A_3] : memref<16384x128xf32, #tpu.memory_space<vmem>>, vector<16384x128xf32>
    %dot_general3A = arith.constant dense<0.000000e+00> : vector<64x16384xf32>
    %dot_general3A_5 = tpu.matmul %get3A_1, %get3A_4, %dot_general3A {dimension_numbers = #tpu.dot_dimension_numbers<[1], [1], [0], [0], [0, 0, 1, 0], [], []>, transpose_lhs_hint = false} : vector<64x128xf32>, vector<16384x128xf32>, vector<64x16384xf32> -> vector<64x16384xf32>
    %reshape3A = vector.shape_cast %dot_general3A_5 : vector<64x16384xf32> to vector<1x64x16384xf32>
    %swap3A = arith.constant 0 : index
    %swap3A_6 = arith.constant 0 : index
    %swap3A_7 = arith.constant 0 : index
    %swap3A_8 = vector.load %arg4[%swap3A, %swap3A_6, %swap3A_7] : memref<1x64x16384xf32, #tpu.memory_space<vmem>>, vector<1x64x16384xf32>
    tpu.vector_store %arg4[%swap3A, %swap3A_6, %swap3A_7], %reshape3A {strides = array<i32>} : memref<1x64x16384xf32, #tpu.memory_space<vmem>>, vector<1x64x16384xf32>,
    return
  }
  func.func @transform_0(%arg0: i32) -> (i32, i32) {
    %c0_i32 = arith.constant 0 : i32
    %c0_i32_0 = arith.constant 0 : i32
    %c0_i32_1 = arith.constant 0 : i32
    return %c0_i32, %c0_i32_0 : i32, i32
  }
  func.func @transform_1(%arg0: i32) -> (i32, i32) {
    %c0_i32 = arith.constant 0 : i32
    %c0_i32_0 = arith.constant 0 : i32
    return %arg0, %c0_i32 : i32, i32
  }
  func.func @transform_3(%arg0: i32) -> (i32, i32, i32) {
    %add3A = arith.constant 10 : i32
    %add3A_0 = arith.addi %arg0, %add3A : i32
    %jit3A = arith.constant 1 : i32
    %div3A = arith.divsi %add3A_0, %jit3A : i32
    %sign3A = arith.constant 0 : i32
    %sign3A_1 = arith.cmpi sgt, %add3A_0, %sign3A : i32
    %sign3A_2 = arith.extui %sign3A_1 : i1 to i32
    %sign3A_3 = arith.constant 0 : i32
    %sign3A_4 = arith.cmpi slt, %add3A_0, %sign3A_3 : i32
    %sign3A_5 = arith.extui %sign3A_4 : i1 to i32
    %sign3A_6 = arith.subi %sign3A_2, %sign3A_5 : i32
    %sign3A_7 = arith.constant 0 : i32
    %sign3A_8 = arith.cmpi sgt, %jit3A, %sign3A_7 : i32
    %sign3A_9 = arith.extui %sign3A_8 : i1 to i32
    %sign3A_10 = arith.constant 0 : i32
    %sign3A_11 = arith.cmpi slt, %jit3A, %sign3A_10 : i32
    %sign3A_12 = arith.extui %sign3A_11 : i1 to i32
    %sign3A_13 = arith.subi %sign3A_9, %sign3A_12 : i32
    %ne3A = arith.cmpi ne, %sign3A_6, %sign3A_13 : i32
    %rem3A = arith.remsi %add3A_0, %jit3A : i32
    %ne3A_14 = arith.constant 0 : i32
    %ne3A_15 = arith.cmpi ne, %rem3A, %ne3A_14 : i32
    %and3A = arith.andi %ne3A, %ne3A_15 : i1
    %sub3A = arith.constant 1 : i32
    %sub3A_16 = arith.subi %div3A, %sub3A : i32
    %select_n3A = arith.select %and3A, %sub3A_16, %div3A : i32
    %add3A_17 = arith.constant 10 : i32
    %add3A_18 = arith.addi %arg0, %add3A_17 : i32
    %jit3A_19 = arith.constant 1 : i32
    %eq3A = arith.constant 0 : i32
    %eq3A_20 = arith.cmpi eq, %jit3A_19, %eq3A : i32
    %jit3A_21 = arith.constant 1 : i32
    %select_n3A_22 = arith.select %eq3A_20, %jit3A_21, %jit3A_19 : i32
    %rem3A_23 = arith.remsi %add3A_18, %select_n3A_22 : i32
    %ne3A_24 = arith.constant 0 : i32
    %ne3A_25 = arith.cmpi ne, %rem3A_23, %ne3A_24 : i32
    %lt3A = arith.constant 0 : i32
    %lt3A_26 = arith.cmpi slt, %rem3A_23, %lt3A : i32
    %lt3A_27 = arith.constant 0 : i32
    %lt3A_28 = arith.cmpi slt, %select_n3A_22, %lt3A_27 : i32
    %ne3A_29 = arith.xori %lt3A_26, %lt3A_28 : i1
    %and3A_30 = arith.andi %ne3A_29, %ne3A_25 : i1
    %add3A_31 = arith.addi %rem3A_23, %select_n3A_22 : i32
    %select_n3A_32 = arith.select %and3A_30, %add3A_31, %rem3A_23 : i32
    %c0_i32 = arith.constant 0 : i32
    %c0_i32_33 = arith.constant 0 : i32
    return %select_n3A, %c0_i32, %select_n3A_32 : i32, i32, i32
  }
}

module attributes {stable_mosaic.version = 14 : i64} {
  func.func @body(%arg0: i32, %arg1: memref<64x128xf32, #tpu.memory_space<vmem>>, %arg2: memref<16384x128xf32, #tpu.memory_space<vmem>>, %arg3: memref<50x64x16384xf32, #tpu.memory_space<any>>, %arg4: memref<1x64x16384xf32, #tpu.memory_space<vmem>>) attributes {dimension_semantics = [#tpu.dimension_semantics<arbitrary>], iteration_bounds = array<i64: 10>, scalar_prefetch = 0 : i64, scratch_operands = 0 : i64, tpu.core_type = #tpu.core_type<tc>, window_params = [{pipeline_mode = #tpu.pipeline_mode<synchronous>, transform_indices = @transform_0, window_bounds = array<i64: 64, 128>}, {transform_indices = @transform_1, window_bounds = array<i64: 16384, 128>}, {}, {transform_indices = @transform_3, window_bounds = array<i64: 1, 64, 16384>}]} {
    %get3A = arith.constant 0 : index
    %get3A_0 = arith.constant 0 : index
    %get3A_1 = vector.load %arg1[%get3A, %get3A_0] : memref<64x128xf32, #tpu.memory_space<vmem>>, vector<64x128xf32>
    %get3A_2 = arith.constant 0 : index
    %get3A_3 = arith.constant 0 : index
    %get3A_4 = vector.load %arg2[%get3A_2, %get3A_3] : memref<16384x128xf32, #tpu.memory_space<vmem>>, vector<16384x128xf32>
    %dot_general3A = arith.constant dense<0.000000e+00> : vector<64x16384xf32>
    %dot_general3A_5 = tpu.matmul %get3A_1, %get3A_4, %dot_general3A {dimension_numbers = #tpu.dot_dimension_numbers<[1], [1], [0], [0], [0, 0, 1, 0], [], []>, transpose_lhs_hint = false} : vector<64x128xf32>, vector<16384x128xf32>, vector<64x16384xf32> -> vector<64x16384xf32>
    %reshape3A = vector.shape_cast %dot_general3A_5 : vector<64x16384xf32> to vector<1x64x16384xf32>
    %swap3A = arith.constant 0 : index
    %swap3A_6 = arith.constant 0 : index
    %swap3A_7 = arith.constant 0 : index
    %swap3A_8 = vector.load %arg4[%swap3A, %swap3A_6, %swap3A_7] : memref<1x64x16384xf32, #tpu.memory_space<vmem>>, vector<1x64x16384xf32>
    tpu.vector_store %arg4[%swap3A, %swap3A_6, %swap3A_7], %reshape3A {strides = array<i32>} : memref<1x64x16384xf32, #tpu.memory_space<vmem>>, vector<1x64x16384xf32>,
    return
  }
  func.func @transform_0(%arg0: i32) -> (i32, i32) {
    %c0_i32 = arith.constant 0 : i32
    %c0_i32_0 = arith.constant 0 : i32
    %c0_i32_1 = arith.constant 0 : i32
    return %c0_i32, %c0_i32_0 : i32, i32
  }
  func.func @transform_1(%arg0: i32) -> (i32, i32) {
    %c0_i32 = arith.constant 0 : i32
    %c0_i32_0 = arith.constant 0 : i32
    return %arg0, %c0_i32 : i32, i32
  }
  func.func @transform_3(%arg0: i32) -> (i32, i32, i32) {
    %add3A = arith.constant 20 : i32
    %add3A_0 = arith.addi %arg0, %add3A : i32
    %jit3A = arith.constant 1 : i32
    %div3A = arith.divsi %add3A_0, %jit3A : i32
    %sign3A = arith.constant 0 : i32
    %sign3A_1 = arith.cmpi sgt, %add3A_0, %sign3A : i32
    %sign3A_2 = arith.extui %sign3A_1 : i1 to i32
    %sign3A_3 = arith.constant 0 : i32
    %sign3A_4 = arith.cmpi slt, %add3A_0, %sign3A_3 : i32
    %sign3A_5 = arith.extui %sign3A_4 : i1 to i32
    %sign3A_6 = arith.subi %sign3A_2, %sign3A_5 : i32
    %sign3A_7 = arith.constant 0 : i32
    %sign3A_8 = arith.cmpi sgt, %jit3A, %sign3A_7 : i32
    %sign3A_9 = arith.extui %sign3A_8 : i1 to i32
    %sign3A_10 = arith.constant 0 : i32
    %sign3A_11 = arith.cmpi slt, %jit3A, %sign3A_10 : i32
    %sign3A_12 = arith.extui %sign3A_11 : i1 to i32
    %sign3A_13 = arith.subi %sign3A_9, %sign3A_12 : i32
    %ne3A = arith.cmpi ne, %sign3A_6, %sign3A_13 : i32
    %rem3A = arith.remsi %add3A_0, %jit3A : i32
    %ne3A_14 = arith.constant 0 : i32
    %ne3A_15 = arith.cmpi ne, %rem3A, %ne3A_14 : i32
    %and3A = arith.andi %ne3A, %ne3A_15 : i1
    %sub3A = arith.constant 1 : i32
    %sub3A_16 = arith.subi %div3A, %sub3A : i32
    %select_n3A = arith.select %and3A, %sub3A_16, %div3A : i32
    %add3A_17 = arith.constant 20 : i32
    %add3A_18 = arith.addi %arg0, %add3A_17 : i32
    %jit3A_19 = arith.constant 1 : i32
    %eq3A = arith.constant 0 : i32
    %eq3A_20 = arith.cmpi eq, %jit3A_19, %eq3A : i32
    %jit3A_21 = arith.constant 1 : i32
    %select_n3A_22 = arith.select %eq3A_20, %jit3A_21, %jit3A_19 : i32
    %rem3A_23 = arith.remsi %add3A_18, %select_n3A_22 : i32
    %ne3A_24 = arith.constant 0 : i32
    %ne3A_25 = arith.cmpi ne, %rem3A_23, %ne3A_24 : i32
    %lt3A = arith.constant 0 : i32
    %lt3A_26 = arith.cmpi slt, %rem3A_23, %lt3A : i32
    %lt3A_27 = arith.constant 0 : i32
    %lt3A_28 = arith.cmpi slt, %select_n3A_22, %lt3A_27 : i32
    %ne3A_29 = arith.xori %lt3A_26, %lt3A_28 : i1
    %and3A_30 = arith.andi %ne3A_29, %ne3A_25 : i1
    %add3A_31 = arith.addi %rem3A_23, %select_n3A_22 : i32
    %select_n3A_32 = arith.select %and3A_30, %add3A_31, %rem3A_23 : i32
    %c0_i32 = arith.constant 0 : i32
    %c0_i32_33 = arith.constant 0 : i32
    return %select_n3A, %c0_i32, %select_n3A_32 : i32, i32, i32
  }
}

module attributes {stable_mosaic.version = 14 : i64} {
  func.func @body(%arg0: i32, %arg1: memref<64x128xf32, #tpu.memory_space<vmem>>, %arg2: memref<16384x128xf32, #tpu.memory_space<vmem>>, %arg3: memref<50x64x16384xf32, #tpu.memory_space<any>>, %arg4: memref<1x64x16384xf32, #tpu.memory_space<vmem>>) attributes {dimension_semantics = [#tpu.dimension_semantics<arbitrary>], iteration_bounds = array<i64: 10>, scalar_prefetch = 0 : i64, scratch_operands = 0 : i64, tpu.core_type = #tpu.core_type<tc>, window_params = [{pipeline_mode = #tpu.pipeline_mode<synchronous>, transform_indices = @transform_0, window_bounds = array<i64: 64, 128>}, {transform_indices = @transform_1, window_bounds = array<i64: 16384, 128>}, {}, {transform_indices = @transform_3, window_bounds = array<i64: 1, 64, 16384>}]} {
    %get3A = arith.constant 0 : index
    %get3A_0 = arith.constant 0 : index
    %get3A_1 = vector.load %arg1[%get3A, %get3A_0] : memref<64x128xf32, #tpu.memory_space<vmem>>, vector<64x128xf32>
    %get3A_2 = arith.constant 0 : index
    %get3A_3 = arith.constant 0 : index
    %get3A_4 = vector.load %arg2[%get3A_2, %get3A_3] : memref<16384x128xf32, #tpu.memory_space<vmem>>, vector<16384x128xf32>
    %dot_general3A = arith.constant dense<0.000000e+00> : vector<64x16384xf32>
    %dot_general3A_5 = tpu.matmul %get3A_1, %get3A_4, %dot_general3A {dimension_numbers = #tpu.dot_dimension_numbers<[1], [1], [0], [0], [0, 0, 1, 0], [], []>, transpose_lhs_hint = false} : vector<64x128xf32>, vector<16384x128xf32>, vector<64x16384xf32> -> vector<64x16384xf32>
    %reshape3A = vector.shape_cast %dot_general3A_5 : vector<64x16384xf32> to vector<1x64x16384xf32>
    %swap3A = arith.constant 0 : index
    %swap3A_6 = arith.constant 0 : index
    %swap3A_7 = arith.constant 0 : index
    %swap3A_8 = vector.load %arg4[%swap3A, %swap3A_6, %swap3A_7] : memref<1x64x16384xf32, #tpu.memory_space<vmem>>, vector<1x64x16384xf32>
    tpu.vector_store %arg4[%swap3A, %swap3A_6, %swap3A_7], %reshape3A {strides = array<i32>} : memref<1x64x16384xf32, #tpu.memory_space<vmem>>, vector<1x64x16384xf32>,
    return
  }
  func.func @transform_0(%arg0: i32) -> (i32, i32) {
    %c0_i32 = arith.constant 0 : i32
    %c0_i32_0 = arith.constant 0 : i32
    %c0_i32_1 = arith.constant 0 : i32
    return %c0_i32, %c0_i32_0 : i32, i32
  }
  func.func @transform_1(%arg0: i32) -> (i32, i32) {
    %c0_i32 = arith.constant 0 : i32
    %c0_i32_0 = arith.constant 0 : i32
    return %arg0, %c0_i32 : i32, i32
  }
  func.func @transform_3(%arg0: i32) -> (i32, i32, i32) {
    %add3A = arith.constant 30 : i32
    %add3A_0 = arith.addi %arg0, %add3A : i32
    %jit3A = arith.constant 1 : i32
    %div3A = arith.divsi %add3A_0, %jit3A : i32
    %sign3A = arith.constant 0 : i32
    %sign3A_1 = arith.cmpi sgt, %add3A_0, %sign3A : i32
    %sign3A_2 = arith.extui %sign3A_1 : i1 to i32
    %sign3A_3 = arith.constant 0 : i32
    %sign3A_4 = arith.cmpi slt, %add3A_0, %sign3A_3 : i32
    %sign3A_5 = arith.extui %sign3A_4 : i1 to i32
    %sign3A_6 = arith.subi %sign3A_2, %sign3A_5 : i32
    %sign3A_7 = arith.constant 0 : i32
    %sign3A_8 = arith.cmpi sgt, %jit3A, %sign3A_7 : i32
    %sign3A_9 = arith.extui %sign3A_8 : i1 to i32
    %sign3A_10 = arith.constant 0 : i32
    %sign3A_11 = arith.cmpi slt, %jit3A, %sign3A_10 : i32
    %sign3A_12 = arith.extui %sign3A_11 : i1 to i32
    %sign3A_13 = arith.subi %sign3A_9, %sign3A_12 : i32
    %ne3A = arith.cmpi ne, %sign3A_6, %sign3A_13 : i32
    %rem3A = arith.remsi %add3A_0, %jit3A : i32
    %ne3A_14 = arith.constant 0 : i32
    %ne3A_15 = arith.cmpi ne, %rem3A, %ne3A_14 : i32
    %and3A = arith.andi %ne3A, %ne3A_15 : i1
    %sub3A = arith.constant 1 : i32
    %sub3A_16 = arith.subi %div3A, %sub3A : i32
    %select_n3A = arith.select %and3A, %sub3A_16, %div3A : i32
    %add3A_17 = arith.constant 30 : i32
    %add3A_18 = arith.addi %arg0, %add3A_17 : i32
    %jit3A_19 = arith.constant 1 : i32
    %eq3A = arith.constant 0 : i32
    %eq3A_20 = arith.cmpi eq, %jit3A_19, %eq3A : i32
    %jit3A_21 = arith.constant 1 : i32
    %select_n3A_22 = arith.select %eq3A_20, %jit3A_21, %jit3A_19 : i32
    %rem3A_23 = arith.remsi %add3A_18, %select_n3A_22 : i32
    %ne3A_24 = arith.constant 0 : i32
    %ne3A_25 = arith.cmpi ne, %rem3A_23, %ne3A_24 : i32
    %lt3A = arith.constant 0 : i32
    %lt3A_26 = arith.cmpi slt, %rem3A_23, %lt3A : i32
    %lt3A_27 = arith.constant 0 : i32
    %lt3A_28 = arith.cmpi slt, %select_n3A_22, %lt3A_27 : i32
    %ne3A_29 = arith.xori %lt3A_26, %lt3A_28 : i1
    %and3A_30 = arith.andi %ne3A_29, %ne3A_25 : i1
    %add3A_31 = arith.addi %rem3A_23, %select_n3A_22 : i32
    %select_n3A_32 = arith.select %and3A_30, %add3A_31, %rem3A_23 : i32
    %c0_i32 = arith.constant 0 : i32
    %c0_i32_33 = arith.constant 0 : i32
    return %select_n3A, %c0_i32, %select_n3A_32 : i32, i32, i32
  }
}

module attributes {stable_mosaic.version = 14 : i64} {
  func.func @body(%arg0: i32, %arg1: memref<64x128xf32, #tpu.memory_space<vmem>>, %arg2: memref<16384x128xf32, #tpu.memory_space<vmem>>, %arg3: memref<50x64x16384xf32, #tpu.memory_space<any>>, %arg4: memref<1x64x16384xf32, #tpu.memory_space<vmem>>) attributes {dimension_semantics = [#tpu.dimension_semantics<arbitrary>], iteration_bounds = array<i64: 10>, scalar_prefetch = 0 : i64, scratch_operands = 0 : i64, tpu.core_type = #tpu.core_type<tc>, window_params = [{pipeline_mode = #tpu.pipeline_mode<synchronous>, transform_indices = @transform_0, window_bounds = array<i64: 64, 128>}, {transform_indices = @transform_1, window_bounds = array<i64: 16384, 128>}, {}, {transform_indices = @transform_3, window_bounds = array<i64: 1, 64, 16384>}]} {
    %get3A = arith.constant 0 : index
    %get3A_0 = arith.constant 0 : index
    %get3A_1 = vector.load %arg1[%get3A, %get3A_0] : memref<64x128xf32, #tpu.memory_space<vmem>>, vector<64x128xf32>
    %get3A_2 = arith.constant 0 : index
    %get3A_3 = arith.constant 0 : index
    %get3A_4 = vector.load %arg2[%get3A_2, %get3A_3] : memref<16384x128xf32, #tpu.memory_space<vmem>>, vector<16384x128xf32>
    %dot_general3A = arith.constant dense<0.000000e+00> : vector<64x16384xf32>
    %dot_general3A_5 = tpu.matmul %get3A_1, %get3A_4, %dot_general3A {dimension_numbers = #tpu.dot_dimension_numbers<[1], [1], [0], [0], [0, 0, 1, 0], [], []>, transpose_lhs_hint = false} : vector<64x128xf32>, vector<16384x128xf32>, vector<64x16384xf32> -> vector<64x16384xf32>
    %reshape3A = vector.shape_cast %dot_general3A_5 : vector<64x16384xf32> to vector<1x64x16384xf32>
    %swap3A = arith.constant 0 : index
    %swap3A_6 = arith.constant 0 : index
    %swap3A_7 = arith.constant 0 : index
    %swap3A_8 = vector.load %arg4[%swap3A, %swap3A_6, %swap3A_7] : memref<1x64x16384xf32, #tpu.memory_space<vmem>>, vector<1x64x16384xf32>
    tpu.vector_store %arg4[%swap3A, %swap3A_6, %swap3A_7], %reshape3A {strides = array<i32>} : memref<1x64x16384xf32, #tpu.memory_space<vmem>>, vector<1x64x16384xf32>,
    return
  }
  func.func @transform_0(%arg0: i32) -> (i32, i32) {
    %c0_i32 = arith.constant 0 : i32
    %c0_i32_0 = arith.constant 0 : i32
    %c0_i32_1 = arith.constant 0 : i32
    return %c0_i32, %c0_i32_0 : i32, i32
  }
  func.func @transform_1(%arg0: i32) -> (i32, i32) {
    %c0_i32 = arith.constant 0 : i32
    %c0_i32_0 = arith.constant 0 : i32
    return %arg0, %c0_i32 : i32, i32
  }
  func.func @transform_3(%arg0: i32) -> (i32, i32, i32) {
    %add3A = arith.constant 40 : i32
    %add3A_0 = arith.addi %arg0, %add3A : i32
    %jit3A = arith.constant 1 : i32
    %div3A = arith.divsi %add3A_0, %jit3A : i32
    %sign3A = arith.constant 0 : i32
    %sign3A_1 = arith.cmpi sgt, %add3A_0, %sign3A : i32
    %sign3A_2 = arith.extui %sign3A_1 : i1 to i32
    %sign3A_3 = arith.constant 0 : i32
    %sign3A_4 = arith.cmpi slt, %add3A_0, %sign3A_3 : i32
    %sign3A_5 = arith.extui %sign3A_4 : i1 to i32
    %sign3A_6 = arith.subi %sign3A_2, %sign3A_5 : i32
    %sign3A_7 = arith.constant 0 : i32
    %sign3A_8 = arith.cmpi sgt, %jit3A, %sign3A_7 : i32
    %sign3A_9 = arith.extui %sign3A_8 : i1 to i32
    %sign3A_10 = arith.constant 0 : i32
    %sign3A_11 = arith.cmpi slt, %jit3A, %sign3A_10 : i32
    %sign3A_12 = arith.extui %sign3A_11 : i1 to i32
    %sign3A_13 = arith.subi %sign3A_9, %sign3A_12 : i32
    %ne3A = arith.cmpi ne, %sign3A_6, %sign3A_13 : i32
    %rem3A = arith.remsi %add3A_0, %jit3A : i32
    %ne3A_14 = arith.constant 0 : i32
    %ne3A_15 = arith.cmpi ne, %rem3A, %ne3A_14 : i32
    %and3A = arith.andi %ne3A, %ne3A_15 : i1
    %sub3A = arith.constant 1 : i32
    %sub3A_16 = arith.subi %div3A, %sub3A : i32
    %select_n3A = arith.select %and3A, %sub3A_16, %div3A : i32
    %add3A_17 = arith.constant 40 : i32
    %add3A_18 = arith.addi %arg0, %add3A_17 : i32
    %jit3A_19 = arith.constant 1 : i32
    %eq3A = arith.constant 0 : i32
    %eq3A_20 = arith.cmpi eq, %jit3A_19, %eq3A : i32
    %jit3A_21 = arith.constant 1 : i32
    %select_n3A_22 = arith.select %eq3A_20, %jit3A_21, %jit3A_19 : i32
    %rem3A_23 = arith.remsi %add3A_18, %select_n3A_22 : i32
    %ne3A_24 = arith.constant 0 : i32
    %ne3A_25 = arith.cmpi ne, %rem3A_23, %ne3A_24 : i32
    %lt3A = arith.constant 0 : i32
    %lt3A_26 = arith.cmpi slt, %rem3A_23, %lt3A : i32
    %lt3A_27 = arith.constant 0 : i32
    %lt3A_28 = arith.cmpi slt, %select_n3A_22, %lt3A_27 : i32
    %ne3A_29 = arith.xori %lt3A_26, %lt3A_28 : i1
    %and3A_30 = arith.andi %ne3A_29, %ne3A_25 : i1
    %add3A_31 = arith.addi %rem3A_23, %select_n3A_22 : i32
    %select_n3A_32 = arith.select %and3A_30, %add3A_31, %rem3A_23 : i32
    %c0_i32 = arith.constant 0 : i32
    %c0_i32_33 = arith.constant 0 : i32
    return %select_n3A, %c0_i32, %select_n3A_32 : i32, i32, i32
  }
}

</mosaic_0001>

<sc_bundles>
// kernel: kernel.12.cloned.1.call-start
scs
__scs_entry_jumppad:
0x0: {  	(pc) =	sbr.rel $0x88, $3  }
0x1: {  	(tag) =	ssettag $0x0;
	lr =	simm.s32 $0x1  }
0x2: {  	[smem:$0x3F9E] =	sst lr;
	_ =	strace $0xD0000000  }
0x3: {  	_ = 	snop  }
0x4: {  	_ = 	snop  }
0x5: {  	_ = 	snop  }
0x6: {  	_ = 	snop  }
0x7: {  	_ = 	snop  }
__scs_overlays_trampoline_lowered:
0x8: {  	[smem:$0x3FAD] =	sst s0  }
0x9: {  	[smem:$0x3FAE] =	sst s1  }
0xa: {  	[smem:$0x3FAF] =	sst s2  }
0xb: {  	[smem:$0x3FB0] =	sst s3  }
0xc: {  	[smem:$0x3FB1] =	sst s4  }
0xd: {  	[smem:$0x3FB2] =	sst s5  }
0xe: {  	[smem:$0x3FB3] =	sst s6  }
0xf: {  	[smem:$0x3FB4] =	sst s7  }
0x10: {  	[smem:$0x3FB5] =	sst s8  }
0x11: {  	[smem:$0x3FB6] =	sst s9;
	s0 =	simm.s32 @!p0 $0x0  }
0x12: {  	s1 =	sld [smem:$0x3F9C];
	s0 =	simm.s32 @p0 $0x1  }
0x13: {  	[smem:$0x3FB7] =	sst s0;
	s0 =	simm.s32 @!p1 $0x0  }
0x14: {  	s2 =	sld [smem:$0x3F9B];
	s0 =	simm.s32 @p1 $0x1  }
0x15: {  	[smem:$0x3FB8] =	sst s0;
	s0 =	simm.s32 @!p2 $0x0  }
0x16: {  	s3 =	sld [smem:$0x3FDB];
	s0 =	simm.s32 @p2 $0x1  }
0x17: {  	s4 =	simm.s32 $0x1BF5;
	[smem:$0x3FBA] =	sst s0  }
0x18: {  	s0 =	sld [smem:$0x3F9D];
	_ =	swait.ge [sflag:s4], $0x0  }
0x19: {  	s7 =	sld [smem:$0x3F9E]  }
0x1a: {  	s8 =	sadd.s32 $0xFFFFE003, lr  }
0x1b: {  	s9 =	sadd.s32 $0xFFFFFEF7, lr;
	s5 =	simm.s32 $0xFFFFFFFF;
	p2 =	slt.u32 s8, $0xFFFFF086  }
0x1c: {  	p1 =	slt.u32 s9, $0xF7A;
	s5 =	simm.s32 @!p2 $0x0  }
0x1d: {  	s5 =	simm.s32 @p1 $0x1;
	p0 =	seq.s32 s7, s2  }
0x1e: {  	s7 =	smul.u32 @!p0 $0xF7A, s2;
	p2 =	seq.s32 @!p0 s5, $0x0  }
0x1f: {  	s9 =	smul.u32 $0xF7A, s1;
	s8 =	simm.s32 @!p0 $0x1BF5;
	p2 =	por !p2, p0  }
0x20: {  	[sflag:s8] =	ssyncset.s32 @!p0 $0xFFFFF086;
	s6 =	sadd.s32 @!p0 s3, s7;
	s7 =	simm.s32 @!p0 $0x108  }
0x21: {  	s3 =	sadd.s32 s3, s9;
	s6 =	sadd.s32 @!p0 $0x88, s6;
	s7 =	simm.s32 @p2 $0x1082  }
0x22: {  	[simem:s7], [sflag:s8] =	dma.local @!p0 [hbm:s6], $0xF7A  }
0x23: {  	s9 =	sor.u32 $0xD0000000, s2;
	s6 =	simm.s32 $0x108;
	_ =	swait.ge @!p0 [sflag:s8], $0x0  }
0x24: {  	s3 =	sadd.s32 $0x88, s3;
	s6 =	simm.s32 @!p1 $0x1082;
	[sflag:s4] =	ssyncset.s32 $0xFFFFF086  }
0x25: {  	[simem:s6], [sflag:s4] =	dma.local [hbm:s3], $0xF7A  }
0x26: {  	[smem:$0x3F9E] =	sst s1;
	(tag) =	ssettag s2;
	_ =	strace s9  }
0x27: {  	s1 =	sld [smem:$0x3FAE]  }
0x28: {  	s2 =	sld [smem:$0x3FAF]  }
0x29: {  	s4 =	sld [smem:$0x3FB1]  }
0x2a: {  	p0 =	seq.s32 s5, $0x0;
	s5 =	sld [smem:$0x3FB2]  }
0x2b: {  	s6 =	sld [smem:$0x3FB3]  }
0x2c: {  	s7 =	sld [smem:$0x3FB4]  }
0x2d: {  	s3 =	simm.s32 $0x108;
	s8 =	sld [smem:$0x3FB5]  }
0x2e: {  	s3 =	simm.s32 @!p0 $0x1082;
	s9 =	sld [smem:$0x3FB6]  }
0x2f: {  	lr =	sadd.s32 s0, s3;
	s0 =	sld [smem:$0x3FAD]  }
0x30: {  	s3 =	sld [smem:$0x3FB0]  }
0x31: {  	[smem:$0x3FB9] =	sst s10  }
0x32: {  	s10 =	sld [smem:$0x3FB7];
	_ =	sdelay $0x3  }
0x33: {  	p0 =	seq.s32 s10, $0x1;
	s10 =	sld [smem:$0x3FB9];
	_ =	sdelay $0x3  }
0x34: {  	[smem:$0x3FB9] =	sst s10  }
0x35: {  	s10 =	sld [smem:$0x3FB8];
	_ =	sdelay $0x3  }
0x36: {  	p1 =	seq.s32 s10, $0x1;
	s10 =	sld [smem:$0x3FB9];
	_ =	sdelay $0x3  }
0x37: {  	[smem:$0x3FB9] =	sst s10  }
0x38: {  	s10 =	sld [smem:$0x3FBA]  }
0x39: {  	_ = 	snop;
	(pc) =	sbr.ind lr, $3  }
0x3a: {  	_ = 	snop  }
0x3b: {  	_ = 	snop  }
0x3c: {  	p2 =	seq.s32 s10, $0x1;
	s10 =	sld [smem:$0x3FB9]  }
0x3d: {  	_ =	shalt  }
0x3e: {  	_ =	shalt  }
0x3f: {  	_ =	shalt  }
0x40: {  	_ =	shalt  }
0x41: {  	_ =	shalt  }
0x42: {  	_ =	shalt  }
0x43: {  	_ =	shalt  }
0x44: {  	_ =	shalt  }
0x45: {  	_ =	shalt  }
0x46: {  	_ =	shalt  }
0x47: {  	_ =	shalt  }
0x48: {  	_ =	shalt  }
0x49: {  	_ =	shalt  }
0x4a: {  	_ =	shalt  }
0x4b: {  	_ =	shalt  }
0x4c: {  	_ =	shalt  }
0x4d: {  	_ =	shalt  }
0x4e: {  	_ =	shalt  }
0x4f: {  	_ =	shalt  }
0x50: {  	_ =	shalt  }
0x51: {  	_ =	shalt  }
0x52: {  	_ =	shalt  }
0x53: {  	_ =	shalt  }
0x54: {  	_ =	shalt  }
0x55: {  	_ =	shalt  }
0x56: {  	_ =	shalt  }
0x57: {  	_ =	shalt  }
0x58: {  	_ =	shalt  }
0x59: {  	_ =	shalt  }
0x5a: {  	_ =	shalt  }
0x5b: {  	_ =	shalt  }
0x5c: {  	_ =	shalt  }
0x5d: {  	_ =	shalt  }
0x5e: {  	_ =	shalt  }
0x5f: {  	_ =	shalt  }
0x60: {  	_ =	shalt  }
0x61: {  	_ =	shalt  }
0x62: {  	_ =	shalt  }
0x63: {  	_ =	shalt  }
0x64: {  	_ =	shalt  }
0x65: {  	_ =	shalt  }
0x66: {  	_ =	shalt  }
0x67: {  	_ =	shalt  }
0x68: {  	_ =	shalt  }
0x69: {  	_ =	shalt  }
0x6a: {  	_ =	shalt  }
0x6b: {  	_ =	shalt  }
0x6c: {  	_ =	shalt  }
0x6d: {  	_ =	shalt  }
0x6e: {  	_ =	shalt  }
0x6f: {  	_ =	shalt  }
0x70: {  	_ =	shalt  }
0x71: {  	_ =	shalt  }
0x72: {  	_ =	shalt  }
0x73: {  	_ =	shalt  }
0x74: {  	_ =	shalt  }
0x75: {  	_ =	shalt  }
0x76: {  	_ =	shalt  }
0x77: {  	_ =	shalt  }
0x78: {  	_ =	shalt  }
0x79: {  	_ =	shalt  }
0x7a: {  	_ =	shalt  }
0x7b: {  	_ =	shalt  }
0x7c: {  	_ =	shalt  }
0x7d: {  	_ =	shalt  }
0x7e: {  	_ =	shalt  }
0x7f: {  	_ =	shalt  }
0x80: {  	_ =	shalt  }
0x81: {  	_ =	shalt  }
0x82: {  	_ =	shalt  }
0x83: {  	_ =	shalt  }
0x84: {  	_ =	shalt  }
0x85: {  	_ =	shalt  }
0x86: {  	_ =	shalt  }
0x87: {  	_ =	shalt  }
.Lfunc_end0:
.L_simem_size_0:
called_computation_lowered:
.L_overlay_start_0:
0x88: {  	s2 =	sld [smem:$0x3FD9]  }
0x89: {  	s3 =	sld [smem:$0x3FFE];
	_ =	sdelay $0x1  }
0x8a: {  	s1 =	srdreg.scid  }
0x8b: {  	s0 =	sand.u32 $0x1, s1  }
0x8c: {  	s17 =	sshll.u32 s0, $0xA;
	s2 =	sadd.s32 s3, s2  }
0x8d: {  	s2 =	sadd.s32 s2, s17  }
0x8e: {  	[smem:$0x3FC5] =	sst s2  }
0x8f: {  	_ = 	snop  }
0x90: {  	s2 =	sld [smem:$0x3FC8]  }
0x91: {  	s18 =	sld [smem:$0x3FD0];
	(tm) =	ssettm $0x1  }
0x92: {  	s4 =	sld [smem:$0x3FFB];
	_ =	sdelay $0x3  }
0x93: {  	_ =	strace s4  }
0x94: {  	s4 =	sld [smem:$0x3FFC];
	_ =	sdelay $0x3  }
0x95: {  	_ =	strace s4  }
0x96: {  	s4 =	sld [smem:$0x3FFD];
	_ =	sdelay $0x3  }
0x97: {  	_ =	strace s4  }
0x98: {  	_ =	strace $0x8FFFFFFF  }
0x99: {  	s19 =	sld [smem:$0x3FDB];
	_ =	sdelay $0x1  }
0x9a: {  	s5 =	simm.s32 $_scs_section_size  }
0x9b: {  	s6 =	simm.s32 $_size__tile_overlayer_lowered;
	s7 =	simm.s32 $_tile_overlayer_lowered  }
0x9c: {  	s22 =	simm.s32 $0x1BFF;
	s21 =	sshll.u32 s7, $0x1;
	s4 =	sadd.s32 s5, s19  }
0x9d: {  	s8 =	simm.s32 $0x0;
	s20 =	sshll.u32 s6, $0x1;
	s6 =	sadd.s32 s21, s4  }
0x9e: {  	[timem:s8], [sflag:s22] =	dma.local [hbm:s6], s20  }
0x9f: {  	_ =	swait.ge [sflag:s22], s20  }
0xa0: {  	s5 =	ssub.s32 $0x0, s20;
	[sflag:s22] =	ssyncset.done $0x0  }
0xa1: {  	[sflag:s22] =	ssyncadd.s32 s5;
	_ =	sdelay $0x1  }
0xa2: {  	s23 =	simm.s32 $0x1B8B  }
0xa3: {  	_ =	swait.ge [sflag:s23], $0x1  }
0xa4: {  	[sflag:s23] =	ssyncset.done $0x0  }
0xa5: {  	s25 =	simm.s32 $0x1B8E;
	s24 =	sld [smem:$0x3FFE];
	[sflag:s23] =	ssyncadd.s32 $0xFFFFFFFF  }
0xa6: {  	s26 =	simm.s32 $execute0_lowered;
	[smem:$0x3FD2] =	sst s25  }
0xa7: {  	s6 =	sshll.u32 s26, $0x1;
	_ =	strace $0x80000046;
	[dreg:$0x1] =	wrdreg $0xFFFFFFFF  }
0xa8: {  	s28 =	simm.s32 $_size_execute0_lowered;
	s4 =	sadd.s32 s4, s6;
	[dreg:$0x0] =	wrdreg $0x0  }
0xa9: {  	s6 =	sshll.u32 s28, $0x1;
	[dreg:$0x2] =	wrdreg s4  }
0xaa: {  	[dreg:$0x3] =	wrdreg s6  }
0xab: {  	[dreg:$0x4] =	wrdreg $0xC0  }
0xac: {  	_ =	task [dreg:s8], $0x5FFFF  }
0xad: {  	[dreg:$0x1] =	wrdreg $0xFFFFFFFF  }
0xae: {  	[dreg:$0x0] =	wrdreg $0x60  }
0xaf: {  	[dreg:$0x2] =	wrdreg s2  }
0xb0: {  	[dreg:$0x3] =	wrdreg s18  }
0xb1: {  	[dreg:$0x4] =	wrdreg s24  }
0xb2: {  	[dreg:$0x5] =	wrdreg $0x9  }
0xb3: {  	_ =	task.clear_ibuf [dreg:s8], $0x6FFFF;
	_ =	strace $0x90000046  }
0xb4: {  	s29 =	simm.s32 $0x9;
	_ =	strace $0x80000048  }
0xb5: {  	_ =	swait.ge [sflag:s29], $0x1  }
0xb6: {  	[sflag:s29] =	ssyncadd.s32 $0xFFFFFFFF  }
0xb7: {  	_ =	strace $0x90000048  }
0xb8: {  	_ =	sfence  }
0xb9: {  	s30 =	sld [smem:$0x0];
	_ =	sdelay $0x2  }
0xba: {  	s31 =	sshll.u32 s1, $0xD;
	s1 =	sshrl.u32 s1, $0x2  }
0xbb: {  	s3 =	sand.u32 $0x4000, s31;
	s1 =	sadd.s32 s1, s30  }
0xbc: {  	s0 =	sor.u32 s3, s0;
	s1 =	sshll.u32 s1, $0x11  }
0xbd: {  	s0 =	sor.u32 s1, s0  }
0xbe: {  	s0 =	sadd.s32 $0x8F2B, s0  }
0xbf: {  	[sflag:s0] =	ssyncadd.remote.s32 $0x1  }
0xc0: {  	_ =	sfence.sel $0xFFFF  }
0xc1: {  	[dreg:$0x0] =	wrdreg $0xFFFFFFFF;
	(pc) =	sbr.abs _section_cstart, $3  }
0xc2: {  	[dreg:$0x1] =	wrdreg $0xFFFFFFFF  }
0xc3: {  	_ =	task.clear_ibuf [dreg:s8], $0x2FFFF;
	_ =	strace $0x9FFFFFFF  }
0xc4: {  	(tm) =	ssettm $0x7FFFFFFF  }
0xc5: {  	_ =	shalt  }
tec
execute0_lowered:
.L_overlay_start_1:
0x0: {  	(tag) =	ssettag $0x1  }
0x1: {  	s1 =	rddreg [dreg:$0x0]  }
0x2: {  	s0 =	stileid.u32;
	s4 =	rddreg [dreg:$0x1]  }
0x3: {  	s2 =	srdreg.scid;
	s6 =	rddreg [dreg:$0x2];
	s3 =	simm.s32 $0x0  }
0x4: {  	s10 =	simm.s32 $0x5400;
	s11 =	simm.s32 $0x100;
	s12 =	simm.s32 $0x9400  }
0x5: {  	s13 =	simm.s32 $0x180;
	s14 =	simm.s32 $0xD400;
	s15 =	simm.s32 $0x200  }
0x6: {  	s16 =	simm.s32 $0x11400;
	s17 =	simm.s32 $0x1;
	s18 =	simm.s32 $0x2  }
0x7: {  	s19 =	simm.s32 $0x3;
	s20 =	simm.s32 $0x4;
	s21 =	simm.s32 $0x5  }
0x8: {  	s22 =	simm.s32 $0x6;
	s23 =	simm.s32 $0x7;
	s24 =	simm.s32 $0x8  }
0x9: {  	s25 =	simm.s32 $0x9;
	s26 =	simm.s32 $0xA;
	s5 =	sand.u32 $0x1, s2  }
0xa: {  	s30 =	sshll.u32 s0, $0x1;
	s7 =	smul.u32 $0x28000, s0;
	[smem:$0x7FF] =	sst s3  }
0xb: {  	s8 =	sor.u32 s5, s30;
	s9 =	ssub.s32 $0x2, s5;
	s5 =	smul.u32 $0x14000, s5  }
.Ltmp0:
0xc: {  	s28 =	simm.s32 $0x0;
	_ =	strace $0x80000047;
	(pc) =	sbr.rel .LBB2_1-.Ltmp0, $4  }
0xd: {  	s8 =	smul.u32 $0x1400, s8;
	s6 =	sadd.s32 s7, s6;
	s31 =	sshrl.u32 s9, $0x1  }
0xe: {  	s7 =	ssub.s32 s9, s31;
	s6 =	sadd.s32 s5, s6;
	s9 =	simm.s32 $0x1400  }
0xf: {  	s8 =	sshrl.u32 s8, $0x3;
	s5 =	smax.u32 s7, $0x1;
	s6 =	sadd.s32 $0x3A00, s6  }
0x10: {  	s7 =	simm.s32 $0xB;
	s4 =	sadd.s32 s4, s8;
	s8 =	simm.s32 $0x80  }
.LBB2_4:
0x11: {  	_ =	swait.ge [sflag:s23], $0x4000  }
0x12: {  	[sflag:s23] =	ssyncset.done $0x0  }
0x13: {  	[sflag:s23] =	ssyncadd.s32 $0xFFFFC000  }
0x14: {  	_ =	swait.ge [sflag:s24], $0x4000  }
0x15: {  	[sflag:s24] =	ssyncset.done $0x0  }
0x16: {  	s28 =	sadd.s32 $0x1, s28;
	[sflag:s24] =	ssyncadd.s32 $0xFFFFC000  }
0x17: {  	p0 =	sne.s32 s28, s5;
	_ =	swait.ge [sflag:s25], $0x4000  }
.Ltmp1:
0x18: {  	[sflag:s25] =	ssyncset.done $0x0;
	(pc) =	sbr.rel @!p0 .LBB2_5-.Ltmp1, $4  }
0x19: {  	[sflag:s25] =	ssyncadd.s32 $0xFFFFC000  }
0x1a: {  	_ =	swait.ge [sflag:s26], $0x4000  }
0x1b: {  	[sflag:s26] =	ssyncset.done $0x0  }
0x1c: {  	[sflag:s26] =	ssyncadd.s32 $0xFFFFC000  }
.LBB2_1:
0x1d: {  	[tilespmem:s3], [sflag:$0xB] =	stream.linear.gather [hbm4b:s4+s3], $0x1400, $0x38;
	[tilespmem:$0x15400] =	vst v63  }
0x1e: {  	_ =	swait.ge [sflag:s7], $0x1400  }
0x1f: {  	[sflag:s7] =	ssyncset.done $0x0  }
0x20: {  	[sflag:s7] =	ssyncadd.s32 $0xFFFFEC00  }
0x21: {  	[tilespmem:s9], [sflag:$0x1] =	stream.indirect.gather [hbm4b:s1+s8], $0x80, s3, s8, $0xb8;
	[tilespmem:$0x15400] =	vst v63  }
0x22: {  	_ = 	snop  }
0x23: {  	[tilespmem:s10], [sflag:$0x2] =	stream.indirect.gather [hbm4b:s1+s8], $0x80, s8, s8, $0xb8;
	[tilespmem:$0x15400] =	vst v63  }
0x24: {  	_ = 	snop  }
0x25: {  	[tilespmem:s12], [sflag:$0x3] =	stream.indirect.gather [hbm4b:s1+s8], $0x80, s11, s8, $0xb8;
	[tilespmem:$0x15400] =	vst v63  }
0x26: {  	_ = 	snop  }
0x27: {  	[tilespmem:s14], [sflag:$0x4] =	stream.indirect.gather [hbm4b:s1+s8], $0x80, s13, s8, $0xb8;
	[tilespmem:$0x15400] =	vst v63  }
0x28: {  	s29 =	smov.u32 s6;
	s30 =	simm.s32 $0x0  }
0x29: {  	[tilespmem:s16], [sflag:$0x5] =	stream.indirect.gather [hbm4b:s1+s8], $0x80, s15, s8, $0xb8;
	[tilespmem:$0x15400] =	vst v63  }
.LBB2_2:
0x2a: {  	_ =	swait.ge [sflag:s17], $0x4000  }
0x2b: {  	[sflag:s17] =	ssyncset.done $0x0  }
0x2c: {  	s31 =	sadd.s32 $0xFFFFE000, s29;
	[sflag:s17] =	ssyncadd.s32 $0xFFFFC000  }
0x2d: {  	[hbm4b:s31+s3] =	stream.linear.scatter [tilespmem:s9], [sflag:$0x6], $0x4000, $0x38;
	[tilespmem:$0x15400] =	vst v63  }
0x2e: {  	_ =	swait.ge [sflag:s18], $0x4000  }
0x2f: {  	[sflag:s18] =	ssyncset.done $0x0  }
0x30: {  	s2 =	sadd.s32 $0xFFFFE800, s29;
	[sflag:s18] =	ssyncadd.s32 $0xFFFFC000  }
0x31: {  	[hbm4b:s2+s3] =	stream.linear.scatter [tilespmem:s10], [sflag:$0x7], $0x4000, $0x38;
	[tilespmem:$0x15400] =	vst v63  }
0x32: {  	_ =	swait.ge [sflag:s19], $0x4000  }
0x33: {  	[sflag:s19] =	ssyncset.done $0x0  }
0x34: {  	s2 =	sadd.s32 $0xFFFFF000, s29;
	[sflag:s19] =	ssyncadd.s32 $0xFFFFC000  }
0x35: {  	[hbm4b:s2+s3] =	stream.linear.scatter [tilespmem:s12], [sflag:$0x8], $0x4000, $0x38;
	[tilespmem:$0x15400] =	vst v63  }
0x36: {  	_ =	swait.ge [sflag:s20], $0x4000  }
0x37: {  	[sflag:s20] =	ssyncset.done $0x0  }
0x38: {  	s2 =	sadd.s32 $0xFFFFF800, s29;
	[sflag:s20] =	ssyncadd.s32 $0xFFFFC000  }
0x39: {  	[hbm4b:s2+s3] =	stream.linear.scatter [tilespmem:s14], [sflag:$0x9], $0x4000, $0x38;
	[tilespmem:$0x15400] =	vst v63  }
0x3a: {  	_ =	swait.ge [sflag:s21], $0x4000  }
0x3b: {  	p0 =	seq.s32 s30, $0x4600;
	[sflag:s21] =	ssyncset.done $0x0  }
.Ltmp2:
0x3c: {  	[sflag:s21] =	ssyncadd.s32 $0xFFFFC000;
	(pc) =	sbr.rel @p0 .LBB2_4-.Ltmp2, $4  }
0x3d: {  	[hbm4b:s29+s3] =	stream.linear.scatter [tilespmem:s16], [sflag:$0xA], $0x4000, $0x38;
	[tilespmem:$0x15400] =	vst v63  }
0x3e: {  	_ =	swait.ge [sflag:s22], $0x4000  }
0x3f: {  	[sflag:s22] =	ssyncset.done $0x0  }
0x40: {  	[sflag:s22] =	ssyncadd.s32 $0xFFFFC000  }
0x41: {  	s31 =	sshra.s32 s30, $0x2  }
0x42: {  	s2 =	sadd.s32 $0x280, s31  }
0x43: {  	[tilespmem:s9], [sflag:$0x1] =	stream.indirect.gather [hbm4b:s1+s8], $0x80, s2, s8, $0xb8;
	[tilespmem:$0x15400] =	vst v63  }
0x44: {  	_ =	swait.ge [sflag:s23], $0x4000  }
0x45: {  	[sflag:s23] =	ssyncset.done $0x0  }
0x46: {  	s2 =	sadd.s32 $0x300, s31;
	[sflag:s23] =	ssyncadd.s32 $0xFFFFC000  }
0x47: {  	[tilespmem:s10], [sflag:$0x2] =	stream.indirect.gather [hbm4b:s1+s8], $0x80, s2, s8, $0xb8;
	[tilespmem:$0x15400] =	vst v63  }
0x48: {  	_ =	swait.ge [sflag:s24], $0x4000  }
0x49: {  	[sflag:s24] =	ssyncset.done $0x0  }
0x4a: {  	s2 =	sadd.s32 $0x380, s31;
	[sflag:s24] =	ssyncadd.s32 $0xFFFFC000  }
0x4b: {  	[tilespmem:s12], [sflag:$0x3] =	stream.indirect.gather [hbm4b:s1+s8], $0x80, s2, s8, $0xb8;
	[tilespmem:$0x15400] =	vst v63  }
0x4c: {  	_ =	swait.ge [sflag:s25], $0x4000  }
0x4d: {  	[sflag:s25] =	ssyncset.done $0x0  }
0x4e: {  	s2 =	sadd.s32 $0x400, s31;
	[sflag:s25] =	ssyncadd.s32 $0xFFFFC000  }
0x4f: {  	[tilespmem:s14], [sflag:$0x4] =	stream.indirect.gather [hbm4b:s1+s8], $0x80, s2, s8, $0xb8;
	[tilespmem:$0x15400] =	vst v63  }
.Ltmp3:
0x50: {  	_ = 	snop;
	(pc) =	sbr.rel .LBB2_2-.Ltmp3, $4  }
0x51: {  	_ =	swait.ge [sflag:s26], $0x4000  }
0x52: {  	s30 =	sadd.s32 $0xA00, s30;
	[sflag:s26] =	ssyncset.done $0x0  }
0x53: {  	s29 =	sadd.s32 $0x2800, s29;
	s31 =	sadd.s32 $0x480, s31;
	[sflag:s26] =	ssyncadd.s32 $0xFFFFC000  }
0x54: {  	[tilespmem:s16], [sflag:$0x5] =	stream.indirect.gather [hbm4b:s1+s8], $0x80, s31, s8, $0xb8;
	[tilespmem:$0x15400] =	vst v63  }
.LBB2_5:
0x55: {  	_ =	sfence.sel $0x180000  }
0x56: {  	[bflag:$0x0] =	sbarrier.arrive $0xFFFF  }
0x57: {  	_ =	strace $0x90000047  }
0x58: {  	[bflag:$0x2] =	sbarrier.arrive $0xFFFF  }
0x59: {  	p0 =	sne.s32 s0, $0x0;
	s0 =	rddreg [dreg:$0x3]  }
0x5a: {  	s0 =	sadd.s32 @!p0 $0x100000, s0  }
0x5b: {  	[sflag:s0] =	ssyncadd.tile.s32 @!p0 $0x1;
	_ =	shalt  }
.Lfunc_end2:
_tile_overlayer_lowered:
.L_overlay_start_2:
0x5c: {  	(tag) =	ssettag $0x2  }
0x5d: {  	s0 =	rddreg [dreg:$0x0];
	s2 =	stileid.u32  }
0x5e: {  	s1 =	rddreg [dreg:$0x1];
	p0 =	sne.s32 s2, $0x0  }
0x5f: {  	s3 =	rddreg [dreg:$0x2];
	[bflag:$0x3] =	sbarrier.arrive $0xFFFF;
	s2 =	simm.s32 @!p0 $0x1C0B  }
0x60: {  	[timem:s3], [sflag:s2] =	dma.local @!p0 [hbm:s0], s1  }
0x61: {  	s0 =	simm.s32 @!p0 $0xB  }
0x62: {  	_ =	swait.ge @!p0 [sflag:s0], s1  }
0x63: {  	s1 =	ssub.s32 @!p0 $0x0, s1;
	[sflag:s0] =	ssyncset.done @!p0 $0x0  }
0x64: {  	[sflag:s0] =	ssyncadd.s32 @!p0 s1  }
0x65: {  	[bflag:$0x3] =	sbarrier.arrive $0xFFFF  }
0x66: {  	_ =	shalt  }

// kernel: kernel.15.cloned.1.call-start
scs
__scs_entry_jumppad:
0x0: {  	(pc) =	sbr.rel $0x88, $3  }
0x1: {  	(tag) =	ssettag $0x0;
	lr =	simm.s32 $0x1  }
0x2: {  	[smem:$0x3F9E] =	sst lr;
	_ =	strace $0xD0000000  }
0x3: {  	_ = 	snop  }
0x4: {  	_ = 	snop  }
0x5: {  	_ = 	snop  }
0x6: {  	_ = 	snop  }
0x7: {  	_ = 	snop  }
__scs_overlays_trampoline_lowered:
0x8: {  	[smem:$0x3FAD] =	sst s0  }
0x9: {  	[smem:$0x3FAE] =	sst s1  }
0xa: {  	[smem:$0x3FAF] =	sst s2  }
0xb: {  	[smem:$0x3FB0] =	sst s3  }
0xc: {  	[smem:$0x3FB1] =	sst s4  }
0xd: {  	[smem:$0x3FB2] =	sst s5  }
0xe: {  	[smem:$0x3FB3] =	sst s6  }
0xf: {  	[smem:$0x3FB4] =	sst s7  }
0x10: {  	[smem:$0x3FB5] =	sst s8  }
0x11: {  	[smem:$0x3FB6] =	sst s9;
	s0 =	simm.s32 @!p0 $0x0  }
0x12: {  	s1 =	sld [smem:$0x3F9C];
	s0 =	simm.s32 @p0 $0x1  }
0x13: {  	[smem:$0x3FB7] =	sst s0;
	s0 =	simm.s32 @!p1 $0x0  }
0x14: {  	s2 =	sld [smem:$0x3F9B];
	s0 =	simm.s32 @p1 $0x1  }
0x15: {  	[smem:$0x3FB8] =	sst s0;
	s0 =	simm.s32 @!p2 $0x0  }
0x16: {  	s3 =	sld [smem:$0x3FDB];
	s0 =	simm.s32 @p2 $0x1  }
0x17: {  	s4 =	simm.s32 $0x1BF5;
	[smem:$0x3FBA] =	sst s0  }
0x18: {  	s0 =	sld [smem:$0x3F9D];
	_ =	swait.ge [sflag:s4], $0x0  }
0x19: {  	s7 =	sld [smem:$0x3F9E]  }
0x1a: {  	s8 =	sadd.s32 $0xFFFFE003, lr  }
0x1b: {  	s9 =	sadd.s32 $0xFFFFFEF7, lr;
	s5 =	simm.s32 $0xFFFFFFFF;
	p2 =	slt.u32 s8, $0xFFFFF086  }
0x1c: {  	p1 =	slt.u32 s9, $0xF7A;
	s5 =	simm.s32 @!p2 $0x0  }
0x1d: {  	s5 =	simm.s32 @p1 $0x1;
	p0 =	seq.s32 s7, s2  }
0x1e: {  	s7 =	smul.u32 @!p0 $0xF7A, s2;
	p2 =	seq.s32 @!p0 s5, $0x0  }
0x1f: {  	s9 =	smul.u32 $0xF7A, s1;
	s8 =	simm.s32 @!p0 $0x1BF5;
	p2 =	por !p2, p0  }
0x20: {  	[sflag:s8] =	ssyncset.s32 @!p0 $0xFFFFF086;
	s6 =	sadd.s32 @!p0 s3, s7;
	s7 =	simm.s32 @!p0 $0x108  }
0x21: {  	s3 =	sadd.s32 s3, s9;
	s6 =	sadd.s32 @!p0 $0x88, s6;
	s7 =	simm.s32 @p2 $0x1082  }
0x22: {  	[simem:s7], [sflag:s8] =	dma.local @!p0 [hbm:s6], $0xF7A  }
0x23: {  	s9 =	sor.u32 $0xD0000000, s2;
	s6 =	simm.s32 $0x108;
	_ =	swait.ge @!p0 [sflag:s8], $0x0  }
0x24: {  	s3 =	sadd.s32 $0x88, s3;
	s6 =	simm.s32 @!p1 $0x1082;
	[sflag:s4] =	ssyncset.s32 $0xFFFFF086  }
0x25: {  	[simem:s6], [sflag:s4] =	dma.local [hbm:s3], $0xF7A  }
0x26: {  	[smem:$0x3F9E] =	sst s1;
	(tag) =	ssettag s2;
	_ =	strace s9  }
0x27: {  	s1 =	sld [smem:$0x3FAE]  }
0x28: {  	s2 =	sld [smem:$0x3FAF]  }
0x29: {  	s4 =	sld [smem:$0x3FB1]  }
0x2a: {  	p0 =	seq.s32 s5, $0x0;
	s5 =	sld [smem:$0x3FB2]  }
0x2b: {  	s6 =	sld [smem:$0x3FB3]  }
0x2c: {  	s7 =	sld [smem:$0x3FB4]  }
0x2d: {  	s3 =	simm.s32 $0x108;
	s8 =	sld [smem:$0x3FB5]  }
0x2e: {  	s3 =	simm.s32 @!p0 $0x1082;
	s9 =	sld [smem:$0x3FB6]  }
0x2f: {  	lr =	sadd.s32 s0, s3;
	s0 =	sld [smem:$0x3FAD]  }
0x30: {  	s3 =	sld [smem:$0x3FB0]  }
0x31: {  	[smem:$0x3FB9] =	sst s10  }
0x32: {  	s10 =	sld [smem:$0x3FB7];
	_ =	sdelay $0x3  }
0x33: {  	p0 =	seq.s32 s10, $0x1;
	s10 =	sld [smem:$0x3FB9];
	_ =	sdelay $0x3  }
0x34: {  	[smem:$0x3FB9] =	sst s10  }
0x35: {  	s10 =	sld [smem:$0x3FB8];
	_ =	sdelay $0x3  }
0x36: {  	p1 =	seq.s32 s10, $0x1;
	s10 =	sld [smem:$0x3FB9];
	_ =	sdelay $0x3  }
0x37: {  	[smem:$0x3FB9] =	sst s10  }
0x38: {  	s10 =	sld [smem:$0x3FBA]  }
0x39: {  	_ = 	snop;
	(pc) =	sbr.ind lr, $3  }
0x3a: {  	_ = 	snop  }
0x3b: {  	_ = 	snop  }
0x3c: {  	p2 =	seq.s32 s10, $0x1;
	s10 =	sld [smem:$0x3FB9]  }
0x3d: {  	_ =	shalt  }
0x3e: {  	_ =	shalt  }
0x3f: {  	_ =	shalt  }
0x40: {  	_ =	shalt  }
0x41: {  	_ =	shalt  }
0x42: {  	_ =	shalt  }
0x43: {  	_ =	shalt  }
0x44: {  	_ =	shalt  }
0x45: {  	_ =	shalt  }
0x46: {  	_ =	shalt  }
0x47: {  	_ =	shalt  }
0x48: {  	_ =	shalt  }
0x49: {  	_ =	shalt  }
0x4a: {  	_ =	shalt  }
0x4b: {  	_ =	shalt  }
0x4c: {  	_ =	shalt  }
0x4d: {  	_ =	shalt  }
0x4e: {  	_ =	shalt  }
0x4f: {  	_ =	shalt  }
0x50: {  	_ =	shalt  }
0x51: {  	_ =	shalt  }
0x52: {  	_ =	shalt  }
0x53: {  	_ =	shalt  }
0x54: {  	_ =	shalt  }
0x55: {  	_ =	shalt  }
0x56: {  	_ =	shalt  }
0x57: {  	_ =	shalt  }
0x58: {  	_ =	shalt  }
0x59: {  	_ =	shalt  }
0x5a: {  	_ =	shalt  }
0x5b: {  	_ =	shalt  }
0x5c: {  	_ =	shalt  }
0x5d: {  	_ =	shalt  }
0x5e: {  	_ =	shalt  }
0x5f: {  	_ =	shalt  }
0x60: {  	_ =	shalt  }
0x61: {  	_ =	shalt  }
0x62: {  	_ =	shalt  }
0x63: {  	_ =	shalt  }
0x64: {  	_ =	shalt  }
0x65: {  	_ =	shalt  }
0x66: {  	_ =	shalt  }
0x67: {  	_ =	shalt  }
0x68: {  	_ =	shalt  }
0x69: {  	_ =	shalt  }
0x6a: {  	_ =	shalt  }
0x6b: {  	_ =	shalt  }
0x6c: {  	_ =	shalt  }
0x6d: {  	_ =	shalt  }
0x6e: {  	_ =	shalt  }
0x6f: {  	_ =	shalt  }
0x70: {  	_ =	shalt  }
0x71: {  	_ =	shalt  }
0x72: {  	_ =	shalt  }
0x73: {  	_ =	shalt  }
0x74: {  	_ =	shalt  }
0x75: {  	_ =	shalt  }
0x76: {  	_ =	shalt  }
0x77: {  	_ =	shalt  }
0x78: {  	_ =	shalt  }
0x79: {  	_ =	shalt  }
0x7a: {  	_ =	shalt  }
0x7b: {  	_ =	shalt  }
0x7c: {  	_ =	shalt  }
0x7d: {  	_ =	shalt  }
0x7e: {  	_ =	shalt  }
0x7f: {  	_ =	shalt  }
0x80: {  	_ =	shalt  }
0x81: {  	_ =	shalt  }
0x82: {  	_ =	shalt  }
0x83: {  	_ =	shalt  }
0x84: {  	_ =	shalt  }
0x85: {  	_ =	shalt  }
0x86: {  	_ =	shalt  }
0x87: {  	_ =	shalt  }
.Lfunc_end0:
.L_simem_size_0:
called_computation.1_lowered:
.L_overlay_start_0:
0x88: {  	s2 =	sld [smem:$0x3FD9]  }
0x89: {  	s3 =	sld [smem:$0x3FFE];
	_ =	sdelay $0x1  }
0x8a: {  	s1 =	srdreg.scid  }
0x8b: {  	s0 =	sand.u32 $0x1, s1  }
0x8c: {  	s17 =	sshll.u32 s0, $0xA;
	s2 =	sadd.s32 s3, s2  }
0x8d: {  	s2 =	sadd.s32 s2, s17  }
0x8e: {  	[smem:$0x3FC5] =	sst s2  }
0x8f: {  	_ = 	snop  }
0x90: {  	s18 =	sld [smem:$0x3FC8];
	(tm) =	ssettm $0x1  }
0x91: {  	s19 =	sld [smem:$0x3FFB];
	_ =	sdelay $0x3  }
0x92: {  	_ =	strace s19  }
0x93: {  	s2 =	sld [smem:$0x3FFC];
	_ =	sdelay $0x3  }
0x94: {  	_ =	strace s2  }
0x95: {  	s2 =	sld [smem:$0x3FFD];
	_ =	sdelay $0x3  }
0x96: {  	_ =	strace s2  }
0x97: {  	_ =	strace $0x8FFFFFFF  }
0x98: {  	s20 =	sld [smem:$0x3FDB];
	_ =	sdelay $0x1  }
0x99: {  	s4 =	simm.s32 $_scs_section_size  }
0x9a: {  	s5 =	simm.s32 $_size__tile_overlayer_lowered;
	s6 =	simm.s32 $_tile_overlayer_lowered  }
0x9b: {  	s7 =	simm.s32 $0x1BFF;
	s21 =	sshll.u32 s6, $0x1;
	s4 =	sadd.s32 s4, s20  }
0x9c: {  	s22 =	simm.s32 $0x0;
	s5 =	sshll.u32 s5, $0x1;
	s6 =	sadd.s32 s21, s4  }
0x9d: {  	[timem:s22], [sflag:s7] =	dma.local [hbm:s6], s5  }
0x9e: {  	_ =	swait.ge [sflag:s7], s5  }
0x9f: {  	s5 =	ssub.s32 $0x0, s5;
	[sflag:s7] =	ssyncset.done $0x0  }
0xa0: {  	[sflag:s7] =	ssyncadd.s32 s5;
	_ =	sdelay $0x1  }
0xa1: {  	s23 =	simm.s32 $0x1B8B  }
0xa2: {  	_ =	swait.ge [sflag:s23], $0x1  }
0xa3: {  	[sflag:s23] =	ssyncset.done $0x0  }
0xa4: {  	[sflag:s23] =	ssyncadd.s32 $0xFFFFFFFF  }
0xa5: {  	s5 =	sld [smem:$0x0]  }
0xa6: {  	s6 =	sand.u32 $0xFFFFFFFE, s1  }
0xa7: {  	p0 =	sne.s32 s1, s6  }
0xa8: {  	s6 =	sshll.u32 @p0 s6, $0xE  }
0xa9: {  	s6 =	sadd.s32 @p0 $0x11B8D, s6;
	s7 =	sshll.u32 @p0 s5, $0x11  }
0xaa: {  	s6 =	sor.u32 @p0 s7, s6  }
0xab: {  	[sflag:s6] =	ssyncadd.remote.s32 @p0 $0x1;
	_ =	sdelay $0x1  }
0xac: {  	s6 =	simm.s32 @p0 $0x1B8D  }
0xad: {  	_ =	swait.eq @p0 [sflag:s6], $0x1  }
0xae: {  	[sflag:s6] =	ssyncadd.s32 @p0 $0xFFFFFFFF  }
0xaf: {  	s7 =	sshll.u32 @!p0 s1, $0xE  }
0xb0: {  	s7 =	sor.u32 @!p0 $0x4000, s7;
	s6 =	simm.s32 @!p0 $0x1B8D  }
0xb1: {  	s5 =	sshll.u32 @!p0 s5, $0x11;
	s7 =	sadd.s32 @!p0 $0x11B8D, s7;
	_ =	swait.eq @!p0 [sflag:s6], $0x1  }
0xb2: {  	s5 =	sor.u32 @!p0 s5, s7;
	[sflag:s6] =	ssyncadd.s32 @!p0 $0xFFFFFFFF  }
0xb3: {  	s25 =	simm.s32 $0x1B8E;
	s24 =	sld [smem:$0x3FFE];
	[sflag:s5] =	ssyncadd.remote.s32 @!p0 $0x1  }
0xb4: {  	s26 =	simm.s32 $execute0_lowered;
	[smem:$0x3FD2] =	sst s25  }
0xb5: {  	s6 =	sshll.u32 s26, $0x1;
	_ =	strace $0x80000049;
	[dreg:$0x1] =	wrdreg $0xFFFFFFFF  }
0xb6: {  	s28 =	simm.s32 $_size_execute0_lowered;
	s4 =	sadd.s32 s4, s6;
	[dreg:$0x0] =	wrdreg $0x0  }
0xb7: {  	s6 =	sshll.u32 s28, $0x1;
	[dreg:$0x2] =	wrdreg s4  }
0xb8: {  	[dreg:$0x3] =	wrdreg s6  }
0xb9: {  	[dreg:$0x4] =	wrdreg $0xC0  }
0xba: {  	_ =	task [dreg:s22], $0x5FFFF  }
0xbb: {  	[dreg:$0x1] =	wrdreg $0xFFFFFFFF  }
0xbc: {  	[dreg:$0x0] =	wrdreg $0x60  }
0xbd: {  	[dreg:$0x2] =	wrdreg s18  }
0xbe: {  	[dreg:$0x3] =	wrdreg s24  }
0xbf: {  	[dreg:$0x4] =	wrdreg $0xA  }
0xc0: {  	_ =	task.clear_ibuf [dreg:s22], $0x5FFFF;
	_ =	strace $0x90000049  }
0xc1: {  	s29 =	simm.s32 $0xA;
	_ =	strace $0x8000004B  }
0xc2: {  	_ =	swait.ge [sflag:s29], $0x1  }
0xc3: {  	[sflag:s29] =	ssyncadd.s32 $0xFFFFFFFF  }
0xc4: {  	_ =	strace $0x9000004B  }
0xc5: {  	_ =	sfence  }
0xc6: {  	s30 =	sld [smem:$0x0];
	_ =	sdelay $0x2  }
0xc7: {  	s31 =	sshll.u32 s1, $0xD;
	s1 =	sshrl.u32 s1, $0x2  }
0xc8: {  	s4 =	sand.u32 $0x4000, s31;
	s1 =	sadd.s32 s1, s30  }
0xc9: {  	s0 =	sor.u32 s4, s0;
	s1 =	sshll.u32 s1, $0x11  }
0xca: {  	s0 =	sor.u32 s1, s0  }
0xcb: {  	s0 =	sadd.s32 $0x8F2B, s0  }
0xcc: {  	[sflag:s0] =	ssyncadd.remote.s32 $0x1  }
0xcd: {  	_ =	sfence.sel $0xFFFF  }
0xce: {  	[dreg:$0x0] =	wrdreg $0xFFFFFFFF;
	(pc) =	sbr.abs _section_cstart, $3  }
0xcf: {  	[dreg:$0x1] =	wrdreg $0xFFFFFFFF  }
0xd0: {  	_ =	task.clear_ibuf [dreg:s22], $0x2FFFF;
	_ =	strace $0x9FFFFFFF  }
0xd1: {  	(tm) =	ssettm $0x7FFFFFFF  }
tec
execute0_lowered:
.L_overlay_start_1:
0x0: {  	(tag) =	ssettag $0x1  }
0x1: {  	s1 =	srdreg.scid  }
0x2: {  	s0 =	stileid.u32;
	s2 =	rddreg [dreg:$0x0]  }
0x3: {  	s5 =	rddreg [dreg:$0x1];
	s3 =	simm.s32 $0x0;
	s10 =	simm.s32 $0x5400  }
0x4: {  	s11 =	simm.s32 $0x100;
	s12 =	simm.s32 $0x9400;
	s13 =	simm.s32 $0x180  }
0x5: {  	s14 =	simm.s32 $0xD400;
	s15 =	simm.s32 $0x200;
	s16 =	simm.s32 $0x11400  }
0x6: {  	s17 =	simm.s32 $0x1;
	s18 =	simm.s32 $0x2;
	s19 =	simm.s32 $0x3  }
0x7: {  	s20 =	simm.s32 $0x4;
	s21 =	simm.s32 $0x5;
	s22 =	simm.s32 $0x6  }
0x8: {  	s23 =	simm.s32 $0x7;
	s24 =	simm.s32 $0x8;
	s25 =	simm.s32 $0x9  }
0x9: {  	s4 =	sand.u32 $0x1, s1;
	s30 =	sshll.u32 s0, $0x1;
	s7 =	smul.u32 $0x28000, s0  }
0xa: {  	s6 =	sor.u32 s4, s30;
	s8 =	ssub.s32 $0x2, s4;
	s4 =	smul.u32 $0x14000, s4  }
0xb: {  	s26 =	simm.s32 $0xA;
	s28 =	simm.s32 $0x0;
	s6 =	smul.u32 $0x1400, s6  }
.Ltmp0:
0xc: {  	[smem:$0x7FF] =	sst s3;
	s9 =	sshrl.u32 s8, $0x1;
	(pc) =	sbr.rel .LBB2_1-.Ltmp0, $4  }
0xd: {  	_ =	strace $0x8000004A;
	s7 =	sadd.s32 s7, s5;
	s31 =	ssub.s32 s8, s9  }
0xe: {  	s7 =	sadd.s32 s4, s7;
	s8 =	simm.s32 $0x80;
	s6 =	sshrl.u32 s6, $0x3  }
0xf: {  	s9 =	simm.s32 $0x1400;
	s5 =	sadd.s32 s6, s5;
	s6 =	sadd.s32 $0x297A00, s7  }
0x10: {  	s7 =	simm.s32 $0xB;
	s4 =	sadd.s32 $0x281A00, s5;
	s5 =	smax.u32 s31, $0x1  }
.LBB2_4:
0x11: {  	_ =	swait.ge [sflag:s23], $0x4000  }
0x12: {  	[sflag:s23] =	ssyncset.done $0x0  }
0x13: {  	[sflag:s23] =	ssyncadd.s32 $0xFFFFC000  }
0x14: {  	_ =	swait.ge [sflag:s24], $0x4000  }
0x15: {  	[sflag:s24] =	ssyncset.done $0x0  }
0x16: {  	s28 =	sadd.s32 $0x1, s28;
	[sflag:s24] =	ssyncadd.s32 $0xFFFFC000  }
0x17: {  	p0 =	sne.s32 s28, s5;
	_ =	swait.ge [sflag:s25], $0x4000  }
.Ltmp1:
0x18: {  	[sflag:s25] =	ssyncset.done $0x0;
	(pc) =	sbr.rel @!p0 .LBB2_5-.Ltmp1, $4  }
0x19: {  	[sflag:s25] =	ssyncadd.s32 $0xFFFFC000  }
0x1a: {  	_ =	swait.ge [sflag:s26], $0x4000  }
0x1b: {  	[sflag:s26] =	ssyncset.done $0x0  }
0x1c: {  	[sflag:s26] =	ssyncadd.s32 $0xFFFFC000  }
.LBB2_1:
0x1d: {  	[tilespmem:s3], [sflag:$0xB] =	stream.linear.gather [hbm4b:s4+s3], $0x1400, $0x38;
	[tilespmem:$0x15400] =	vst v63  }
0x1e: {  	_ =	swait.ge [sflag:s7], $0x1400  }
0x1f: {  	[sflag:s7] =	ssyncset.done $0x0  }
0x20: {  	[sflag:s7] =	ssyncadd.s32 $0xFFFFEC00  }
0x21: {  	[tilespmem:s9], [sflag:$0x1] =	stream.indirect.gather [hbm4b:s2+s8], $0x80, s3, s8, $0xb8;
	[tilespmem:$0x15400] =	vst v63  }
0x22: {  	_ = 	snop  }
0x23: {  	[tilespmem:s10], [sflag:$0x2] =	stream.indirect.gather [hbm4b:s2+s8], $0x80, s8, s8, $0xb8;
	[tilespmem:$0x15400] =	vst v63  }
0x24: {  	_ = 	snop  }
0x25: {  	[tilespmem:s12], [sflag:$0x3] =	stream.indirect.gather [hbm4b:s2+s8], $0x80, s11, s8, $0xb8;
	[tilespmem:$0x15400] =	vst v63  }
0x26: {  	_ = 	snop  }
0x27: {  	[tilespmem:s14], [sflag:$0x4] =	stream.indirect.gather [hbm4b:s2+s8], $0x80, s13, s8, $0xb8;
	[tilespmem:$0x15400] =	vst v63  }
0x28: {  	s29 =	smov.u32 s6;
	s30 =	simm.s32 $0x0  }
0x29: {  	[tilespmem:s16], [sflag:$0x5] =	stream.indirect.gather [hbm4b:s2+s8], $0x80, s15, s8, $0xb8;
	[tilespmem:$0x15400] =	vst v63  }
.LBB2_2:
0x2a: {  	_ =	swait.ge [sflag:s17], $0x4000  }
0x2b: {  	[sflag:s17] =	ssyncset.done $0x0  }
0x2c: {  	s31 =	sadd.s32 $0xFFFFE000, s29;
	[sflag:s17] =	ssyncadd.s32 $0xFFFFC000  }
0x2d: {  	[hbm4b:s31+s3] =	stream.linear.scatter [tilespmem:s9], [sflag:$0x6], $0x4000, $0x38;
	[tilespmem:$0x15400] =	vst v63  }
0x2e: {  	_ =	swait.ge [sflag:s18], $0x4000  }
0x2f: {  	[sflag:s18] =	ssyncset.done $0x0  }
0x30: {  	s1 =	sadd.s32 $0xFFFFE800, s29;
	[sflag:s18] =	ssyncadd.s32 $0xFFFFC000  }
0x31: {  	[hbm4b:s1+s3] =	stream.linear.scatter [tilespmem:s10], [sflag:$0x7], $0x4000, $0x38;
	[tilespmem:$0x15400] =	vst v63  }
0x32: {  	_ =	swait.ge [sflag:s19], $0x4000  }
0x33: {  	[sflag:s19] =	ssyncset.done $0x0  }
0x34: {  	s1 =	sadd.s32 $0xFFFFF000, s29;
	[sflag:s19] =	ssyncadd.s32 $0xFFFFC000  }
0x35: {  	[hbm4b:s1+s3] =	stream.linear.scatter [tilespmem:s12], [sflag:$0x8], $0x4000, $0x38;
	[tilespmem:$0x15400] =	vst v63  }
0x36: {  	_ =	swait.ge [sflag:s20], $0x4000  }
0x37: {  	[sflag:s20] =	ssyncset.done $0x0  }
0x38: {  	s1 =	sadd.s32 $0xFFFFF800, s29;
	[sflag:s20] =	ssyncadd.s32 $0xFFFFC000  }
0x39: {  	[hbm4b:s1+s3] =	stream.linear.scatter [tilespmem:s14], [sflag:$0x9], $0x4000, $0x38;
	[tilespmem:$0x15400] =	vst v63  }
0x3a: {  	_ =	swait.ge [sflag:s21], $0x4000  }
0x3b: {  	p0 =	seq.s32 s30, $0x4600;
	[sflag:s21] =	ssyncset.done $0x0  }
.Ltmp2:
0x3c: {  	[sflag:s21] =	ssyncadd.s32 $0xFFFFC000;
	(pc) =	sbr.rel @p0 .LBB2_4-.Ltmp2, $4  }
0x3d: {  	[hbm4b:s29+s3] =	stream.linear.scatter [tilespmem:s16], [sflag:$0xA], $0x4000, $0x38;
	[tilespmem:$0x15400] =	vst v63  }
0x3e: {  	_ =	swait.ge [sflag:s22], $0x4000  }
0x3f: {  	[sflag:s22] =	ssyncset.done $0x0  }
0x40: {  	[sflag:s22] =	ssyncadd.s32 $0xFFFFC000  }
0x41: {  	s31 =	sshra.s32 s30, $0x2  }
0x42: {  	s1 =	sadd.s32 $0x280, s31  }
0x43: {  	[tilespmem:s9], [sflag:$0x1] =	stream.indirect.gather [hbm4b:s2+s8], $0x80, s1, s8, $0xb8;
	[tilespmem:$0x15400] =	vst v63  }
0x44: {  	_ =	swait.ge [sflag:s23], $0x4000  }
0x45: {  	[sflag:s23] =	ssyncset.done $0x0  }
0x46: {  	s1 =	sadd.s32 $0x300, s31;
	[sflag:s23] =	ssyncadd.s32 $0xFFFFC000  }
0x47: {  	[tilespmem:s10], [sflag:$0x2] =	stream.indirect.gather [hbm4b:s2+s8], $0x80, s1, s8, $0xb8;
	[tilespmem:$0x15400] =	vst v63  }
0x48: {  	_ =	swait.ge [sflag:s24], $0x4000  }
0x49: {  	[sflag:s24] =	ssyncset.done $0x0  }
0x4a: {  	s1 =	sadd.s32 $0x380, s31;
	[sflag:s24] =	ssyncadd.s32 $0xFFFFC000  }
0x4b: {  	[tilespmem:s12], [sflag:$0x3] =	stream.indirect.gather [hbm4b:s2+s8], $0x80, s1, s8, $0xb8;
	[tilespmem:$0x15400] =	vst v63  }
0x4c: {  	_ =	swait.ge [sflag:s25], $0x4000  }
0x4d: {  	[sflag:s25] =	ssyncset.done $0x0  }
0x4e: {  	s1 =	sadd.s32 $0x400, s31;
	[sflag:s25] =	ssyncadd.s32 $0xFFFFC000  }
0x4f: {  	[tilespmem:s14], [sflag:$0x4] =	stream.indirect.gather [hbm4b:s2+s8], $0x80, s1, s8, $0xb8;
	[tilespmem:$0x15400] =	vst v63  }
.Ltmp3:
0x50: {  	_ = 	snop;
	(pc) =	sbr.rel .LBB2_2-.Ltmp3, $4  }
0x51: {  	_ =	swait.ge [sflag:s26], $0x4000  }
0x52: {  	s30 =	sadd.s32 $0xA00, s30;
	[sflag:s26] =	ssyncset.done $0x0  }
0x53: {  	s29 =	sadd.s32 $0x2800, s29;
	s31 =	sadd.s32 $0x480, s31;
	[sflag:s26] =	ssyncadd.s32 $0xFFFFC000  }
0x54: {  	[tilespmem:s16], [sflag:$0x5] =	stream.indirect.gather [hbm4b:s2+s8], $0x80, s31, s8, $0xb8;
	[tilespmem:$0x15400] =	vst v63  }
.LBB2_5:
0x55: {  	_ =	sfence.sel $0x180000  }
0x56: {  	[bflag:$0x0] =	sbarrier.arrive $0xFFFF  }
0x57: {  	_ =	strace $0x9000004A  }
0x58: {  	[bflag:$0x2] =	sbarrier.arrive $0xFFFF  }
0x59: {  	p0 =	sne.s32 s0, $0x0;
	s0 =	rddreg [dreg:$0x2]  }
0x5a: {  	s0 =	sadd.s32 @!p0 $0x100000, s0  }
0x5b: {  	[sflag:s0] =	ssyncadd.tile.s32 @!p0 $0x1;
	_ =	shalt  }
.Lfunc_end2:
_tile_overlayer_lowered:
.L_overlay_start_2:
0x5c: {  	(tag) =	ssettag $0x2  }
0x5d: {  	s0 =	rddreg [dreg:$0x0];
	s2 =	stileid.u32  }
0x5e: {  	s1 =	rddreg [dreg:$0x1];
	p0 =	sne.s32 s2, $0x0  }
0x5f: {  	s3 =	rddreg [dreg:$0x2];
	[bflag:$0x3] =	sbarrier.arrive $0xFFFF;
	s2 =	simm.s32 @!p0 $0x1C0B  }
0x60: {  	[timem:s3], [sflag:s2] =	dma.local @!p0 [hbm:s0], s1  }
0x61: {  	s0 =	simm.s32 @!p0 $0xB  }
0x62: {  	_ =	swait.ge @!p0 [sflag:s0], s1  }
0x63: {  	s1 =	ssub.s32 @!p0 $0x0, s1;
	[sflag:s0] =	ssyncset.done @!p0 $0x0  }
0x64: {  	[sflag:s0] =	ssyncadd.s32 @!p0 s1  }
0x65: {  	[bflag:$0x3] =	sbarrier.arrive $0xFFFF  }
0x66: {  	_ =	shalt  }

// kernel: kernel.18.cloned.1.call-start
scs
__scs_entry_jumppad:
0x0: {  	(pc) =	sbr.rel $0x88, $3  }
0x1: {  	(tag) =	ssettag $0x0;
	lr =	simm.s32 $0x1  }
0x2: {  	[smem:$0x3F9E] =	sst lr;
	_ =	strace $0xD0000000  }
0x3: {  	_ = 	snop  }
0x4: {  	_ = 	snop  }
0x5: {  	_ = 	snop  }
0x6: {  	_ = 	snop  }
0x7: {  	_ = 	snop  }
__scs_overlays_trampoline_lowered:
0x8: {  	[smem:$0x3FAD] =	sst s0  }
0x9: {  	[smem:$0x3FAE] =	sst s1  }
0xa: {  	[smem:$0x3FAF] =	sst s2  }
0xb: {  	[smem:$0x3FB0] =	sst s3  }
0xc: {  	[smem:$0x3FB1] =	sst s4  }
0xd: {  	[smem:$0x3FB2] =	sst s5  }
0xe: {  	[smem:$0x3FB3] =	sst s6  }
0xf: {  	[smem:$0x3FB4] =	sst s7  }
0x10: {  	[smem:$0x3FB5] =	sst s8  }
0x11: {  	[smem:$0x3FB6] =	sst s9;
	s0 =	simm.s32 @!p0 $0x0  }
0x12: {  	s1 =	sld [smem:$0x3F9C];
	s0 =	simm.s32 @p0 $0x1  }
0x13: {  	[smem:$0x3FB7] =	sst s0;
	s0 =	simm.s32 @!p1 $0x0  }
0x14: {  	s2 =	sld [smem:$0x3F9B];
	s0 =	simm.s32 @p1 $0x1  }
0x15: {  	[smem:$0x3FB8] =	sst s0;
	s0 =	simm.s32 @!p2 $0x0  }
0x16: {  	s3 =	sld [smem:$0x3FDB];
	s0 =	simm.s32 @p2 $0x1  }
0x17: {  	s4 =	simm.s32 $0x1BF5;
	[smem:$0x3FBA] =	sst s0  }
0x18: {  	s0 =	sld [smem:$0x3F9D];
	_ =	swait.ge [sflag:s4], $0x0  }
0x19: {  	s7 =	sld [smem:$0x3F9E]  }
0x1a: {  	s8 =	sadd.s32 $0xFFFFE003, lr  }
0x1b: {  	s9 =	sadd.s32 $0xFFFFFEF7, lr;
	s5 =	simm.s32 $0xFFFFFFFF;
	p2 =	slt.u32 s8, $0xFFFFF086  }
0x1c: {  	p1 =	slt.u32 s9, $0xF7A;
	s5 =	simm.s32 @!p2 $0x0  }
0x1d: {  	s5 =	simm.s32 @p1 $0x1;
	p0 =	seq.s32 s7, s2  }
0x1e: {  	s7 =	smul.u32 @!p0 $0xF7A, s2;
	p2 =	seq.s32 @!p0 s5, $0x0  }
0x1f: {  	s9 =	smul.u32 $0xF7A, s1;
	s8 =	simm.s32 @!p0 $0x1BF5;
	p2 =	por !p2, p0  }
0x20: {  	[sflag:s8] =	ssyncset.s32 @!p0 $0xFFFFF086;
	s6 =	sadd.s32 @!p0 s3, s7;
	s7 =	simm.s32 @!p0 $0x108  }
0x21: {  	s3 =	sadd.s32 s3, s9;
	s6 =	sadd.s32 @!p0 $0x88, s6;
	s7 =	simm.s32 @p2 $0x1082  }
0x22: {  	[simem:s7], [sflag:s8] =	dma.local @!p0 [hbm:s6], $0xF7A  }
0x23: {  	s9 =	sor.u32 $0xD0000000, s2;
	s6 =	simm.s32 $0x108;
	_ =	swait.ge @!p0 [sflag:s8], $0x0  }
0x24: {  	s3 =	sadd.s32 $0x88, s3;
	s6 =	simm.s32 @!p1 $0x1082;
	[sflag:s4] =	ssyncset.s32 $0xFFFFF086  }
0x25: {  	[simem:s6], [sflag:s4] =	dma.local [hbm:s3], $0xF7A  }
0x26: {  	[smem:$0x3F9E] =	sst s1;
	(tag) =	ssettag s2;
	_ =	strace s9  }
0x27: {  	s1 =	sld [smem:$0x3FAE]  }
0x28: {  	s2 =	sld [smem:$0x3FAF]  }
0x29: {  	s4 =	sld [smem:$0x3FB1]  }
0x2a: {  	p0 =	seq.s32 s5, $0x0;
	s5 =	sld [smem:$0x3FB2]  }
0x2b: {  	s6 =	sld [smem:$0x3FB3]  }
0x2c: {  	s7 =	sld [smem:$0x3FB4]  }
0x2d: {  	s3 =	simm.s32 $0x108;
	s8 =	sld [smem:$0x3FB5]  }
0x2e: {  	s3 =	simm.s32 @!p0 $0x1082;
	s9 =	sld [smem:$0x3FB6]  }
0x2f: {  	lr =	sadd.s32 s0, s3;
	s0 =	sld [smem:$0x3FAD]  }
0x30: {  	s3 =	sld [smem:$0x3FB0]  }
0x31: {  	[smem:$0x3FB9] =	sst s10  }
0x32: {  	s10 =	sld [smem:$0x3FB7];
	_ =	sdelay $0x3  }
0x33: {  	p0 =	seq.s32 s10, $0x1;
	s10 =	sld [smem:$0x3FB9];
	_ =	sdelay $0x3  }
0x34: {  	[smem:$0x3FB9] =	sst s10  }
0x35: {  	s10 =	sld [smem:$0x3FB8];
	_ =	sdelay $0x3  }
0x36: {  	p1 =	seq.s32 s10, $0x1;
	s10 =	sld [smem:$0x3FB9];
	_ =	sdelay $0x3  }
0x37: {  	[smem:$0x3FB9] =	sst s10  }
0x38: {  	s10 =	sld [smem:$0x3FBA]  }
0x39: {  	_ = 	snop;
	(pc) =	sbr.ind lr, $3  }
0x3a: {  	_ = 	snop  }
0x3b: {  	_ = 	snop  }
0x3c: {  	p2 =	seq.s32 s10, $0x1;
	s10 =	sld [smem:$0x3FB9]  }
0x3d: {  	_ =	shalt  }
0x3e: {  	_ =	shalt  }
0x3f: {  	_ =	shalt  }
0x40: {  	_ =	shalt  }
0x41: {  	_ =	shalt  }
0x42: {  	_ =	shalt  }
0x43: {  	_ =	shalt  }
0x44: {  	_ =	shalt  }
0x45: {  	_ =	shalt  }
0x46: {  	_ =	shalt  }
0x47: {  	_ =	shalt  }
0x48: {  	_ =	shalt  }
0x49: {  	_ =	shalt  }
0x4a: {  	_ =	shalt  }
0x4b: {  	_ =	shalt  }
0x4c: {  	_ =	shalt  }
0x4d: {  	_ =	shalt  }
0x4e: {  	_ =	shalt  }
0x4f: {  	_ =	shalt  }
0x50: {  	_ =	shalt  }
0x51: {  	_ =	shalt  }
0x52: {  	_ =	shalt  }
0x53: {  	_ =	shalt  }
0x54: {  	_ =	shalt  }
0x55: {  	_ =	shalt  }
0x56: {  	_ =	shalt  }
0x57: {  	_ =	shalt  }
0x58: {  	_ =	shalt  }
0x59: {  	_ =	shalt  }
0x5a: {  	_ =	shalt  }
0x5b: {  	_ =	shalt  }
0x5c: {  	_ =	shalt  }
0x5d: {  	_ =	shalt  }
0x5e: {  	_ =	shalt  }
0x5f: {  	_ =	shalt  }
0x60: {  	_ =	shalt  }
0x61: {  	_ =	shalt  }
0x62: {  	_ =	shalt  }
0x63: {  	_ =	shalt  }
0x64: {  	_ =	shalt  }
0x65: {  	_ =	shalt  }
0x66: {  	_ =	shalt  }
0x67: {  	_ =	shalt  }
0x68: {  	_ =	shalt  }
0x69: {  	_ =	shalt  }
0x6a: {  	_ =	shalt  }
0x6b: {  	_ =	shalt  }
0x6c: {  	_ =	shalt  }
0x6d: {  	_ =	shalt  }
0x6e: {  	_ =	shalt  }
0x6f: {  	_ =	shalt  }
0x70: {  	_ =	shalt  }
0x71: {  	_ =	shalt  }
0x72: {  	_ =	shalt  }
0x73: {  	_ =	shalt  }
0x74: {  	_ =	shalt  }
0x75: {  	_ =	shalt  }
0x76: {  	_ =	shalt  }
0x77: {  	_ =	shalt  }
0x78: {  	_ =	shalt  }
0x79: {  	_ =	shalt  }
0x7a: {  	_ =	shalt  }
0x7b: {  	_ =	shalt  }
0x7c: {  	_ =	shalt  }
0x7d: {  	_ =	shalt  }
0x7e: {  	_ =	shalt  }
0x7f: {  	_ =	shalt  }
0x80: {  	_ =	shalt  }
0x81: {  	_ =	shalt  }
0x82: {  	_ =	shalt  }
0x83: {  	_ =	shalt  }
0x84: {  	_ =	shalt  }
0x85: {  	_ =	shalt  }
0x86: {  	_ =	shalt  }
0x87: {  	_ =	shalt  }
.Lfunc_end0:
.L_simem_size_0:
called_computation.2_lowered:
.L_overlay_start_0:
0x88: {  	s2 =	sld [smem:$0x3FD9]  }
0x89: {  	s3 =	sld [smem:$0x3FFE];
	_ =	sdelay $0x1  }
0x8a: {  	s1 =	srdreg.scid  }
0x8b: {  	s0 =	sand.u32 $0x1, s1  }
0x8c: {  	s17 =	sshll.u32 s0, $0xA;
	s2 =	sadd.s32 s3, s2  }
0x8d: {  	s2 =	sadd.s32 s2, s17  }
0x8e: {  	[smem:$0x3FC5] =	sst s2  }
0x8f: {  	_ = 	snop  }
0x90: {  	s18 =	sld [smem:$0x3FC8];
	(tm) =	ssettm $0x1  }
0x91: {  	s19 =	sld [smem:$0x3FFB];
	_ =	sdelay $0x3  }
0x92: {  	_ =	strace s19  }
0x93: {  	s2 =	sld [smem:$0x3FFC];
	_ =	sdelay $0x3  }
0x94: {  	_ =	strace s2  }
0x95: {  	s2 =	sld [smem:$0x3FFD];
	_ =	sdelay $0x3  }
0x96: {  	_ =	strace s2  }
0x97: {  	_ =	strace $0x8FFFFFFF  }
0x98: {  	s20 =	sld [smem:$0x3FDB];
	_ =	sdelay $0x1  }
0x99: {  	s4 =	simm.s32 $_scs_section_size  }
0x9a: {  	s5 =	simm.s32 $_size__tile_overlayer_lowered;
	s6 =	simm.s32 $_tile_overlayer_lowered  }
0x9b: {  	s7 =	simm.s32 $0x1BFF;
	s21 =	sshll.u32 s6, $0x1;
	s4 =	sadd.s32 s4, s20  }
0x9c: {  	s22 =	simm.s32 $0x0;
	s5 =	sshll.u32 s5, $0x1;
	s6 =	sadd.s32 s21, s4  }
0x9d: {  	[timem:s22], [sflag:s7] =	dma.local [hbm:s6], s5  }
0x9e: {  	_ =	swait.ge [sflag:s7], s5  }
0x9f: {  	s5 =	ssub.s32 $0x0, s5;
	[sflag:s7] =	ssyncset.done $0x0  }
0xa0: {  	[sflag:s7] =	ssyncadd.s32 s5;
	_ =	sdelay $0x1  }
0xa1: {  	s23 =	simm.s32 $0x1B8B  }
0xa2: {  	_ =	swait.ge [sflag:s23], $0x1  }
0xa3: {  	[sflag:s23] =	ssyncset.done $0x0  }
0xa4: {  	[sflag:s23] =	ssyncadd.s32 $0xFFFFFFFF  }
0xa5: {  	s5 =	sld [smem:$0x0]  }
0xa6: {  	s6 =	sand.u32 $0xFFFFFFFE, s1  }
0xa7: {  	p0 =	sne.s32 s1, s6  }
0xa8: {  	s6 =	sshll.u32 @p0 s6, $0xE  }
0xa9: {  	s6 =	sadd.s32 @p0 $0x11B8D, s6;
	s7 =	sshll.u32 @p0 s5, $0x11  }
0xaa: {  	s6 =	sor.u32 @p0 s7, s6  }
0xab: {  	[sflag:s6] =	ssyncadd.remote.s32 @p0 $0x1;
	_ =	sdelay $0x1  }
0xac: {  	s6 =	simm.s32 @p0 $0x1B8D  }
0xad: {  	_ =	swait.eq @p0 [sflag:s6], $0x1  }
0xae: {  	[sflag:s6] =	ssyncadd.s32 @p0 $0xFFFFFFFF  }
0xaf: {  	s7 =	sshll.u32 @!p0 s1, $0xE  }
0xb0: {  	s7 =	sor.u32 @!p0 $0x4000, s7;
	s6 =	simm.s32 @!p0 $0x1B8D  }
0xb1: {  	s5 =	sshll.u32 @!p0 s5, $0x11;
	s7 =	sadd.s32 @!p0 $0x11B8D, s7;
	_ =	swait.eq @!p0 [sflag:s6], $0x1  }
0xb2: {  	s5 =	sor.u32 @!p0 s5, s7;
	[sflag:s6] =	ssyncadd.s32 @!p0 $0xFFFFFFFF  }
0xb3: {  	s25 =	simm.s32 $0x1B8E;
	s24 =	sld [smem:$0x3FFE];
	[sflag:s5] =	ssyncadd.remote.s32 @!p0 $0x1  }
0xb4: {  	s26 =	simm.s32 $execute0_lowered;
	[smem:$0x3FD2] =	sst s25  }
0xb5: {  	s6 =	sshll.u32 s26, $0x1;
	_ =	strace $0x8000004C;
	[dreg:$0x1] =	wrdreg $0xFFFFFFFF  }
0xb6: {  	s28 =	simm.s32 $_size_execute0_lowered;
	s4 =	sadd.s32 s4, s6;
	[dreg:$0x0] =	wrdreg $0x0  }
0xb7: {  	s6 =	sshll.u32 s28, $0x1;
	[dreg:$0x2] =	wrdreg s4  }
0xb8: {  	[dreg:$0x3] =	wrdreg s6  }
0xb9: {  	[dreg:$0x4] =	wrdreg $0xC0  }
0xba: {  	_ =	task [dreg:s22], $0x5FFFF  }
0xbb: {  	[dreg:$0x1] =	wrdreg $0xFFFFFFFF  }
0xbc: {  	[dreg:$0x0] =	wrdreg $0x60  }
0xbd: {  	[dreg:$0x2] =	wrdreg s18  }
0xbe: {  	[dreg:$0x3] =	wrdreg s24  }
0xbf: {  	[dreg:$0x4] =	wrdreg $0xB  }
0xc0: {  	_ =	task.clear_ibuf [dreg:s22], $0x5FFFF;
	_ =	strace $0x9000004C  }
0xc1: {  	s29 =	simm.s32 $0xB;
	_ =	strace $0x8000004E  }
0xc2: {  	_ =	swait.ge [sflag:s29], $0x1  }
0xc3: {  	[sflag:s29] =	ssyncadd.s32 $0xFFFFFFFF  }
0xc4: {  	_ =	strace $0x9000004E  }
0xc5: {  	_ =	sfence  }
0xc6: {  	s30 =	sld [smem:$0x0];
	_ =	sdelay $0x2  }
0xc7: {  	s31 =	sshll.u32 s1, $0xD;
	s1 =	sshrl.u32 s1, $0x2  }
0xc8: {  	s4 =	sand.u32 $0x4000, s31;
	s1 =	sadd.s32 s1, s30  }
0xc9: {  	s0 =	sor.u32 s4, s0;
	s1 =	sshll.u32 s1, $0x11  }
0xca: {  	s0 =	sor.u32 s1, s0  }
0xcb: {  	s0 =	sadd.s32 $0x8F2B, s0  }
0xcc: {  	[sflag:s0] =	ssyncadd.remote.s32 $0x1  }
0xcd: {  	_ =	sfence.sel $0xFFFF  }
0xce: {  	[dreg:$0x0] =	wrdreg $0xFFFFFFFF;
	(pc) =	sbr.abs _section_cstart, $3  }
0xcf: {  	[dreg:$0x1] =	wrdreg $0xFFFFFFFF  }
0xd0: {  	_ =	task.clear_ibuf [dreg:s22], $0x2FFFF;
	_ =	strace $0x9FFFFFFF  }
0xd1: {  	(tm) =	ssettm $0x7FFFFFFF  }
tec
execute0_lowered:
.L_overlay_start_1:
0x0: {  	(tag) =	ssettag $0x1  }
0x1: {  	s1 =	srdreg.scid  }
0x2: {  	s0 =	stileid.u32;
	s2 =	rddreg [dreg:$0x0]  }
0x3: {  	s5 =	rddreg [dreg:$0x1];
	s3 =	simm.s32 $0x0;
	s10 =	simm.s32 $0x5400  }
0x4: {  	s11 =	simm.s32 $0x100;
	s12 =	simm.s32 $0x9400;
	s13 =	simm.s32 $0x180  }
0x5: {  	s14 =	simm.s32 $0xD400;
	s15 =	simm.s32 $0x200;
	s16 =	simm.s32 $0x11400  }
0x6: {  	s17 =	simm.s32 $0x1;
	s18 =	simm.s32 $0x2;
	s19 =	simm.s32 $0x3  }
0x7: {  	s20 =	simm.s32 $0x4;
	s21 =	simm.s32 $0x5;
	s22 =	simm.s32 $0x6  }
0x8: {  	s23 =	simm.s32 $0x7;
	s24 =	simm.s32 $0x8;
	s25 =	simm.s32 $0x9  }
0x9: {  	s4 =	sand.u32 $0x1, s1;
	s30 =	sshll.u32 s0, $0x1;
	s7 =	smul.u32 $0x28000, s0  }
0xa: {  	s6 =	sor.u32 s4, s30;
	s8 =	ssub.s32 $0x2, s4;
	s4 =	smul.u32 $0x14000, s4  }
0xb: {  	s26 =	simm.s32 $0xA;
	s28 =	simm.s32 $0x0;
	s6 =	smul.u32 $0x1400, s6  }
.Ltmp0:
0xc: {  	[smem:$0x7FF] =	sst s3;
	s9 =	sshrl.u32 s8, $0x1;
	(pc) =	sbr.rel .LBB2_1-.Ltmp0, $4  }
0xd: {  	_ =	strace $0x8000004D;
	s7 =	sadd.s32 s7, s5;
	s31 =	ssub.s32 s8, s9  }
0xe: {  	s7 =	sadd.s32 s4, s7;
	s8 =	simm.s32 $0x80;
	s6 =	sshrl.u32 s6, $0x3  }
0xf: {  	s9 =	simm.s32 $0x1400;
	s5 =	sadd.s32 s6, s5;
	s6 =	sadd.s32 $0x517A00, s7  }
0x10: {  	s7 =	simm.s32 $0xB;
	s4 =	sadd.s32 $0x286A00, s5;
	s5 =	smax.u32 s31, $0x1  }
.LBB2_4:
0x11: {  	_ =	swait.ge [sflag:s23], $0x4000  }
0x12: {  	[sflag:s23] =	ssyncset.done $0x0  }
0x13: {  	[sflag:s23] =	ssyncadd.s32 $0xFFFFC000  }
0x14: {  	_ =	swait.ge [sflag:s24], $0x4000  }
0x15: {  	[sflag:s24] =	ssyncset.done $0x0  }
0x16: {  	s28 =	sadd.s32 $0x1, s28;
	[sflag:s24] =	ssyncadd.s32 $0xFFFFC000  }
0x17: {  	p0 =	sne.s32 s28, s5;
	_ =	swait.ge [sflag:s25], $0x4000  }
.Ltmp1:
0x18: {  	[sflag:s25] =	ssyncset.done $0x0;
	(pc) =	sbr.rel @!p0 .LBB2_5-.Ltmp1, $4  }
0x19: {  	[sflag:s25] =	ssyncadd.s32 $0xFFFFC000  }
0x1a: {  	_ =	swait.ge [sflag:s26], $0x4000  }
0x1b: {  	[sflag:s26] =	ssyncset.done $0x0  }
0x1c: {  	[sflag:s26] =	ssyncadd.s32 $0xFFFFC000  }
.LBB2_1:
0x1d: {  	[tilespmem:s3], [sflag:$0xB] =	stream.linear.gather [hbm4b:s4+s3], $0x1400, $0x38;
	[tilespmem:$0x15400] =	vst v63  }
0x1e: {  	_ =	swait.ge [sflag:s7], $0x1400  }
0x1f: {  	[sflag:s7] =	ssyncset.done $0x0  }
0x20: {  	[sflag:s7] =	ssyncadd.s32 $0xFFFFEC00  }
0x21: {  	[tilespmem:s9], [sflag:$0x1] =	stream.indirect.gather [hbm4b:s2+s8], $0x80, s3, s8, $0xb8;
	[tilespmem:$0x15400] =	vst v63  }
0x22: {  	_ = 	snop  }
0x23: {  	[tilespmem:s10], [sflag:$0x2] =	stream.indirect.gather [hbm4b:s2+s8], $0x80, s8, s8, $0xb8;
	[tilespmem:$0x15400] =	vst v63  }
0x24: {  	_ = 	snop  }
0x25: {  	[tilespmem:s12], [sflag:$0x3] =	stream.indirect.gather [hbm4b:s2+s8], $0x80, s11, s8, $0xb8;
	[tilespmem:$0x15400] =	vst v63  }
0x26: {  	_ = 	snop  }
0x27: {  	[tilespmem:s14], [sflag:$0x4] =	stream.indirect.gather [hbm4b:s2+s8], $0x80, s13, s8, $0xb8;
	[tilespmem:$0x15400] =	vst v63  }
0x28: {  	s29 =	smov.u32 s6;
	s30 =	simm.s32 $0x0  }
0x29: {  	[tilespmem:s16], [sflag:$0x5] =	stream.indirect.gather [hbm4b:s2+s8], $0x80, s15, s8, $0xb8;
	[tilespmem:$0x15400] =	vst v63  }
.LBB2_2:
0x2a: {  	_ =	swait.ge [sflag:s17], $0x4000  }
0x2b: {  	[sflag:s17] =	ssyncset.done $0x0  }
0x2c: {  	s31 =	sadd.s32 $0xFFFFE000, s29;
	[sflag:s17] =	ssyncadd.s32 $0xFFFFC000  }
0x2d: {  	[hbm4b:s31+s3] =	stream.linear.scatter [tilespmem:s9], [sflag:$0x6], $0x4000, $0x38;
	[tilespmem:$0x15400] =	vst v63  }
0x2e: {  	_ =	swait.ge [sflag:s18], $0x4000  }
0x2f: {  	[sflag:s18] =	ssyncset.done $0x0  }
0x30: {  	s1 =	sadd.s32 $0xFFFFE800, s29;
	[sflag:s18] =	ssyncadd.s32 $0xFFFFC000  }
0x31: {  	[hbm4b:s1+s3] =	stream.linear.scatter [tilespmem:s10], [sflag:$0x7], $0x4000, $0x38;
	[tilespmem:$0x15400] =	vst v63  }
0x32: {  	_ =	swait.ge [sflag:s19], $0x4000  }
0x33: {  	[sflag:s19] =	ssyncset.done $0x0  }
0x34: {  	s1 =	sadd.s32 $0xFFFFF000, s29;
	[sflag:s19] =	ssyncadd.s32 $0xFFFFC000  }
0x35: {  	[hbm4b:s1+s3] =	stream.linear.scatter [tilespmem:s12], [sflag:$0x8], $0x4000, $0x38;
	[tilespmem:$0x15400] =	vst v63  }
0x36: {  	_ =	swait.ge [sflag:s20], $0x4000  }
0x37: {  	[sflag:s20] =	ssyncset.done $0x0  }
0x38: {  	s1 =	sadd.s32 $0xFFFFF800, s29;
	[sflag:s20] =	ssyncadd.s32 $0xFFFFC000  }
0x39: {  	[hbm4b:s1+s3] =	stream.linear.scatter [tilespmem:s14], [sflag:$0x9], $0x4000, $0x38;
	[tilespmem:$0x15400] =	vst v63  }
0x3a: {  	_ =	swait.ge [sflag:s21], $0x4000  }
0x3b: {  	p0 =	seq.s32 s30, $0x4600;
	[sflag:s21] =	ssyncset.done $0x0  }
.Ltmp2:
0x3c: {  	[sflag:s21] =	ssyncadd.s32 $0xFFFFC000;
	(pc) =	sbr.rel @p0 .LBB2_4-.Ltmp2, $4  }
0x3d: {  	[hbm4b:s29+s3] =	stream.linear.scatter [tilespmem:s16], [sflag:$0xA], $0x4000, $0x38;
	[tilespmem:$0x15400] =	vst v63  }
0x3e: {  	_ =	swait.ge [sflag:s22], $0x4000  }
0x3f: {  	[sflag:s22] =	ssyncset.done $0x0  }
0x40: {  	[sflag:s22] =	ssyncadd.s32 $0xFFFFC000  }
0x41: {  	s31 =	sshra.s32 s30, $0x2  }
0x42: {  	s1 =	sadd.s32 $0x280, s31  }
0x43: {  	[tilespmem:s9], [sflag:$0x1] =	stream.indirect.gather [hbm4b:s2+s8], $0x80, s1, s8, $0xb8;
	[tilespmem:$0x15400] =	vst v63  }
0x44: {  	_ =	swait.ge [sflag:s23], $0x4000  }
0x45: {  	[sflag:s23] =	ssyncset.done $0x0  }
0x46: {  	s1 =	sadd.s32 $0x300, s31;
	[sflag:s23] =	ssyncadd.s32 $0xFFFFC000  }
0x47: {  	[tilespmem:s10], [sflag:$0x2] =	stream.indirect.gather [hbm4b:s2+s8], $0x80, s1, s8, $0xb8;
	[tilespmem:$0x15400] =	vst v63  }
0x48: {  	_ =	swait.ge [sflag:s24], $0x4000  }
0x49: {  	[sflag:s24] =	ssyncset.done $0x0  }
0x4a: {  	s1 =	sadd.s32 $0x380, s31;
	[sflag:s24] =	ssyncadd.s32 $0xFFFFC000  }
0x4b: {  	[tilespmem:s12], [sflag:$0x3] =	stream.indirect.gather [hbm4b:s2+s8], $0x80, s1, s8, $0xb8;
	[tilespmem:$0x15400] =	vst v63  }
0x4c: {  	_ =	swait.ge [sflag:s25], $0x4000  }
0x4d: {  	[sflag:s25] =	ssyncset.done $0x0  }
0x4e: {  	s1 =	sadd.s32 $0x400, s31;
	[sflag:s25] =	ssyncadd.s32 $0xFFFFC000  }
0x4f: {  	[tilespmem:s14], [sflag:$0x4] =	stream.indirect.gather [hbm4b:s2+s8], $0x80, s1, s8, $0xb8;
	[tilespmem:$0x15400] =	vst v63  }
.Ltmp3:
0x50: {  	_ = 	snop;
	(pc) =	sbr.rel .LBB2_2-.Ltmp3, $4  }
0x51: {  	_ =	swait.ge [sflag:s26], $0x4000  }
0x52: {  	s30 =	sadd.s32 $0xA00, s30;
	[sflag:s26] =	ssyncset.done $0x0  }
0x53: {  	s29 =	sadd.s32 $0x2800, s29;
	s31 =	sadd.s32 $0x480, s31;
	[sflag:s26] =	ssyncadd.s32 $0xFFFFC000  }
0x54: {  	[tilespmem:s16], [sflag:$0x5] =	stream.indirect.gather [hbm4b:s2+s8], $0x80, s31, s8, $0xb8;
	[tilespmem:$0x15400] =	vst v63  }
.LBB2_5:
0x55: {  	_ =	sfence.sel $0x180000  }
0x56: {  	[bflag:$0x0] =	sbarrier.arrive $0xFFFF  }
0x57: {  	_ =	strace $0x9000004D  }
0x58: {  	[bflag:$0x2] =	sbarrier.arrive $0xFFFF  }
0x59: {  	p0 =	sne.s32 s0, $0x0;
	s0 =	rddreg [dreg:$0x2]  }
0x5a: {  	s0 =	sadd.s32 @!p0 $0x100000, s0  }
0x5b: {  	[sflag:s0] =	ssyncadd.tile.s32 @!p0 $0x1;
	_ =	shalt  }
.Lfunc_end2:
_tile_overlayer_lowered:
.L_overlay_start_2:
0x5c: {  	(tag) =	ssettag $0x2  }
0x5d: {  	s0 =	rddreg [dreg:$0x0];
	s2 =	stileid.u32  }
0x5e: {  	s1 =	rddreg [dreg:$0x1];
	p0 =	sne.s32 s2, $0x0  }
0x5f: {  	s3 =	rddreg [dreg:$0x2];
	[bflag:$0x3] =	sbarrier.arrive $0xFFFF;
	s2 =	simm.s32 @!p0 $0x1C0B  }
0x60: {  	[timem:s3], [sflag:s2] =	dma.local @!p0 [hbm:s0], s1  }
0x61: {  	s0 =	simm.s32 @!p0 $0xB  }
0x62: {  	_ =	swait.ge @!p0 [sflag:s0], s1  }
0x63: {  	s1 =	ssub.s32 @!p0 $0x0, s1;
	[sflag:s0] =	ssyncset.done @!p0 $0x0  }
0x64: {  	[sflag:s0] =	ssyncadd.s32 @!p0 s1  }
0x65: {  	[bflag:$0x3] =	sbarrier.arrive $0xFFFF  }
0x66: {  	_ =	shalt  }

// kernel: kernel.21.cloned.1.call-start
scs
__scs_entry_jumppad:
0x0: {  	(pc) =	sbr.rel $0x88, $3  }
0x1: {  	(tag) =	ssettag $0x0;
	lr =	simm.s32 $0x1  }
0x2: {  	[smem:$0x3F9E] =	sst lr;
	_ =	strace $0xD0000000  }
0x3: {  	_ = 	snop  }
0x4: {  	_ = 	snop  }
0x5: {  	_ = 	snop  }
0x6: {  	_ = 	snop  }
0x7: {  	_ = 	snop  }
__scs_overlays_trampoline_lowered:
0x8: {  	[smem:$0x3FAD] =	sst s0  }
0x9: {  	[smem:$0x3FAE] =	sst s1  }
0xa: {  	[smem:$0x3FAF] =	sst s2  }
0xb: {  	[smem:$0x3FB0] =	sst s3  }
0xc: {  	[smem:$0x3FB1] =	sst s4  }
0xd: {  	[smem:$0x3FB2] =	sst s5  }
0xe: {  	[smem:$0x3FB3] =	sst s6  }
0xf: {  	[smem:$0x3FB4] =	sst s7  }
0x10: {  	[smem:$0x3FB5] =	sst s8  }
0x11: {  	[smem:$0x3FB6] =	sst s9;
	s0 =	simm.s32 @!p0 $0x0  }
0x12: {  	s1 =	sld [smem:$0x3F9C];
	s0 =	simm.s32 @p0 $0x1  }
0x13: {  	[smem:$0x3FB7] =	sst s0;
	s0 =	simm.s32 @!p1 $0x0  }
0x14: {  	s2 =	sld [smem:$0x3F9B];
	s0 =	simm.s32 @p1 $0x1  }
0x15: {  	[smem:$0x3FB8] =	sst s0;
	s0 =	simm.s32 @!p2 $0x0  }
0x16: {  	s3 =	sld [smem:$0x3FDB];
	s0 =	simm.s32 @p2 $0x1  }
0x17: {  	s4 =	simm.s32 $0x1BF5;
	[smem:$0x3FBA] =	sst s0  }
0x18: {  	s0 =	sld [smem:$0x3F9D];
	_ =	swait.ge [sflag:s4], $0x0  }
0x19: {  	s7 =	sld [smem:$0x3F9E]  }
0x1a: {  	s8 =	sadd.s32 $0xFFFFE003, lr  }
0x1b: {  	s9 =	sadd.s32 $0xFFFFFEF7, lr;
	s5 =	simm.s32 $0xFFFFFFFF;
	p2 =	slt.u32 s8, $0xFFFFF086  }
0x1c: {  	p1 =	slt.u32 s9, $0xF7A;
	s5 =	simm.s32 @!p2 $0x0  }
0x1d: {  	s5 =	simm.s32 @p1 $0x1;
	p0 =	seq.s32 s7, s2  }
0x1e: {  	s7 =	smul.u32 @!p0 $0xF7A, s2;
	p2 =	seq.s32 @!p0 s5, $0x0  }
0x1f: {  	s9 =	smul.u32 $0xF7A, s1;
	s8 =	simm.s32 @!p0 $0x1BF5;
	p2 =	por !p2, p0  }
0x20: {  	[sflag:s8] =	ssyncset.s32 @!p0 $0xFFFFF086;
	s6 =	sadd.s32 @!p0 s3, s7;
	s7 =	simm.s32 @!p0 $0x108  }
0x21: {  	s3 =	sadd.s32 s3, s9;
	s6 =	sadd.s32 @!p0 $0x88, s6;
	s7 =	simm.s32 @p2 $0x1082  }
0x22: {  	[simem:s7], [sflag:s8] =	dma.local @!p0 [hbm:s6], $0xF7A  }
0x23: {  	s9 =	sor.u32 $0xD0000000, s2;
	s6 =	simm.s32 $0x108;
	_ =	swait.ge @!p0 [sflag:s8], $0x0  }
0x24: {  	s3 =	sadd.s32 $0x88, s3;
	s6 =	simm.s32 @!p1 $0x1082;
	[sflag:s4] =	ssyncset.s32 $0xFFFFF086  }
0x25: {  	[simem:s6], [sflag:s4] =	dma.local [hbm:s3], $0xF7A  }
0x26: {  	[smem:$0x3F9E] =	sst s1;
	(tag) =	ssettag s2;
	_ =	strace s9  }
0x27: {  	s1 =	sld [smem:$0x3FAE]  }
0x28: {  	s2 =	sld [smem:$0x3FAF]  }
0x29: {  	s4 =	sld [smem:$0x3FB1]  }
0x2a: {  	p0 =	seq.s32 s5, $0x0;
	s5 =	sld [smem:$0x3FB2]  }
0x2b: {  	s6 =	sld [smem:$0x3FB3]  }
0x2c: {  	s7 =	sld [smem:$0x3FB4]  }
0x2d: {  	s3 =	simm.s32 $0x108;
	s8 =	sld [smem:$0x3FB5]  }
0x2e: {  	s3 =	simm.s32 @!p0 $0x1082;
	s9 =	sld [smem:$0x3FB6]  }
0x2f: {  	lr =	sadd.s32 s0, s3;
	s0 =	sld [smem:$0x3FAD]  }
0x30: {  	s3 =	sld [smem:$0x3FB0]  }
0x31: {  	[smem:$0x3FB9] =	sst s10  }
0x32: {  	s10 =	sld [smem:$0x3FB7];
	_ =	sdelay $0x3  }
0x33: {  	p0 =	seq.s32 s10, $0x1;
	s10 =	sld [smem:$0x3FB9];
	_ =	sdelay $0x3  }
0x34: {  	[smem:$0x3FB9] =	sst s10  }
0x35: {  	s10 =	sld [smem:$0x3FB8];
	_ =	sdelay $0x3  }
0x36: {  	p1 =	seq.s32 s10, $0x1;
	s10 =	sld [smem:$0x3FB9];
	_ =	sdelay $0x3  }
0x37: {  	[smem:$0x3FB9] =	sst s10  }
0x38: {  	s10 =	sld [smem:$0x3FBA]  }
0x39: {  	_ = 	snop;
	(pc) =	sbr.ind lr, $3  }
0x3a: {  	_ = 	snop  }
0x3b: {  	_ = 	snop  }
0x3c: {  	p2 =	seq.s32 s10, $0x1;
	s10 =	sld [smem:$0x3FB9]  }
0x3d: {  	_ =	shalt  }
0x3e: {  	_ =	shalt  }
0x3f: {  	_ =	shalt  }
0x40: {  	_ =	shalt  }
0x41: {  	_ =	shalt  }
0x42: {  	_ =	shalt  }
0x43: {  	_ =	shalt  }
0x44: {  	_ =	shalt  }
0x45: {  	_ =	shalt  }
0x46: {  	_ =	shalt  }
0x47: {  	_ =	shalt  }
0x48: {  	_ =	shalt  }
0x49: {  	_ =	shalt  }
0x4a: {  	_ =	shalt  }
0x4b: {  	_ =	shalt  }
0x4c: {  	_ =	shalt  }
0x4d: {  	_ =	shalt  }
0x4e: {  	_ =	shalt  }
0x4f: {  	_ =	shalt  }
0x50: {  	_ =	shalt  }
0x51: {  	_ =	shalt  }
0x52: {  	_ =	shalt  }
0x53: {  	_ =	shalt  }
0x54: {  	_ =	shalt  }
0x55: {  	_ =	shalt  }
0x56: {  	_ =	shalt  }
0x57: {  	_ =	shalt  }
0x58: {  	_ =	shalt  }
0x59: {  	_ =	shalt  }
0x5a: {  	_ =	shalt  }
0x5b: {  	_ =	shalt  }
0x5c: {  	_ =	shalt  }
0x5d: {  	_ =	shalt  }
0x5e: {  	_ =	shalt  }
0x5f: {  	_ =	shalt  }
0x60: {  	_ =	shalt  }
0x61: {  	_ =	shalt  }
0x62: {  	_ =	shalt  }
0x63: {  	_ =	shalt  }
0x64: {  	_ =	shalt  }
0x65: {  	_ =	shalt  }
0x66: {  	_ =	shalt  }
0x67: {  	_ =	shalt  }
0x68: {  	_ =	shalt  }
0x69: {  	_ =	shalt  }
0x6a: {  	_ =	shalt  }
0x6b: {  	_ =	shalt  }
0x6c: {  	_ =	shalt  }
0x6d: {  	_ =	shalt  }
0x6e: {  	_ =	shalt  }
0x6f: {  	_ =	shalt  }
0x70: {  	_ =	shalt  }
0x71: {  	_ =	shalt  }
0x72: {  	_ =	shalt  }
0x73: {  	_ =	shalt  }
0x74: {  	_ =	shalt  }
0x75: {  	_ =	shalt  }
0x76: {  	_ =	shalt  }
0x77: {  	_ =	shalt  }
0x78: {  	_ =	shalt  }
0x79: {  	_ =	shalt  }
0x7a: {  	_ =	shalt  }
0x7b: {  	_ =	shalt  }
0x7c: {  	_ =	shalt  }
0x7d: {  	_ =	shalt  }
0x7e: {  	_ =	shalt  }
0x7f: {  	_ =	shalt  }
0x80: {  	_ =	shalt  }
0x81: {  	_ =	shalt  }
0x82: {  	_ =	shalt  }
0x83: {  	_ =	shalt  }
0x84: {  	_ =	shalt  }
0x85: {  	_ =	shalt  }
0x86: {  	_ =	shalt  }
0x87: {  	_ =	shalt  }
.Lfunc_end0:
.L_simem_size_0:
called_computation.3_lowered:
.L_overlay_start_0:
0x88: {  	s2 =	sld [smem:$0x3FD9]  }
0x89: {  	s3 =	sld [smem:$0x3FFE];
	_ =	sdelay $0x1  }
0x8a: {  	s1 =	srdreg.scid  }
0x8b: {  	s0 =	sand.u32 $0x1, s1  }
0x8c: {  	s17 =	sshll.u32 s0, $0xA;
	s2 =	sadd.s32 s3, s2  }
0x8d: {  	s2 =	sadd.s32 s2, s17  }
0x8e: {  	[smem:$0x3FC5] =	sst s2  }
0x8f: {  	_ = 	snop  }
0x90: {  	s18 =	sld [smem:$0x3FC8];
	(tm) =	ssettm $0x1  }
0x91: {  	s19 =	sld [smem:$0x3FFB];
	_ =	sdelay $0x3  }
0x92: {  	_ =	strace s19  }
0x93: {  	s2 =	sld [smem:$0x3FFC];
	_ =	sdelay $0x3  }
0x94: {  	_ =	strace s2  }
0x95: {  	s2 =	sld [smem:$0x3FFD];
	_ =	sdelay $0x3  }
0x96: {  	_ =	strace s2  }
0x97: {  	_ =	strace $0x8FFFFFFF  }
0x98: {  	s20 =	sld [smem:$0x3FDB];
	_ =	sdelay $0x1  }
0x99: {  	s4 =	simm.s32 $_scs_section_size  }
0x9a: {  	s5 =	simm.s32 $_size__tile_overlayer_lowered;
	s6 =	simm.s32 $_tile_overlayer_lowered  }
0x9b: {  	s7 =	simm.s32 $0x1BFF;
	s21 =	sshll.u32 s6, $0x1;
	s4 =	sadd.s32 s4, s20  }
0x9c: {  	s22 =	simm.s32 $0x0;
	s5 =	sshll.u32 s5, $0x1;
	s6 =	sadd.s32 s21, s4  }
0x9d: {  	[timem:s22], [sflag:s7] =	dma.local [hbm:s6], s5  }
0x9e: {  	_ =	swait.ge [sflag:s7], s5  }
0x9f: {  	s5 =	ssub.s32 $0x0, s5;
	[sflag:s7] =	ssyncset.done $0x0  }
0xa0: {  	[sflag:s7] =	ssyncadd.s32 s5;
	_ =	sdelay $0x1  }
0xa1: {  	s23 =	simm.s32 $0x1B8B  }
0xa2: {  	_ =	swait.ge [sflag:s23], $0x1  }
0xa3: {  	[sflag:s23] =	ssyncset.done $0x0  }
0xa4: {  	[sflag:s23] =	ssyncadd.s32 $0xFFFFFFFF  }
0xa5: {  	s5 =	sld [smem:$0x0]  }
0xa6: {  	s6 =	sand.u32 $0xFFFFFFFE, s1  }
0xa7: {  	p0 =	sne.s32 s1, s6  }
0xa8: {  	s6 =	sshll.u32 @p0 s6, $0xE  }
0xa9: {  	s6 =	sadd.s32 @p0 $0x11B8D, s6;
	s7 =	sshll.u32 @p0 s5, $0x11  }
0xaa: {  	s6 =	sor.u32 @p0 s7, s6  }
0xab: {  	[sflag:s6] =	ssyncadd.remote.s32 @p0 $0x1;
	_ =	sdelay $0x1  }
0xac: {  	s6 =	simm.s32 @p0 $0x1B8D  }
0xad: {  	_ =	swait.eq @p0 [sflag:s6], $0x1  }
0xae: {  	[sflag:s6] =	ssyncadd.s32 @p0 $0xFFFFFFFF  }
0xaf: {  	s7 =	sshll.u32 @!p0 s1, $0xE  }
0xb0: {  	s7 =	sor.u32 @!p0 $0x4000, s7;
	s6 =	simm.s32 @!p0 $0x1B8D  }
0xb1: {  	s5 =	sshll.u32 @!p0 s5, $0x11;
	s7 =	sadd.s32 @!p0 $0x11B8D, s7;
	_ =	swait.eq @!p0 [sflag:s6], $0x1  }
0xb2: {  	s5 =	sor.u32 @!p0 s5, s7;
	[sflag:s6] =	ssyncadd.s32 @!p0 $0xFFFFFFFF  }
0xb3: {  	s25 =	simm.s32 $0x1B8E;
	s24 =	sld [smem:$0x3FFE];
	[sflag:s5] =	ssyncadd.remote.s32 @!p0 $0x1  }
0xb4: {  	s26 =	simm.s32 $execute0_lowered;
	[smem:$0x3FD2] =	sst s25  }
0xb5: {  	s6 =	sshll.u32 s26, $0x1;
	_ =	strace $0x8000004F;
	[dreg:$0x1] =	wrdreg $0xFFFFFFFF  }
0xb6: {  	s28 =	simm.s32 $_size_execute0_lowered;
	s4 =	sadd.s32 s4, s6;
	[dreg:$0x0] =	wrdreg $0x0  }
0xb7: {  	s6 =	sshll.u32 s28, $0x1;
	[dreg:$0x2] =	wrdreg s4  }
0xb8: {  	[dreg:$0x3] =	wrdreg s6  }
0xb9: {  	[dreg:$0x4] =	wrdreg $0xC0  }
0xba: {  	_ =	task [dreg:s22], $0x5FFFF  }
0xbb: {  	[dreg:$0x1] =	wrdreg $0xFFFFFFFF  }
0xbc: {  	[dreg:$0x0] =	wrdreg $0x60  }
0xbd: {  	[dreg:$0x2] =	wrdreg s18  }
0xbe: {  	[dreg:$0x3] =	wrdreg s24  }
0xbf: {  	[dreg:$0x4] =	wrdreg $0xC  }
0xc0: {  	_ =	task.clear_ibuf [dreg:s22], $0x5FFFF;
	_ =	strace $0x9000004F  }
0xc1: {  	s29 =	simm.s32 $0xC;
	_ =	strace $0x80000051  }
0xc2: {  	_ =	swait.ge [sflag:s29], $0x1  }
0xc3: {  	[sflag:s29] =	ssyncadd.s32 $0xFFFFFFFF  }
0xc4: {  	_ =	strace $0x90000051  }
0xc5: {  	_ =	sfence  }
0xc6: {  	s30 =	sld [smem:$0x0];
	_ =	sdelay $0x2  }
0xc7: {  	s31 =	sshll.u32 s1, $0xD;
	s1 =	sshrl.u32 s1, $0x2  }
0xc8: {  	s4 =	sand.u32 $0x4000, s31;
	s1 =	sadd.s32 s1, s30  }
0xc9: {  	s0 =	sor.u32 s4, s0;
	s1 =	sshll.u32 s1, $0x11  }
0xca: {  	s0 =	sor.u32 s1, s0  }
0xcb: {  	s0 =	sadd.s32 $0x8F2B, s0  }
0xcc: {  	[sflag:s0] =	ssyncadd.remote.s32 $0x1  }
0xcd: {  	_ =	sfence.sel $0xFFFF  }
0xce: {  	[dreg:$0x0] =	wrdreg $0xFFFFFFFF;
	(pc) =	sbr.abs _section_cstart, $3  }
0xcf: {  	[dreg:$0x1] =	wrdreg $0xFFFFFFFF  }
0xd0: {  	_ =	task.clear_ibuf [dreg:s22], $0x2FFFF;
	_ =	strace $0x9FFFFFFF  }
0xd1: {  	(tm) =	ssettm $0x7FFFFFFF  }
tec
execute0_lowered:
.L_overlay_start_1:
0x0: {  	(tag) =	ssettag $0x1  }
0x1: {  	s1 =	srdreg.scid  }
0x2: {  	s0 =	stileid.u32;
	s2 =	rddreg [dreg:$0x0]  }
0x3: {  	s5 =	rddreg [dreg:$0x1];
	s3 =	simm.s32 $0x0;
	s10 =	simm.s32 $0x5400  }
0x4: {  	s11 =	simm.s32 $0x100;
	s12 =	simm.s32 $0x9400;
	s13 =	simm.s32 $0x180  }
0x5: {  	s14 =	simm.s32 $0xD400;
	s15 =	simm.s32 $0x200;
	s16 =	simm.s32 $0x11400  }
0x6: {  	s17 =	simm.s32 $0x1;
	s18 =	simm.s32 $0x2;
	s19 =	simm.s32 $0x3  }
0x7: {  	s20 =	simm.s32 $0x4;
	s21 =	simm.s32 $0x5;
	s22 =	simm.s32 $0x6  }
0x8: {  	s23 =	simm.s32 $0x7;
	s24 =	simm.s32 $0x8;
	s25 =	simm.s32 $0x9  }
0x9: {  	s4 =	sand.u32 $0x1, s1;
	s30 =	sshll.u32 s0, $0x1;
	s7 =	smul.u32 $0x28000, s0  }
0xa: {  	s6 =	sor.u32 s4, s30;
	s8 =	ssub.s32 $0x2, s4;
	s4 =	smul.u32 $0x14000, s4  }
0xb: {  	s26 =	simm.s32 $0xA;
	s28 =	simm.s32 $0x0;
	s6 =	smul.u32 $0x1400, s6  }
.Ltmp0:
0xc: {  	[smem:$0x7FF] =	sst s3;
	s9 =	sshrl.u32 s8, $0x1;
	(pc) =	sbr.rel .LBB2_1-.Ltmp0, $4  }
0xd: {  	_ =	strace $0x80000050;
	s7 =	sadd.s32 s7, s5;
	s31 =	ssub.s32 s8, s9  }
0xe: {  	s7 =	sadd.s32 s4, s7;
	s8 =	simm.s32 $0x80;
	s6 =	sshrl.u32 s6, $0x3  }
0xf: {  	s9 =	simm.s32 $0x1400;
	s5 =	sadd.s32 s6, s5;
	s6 =	sadd.s32 $0x797A00, s7  }
0x10: {  	s7 =	simm.s32 $0xB;
	s4 =	sadd.s32 $0x28BA00, s5;
	s5 =	smax.u32 s31, $0x1  }
.LBB2_4:
0x11: {  	_ =	swait.ge [sflag:s23], $0x4000  }
0x12: {  	[sflag:s23] =	ssyncset.done $0x0  }
0x13: {  	[sflag:s23] =	ssyncadd.s32 $0xFFFFC000  }
0x14: {  	_ =	swait.ge [sflag:s24], $0x4000  }
0x15: {  	[sflag:s24] =	ssyncset.done $0x0  }
0x16: {  	s28 =	sadd.s32 $0x1, s28;
	[sflag:s24] =	ssyncadd.s32 $0xFFFFC000  }
0x17: {  	p0 =	sne.s32 s28, s5;
	_ =	swait.ge [sflag:s25], $0x4000  }
.Ltmp1:
0x18: {  	[sflag:s25] =	ssyncset.done $0x0;
	(pc) =	sbr.rel @!p0 .LBB2_5-.Ltmp1, $4  }
0x19: {  	[sflag:s25] =	ssyncadd.s32 $0xFFFFC000  }
0x1a: {  	_ =	swait.ge [sflag:s26], $0x4000  }
0x1b: {  	[sflag:s26] =	ssyncset.done $0x0  }
0x1c: {  	[sflag:s26] =	ssyncadd.s32 $0xFFFFC000  }
.LBB2_1:
0x1d: {  	[tilespmem:s3], [sflag:$0xB] =	stream.linear.gather [hbm4b:s4+s3], $0x1400, $0x38;
	[tilespmem:$0x15400] =	vst v63  }
0x1e: {  	_ =	swait.ge [sflag:s7], $0x1400  }
0x1f: {  	[sflag:s7] =	ssyncset.done $0x0  }
0x20: {  	[sflag:s7] =	ssyncadd.s32 $0xFFFFEC00  }
0x21: {  	[tilespmem:s9], [sflag:$0x1] =	stream.indirect.gather [hbm4b:s2+s8], $0x80, s3, s8, $0xb8;
	[tilespmem:$0x15400] =	vst v63  }
0x22: {  	_ = 	snop  }
0x23: {  	[tilespmem:s10], [sflag:$0x2] =	stream.indirect.gather [hbm4b:s2+s8], $0x80, s8, s8, $0xb8;
	[tilespmem:$0x15400] =	vst v63  }
0x24: {  	_ = 	snop  }
0x25: {  	[tilespmem:s12], [sflag:$0x3] =	stream.indirect.gather [hbm4b:s2+s8], $0x80, s11, s8, $0xb8;
	[tilespmem:$0x15400] =	vst v63  }
0x26: {  	_ = 	snop  }
0x27: {  	[tilespmem:s14], [sflag:$0x4] =	stream.indirect.gather [hbm4b:s2+s8], $0x80, s13, s8, $0xb8;
	[tilespmem:$0x15400] =	vst v63  }
0x28: {  	s29 =	smov.u32 s6;
	s30 =	simm.s32 $0x0  }
0x29: {  	[tilespmem:s16], [sflag:$0x5] =	stream.indirect.gather [hbm4b:s2+s8], $0x80, s15, s8, $0xb8;
	[tilespmem:$0x15400] =	vst v63  }
.LBB2_2:
0x2a: {  	_ =	swait.ge [sflag:s17], $0x4000  }
0x2b: {  	[sflag:s17] =	ssyncset.done $0x0  }
0x2c: {  	s31 =	sadd.s32 $0xFFFFE000, s29;
	[sflag:s17] =	ssyncadd.s32 $0xFFFFC000  }
0x2d: {  	[hbm4b:s31+s3] =	stream.linear.scatter [tilespmem:s9], [sflag:$0x6], $0x4000, $0x38;
	[tilespmem:$0x15400] =	vst v63  }
0x2e: {  	_ =	swait.ge [sflag:s18], $0x4000  }
0x2f: {  	[sflag:s18] =	ssyncset.done $0x0  }
0x30: {  	s1 =	sadd.s32 $0xFFFFE800, s29;
	[sflag:s18] =	ssyncadd.s32 $0xFFFFC000  }
0x31: {  	[hbm4b:s1+s3] =	stream.linear.scatter [tilespmem:s10], [sflag:$0x7], $0x4000, $0x38;
	[tilespmem:$0x15400] =	vst v63  }
0x32: {  	_ =	swait.ge [sflag:s19], $0x4000  }
0x33: {  	[sflag:s19] =	ssyncset.done $0x0  }
0x34: {  	s1 =	sadd.s32 $0xFFFFF000, s29;
	[sflag:s19] =	ssyncadd.s32 $0xFFFFC000  }
0x35: {  	[hbm4b:s1+s3] =	stream.linear.scatter [tilespmem:s12], [sflag:$0x8], $0x4000, $0x38;
	[tilespmem:$0x15400] =	vst v63  }
0x36: {  	_ =	swait.ge [sflag:s20], $0x4000  }
0x37: {  	[sflag:s20] =	ssyncset.done $0x0  }
0x38: {  	s1 =	sadd.s32 $0xFFFFF800, s29;
	[sflag:s20] =	ssyncadd.s32 $0xFFFFC000  }
0x39: {  	[hbm4b:s1+s3] =	stream.linear.scatter [tilespmem:s14], [sflag:$0x9], $0x4000, $0x38;
	[tilespmem:$0x15400] =	vst v63  }
0x3a: {  	_ =	swait.ge [sflag:s21], $0x4000  }
0x3b: {  	p0 =	seq.s32 s30, $0x4600;
	[sflag:s21] =	ssyncset.done $0x0  }
.Ltmp2:
0x3c: {  	[sflag:s21] =	ssyncadd.s32 $0xFFFFC000;
	(pc) =	sbr.rel @p0 .LBB2_4-.Ltmp2, $4  }
0x3d: {  	[hbm4b:s29+s3] =	stream.linear.scatter [tilespmem:s16], [sflag:$0xA], $0x4000, $0x38;
	[tilespmem:$0x15400] =	vst v63  }
0x3e: {  	_ =	swait.ge [sflag:s22], $0x4000  }
0x3f: {  	[sflag:s22] =	ssyncset.done $0x0  }
0x40: {  	[sflag:s22] =	ssyncadd.s32 $0xFFFFC000  }
0x41: {  	s31 =	sshra.s32 s30, $0x2  }
0x42: {  	s1 =	sadd.s32 $0x280, s31  }
0x43: {  	[tilespmem:s9], [sflag:$0x1] =	stream.indirect.gather [hbm4b:s2+s8], $0x80, s1, s8, $0xb8;
	[tilespmem:$0x15400] =	vst v63  }
0x44: {  	_ =	swait.ge [sflag:s23], $0x4000  }
0x45: {  	[sflag:s23] =	ssyncset.done $0x0  }
0x46: {  	s1 =	sadd.s32 $0x300, s31;
	[sflag:s23] =	ssyncadd.s32 $0xFFFFC000  }
0x47: {  	[tilespmem:s10], [sflag:$0x2] =	stream.indirect.gather [hbm4b:s2+s8], $0x80, s1, s8, $0xb8;
	[tilespmem:$0x15400] =	vst v63  }
0x48: {  	_ =	swait.ge [sflag:s24], $0x4000  }
0x49: {  	[sflag:s24] =	ssyncset.done $0x0  }
0x4a: {  	s1 =	sadd.s32 $0x380, s31;
	[sflag:s24] =	ssyncadd.s32 $0xFFFFC000  }
0x4b: {  	[tilespmem:s12], [sflag:$0x3] =	stream.indirect.gather [hbm4b:s2+s8], $0x80, s1, s8, $0xb8;
	[tilespmem:$0x15400] =	vst v63  }
0x4c: {  	_ =	swait.ge [sflag:s25], $0x4000  }
0x4d: {  	[sflag:s25] =	ssyncset.done $0x0  }
0x4e: {  	s1 =	sadd.s32 $0x400, s31;
	[sflag:s25] =	ssyncadd.s32 $0xFFFFC000  }
0x4f: {  	[tilespmem:s14], [sflag:$0x4] =	stream.indirect.gather [hbm4b:s2+s8], $0x80, s1, s8, $0xb8;
	[tilespmem:$0x15400] =	vst v63  }
.Ltmp3:
0x50: {  	_ = 	snop;
	(pc) =	sbr.rel .LBB2_2-.Ltmp3, $4  }
0x51: {  	_ =	swait.ge [sflag:s26], $0x4000  }
0x52: {  	s30 =	sadd.s32 $0xA00, s30;
	[sflag:s26] =	ssyncset.done $0x0  }
0x53: {  	s29 =	sadd.s32 $0x2800, s29;
	s31 =	sadd.s32 $0x480, s31;
	[sflag:s26] =	ssyncadd.s32 $0xFFFFC000  }
0x54: {  	[tilespmem:s16], [sflag:$0x5] =	stream.indirect.gather [hbm4b:s2+s8], $0x80, s31, s8, $0xb8;
	[tilespmem:$0x15400] =	vst v63  }
.LBB2_5:
0x55: {  	_ =	sfence.sel $0x180000  }
0x56: {  	[bflag:$0x0] =	sbarrier.arrive $0xFFFF  }
0x57: {  	_ =	strace $0x90000050  }
0x58: {  	[bflag:$0x2] =	sbarrier.arrive $0xFFFF  }
0x59: {  	p0 =	sne.s32 s0, $0x0;
	s0 =	rddreg [dreg:$0x2]  }
0x5a: {  	s0 =	sadd.s32 @!p0 $0x100000, s0  }
0x5b: {  	[sflag:s0] =	ssyncadd.tile.s32 @!p0 $0x1;
	_ =	shalt  }
.Lfunc_end2:
_tile_overlayer_lowered:
.L_overlay_start_2:
0x5c: {  	(tag) =	ssettag $0x2  }
0x5d: {  	s0 =	rddreg [dreg:$0x0];
	s2 =	stileid.u32  }
0x5e: {  	s1 =	rddreg [dreg:$0x1];
	p0 =	sne.s32 s2, $0x0  }
0x5f: {  	s3 =	rddreg [dreg:$0x2];
	[bflag:$0x3] =	sbarrier.arrive $0xFFFF;
	s2 =	simm.s32 @!p0 $0x1C0B  }
0x60: {  	[timem:s3], [sflag:s2] =	dma.local @!p0 [hbm:s0], s1  }
0x61: {  	s0 =	simm.s32 @!p0 $0xB  }
0x62: {  	_ =	swait.ge @!p0 [sflag:s0], s1  }
0x63: {  	s1 =	ssub.s32 @!p0 $0x0, s1;
	[sflag:s0] =	ssyncset.done @!p0 $0x0  }
0x64: {  	[sflag:s0] =	ssyncadd.s32 @!p0 s1  }
0x65: {  	[bflag:$0x3] =	sbarrier.arrive $0xFFFF  }
0x66: {  	_ =	shalt  }

// kernel: kernel.24.cloned.1.call-start
scs
__scs_entry_jumppad:
0x0: {  	(pc) =	sbr.rel $0x88, $3  }
0x1: {  	(tag) =	ssettag $0x0;
	lr =	simm.s32 $0x1  }
0x2: {  	[smem:$0x3F9E] =	sst lr;
	_ =	strace $0xD0000000  }
0x3: {  	_ = 	snop  }
0x4: {  	_ = 	snop  }
0x5: {  	_ = 	snop  }
0x6: {  	_ = 	snop  }
0x7: {  	_ = 	snop  }
__scs_overlays_trampoline_lowered:
0x8: {  	[smem:$0x3FAD] =	sst s0  }
0x9: {  	[smem:$0x3FAE] =	sst s1  }
0xa: {  	[smem:$0x3FAF] =	sst s2  }
0xb: {  	[smem:$0x3FB0] =	sst s3  }
0xc: {  	[smem:$0x3FB1] =	sst s4  }
0xd: {  	[smem:$0x3FB2] =	sst s5  }
0xe: {  	[smem:$0x3FB3] =	sst s6  }
0xf: {  	[smem:$0x3FB4] =	sst s7  }
0x10: {  	[smem:$0x3FB5] =	sst s8  }
0x11: {  	[smem:$0x3FB6] =	sst s9;
	s0 =	simm.s32 @!p0 $0x0  }
0x12: {  	s1 =	sld [smem:$0x3F9C];
	s0 =	simm.s32 @p0 $0x1  }
0x13: {  	[smem:$0x3FB7] =	sst s0;
	s0 =	simm.s32 @!p1 $0x0  }
0x14: {  	s2 =	sld [smem:$0x3F9B];
	s0 =	simm.s32 @p1 $0x1  }
0x15: {  	[smem:$0x3FB8] =	sst s0;
	s0 =	simm.s32 @!p2 $0x0  }
0x16: {  	s3 =	sld [smem:$0x3FDB];
	s0 =	simm.s32 @p2 $0x1  }
0x17: {  	s4 =	simm.s32 $0x1BF5;
	[smem:$0x3FBA] =	sst s0  }
0x18: {  	s0 =	sld [smem:$0x3F9D];
	_ =	swait.ge [sflag:s4], $0x0  }
0x19: {  	s7 =	sld [smem:$0x3F9E]  }
0x1a: {  	s8 =	sadd.s32 $0xFFFFE003, lr  }
0x1b: {  	s9 =	sadd.s32 $0xFFFFFEF7, lr;
	s5 =	simm.s32 $0xFFFFFFFF;
	p2 =	slt.u32 s8, $0xFFFFF086  }
0x1c: {  	p1 =	slt.u32 s9, $0xF7A;
	s5 =	simm.s32 @!p2 $0x0  }
0x1d: {  	s5 =	simm.s32 @p1 $0x1;
	p0 =	seq.s32 s7, s2  }
0x1e: {  	s7 =	smul.u32 @!p0 $0xF7A, s2;
	p2 =	seq.s32 @!p0 s5, $0x0  }
0x1f: {  	s9 =	smul.u32 $0xF7A, s1;
	s8 =	simm.s32 @!p0 $0x1BF5;
	p2 =	por !p2, p0  }
0x20: {  	[sflag:s8] =	ssyncset.s32 @!p0 $0xFFFFF086;
	s6 =	sadd.s32 @!p0 s3, s7;
	s7 =	simm.s32 @!p0 $0x108  }
0x21: {  	s3 =	sadd.s32 s3, s9;
	s6 =	sadd.s32 @!p0 $0x88, s6;
	s7 =	simm.s32 @p2 $0x1082  }
0x22: {  	[simem:s7], [sflag:s8] =	dma.local @!p0 [hbm:s6], $0xF7A  }
0x23: {  	s9 =	sor.u32 $0xD0000000, s2;
	s6 =	simm.s32 $0x108;
	_ =	swait.ge @!p0 [sflag:s8], $0x0  }
0x24: {  	s3 =	sadd.s32 $0x88, s3;
	s6 =	simm.s32 @!p1 $0x1082;
	[sflag:s4] =	ssyncset.s32 $0xFFFFF086  }
0x25: {  	[simem:s6], [sflag:s4] =	dma.local [hbm:s3], $0xF7A  }
0x26: {  	[smem:$0x3F9E] =	sst s1;
	(tag) =	ssettag s2;
	_ =	strace s9  }
0x27: {  	s1 =	sld [smem:$0x3FAE]  }
0x28: {  	s2 =	sld [smem:$0x3FAF]  }
0x29: {  	s4 =	sld [smem:$0x3FB1]  }
0x2a: {  	p0 =	seq.s32 s5, $0x0;
	s5 =	sld [smem:$0x3FB2]  }
0x2b: {  	s6 =	sld [smem:$0x3FB3]  }
0x2c: {  	s7 =	sld [smem:$0x3FB4]  }
0x2d: {  	s3 =	simm.s32 $0x108;
	s8 =	sld [smem:$0x3FB5]  }
0x2e: {  	s3 =	simm.s32 @!p0 $0x1082;
	s9 =	sld [smem:$0x3FB6]  }
0x2f: {  	lr =	sadd.s32 s0, s3;
	s0 =	sld [smem:$0x3FAD]  }
0x30: {  	s3 =	sld [smem:$0x3FB0]  }
0x31: {  	[smem:$0x3FB9] =	sst s10  }
0x32: {  	s10 =	sld [smem:$0x3FB7];
	_ =	sdelay $0x3  }
0x33: {  	p0 =	seq.s32 s10, $0x1;
	s10 =	sld [smem:$0x3FB9];
	_ =	sdelay $0x3  }
0x34: {  	[smem:$0x3FB9] =	sst s10  }
0x35: {  	s10 =	sld [smem:$0x3FB8];
	_ =	sdelay $0x3  }
0x36: {  	p1 =	seq.s32 s10, $0x1;
	s10 =	sld [smem:$0x3FB9];
	_ =	sdelay $0x3  }
0x37: {  	[smem:$0x3FB9] =	sst s10  }
0x38: {  	s10 =	sld [smem:$0x3FBA]  }
0x39: {  	_ = 	snop;
	(pc) =	sbr.ind lr, $3  }
0x3a: {  	_ = 	snop  }
0x3b: {  	_ = 	snop  }
0x3c: {  	p2 =	seq.s32 s10, $0x1;
	s10 =	sld [smem:$0x3FB9]  }
0x3d: {  	_ =	shalt  }
0x3e: {  	_ =	shalt  }
0x3f: {  	_ =	shalt  }
0x40: {  	_ =	shalt  }
0x41: {  	_ =	shalt  }
0x42: {  	_ =	shalt  }
0x43: {  	_ =	shalt  }
0x44: {  	_ =	shalt  }
0x45: {  	_ =	shalt  }
0x46: {  	_ =	shalt  }
0x47: {  	_ =	shalt  }
0x48: {  	_ =	shalt  }
0x49: {  	_ =	shalt  }
0x4a: {  	_ =	shalt  }
0x4b: {  	_ =	shalt  }
0x4c: {  	_ =	shalt  }
0x4d: {  	_ =	shalt  }
0x4e: {  	_ =	shalt  }
0x4f: {  	_ =	shalt  }
0x50: {  	_ =	shalt  }
0x51: {  	_ =	shalt  }
0x52: {  	_ =	shalt  }
0x53: {  	_ =	shalt  }
0x54: {  	_ =	shalt  }
0x55: {  	_ =	shalt  }
0x56: {  	_ =	shalt  }
0x57: {  	_ =	shalt  }
0x58: {  	_ =	shalt  }
0x59: {  	_ =	shalt  }
0x5a: {  	_ =	shalt  }
0x5b: {  	_ =	shalt  }
0x5c: {  	_ =	shalt  }
0x5d: {  	_ =	shalt  }
0x5e: {  	_ =	shalt  }
0x5f: {  	_ =	shalt  }
0x60: {  	_ =	shalt  }
0x61: {  	_ =	shalt  }
0x62: {  	_ =	shalt  }
0x63: {  	_ =	shalt  }
0x64: {  	_ =	shalt  }
0x65: {  	_ =	shalt  }
0x66: {  	_ =	shalt  }
0x67: {  	_ =	shalt  }
0x68: {  	_ =	shalt  }
0x69: {  	_ =	shalt  }
0x6a: {  	_ =	shalt  }
0x6b: {  	_ =	shalt  }
0x6c: {  	_ =	shalt  }
0x6d: {  	_ =	shalt  }
0x6e: {  	_ =	shalt  }
0x6f: {  	_ =	shalt  }
0x70: {  	_ =	shalt  }
0x71: {  	_ =	shalt  }
0x72: {  	_ =	shalt  }
0x73: {  	_ =	shalt  }
0x74: {  	_ =	shalt  }
0x75: {  	_ =	shalt  }
0x76: {  	_ =	shalt  }
0x77: {  	_ =	shalt  }
0x78: {  	_ =	shalt  }
0x79: {  	_ =	shalt  }
0x7a: {  	_ =	shalt  }
0x7b: {  	_ =	shalt  }
0x7c: {  	_ =	shalt  }
0x7d: {  	_ =	shalt  }
0x7e: {  	_ =	shalt  }
0x7f: {  	_ =	shalt  }
0x80: {  	_ =	shalt  }
0x81: {  	_ =	shalt  }
0x82: {  	_ =	shalt  }
0x83: {  	_ =	shalt  }
0x84: {  	_ =	shalt  }
0x85: {  	_ =	shalt  }
0x86: {  	_ =	shalt  }
0x87: {  	_ =	shalt  }
.Lfunc_end0:
.L_simem_size_0:
called_computation.4_lowered:
.L_overlay_start_0:
0x88: {  	s2 =	sld [smem:$0x3FD9]  }
0x89: {  	s3 =	sld [smem:$0x3FFE];
	_ =	sdelay $0x1  }
0x8a: {  	s1 =	srdreg.scid  }
0x8b: {  	s0 =	sand.u32 $0x1, s1  }
0x8c: {  	s17 =	sshll.u32 s0, $0xA;
	s2 =	sadd.s32 s3, s2  }
0x8d: {  	s2 =	sadd.s32 s2, s17  }
0x8e: {  	[smem:$0x3FC5] =	sst s2  }
0x8f: {  	_ = 	snop  }
0x90: {  	s18 =	sld [smem:$0x3FC8];
	(tm) =	ssettm $0x1  }
0x91: {  	s19 =	sld [smem:$0x3FFB];
	_ =	sdelay $0x3  }
0x92: {  	_ =	strace s19  }
0x93: {  	s2 =	sld [smem:$0x3FFC];
	_ =	sdelay $0x3  }
0x94: {  	_ =	strace s2  }
0x95: {  	s2 =	sld [smem:$0x3FFD];
	_ =	sdelay $0x3  }
0x96: {  	_ =	strace s2  }
0x97: {  	_ =	strace $0x8FFFFFFF  }
0x98: {  	s20 =	sld [smem:$0x3FDB];
	_ =	sdelay $0x1  }
0x99: {  	s4 =	simm.s32 $_scs_section_size  }
0x9a: {  	s5 =	simm.s32 $_size__tile_overlayer_lowered;
	s6 =	simm.s32 $_tile_overlayer_lowered  }
0x9b: {  	s7 =	simm.s32 $0x1BFF;
	s21 =	sshll.u32 s6, $0x1;
	s4 =	sadd.s32 s4, s20  }
0x9c: {  	s22 =	simm.s32 $0x0;
	s5 =	sshll.u32 s5, $0x1;
	s6 =	sadd.s32 s21, s4  }
0x9d: {  	[timem:s22], [sflag:s7] =	dma.local [hbm:s6], s5  }
0x9e: {  	_ =	swait.ge [sflag:s7], s5  }
0x9f: {  	s5 =	ssub.s32 $0x0, s5;
	[sflag:s7] =	ssyncset.done $0x0  }
0xa0: {  	[sflag:s7] =	ssyncadd.s32 s5;
	_ =	sdelay $0x1  }
0xa1: {  	s23 =	simm.s32 $0x1B8B  }
0xa2: {  	_ =	swait.ge [sflag:s23], $0x1  }
0xa3: {  	[sflag:s23] =	ssyncset.done $0x0  }
0xa4: {  	[sflag:s23] =	ssyncadd.s32 $0xFFFFFFFF  }
0xa5: {  	s5 =	sld [smem:$0x0]  }
0xa6: {  	s6 =	sand.u32 $0xFFFFFFFE, s1  }
0xa7: {  	p0 =	sne.s32 s1, s6  }
0xa8: {  	s6 =	sshll.u32 @p0 s6, $0xE  }
0xa9: {  	s6 =	sadd.s32 @p0 $0x11B8D, s6;
	s7 =	sshll.u32 @p0 s5, $0x11  }
0xaa: {  	s6 =	sor.u32 @p0 s7, s6  }
0xab: {  	[sflag:s6] =	ssyncadd.remote.s32 @p0 $0x1;
	_ =	sdelay $0x1  }
0xac: {  	s6 =	simm.s32 @p0 $0x1B8D  }
0xad: {  	_ =	swait.eq @p0 [sflag:s6], $0x1  }
0xae: {  	[sflag:s6] =	ssyncadd.s32 @p0 $0xFFFFFFFF  }
0xaf: {  	s7 =	sshll.u32 @!p0 s1, $0xE  }
0xb0: {  	s7 =	sor.u32 @!p0 $0x4000, s7;
	s6 =	simm.s32 @!p0 $0x1B8D  }
0xb1: {  	s5 =	sshll.u32 @!p0 s5, $0x11;
	s7 =	sadd.s32 @!p0 $0x11B8D, s7;
	_ =	swait.eq @!p0 [sflag:s6], $0x1  }
0xb2: {  	s5 =	sor.u32 @!p0 s5, s7;
	[sflag:s6] =	ssyncadd.s32 @!p0 $0xFFFFFFFF  }
0xb3: {  	s25 =	simm.s32 $0x1B8E;
	s24 =	sld [smem:$0x3FFE];
	[sflag:s5] =	ssyncadd.remote.s32 @!p0 $0x1  }
0xb4: {  	s26 =	simm.s32 $execute0_lowered;
	[smem:$0x3FD2] =	sst s25  }
0xb5: {  	s6 =	sshll.u32 s26, $0x1;
	_ =	strace $0x80000052;
	[dreg:$0x1] =	wrdreg $0xFFFFFFFF  }
0xb6: {  	s28 =	simm.s32 $_size_execute0_lowered;
	s4 =	sadd.s32 s4, s6;
	[dreg:$0x0] =	wrdreg $0x0  }
0xb7: {  	s6 =	sshll.u32 s28, $0x1;
	[dreg:$0x2] =	wrdreg s4  }
0xb8: {  	[dreg:$0x3] =	wrdreg s6  }
0xb9: {  	[dreg:$0x4] =	wrdreg $0xC0  }
0xba: {  	_ =	task [dreg:s22], $0x5FFFF  }
0xbb: {  	[dreg:$0x1] =	wrdreg $0xFFFFFFFF  }
0xbc: {  	[dreg:$0x0] =	wrdreg $0x60  }
0xbd: {  	[dreg:$0x2] =	wrdreg s18  }
0xbe: {  	[dreg:$0x3] =	wrdreg s24  }
0xbf: {  	[dreg:$0x4] =	wrdreg $0xD  }
0xc0: {  	_ =	task.clear_ibuf [dreg:s22], $0x5FFFF;
	_ =	strace $0x90000052  }
0xc1: {  	s29 =	simm.s32 $0xD;
	_ =	strace $0x80000054  }
0xc2: {  	_ =	swait.ge [sflag:s29], $0x1  }
0xc3: {  	[sflag:s29] =	ssyncadd.s32 $0xFFFFFFFF  }
0xc4: {  	_ =	strace $0x90000054  }
0xc5: {  	_ =	sfence  }
0xc6: {  	s30 =	sld [smem:$0x0];
	_ =	sdelay $0x2  }
0xc7: {  	s31 =	sshll.u32 s1, $0xD;
	s1 =	sshrl.u32 s1, $0x2  }
0xc8: {  	s4 =	sand.u32 $0x4000, s31;
	s1 =	sadd.s32 s1, s30  }
0xc9: {  	s0 =	sor.u32 s4, s0;
	s1 =	sshll.u32 s1, $0x11  }
0xca: {  	s0 =	sor.u32 s1, s0  }
0xcb: {  	s0 =	sadd.s32 $0x8F2B, s0  }
0xcc: {  	[sflag:s0] =	ssyncadd.remote.s32 $0x1  }
0xcd: {  	_ =	sfence.sel $0xFFFF  }
0xce: {  	[dreg:$0x0] =	wrdreg $0xFFFFFFFF;
	(pc) =	sbr.abs _section_cstart, $3  }
0xcf: {  	[dreg:$0x1] =	wrdreg $0xFFFFFFFF  }
0xd0: {  	_ =	task.clear_ibuf [dreg:s22], $0x2FFFF;
	_ =	strace $0x9FFFFFFF  }
0xd1: {  	(tm) =	ssettm $0x7FFFFFFF  }
tec
execute0_lowered:
.L_overlay_start_1:
0x0: {  	(tag) =	ssettag $0x1  }
0x1: {  	s1 =	srdreg.scid  }
0x2: {  	s0 =	stileid.u32;
	s2 =	rddreg [dreg:$0x0]  }
0x3: {  	s5 =	rddreg [dreg:$0x1];
	s3 =	simm.s32 $0x0;
	s10 =	simm.s32 $0x5400  }
0x4: {  	s11 =	simm.s32 $0x100;
	s12 =	simm.s32 $0x9400;
	s13 =	simm.s32 $0x180  }
0x5: {  	s14 =	simm.s32 $0xD400;
	s15 =	simm.s32 $0x200;
	s16 =	simm.s32 $0x11400  }
0x6: {  	s17 =	simm.s32 $0x1;
	s18 =	simm.s32 $0x2;
	s19 =	simm.s32 $0x3  }
0x7: {  	s20 =	simm.s32 $0x4;
	s21 =	simm.s32 $0x5;
	s22 =	simm.s32 $0x6  }
0x8: {  	s23 =	simm.s32 $0x7;
	s24 =	simm.s32 $0x8;
	s25 =	simm.s32 $0x9  }
0x9: {  	s4 =	sand.u32 $0x1, s1;
	s30 =	sshll.u32 s0, $0x1;
	s7 =	smul.u32 $0x28000, s0  }
0xa: {  	s6 =	sor.u32 s4, s30;
	s8 =	ssub.s32 $0x2, s4;
	s4 =	smul.u32 $0x14000, s4  }
0xb: {  	s26 =	simm.s32 $0xA;
	s28 =	simm.s32 $0x0;
	s6 =	smul.u32 $0x1400, s6  }
.Ltmp0:
0xc: {  	[smem:$0x7FF] =	sst s3;
	s9 =	sshrl.u32 s8, $0x1;
	(pc) =	sbr.rel .LBB2_1-.Ltmp0, $4  }
0xd: {  	_ =	strace $0x80000053;
	s7 =	sadd.s32 s7, s5;
	s31 =	ssub.s32 s8, s9  }
0xe: {  	s7 =	sadd.s32 s4, s7;
	s8 =	simm.s32 $0x80;
	s6 =	sshrl.u32 s6, $0x3  }
0xf: {  	s9 =	simm.s32 $0x1400;
	s5 =	sadd.s32 s6, s5;
	s6 =	sadd.s32 $0xA17A00, s7  }
0x10: {  	s7 =	simm.s32 $0xB;
	s4 =	sadd.s32 $0x290A00, s5;
	s5 =	smax.u32 s31, $0x1  }
.LBB2_4:
0x11: {  	_ =	swait.ge [sflag:s23], $0x4000  }
0x12: {  	[sflag:s23] =	ssyncset.done $0x0  }
0x13: {  	[sflag:s23] =	ssyncadd.s32 $0xFFFFC000  }
0x14: {  	_ =	swait.ge [sflag:s24], $0x4000  }
0x15: {  	[sflag:s24] =	ssyncset.done $0x0  }
0x16: {  	s28 =	sadd.s32 $0x1, s28;
	[sflag:s24] =	ssyncadd.s32 $0xFFFFC000  }
0x17: {  	p0 =	sne.s32 s28, s5;
	_ =	swait.ge [sflag:s25], $0x4000  }
.Ltmp1:
0x18: {  	[sflag:s25] =	ssyncset.done $0x0;
	(pc) =	sbr.rel @!p0 .LBB2_5-.Ltmp1, $4  }
0x19: {  	[sflag:s25] =	ssyncadd.s32 $0xFFFFC000  }
0x1a: {  	_ =	swait.ge [sflag:s26], $0x4000  }
0x1b: {  	[sflag:s26] =	ssyncset.done $0x0  }
0x1c: {  	[sflag:s26] =	ssyncadd.s32 $0xFFFFC000  }
.LBB2_1:
0x1d: {  	[tilespmem:s3], [sflag:$0xB] =	stream.linear.gather [hbm4b:s4+s3], $0x1400, $0x38;
	[tilespmem:$0x15400] =	vst v63  }
0x1e: {  	_ =	swait.ge [sflag:s7], $0x1400  }
0x1f: {  	[sflag:s7] =	ssyncset.done $0x0  }
0x20: {  	[sflag:s7] =	ssyncadd.s32 $0xFFFFEC00  }
0x21: {  	[tilespmem:s9], [sflag:$0x1] =	stream.indirect.gather [hbm4b:s2+s8], $0x80, s3, s8, $0xb8;
	[tilespmem:$0x15400] =	vst v63  }
0x22: {  	_ = 	snop  }
0x23: {  	[tilespmem:s10], [sflag:$0x2] =	stream.indirect.gather [hbm4b:s2+s8], $0x80, s8, s8, $0xb8;
	[tilespmem:$0x15400] =	vst v63  }
0x24: {  	_ = 	snop  }
0x25: {  	[tilespmem:s12], [sflag:$0x3] =	stream.indirect.gather [hbm4b:s2+s8], $0x80, s11, s8, $0xb8;
	[tilespmem:$0x15400] =	vst v63  }
0x26: {  	_ = 	snop  }
0x27: {  	[tilespmem:s14], [sflag:$0x4] =	stream.indirect.gather [hbm4b:s2+s8], $0x80, s13, s8, $0xb8;
	[tilespmem:$0x15400] =	vst v63  }
0x28: {  	s29 =	smov.u32 s6;
	s30 =	simm.s32 $0x0  }
0x29: {  	[tilespmem:s16], [sflag:$0x5] =	stream.indirect.gather [hbm4b:s2+s8], $0x80, s15, s8, $0xb8;
	[tilespmem:$0x15400] =	vst v63  }
.LBB2_2:
0x2a: {  	_ =	swait.ge [sflag:s17], $0x4000  }
0x2b: {  	[sflag:s17] =	ssyncset.done $0x0  }
0x2c: {  	s31 =	sadd.s32 $0xFFFFE000, s29;
	[sflag:s17] =	ssyncadd.s32 $0xFFFFC000  }
0x2d: {  	[hbm4b:s31+s3] =	stream.linear.scatter [tilespmem:s9], [sflag:$0x6], $0x4000, $0x38;
	[tilespmem:$0x15400] =	vst v63  }
0x2e: {  	_ =	swait.ge [sflag:s18], $0x4000  }
0x2f: {  	[sflag:s18] =	ssyncset.done $0x0  }
0x30: {  	s1 =	sadd.s32 $0xFFFFE800, s29;
	[sflag:s18] =	ssyncadd.s32 $0xFFFFC000  }
0x31: {  	[hbm4b:s1+s3] =	stream.linear.scatter [tilespmem:s10], [sflag:$0x7], $0x4000, $0x38;
	[tilespmem:$0x15400] =	vst v63  }
0x32: {  	_ =	swait.ge [sflag:s19], $0x4000  }
0x33: {  	[sflag:s19] =	ssyncset.done $0x0  }
0x34: {  	s1 =	sadd.s32 $0xFFFFF000, s29;
	[sflag:s19] =	ssyncadd.s32 $0xFFFFC000  }
0x35: {  	[hbm4b:s1+s3] =	stream.linear.scatter [tilespmem:s12], [sflag:$0x8], $0x4000, $0x38;
	[tilespmem:$0x15400] =	vst v63  }
0x36: {  	_ =	swait.ge [sflag:s20], $0x4000  }
0x37: {  	[sflag:s20] =	ssyncset.done $0x0  }
0x38: {  	s1 =	sadd.s32 $0xFFFFF800, s29;
	[sflag:s20] =	ssyncadd.s32 $0xFFFFC000  }
0x39: {  	[hbm4b:s1+s3] =	stream.linear.scatter [tilespmem:s14], [sflag:$0x9], $0x4000, $0x38;
	[tilespmem:$0x15400] =	vst v63  }
0x3a: {  	_ =	swait.ge [sflag:s21], $0x4000  }
0x3b: {  	p0 =	seq.s32 s30, $0x4600;
	[sflag:s21] =	ssyncset.done $0x0  }
.Ltmp2:
0x3c: {  	[sflag:s21] =	ssyncadd.s32 $0xFFFFC000;
	(pc) =	sbr.rel @p0 .LBB2_4-.Ltmp2, $4  }
0x3d: {  	[hbm4b:s29+s3] =	stream.linear.scatter [tilespmem:s16], [sflag:$0xA], $0x4000, $0x38;
	[tilespmem:$0x15400] =	vst v63  }
0x3e: {  	_ =	swait.ge [sflag:s22], $0x4000  }
0x3f: {  	[sflag:s22] =	ssyncset.done $0x0  }
0x40: {  	[sflag:s22] =	ssyncadd.s32 $0xFFFFC000  }
0x41: {  	s31 =	sshra.s32 s30, $0x2  }
0x42: {  	s1 =	sadd.s32 $0x280, s31  }
0x43: {  	[tilespmem:s9], [sflag:$0x1] =	stream.indirect.gather [hbm4b:s2+s8], $0x80, s1, s8, $0xb8;
	[tilespmem:$0x15400] =	vst v63  }
0x44: {  	_ =	swait.ge [sflag:s23], $0x4000  }
0x45: {  	[sflag:s23] =	ssyncset.done $0x0  }
0x46: {  	s1 =	sadd.s32 $0x300, s31;
	[sflag:s23] =	ssyncadd.s32 $0xFFFFC000  }
0x47: {  	[tilespmem:s10], [sflag:$0x2] =	stream.indirect.gather [hbm4b:s2+s8], $0x80, s1, s8, $0xb8;
	[tilespmem:$0x15400] =	vst v63  }
0x48: {  	_ =	swait.ge [sflag:s24], $0x4000  }
0x49: {  	[sflag:s24] =	ssyncset.done $0x0  }
0x4a: {  	s1 =	sadd.s32 $0x380, s31;
	[sflag:s24] =	ssyncadd.s32 $0xFFFFC000  }
0x4b: {  	[tilespmem:s12], [sflag:$0x3] =	stream.indirect.gather [hbm4b:s2+s8], $0x80, s1, s8, $0xb8;
	[tilespmem:$0x15400] =	vst v63  }
0x4c: {  	_ =	swait.ge [sflag:s25], $0x4000  }
0x4d: {  	[sflag:s25] =	ssyncset.done $0x0  }
0x4e: {  	s1 =	sadd.s32 $0x400, s31;
	[sflag:s25] =	ssyncadd.s32 $0xFFFFC000  }
0x4f: {  	[tilespmem:s14], [sflag:$0x4] =	stream.indirect.gather [hbm4b:s2+s8], $0x80, s1, s8, $0xb8;
	[tilespmem:$0x15400] =	vst v63  }
.Ltmp3:
0x50: {  	_ = 	snop;
	(pc) =	sbr.rel .LBB2_2-.Ltmp3, $4  }
0x51: {  	_ =	swait.ge [sflag:s26], $0x4000  }
0x52: {  	s30 =	sadd.s32 $0xA00, s30;
	[sflag:s26] =	ssyncset.done $0x0  }
0x53: {  	s29 =	sadd.s32 $0x2800, s29;
	s31 =	sadd.s32 $0x480, s31;
	[sflag:s26] =	ssyncadd.s32 $0xFFFFC000  }
0x54: {  	[tilespmem:s16], [sflag:$0x5] =	stream.indirect.gather [hbm4b:s2+s8], $0x80, s31, s8, $0xb8;
	[tilespmem:$0x15400] =	vst v63  }
.LBB2_5:
0x55: {  	_ =	sfence.sel $0x180000  }
0x56: {  	[bflag:$0x0] =	sbarrier.arrive $0xFFFF  }
0x57: {  	_ =	strace $0x90000053  }
0x58: {  	[bflag:$0x2] =	sbarrier.arrive $0xFFFF  }
0x59: {  	p0 =	sne.s32 s0, $0x0;
	s0 =	rddreg [dreg:$0x2]  }
0x5a: {  	s0 =	sadd.s32 @!p0 $0x100000, s0  }
0x5b: {  	[sflag:s0] =	ssyncadd.tile.s32 @!p0 $0x1;
	_ =	shalt  }
.Lfunc_end2:
_tile_overlayer_lowered:
.L_overlay_start_2:
0x5c: {  	(tag) =	ssettag $0x2  }
0x5d: {  	s0 =	rddreg [dreg:$0x0];
	s2 =	stileid.u32  }
0x5e: {  	s1 =	rddreg [dreg:$0x1];
	p0 =	sne.s32 s2, $0x0  }
0x5f: {  	s3 =	rddreg [dreg:$0x2];
	[bflag:$0x3] =	sbarrier.arrive $0xFFFF;
	s2 =	simm.s32 @!p0 $0x1C0B  }
0x60: {  	[timem:s3], [sflag:s2] =	dma.local @!p0 [hbm:s0], s1  }
0x61: {  	s0 =	simm.s32 @!p0 $0xB  }
0x62: {  	_ =	swait.ge @!p0 [sflag:s0], s1  }
0x63: {  	s1 =	ssub.s32 @!p0 $0x0, s1;
	[sflag:s0] =	ssyncset.done @!p0 $0x0  }
0x64: {  	[sflag:s0] =	ssyncadd.s32 @!p0 s1  }
0x65: {  	[bflag:$0x3] =	sbarrier.arrive $0xFFFF  }
0x66: {  	_ =	shalt  }

</sc_bundles>
